<compile_context>
chip_gen: v7x
topology: tpu7x:2x2x1
jax: 0.10.2.dev20260603
libtpu: 0.0.44.dev20260713+nightly
codegen_flags: <defaults>
</compile_context>

<pallas_src>
import functools

import jax
import jax.numpy as jnp
from jax import lax
from jax.experimental import pallas as pl
from jax.experimental.pallas import tpu as pltpu
from jax.experimental.pallas import tpu_sc as plsc

N = 10000
E = 320000
D = 128

NPAD = 10240
NW = 32
STRIPE = NPAD // 16

C = 128
CH = 80
EPAD = NW * CH * C

CD = 128
CHD = EPAD // (NW * CD)

ROWS_E = E // C
TILE_CH = CH
PAD_ROWS = NW * TILE_CH - ROWS_E
LAST_REAL = ROWS_E - (NW - 1) * TILE_CH

_mesh = plsc.VectorSubcoreMesh(core_axis_name="c", subcore_axis_name="s")


def _load_chunk_rows(wid, real_hbm, pad_hbm, dst_vmem, sem):
    def fire(j, carry):
        r = wid * TILE_CH + j

        @pl.when(r < ROWS_E)
        def _():
            pltpu.async_copy(real_hbm.at[r], dst_vmem.at[j], sem)

        @pl.when(r >= ROWS_E)
        def _():
            pltpu.async_copy(pad_hbm.at[r - ROWS_E], dst_vmem.at[j], sem)

        return carry

    def drain(j, carry):
        pltpu.make_async_copy(pad_hbm.at[0], dst_vmem.at[0], sem).wait()
        return carry

    lax.fori_loop(0, TILE_CH, fire, 0)
    lax.fori_loop(0, TILE_CH, drain, 0)



@functools.partial(
    pl.kernel,
    out_type=jax.ShapeDtypeStruct((2, NPAD), jnp.float32),
    mesh=_mesh,
    scratch_types=[
        pltpu.VMEM((CHD, CD), jnp.int32),
        pltpu.VMEM((CD,), jnp.float32),
        pltpu.VMEM_SHARED((NPAD,), jnp.float32),
        pltpu.SemaphoreType.DMA,
    ],
)
def _deg_kernel(dst_hbm, pad_hbm, ones_hbm, zn_hbm, out_hbm,
                dst_all, ones_v, deg_sh, sem):
    c = lax.axis_index("c")
    s = lax.axis_index("s")
    wid = s * 2 + c
    pltpu.sync_copy(zn_hbm.at[pl.ds(s * STRIPE, STRIPE)],
                    deg_sh.at[pl.ds(s * STRIPE, STRIPE)])
    _load_chunk_rows(wid, dst_hbm, pad_hbm, dst_all, sem)
    pltpu.sync_copy(ones_hbm, ones_v)
    plsc.subcore_barrier()

    def fire(j, carry):
        pltpu.async_copy(ones_v, deg_sh.at[dst_all.at[j]], sem, add=True)
        return carry

    def drain(j, carry):
        pltpu.make_async_copy(ones_v, deg_sh.at[pl.ds(0, CD)], sem).wait()
        return carry

    lax.fori_loop(0, CHD, fire, 0)
    lax.fori_loop(0, CHD, drain, 0)
    plsc.subcore_barrier()
    pltpu.sync_copy(deg_sh.at[pl.ds(s * STRIPE, STRIPE)],
                    out_hbm.at[c, pl.ds(s * STRIPE, STRIPE)])



@functools.partial(
    pl.kernel,
    out_type=jax.ShapeDtypeStruct((2, NPAD, D), jnp.float32),
    mesh=_mesh,
    scratch_types=[
        pltpu.VMEM((2, C), jnp.int32),
        pltpu.VMEM((CH, C), jnp.int32),
        pltpu.VMEM((2, C, D), jnp.float32),
        pltpu.VMEM_SHARED((NPAD, D), jnp.float32),
        pltpu.SemaphoreType.DMA,
        pltpu.SemaphoreType.DMA,
        pltpu.SemaphoreType.DMA,
        pltpu.SemaphoreType.DMA,
        pltpu.SemaphoreType.DMA,
    ],
)
def _edge_kernel(g_hbm, src_hbm, dst_hbm, pad_hbm, znd_hbm, out_hbm,
                 src_i, dst_all, rows, accum_sh, gsem, ssem0, ssem1,
                 isem0, isem1):
    c = lax.axis_index("c")
    s = lax.axis_index("s")
    wid = s * 2 + c
    pltpu.sync_copy(znd_hbm, rows.at[0])
    for q in range(STRIPE // C):
        pltpu.sync_copy(rows.at[0],
                        accum_sh.at[pl.ds(s * STRIPE + q * C, C)])
    _load_chunk_rows(wid, dst_hbm, pad_hbm, dst_all, gsem)
    plsc.subcore_barrier()

    isems = (isem0, isem1)
    ssems = (ssem0, ssem1)

    def i_start(j, b):
        r = wid * TILE_CH + j

        @pl.when(r < ROWS_E)
        def _():
            pltpu.async_copy(src_hbm.at[r], src_i.at[b], isems[b])

        @pl.when(r >= ROWS_E)
        def _():
            pltpu.async_copy(pad_hbm.at[r - ROWS_E], src_i.at[b], isems[b])

    def i_wait(b):
        pltpu.make_async_copy(pad_hbm.at[0], src_i.at[b], isems[b]).wait()

    def g_start(b):
        pltpu.async_copy(g_hbm.at[src_i.at[b]], rows.at[b], gsem)

    def g_wait(b):
        pltpu.make_async_copy(g_hbm.at[pl.ds(0, C)], rows.at[b], gsem).wait()

    def s_start(j, b):
        pltpu.async_copy(rows.at[b], accum_sh.at[dst_all.at[j]],
                         ssems[b], add=True)

    def s_wait(b):
        pltpu.make_async_copy(rows.at[b], accum_sh.at[pl.ds(0, C)],
                              ssems[b]).wait()

    i_start(0, 0)
    i_wait(0)
    g_start(0)
    i_start(1, 1)
    g_wait(0)
    i_start(2, 0)
    i_wait(1)
    g_start(1)
    s_start(0, 0)
    g_wait(1)
    i_start(3, 1)
    s_start(1, 1)
    s_wait(0)
    i_wait(0)
    g_start(0)

    def steady(t, carry):
        j = 2 * t
        g_wait(0)
        i_start(j + 2, 0)
        s_wait(1)
        i_wait(1)
        g_start(1)
        s_start(j, 0)
        g_wait(1)
        i_start(j + 3, 1)
        s_start(j + 1, 1)
        s_wait(0)
        i_wait(0)
        g_start(0)
        return carry

    lax.fori_loop(1, CH // 2 - 1, steady, 0)

    g_wait(0)
    s_wait(1)
    i_wait(1)
    g_start(1)
    s_start(CH - 2, 0)
    g_wait(1)
    s_start(CH - 1, 1)
    s_wait(0)
    s_wait(1)

    plsc.subcore_barrier()
    pltpu.sync_copy(accum_sh.at[pl.ds(s * STRIPE, STRIPE)],
                    out_hbm.at[c, pl.ds(s * STRIPE, STRIPE)])



BR = 2048


def _k0_body(x_ref, w_ref, h_ref):
    h_ref[...] = jnp.dot(x_ref[...], w_ref[...],
                         preferred_element_type=jnp.float32)


def _k0(x, w):
    return pl.pallas_call(
        _k0_body,
        grid=(NPAD // BR,),
        in_specs=[
            pl.BlockSpec((BR, D), lambda i: (i, 0)),
            pl.BlockSpec((D, D), lambda i: (0, 0)),
        ],
        out_specs=pl.BlockSpec((BR, D), lambda i: (i, 0)),
        out_shape=jax.ShapeDtypeStruct((NPAD, D), jnp.float32),
    )(x, w)


def _k1_body(degT_ref, h_ref, dinv_ref, g_ref):
    i = pl.program_id(0)
    rows = lax.broadcasted_iota(jnp.int32, (BR, 1), 0) + i * BR
    deg = degT_ref[:, 0:1] + degT_ref[:, 1:2] + 1.0
    dinv = lax.rsqrt(deg)
    dinv_ref[...] = dinv
    g_ref[...] = jnp.where(rows < N, h_ref[...] * dinv, 0.0)


def _k1(degT, h):
    return pl.pallas_call(
        _k1_body,
        grid=(NPAD // BR,),
        in_specs=[
            pl.BlockSpec((BR, 2), lambda i: (i, 0)),
            pl.BlockSpec((BR, D), lambda i: (i, 0)),
        ],
        out_specs=[
            pl.BlockSpec((BR, 1), lambda i: (i, 0)),
            pl.BlockSpec((BR, D), lambda i: (i, 0)),
        ],
        out_shape=[
            jax.ShapeDtypeStruct((NPAD, 1), jnp.float32),
            jax.ShapeDtypeStruct((NPAD, D), jnp.float32),
        ],
    )(degT, h)


def _k2_body(p_ref, g_ref, dinv_ref, b_ref, w_ref, gout_ref):
    i = pl.program_id(0)
    rows = lax.broadcasted_iota(jnp.int32, (BR, 1), 0) + i * BR
    a = p_ref[0] + p_ref[1] + g_ref[...]
    y = jnp.maximum(a * dinv_ref[...] + b_ref[...], 0.0)
    gout_ref[...] = jnp.where(
        rows < N,
        jnp.dot(y, w_ref[...],
                preferred_element_type=jnp.float32) * dinv_ref[...],
        0.0)


def _k2(p, g, dinv, b, w):
    return pl.pallas_call(
        _k2_body,
        grid=(NPAD // BR,),
        in_specs=[
            pl.BlockSpec((2, BR, D), lambda i: (0, i, 0)),
            pl.BlockSpec((BR, D), lambda i: (i, 0)),
            pl.BlockSpec((BR, 1), lambda i: (i, 0)),
            pl.BlockSpec((1, D), lambda i: (0, 0)),
            pl.BlockSpec((D, D), lambda i: (0, 0)),
        ],
        out_specs=pl.BlockSpec((BR, D), lambda i: (i, 0)),
        out_shape=jax.ShapeDtypeStruct((NPAD, D), jnp.float32),
    )(p, g, dinv, b, w)


def _k3_body(p_ref, g_ref, dinv_ref, b_ref, y_ref):
    a = p_ref[0] + p_ref[1] + g_ref[...]
    y_ref[...] = jnp.maximum(a * dinv_ref[...] + b_ref[...], 0.0)


def _k3(p, g, dinv, b):
    return pl.pallas_call(
        _k3_body,
        grid=(pl.cdiv(N, BR),),
        in_specs=[
            pl.BlockSpec((2, BR, D), lambda i: (0, i, 0)),
            pl.BlockSpec((BR, D), lambda i: (i, 0)),
            pl.BlockSpec((BR, 1), lambda i: (i, 0)),
            pl.BlockSpec((1, D), lambda i: (0, 0)),
        ],
        out_specs=pl.BlockSpec((BR, D), lambda i: (i, 0)),
        out_shape=jax.ShapeDtypeStruct((N, D), jnp.float32),
    )(p, g, dinv, b)



def kernel(x, edge_index, W1, b1, W2, b2):
    src_r = edge_index[0].reshape(ROWS_E, C)
    dst_r = edge_index[1].reshape(ROWS_E, C)
    padi = (N + jnp.arange(PAD_ROWS * C, dtype=jnp.int32)
            % (NPAD - N)).reshape(PAD_ROWS, C)
    zeros_nd = jnp.zeros((C, D), jnp.float32)
    zeros_n = jnp.zeros((NPAD,), jnp.float32)
    ones_c = jnp.ones((CD,), jnp.float32)

    degp = _deg_kernel(dst_r, padi, ones_c, zeros_n)
    h1 = _k0(x, W1)
    degT = degp.T
    b1r = b1.reshape(1, D)
    b2r = b2.reshape(1, D)

    dinv, g1 = _k1(degT, h1)
    p1 = _edge_kernel(g1, src_r, dst_r, padi, zeros_nd)
    g2 = _k2(p1, g1, dinv, b1r, W2)
    p2 = _edge_kernel(g2, src_r, dst_r, padi, zeros_nd)
    return _k3(p2, g2, dinv, b2r)

# --- scband reference (transcript-rebuilt; emitter-appended) ---
"""Pipeline reference for scband-gcn-81063212744814 (READ-ONLY COPY).

The authoritative reference and input builder live on the scoring server;
editing this copy changes nothing except your own understanding.
"""

import jax, jax.numpy as jnp
import numpy as np

N = 10000
E = 320000
D = 128


def setup_inputs(seed: int = 0) -> dict:
    key = jax.random.key(seed)
    k1, k2, k3, k4, k5, k6 = jax.random.split(key, 6)
    x = jax.random.normal(k1, (N, D), dtype=jnp.float32)
    edge_index = jax.random.randint(k2, (2, E), 0, N, dtype=jnp.int32)
    W1 = jax.random.normal(k3, (D, D), dtype=jnp.float32) * (1.0 / np.sqrt(D))
    b1 = jnp.zeros((D,), dtype=jnp.float32)
    W2 = jax.random.normal(k4, (D, D), dtype=jnp.float32) * (1.0 / np.sqrt(D))
    b2 = jnp.zeros((D,), dtype=jnp.float32)
    return {"x": x, "edge_index": edge_index, "W1": W1, "b1": b1, "W2": W2, "b2": b2}


def gcn_conv(x, src, dst, W, b, n):
    # PyG GCNConv: add self-loops, symmetric normalization, linear transform, scatter-add
    loop = jnp.arange(n, dtype=src.dtype)
    src2 = jnp.concatenate([src, loop], axis=0)
    dst2 = jnp.concatenate([dst, loop], axis=0)
    h = x @ W
    ones = jnp.ones(src2.shape[0], dtype=h.dtype)
    deg = jax.ops.segment_sum(ones, dst2, num_segments=n)
    dinv = jnp.where(deg > 0, 1.0 / jnp.sqrt(deg), 0.0)
    norm = dinv[src2] * dinv[dst2]
    msgs = h[src2] * norm[:, None]
    out = jax.ops.segment_sum(msgs, dst2, num_segments=n)
    return out + b


def reference(x, edge_index, W1, b1, W2, b2):
    src = edge_index[0]
    dst = edge_index[1]
    h = gcn_conv(x, src, dst, W1, b1, N)
    h = jax.nn.relu(h)
    h = gcn_conv(h, src, dst, W2, b2, N)
    h = jax.nn.relu(h)
    return h

if __name__ == "__main__":
    import jax
    _d = setup_inputs()
    print(jax.jit(kernel)(*tuple(_d.values())))

</pallas_src>

<mosaic_0001>
#map = affine_map<(d0, d1) -> (0, 0)>
#map1 = affine_map<(d0, d1) -> (0, 0, 0)>
module attributes {stable_mosaic.version = 14 : i64} {
  func.func @_edge_kernel(%arg0: i32, %arg1: i32, %arg2: memref<10240x128xf32, #tpu.memory_space<hbm>>, %arg3: memref<2500x128xi32, #tpu.memory_space<hbm>>, %arg4: memref<2500x128xi32, #tpu.memory_space<hbm>>, %arg5: memref<60x128xi32, #tpu.memory_space<hbm>>, %arg6: memref<128x128xf32, #tpu.memory_space<hbm>>, %arg7: memref<2x10240x128xf32, #tpu.memory_space<hbm>>, %arg8: memref<2x128xi32, #tpu.memory_space<vmem>>, %arg9: memref<80x128xi32, #tpu.memory_space<vmem>>, %arg10: memref<2x128x128xf32, #tpu.memory_space<vmem>>, %arg11: memref<10240x128xf32, #tpu.memory_space<vmem_shared>>, %arg12: memref<!tpu.dma_semaphore, #tpu.memory_space<semaphore_mem>>, %arg13: memref<!tpu.dma_semaphore, #tpu.memory_space<semaphore_mem>>, %arg14: memref<!tpu.dma_semaphore, #tpu.memory_space<semaphore_mem>>, %arg15: memref<!tpu.dma_semaphore, #tpu.memory_space<semaphore_mem>>, %arg16: memref<!tpu.dma_semaphore, #tpu.memory_space<semaphore_mem>>) attributes {dimension_semantics = [#tpu.dimension_semantics<core_parallel>, #tpu.dimension_semantics<subcore_parallel>], iteration_bounds = array<i64: 2, 16>, scalar_prefetch = 0 : i64, scratch_operands = 9 : i64, tpu.core_type = #tpu.core_type<sc_vector_subcore>, window_params = [{transform_indices = #map}, {transform_indices = #map}, {transform_indices = #map}, {transform_indices = #map}, {transform_indices = #map}, {transform_indices = #map1}]} {
    %mul3A = arith.constant 2 : i32
    %mul3A_0 = arith.muli %arg1, %mul3A : i32
    %add3A = arith.addi %mul3A_0, %arg0 : i32
    %run_scoped3A = arith.constant 0 : i32
    "tpu.region"() ({
      %run_scoped3A_370 = tpu.sem_alloc : memref<!tpu.dma_semaphore, #tpu.memory_space<semaphore_mem>>
      %dma_start3A_371 = arith.constant 0 : i32
      %dma_start3A_372 = arith.constant 0 : i32
      %dma_start3A_373 = tpu.memref_slice %arg10[%run_scoped3A, %dma_start3A_371, %dma_start3A_372] : memref<2x128x128xf32, #tpu.memory_space<vmem>> -> memref<1x128x128xf32, #tpu.memory_space<vmem>>
      %dma_start3A_374 = tpu.memref_squeeze %dma_start3A_373 : memref<1x128x128xf32, #tpu.memory_space<vmem>> -> memref<128x128xf32, #tpu.memory_space<vmem>>
      %dma_start3A_375 = arith.constant 0 : i32
      %dma_start3A_376 = arith.constant 0 : i32
      %dma_start3A_377 = tpu.memref_slice %arg10[%run_scoped3A, %dma_start3A_375, %dma_start3A_376] : memref<2x128x128xf32, #tpu.memory_space<vmem>> -> memref<1x128x128xf32, #tpu.memory_space<vmem>>
      %dma_start3A_378 = tpu.memref_squeeze %dma_start3A_377 : memref<1x128x128xf32, #tpu.memory_space<vmem>> -> memref<128x128xf32, #tpu.memory_space<vmem>>
      tpu.enqueue_dma source(%arg6 : memref<128x128xf32, #tpu.memory_space<hbm>>) target(%dma_start3A_378 : memref<128x128xf32, #tpu.memory_space<vmem>>) target_semaphore(%run_scoped3A_370 : memref<!tpu.dma_semaphore, #tpu.memory_space<semaphore_mem>>)
      %dma_wait3A_379 = arith.constant 0 : i32
      %dma_wait3A_380 = arith.constant 0 : i32
      %dma_wait3A_381 = tpu.memref_slice %arg10[%run_scoped3A, %dma_wait3A_379, %dma_wait3A_380] : memref<2x128x128xf32, #tpu.memory_space<vmem>> -> memref<1x128x128xf32, #tpu.memory_space<vmem>>
      %dma_wait3A_382 = tpu.memref_squeeze %dma_wait3A_381 : memref<1x128x128xf32, #tpu.memory_space<vmem>> -> memref<128x128xf32, #tpu.memory_space<vmem>>
      %dma_wait3A_383 = arith.constant 0 : i32
      %dma_wait3A_384 = arith.constant 0 : i32
      %dma_wait3A_385 = tpu.memref_slice %arg10[%run_scoped3A, %dma_wait3A_383, %dma_wait3A_384] : memref<2x128x128xf32, #tpu.memory_space<vmem>> -> memref<1x128x128xf32, #tpu.memory_space<vmem>>
      %dma_wait3A_386 = tpu.memref_squeeze %dma_wait3A_385 : memref<1x128x128xf32, #tpu.memory_space<vmem>> -> memref<128x128xf32, #tpu.memory_space<vmem>>
      tpu.wait_dma2 semaphore(%run_scoped3A_370 : memref<!tpu.dma_semaphore, #tpu.memory_space<semaphore_mem>>) src(%arg6 : memref<128x128xf32, #tpu.memory_space<hbm>>) dst(%dma_wait3A_386 : memref<128x128xf32, #tpu.memory_space<vmem>>)
      tpu.yield
    }) : () -> ()
    %mul3A_1 = arith.constant 640 : i32
    %mul3A_2 = arith.muli %arg1, %mul3A_1 : i32
    %add3A_3 = arith.constant 0 : i32
    %add3A_4 = arith.addi %mul3A_2, %add3A_3 : i32
    %run_scoped3A_5 = arith.constant 0 : i32
    "tpu.region"() ({
      %run_scoped3A_370 = tpu.sem_alloc : memref<!tpu.dma_semaphore, #tpu.memory_space<semaphore_mem>>
      %dma_start3A_371 = arith.constant 0 : i32
      %dma_start3A_372 = arith.constant 0 : i32
      %dma_start3A_373 = tpu.memref_slice %arg10[%run_scoped3A_5, %dma_start3A_371, %dma_start3A_372] : memref<2x128x128xf32, #tpu.memory_space<vmem>> -> memref<1x128x128xf32, #tpu.memory_space<vmem>>
      %dma_start3A_374 = tpu.memref_squeeze %dma_start3A_373 : memref<1x128x128xf32, #tpu.memory_space<vmem>> -> memref<128x128xf32, #tpu.memory_space<vmem>>
      %dma_start3A_375 = arith.constant 0 : i32
      %dma_start3A_376 = tpu.memref_slice %arg11[%add3A_4, %dma_start3A_375] : memref<10240x128xf32, #tpu.memory_space<vmem_shared>> -> memref<128x128xf32, #tpu.memory_space<vmem_shared>>
      %dma_start3A_377 = arith.constant 0 : i32
      %dma_start3A_378 = tpu.memref_slice %arg11[%add3A_4, %dma_start3A_377] : memref<10240x128xf32, #tpu.memory_space<vmem_shared>> -> memref<128x128xf32, #tpu.memory_space<vmem_shared>>
      %dma_start3A_379 = arith.constant 0 : i32
      %dma_start3A_380 = arith.constant 0 : i32
      %dma_start3A_381 = tpu.memref_slice %arg10[%run_scoped3A_5, %dma_start3A_379, %dma_start3A_380] : memref<2x128x128xf32, #tpu.memory_space<vmem>> -> memref<1x128x128xf32, #tpu.memory_space<vmem>>
      %dma_start3A_382 = tpu.memref_squeeze %dma_start3A_381 : memref<1x128x128xf32, #tpu.memory_space<vmem>> -> memref<128x128xf32, #tpu.memory_space<vmem>>
      tpu.enqueue_dma source(%dma_start3A_382 : memref<128x128xf32, #tpu.memory_space<vmem>>) target(%dma_start3A_378 : memref<128x128xf32, #tpu.memory_space<vmem_shared>>) target_semaphore(%run_scoped3A_370 : memref<!tpu.dma_semaphore, #tpu.memory_space<semaphore_mem>>)
      %dma_wait3A_383 = arith.constant 0 : i32
      %dma_wait3A_384 = arith.constant 0 : i32
      %dma_wait3A_385 = tpu.memref_slice %arg10[%run_scoped3A_5, %dma_wait3A_383, %dma_wait3A_384] : memref<2x128x128xf32, #tpu.memory_space<vmem>> -> memref<1x128x128xf32, #tpu.memory_space<vmem>>
      %dma_wait3A_386 = tpu.memref_squeeze %dma_wait3A_385 : memref<1x128x128xf32, #tpu.memory_space<vmem>> -> memref<128x128xf32, #tpu.memory_space<vmem>>
      %dma_wait3A_387 = arith.constant 0 : i32
      %dma_wait3A_388 = tpu.memref_slice %arg11[%add3A_4, %dma_wait3A_387] : memref<10240x128xf32, #tpu.memory_space<vmem_shared>> -> memref<128x128xf32, #tpu.memory_space<vmem_shared>>
      %dma_wait3A_389 = arith.constant 0 : i32
      %dma_wait3A_390 = tpu.memref_slice %arg11[%add3A_4, %dma_wait3A_389] : memref<10240x128xf32, #tpu.memory_space<vmem_shared>> -> memref<128x128xf32, #tpu.memory_space<vmem_shared>>
      %dma_wait3A_391 = arith.constant 0 : i32
      %dma_wait3A_392 = arith.constant 0 : i32
      %dma_wait3A_393 = tpu.memref_slice %arg10[%run_scoped3A_5, %dma_wait3A_391, %dma_wait3A_392] : memref<2x128x128xf32, #tpu.memory_space<vmem>> -> memref<1x128x128xf32, #tpu.memory_space<vmem>>
      %dma_wait3A_394 = tpu.memref_squeeze %dma_wait3A_393 : memref<1x128x128xf32, #tpu.memory_space<vmem>> -> memref<128x128xf32, #tpu.memory_space<vmem>>
      tpu.wait_dma2 semaphore(%run_scoped3A_370 : memref<!tpu.dma_semaphore, #tpu.memory_space<semaphore_mem>>) src(%dma_wait3A_394 : memref<128x128xf32, #tpu.memory_space<vmem>>) dst(%dma_wait3A_390 : memref<128x128xf32, #tpu.memory_space<vmem_shared>>)
      tpu.yield
    }) : () -> ()
    %mul3A_6 = arith.constant 640 : i32
    %mul3A_7 = arith.muli %arg1, %mul3A_6 : i32
    %add3A_8 = arith.constant 128 : i32
    %add3A_9 = arith.addi %mul3A_7, %add3A_8 : i32
    %run_scoped3A_10 = arith.constant 0 : i32
    "tpu.region"() ({
      %run_scoped3A_370 = tpu.sem_alloc : memref<!tpu.dma_semaphore, #tpu.memory_space<semaphore_mem>>
      %dma_start3A_371 = arith.constant 0 : i32
      %dma_start3A_372 = arith.constant 0 : i32
      %dma_start3A_373 = tpu.memref_slice %arg10[%run_scoped3A_10, %dma_start3A_371, %dma_start3A_372] : memref<2x128x128xf32, #tpu.memory_space<vmem>> -> memref<1x128x128xf32, #tpu.memory_space<vmem>>
      %dma_start3A_374 = tpu.memref_squeeze %dma_start3A_373 : memref<1x128x128xf32, #tpu.memory_space<vmem>> -> memref<128x128xf32, #tpu.memory_space<vmem>>
      %dma_start3A_375 = arith.constant 0 : i32
      %dma_start3A_376 = tpu.memref_slice %arg11[%add3A_9, %dma_start3A_375] : memref<10240x128xf32, #tpu.memory_space<vmem_shared>> -> memref<128x128xf32, #tpu.memory_space<vmem_shared>>
      %dma_start3A_377 = arith.constant 0 : i32
      %dma_start3A_378 = tpu.memref_slice %arg11[%add3A_9, %dma_start3A_377] : memref<10240x128xf32, #tpu.memory_space<vmem_shared>> -> memref<128x128xf32, #tpu.memory_space<vmem_shared>>
      %dma_start3A_379 = arith.constant 0 : i32
      %dma_start3A_380 = arith.constant 0 : i32
      %dma_start3A_381 = tpu.memref_slice %arg10[%run_scoped3A_10, %dma_start3A_379, %dma_start3A_380] : memref<2x128x128xf32, #tpu.memory_space<vmem>> -> memref<1x128x128xf32, #tpu.memory_space<vmem>>
      %dma_start3A_382 = tpu.memref_squeeze %dma_start3A_381 : memref<1x128x128xf32, #tpu.memory_space<vmem>> -> memref<128x128xf32, #tpu.memory_space<vmem>>
      tpu.enqueue_dma source(%dma_start3A_382 : memref<128x128xf32, #tpu.memory_space<vmem>>) target(%dma_start3A_378 : memref<128x128xf32, #tpu.memory_space<vmem_shared>>) target_semaphore(%run_scoped3A_370 : memref<!tpu.dma_semaphore, #tpu.memory_space<semaphore_mem>>)
      %dma_wait3A_383 = arith.constant 0 : i32
      %dma_wait3A_384 = arith.constant 0 : i32
      %dma_wait3A_385 = tpu.memref_slice %arg10[%run_scoped3A_10, %dma_wait3A_383, %dma_wait3A_384] : memref<2x128x128xf32, #tpu.memory_space<vmem>> -> memref<1x128x128xf32, #tpu.memory_space<vmem>>
      %dma_wait3A_386 = tpu.memref_squeeze %dma_wait3A_385 : memref<1x128x128xf32, #tpu.memory_space<vmem>> -> memref<128x128xf32, #tpu.memory_space<vmem>>
      %dma_wait3A_387 = arith.constant 0 : i32
      %dma_wait3A_388 = tpu.memref_slice %arg11[%add3A_9, %dma_wait3A_387] : memref<10240x128xf32, #tpu.memory_space<vmem_shared>> -> memref<128x128xf32, #tpu.memory_space<vmem_shared>>
      %dma_wait3A_389 = arith.constant 0 : i32
      %dma_wait3A_390 = tpu.memref_slice %arg11[%add3A_9, %dma_wait3A_389] : memref<10240x128xf32, #tpu.memory_space<vmem_shared>> -> memref<128x128xf32, #tpu.memory_space<vmem_shared>>
      %dma_wait3A_391 = arith.constant 0 : i32
      %dma_wait3A_392 = arith.constant 0 : i32
      %dma_wait3A_393 = tpu.memref_slice %arg10[%run_scoped3A_10, %dma_wait3A_391, %dma_wait3A_392] : memref<2x128x128xf32, #tpu.memory_space<vmem>> -> memref<1x128x128xf32, #tpu.memory_space<vmem>>
      %dma_wait3A_394 = tpu.memref_squeeze %dma_wait3A_393 : memref<1x128x128xf32, #tpu.memory_space<vmem>> -> memref<128x128xf32, #tpu.memory_space<vmem>>
      tpu.wait_dma2 semaphore(%run_scoped3A_370 : memref<!tpu.dma_semaphore, #tpu.memory_space<semaphore_mem>>) src(%dma_wait3A_394 : memref<128x128xf32, #tpu.memory_space<vmem>>) dst(%dma_wait3A_390 : memref<128x128xf32, #tpu.memory_space<vmem_shared>>)
      tpu.yield
    }) : () -> ()
    %mul3A_11 = arith.constant 640 : i32
    %mul3A_12 = arith.muli %arg1, %mul3A_11 : i32
    %add3A_13 = arith.constant 256 : i32
    %add3A_14 = arith.addi %mul3A_12, %add3A_13 : i32
    %run_scoped3A_15 = arith.constant 0 : i32
    "tpu.region"() ({
      %run_scoped3A_370 = tpu.sem_alloc : memref<!tpu.dma_semaphore, #tpu.memory_space<semaphore_mem>>
      %dma_start3A_371 = arith.constant 0 : i32
      %dma_start3A_372 = arith.constant 0 : i32
      %dma_start3A_373 = tpu.memref_slice %arg10[%run_scoped3A_15, %dma_start3A_371, %dma_start3A_372] : memref<2x128x128xf32, #tpu.memory_space<vmem>> -> memref<1x128x128xf32, #tpu.memory_space<vmem>>
      %dma_start3A_374 = tpu.memref_squeeze %dma_start3A_373 : memref<1x128x128xf32, #tpu.memory_space<vmem>> -> memref<128x128xf32, #tpu.memory_space<vmem>>
      %dma_start3A_375 = arith.constant 0 : i32
      %dma_start3A_376 = tpu.memref_slice %arg11[%add3A_14, %dma_start3A_375] : memref<10240x128xf32, #tpu.memory_space<vmem_shared>> -> memref<128x128xf32, #tpu.memory_space<vmem_shared>>
      %dma_start3A_377 = arith.constant 0 : i32
      %dma_start3A_378 = tpu.memref_slice %arg11[%add3A_14, %dma_start3A_377] : memref<10240x128xf32, #tpu.memory_space<vmem_shared>> -> memref<128x128xf32, #tpu.memory_space<vmem_shared>>
      %dma_start3A_379 = arith.constant 0 : i32
      %dma_start3A_380 = arith.constant 0 : i32
      %dma_start3A_381 = tpu.memref_slice %arg10[%run_scoped3A_15, %dma_start3A_379, %dma_start3A_380] : memref<2x128x128xf32, #tpu.memory_space<vmem>> -> memref<1x128x128xf32, #tpu.memory_space<vmem>>
      %dma_start3A_382 = tpu.memref_squeeze %dma_start3A_381 : memref<1x128x128xf32, #tpu.memory_space<vmem>> -> memref<128x128xf32, #tpu.memory_space<vmem>>
      tpu.enqueue_dma source(%dma_start3A_382 : memref<128x128xf32, #tpu.memory_space<vmem>>) target(%dma_start3A_378 : memref<128x128xf32, #tpu.memory_space<vmem_shared>>) target_semaphore(%run_scoped3A_370 : memref<!tpu.dma_semaphore, #tpu.memory_space<semaphore_mem>>)
      %dma_wait3A_383 = arith.constant 0 : i32
      %dma_wait3A_384 = arith.constant 0 : i32
      %dma_wait3A_385 = tpu.memref_slice %arg10[%run_scoped3A_15, %dma_wait3A_383, %dma_wait3A_384] : memref<2x128x128xf32, #tpu.memory_space<vmem>> -> memref<1x128x128xf32, #tpu.memory_space<vmem>>
      %dma_wait3A_386 = tpu.memref_squeeze %dma_wait3A_385 : memref<1x128x128xf32, #tpu.memory_space<vmem>> -> memref<128x128xf32, #tpu.memory_space<vmem>>
      %dma_wait3A_387 = arith.constant 0 : i32
      %dma_wait3A_388 = tpu.memref_slice %arg11[%add3A_14, %dma_wait3A_387] : memref<10240x128xf32, #tpu.memory_space<vmem_shared>> -> memref<128x128xf32, #tpu.memory_space<vmem_shared>>
      %dma_wait3A_389 = arith.constant 0 : i32
      %dma_wait3A_390 = tpu.memref_slice %arg11[%add3A_14, %dma_wait3A_389] : memref<10240x128xf32, #tpu.memory_space<vmem_shared>> -> memref<128x128xf32, #tpu.memory_space<vmem_shared>>
      %dma_wait3A_391 = arith.constant 0 : i32
      %dma_wait3A_392 = arith.constant 0 : i32
      %dma_wait3A_393 = tpu.memref_slice %arg10[%run_scoped3A_15, %dma_wait3A_391, %dma_wait3A_392] : memref<2x128x128xf32, #tpu.memory_space<vmem>> -> memref<1x128x128xf32, #tpu.memory_space<vmem>>
      %dma_wait3A_394 = tpu.memref_squeeze %dma_wait3A_393 : memref<1x128x128xf32, #tpu.memory_space<vmem>> -> memref<128x128xf32, #tpu.memory_space<vmem>>
      tpu.wait_dma2 semaphore(%run_scoped3A_370 : memref<!tpu.dma_semaphore, #tpu.memory_space<semaphore_mem>>) src(%dma_wait3A_394 : memref<128x128xf32, #tpu.memory_space<vmem>>) dst(%dma_wait3A_390 : memref<128x128xf32, #tpu.memory_space<vmem_shared>>)
      tpu.yield
    }) : () -> ()
    %mul3A_16 = arith.constant 640 : i32
    %mul3A_17 = arith.muli %arg1, %mul3A_16 : i32
    %add3A_18 = arith.constant 384 : i32
    %add3A_19 = arith.addi %mul3A_17, %add3A_18 : i32
    %run_scoped3A_20 = arith.constant 0 : i32
    "tpu.region"() ({
      %run_scoped3A_370 = tpu.sem_alloc : memref<!tpu.dma_semaphore, #tpu.memory_space<semaphore_mem>>
      %dma_start3A_371 = arith.constant 0 : i32
      %dma_start3A_372 = arith.constant 0 : i32
      %dma_start3A_373 = tpu.memref_slice %arg10[%run_scoped3A_20, %dma_start3A_371, %dma_start3A_372] : memref<2x128x128xf32, #tpu.memory_space<vmem>> -> memref<1x128x128xf32, #tpu.memory_space<vmem>>
      %dma_start3A_374 = tpu.memref_squeeze %dma_start3A_373 : memref<1x128x128xf32, #tpu.memory_space<vmem>> -> memref<128x128xf32, #tpu.memory_space<vmem>>
      %dma_start3A_375 = arith.constant 0 : i32
      %dma_start3A_376 = tpu.memref_slice %arg11[%add3A_19, %dma_start3A_375] : memref<10240x128xf32, #tpu.memory_space<vmem_shared>> -> memref<128x128xf32, #tpu.memory_space<vmem_shared>>
      %dma_start3A_377 = arith.constant 0 : i32
      %dma_start3A_378 = tpu.memref_slice %arg11[%add3A_19, %dma_start3A_377] : memref<10240x128xf32, #tpu.memory_space<vmem_shared>> -> memref<128x128xf32, #tpu.memory_space<vmem_shared>>
      %dma_start3A_379 = arith.constant 0 : i32
      %dma_start3A_380 = arith.constant 0 : i32
      %dma_start3A_381 = tpu.memref_slice %arg10[%run_scoped3A_20, %dma_start3A_379, %dma_start3A_380] : memref<2x128x128xf32, #tpu.memory_space<vmem>> -> memref<1x128x128xf32, #tpu.memory_space<vmem>>
      %dma_start3A_382 = tpu.memref_squeeze %dma_start3A_381 : memref<1x128x128xf32, #tpu.memory_space<vmem>> -> memref<128x128xf32, #tpu.memory_space<vmem>>
      tpu.enqueue_dma source(%dma_start3A_382 : memref<128x128xf32, #tpu.memory_space<vmem>>) target(%dma_start3A_378 : memref<128x128xf32, #tpu.memory_space<vmem_shared>>) target_semaphore(%run_scoped3A_370 : memref<!tpu.dma_semaphore, #tpu.memory_space<semaphore_mem>>)
      %dma_wait3A_383 = arith.constant 0 : i32
      %dma_wait3A_384 = arith.constant 0 : i32
      %dma_wait3A_385 = tpu.memref_slice %arg10[%run_scoped3A_20, %dma_wait3A_383, %dma_wait3A_384] : memref<2x128x128xf32, #tpu.memory_space<vmem>> -> memref<1x128x128xf32, #tpu.memory_space<vmem>>
      %dma_wait3A_386 = tpu.memref_squeeze %dma_wait3A_385 : memref<1x128x128xf32, #tpu.memory_space<vmem>> -> memref<128x128xf32, #tpu.memory_space<vmem>>
      %dma_wait3A_387 = arith.constant 0 : i32
      %dma_wait3A_388 = tpu.memref_slice %arg11[%add3A_19, %dma_wait3A_387] : memref<10240x128xf32, #tpu.memory_space<vmem_shared>> -> memref<128x128xf32, #tpu.memory_space<vmem_shared>>
      %dma_wait3A_389 = arith.constant 0 : i32
      %dma_wait3A_390 = tpu.memref_slice %arg11[%add3A_19, %dma_wait3A_389] : memref<10240x128xf32, #tpu.memory_space<vmem_shared>> -> memref<128x128xf32, #tpu.memory_space<vmem_shared>>
      %dma_wait3A_391 = arith.constant 0 : i32
      %dma_wait3A_392 = arith.constant 0 : i32
      %dma_wait3A_393 = tpu.memref_slice %arg10[%run_scoped3A_20, %dma_wait3A_391, %dma_wait3A_392] : memref<2x128x128xf32, #tpu.memory_space<vmem>> -> memref<1x128x128xf32, #tpu.memory_space<vmem>>
      %dma_wait3A_394 = tpu.memref_squeeze %dma_wait3A_393 : memref<1x128x128xf32, #tpu.memory_space<vmem>> -> memref<128x128xf32, #tpu.memory_space<vmem>>
      tpu.wait_dma2 semaphore(%run_scoped3A_370 : memref<!tpu.dma_semaphore, #tpu.memory_space<semaphore_mem>>) src(%dma_wait3A_394 : memref<128x128xf32, #tpu.memory_space<vmem>>) dst(%dma_wait3A_390 : memref<128x128xf32, #tpu.memory_space<vmem_shared>>)
      tpu.yield
    }) : () -> ()
    %mul3A_21 = arith.constant 640 : i32
    %mul3A_22 = arith.muli %arg1, %mul3A_21 : i32
    %add3A_23 = arith.constant 512 : i32
    %add3A_24 = arith.addi %mul3A_22, %add3A_23 : i32
    %run_scoped3A_25 = arith.constant 0 : i32
    "tpu.region"() ({
      %run_scoped3A_370 = tpu.sem_alloc : memref<!tpu.dma_semaphore, #tpu.memory_space<semaphore_mem>>
      %dma_start3A_371 = arith.constant 0 : i32
      %dma_start3A_372 = arith.constant 0 : i32
      %dma_start3A_373 = tpu.memref_slice %arg10[%run_scoped3A_25, %dma_start3A_371, %dma_start3A_372] : memref<2x128x128xf32, #tpu.memory_space<vmem>> -> memref<1x128x128xf32, #tpu.memory_space<vmem>>
      %dma_start3A_374 = tpu.memref_squeeze %dma_start3A_373 : memref<1x128x128xf32, #tpu.memory_space<vmem>> -> memref<128x128xf32, #tpu.memory_space<vmem>>
      %dma_start3A_375 = arith.constant 0 : i32
      %dma_start3A_376 = tpu.memref_slice %arg11[%add3A_24, %dma_start3A_375] : memref<10240x128xf32, #tpu.memory_space<vmem_shared>> -> memref<128x128xf32, #tpu.memory_space<vmem_shared>>
      %dma_start3A_377 = arith.constant 0 : i32
      %dma_start3A_378 = tpu.memref_slice %arg11[%add3A_24, %dma_start3A_377] : memref<10240x128xf32, #tpu.memory_space<vmem_shared>> -> memref<128x128xf32, #tpu.memory_space<vmem_shared>>
      %dma_start3A_379 = arith.constant 0 : i32
      %dma_start3A_380 = arith.constant 0 : i32
      %dma_start3A_381 = tpu.memref_slice %arg10[%run_scoped3A_25, %dma_start3A_379, %dma_start3A_380] : memref<2x128x128xf32, #tpu.memory_space<vmem>> -> memref<1x128x128xf32, #tpu.memory_space<vmem>>
      %dma_start3A_382 = tpu.memref_squeeze %dma_start3A_381 : memref<1x128x128xf32, #tpu.memory_space<vmem>> -> memref<128x128xf32, #tpu.memory_space<vmem>>
      tpu.enqueue_dma source(%dma_start3A_382 : memref<128x128xf32, #tpu.memory_space<vmem>>) target(%dma_start3A_378 : memref<128x128xf32, #tpu.memory_space<vmem_shared>>) target_semaphore(%run_scoped3A_370 : memref<!tpu.dma_semaphore, #tpu.memory_space<semaphore_mem>>)
      %dma_wait3A_383 = arith.constant 0 : i32
      %dma_wait3A_384 = arith.constant 0 : i32
      %dma_wait3A_385 = tpu.memref_slice %arg10[%run_scoped3A_25, %dma_wait3A_383, %dma_wait3A_384] : memref<2x128x128xf32, #tpu.memory_space<vmem>> -> memref<1x128x128xf32, #tpu.memory_space<vmem>>
      %dma_wait3A_386 = tpu.memref_squeeze %dma_wait3A_385 : memref<1x128x128xf32, #tpu.memory_space<vmem>> -> memref<128x128xf32, #tpu.memory_space<vmem>>
      %dma_wait3A_387 = arith.constant 0 : i32
      %dma_wait3A_388 = tpu.memref_slice %arg11[%add3A_24, %dma_wait3A_387] : memref<10240x128xf32, #tpu.memory_space<vmem_shared>> -> memref<128x128xf32, #tpu.memory_space<vmem_shared>>
      %dma_wait3A_389 = arith.constant 0 : i32
      %dma_wait3A_390 = tpu.memref_slice %arg11[%add3A_24, %dma_wait3A_389] : memref<10240x128xf32, #tpu.memory_space<vmem_shared>> -> memref<128x128xf32, #tpu.memory_space<vmem_shared>>
      %dma_wait3A_391 = arith.constant 0 : i32
      %dma_wait3A_392 = arith.constant 0 : i32
      %dma_wait3A_393 = tpu.memref_slice %arg10[%run_scoped3A_25, %dma_wait3A_391, %dma_wait3A_392] : memref<2x128x128xf32, #tpu.memory_space<vmem>> -> memref<1x128x128xf32, #tpu.memory_space<vmem>>
      %dma_wait3A_394 = tpu.memref_squeeze %dma_wait3A_393 : memref<1x128x128xf32, #tpu.memory_space<vmem>> -> memref<128x128xf32, #tpu.memory_space<vmem>>
      tpu.wait_dma2 semaphore(%run_scoped3A_370 : memref<!tpu.dma_semaphore, #tpu.memory_space<semaphore_mem>>) src(%dma_wait3A_394 : memref<128x128xf32, #tpu.memory_space<vmem>>) dst(%dma_wait3A_390 : memref<128x128xf32, #tpu.memory_space<vmem_shared>>)
      tpu.yield
    }) : () -> ()
    %scan3A = arith.constant 0 : i32
    %scan3A_26 = arith.constant 0 : i32
    %scan3A_27 = arith.constant 80 : i32
    %scan3A_28 = arith.addi %scan3A_26, %scan3A_27 : i32
    %scan3A_29 = arith.constant 1 : i32
    scf.for %scan3A_370 = %scan3A_26 to %scan3A_28 step %scan3A_29  : i32 {
      %mul3A_371 = arith.constant 80 : i32
      %mul3A_372 = arith.muli %add3A, %mul3A_371 : i32
      %add3A_373 = arith.addi %mul3A_372, %scan3A_370 : i32
      %lt3A_374 = arith.constant 2500 : i32
      %lt3A_375 = arith.cmpi slt, %add3A_373, %lt3A_374 : i32
      %convert_element_type3A_376 = arith.extui %lt3A_375 : i1 to i32
      %cond3A_377 = arith.constant 0 : i32
      %cond3A_378 = arith.cmpi ne, %convert_element_type3A_376, %cond3A_377 : i32
      scf.if %cond3A_378 {
        %dma_start3A_384 = arith.constant 0 : i32
        %dma_start3A_385 = tpu.memref_slice %arg9[%scan3A_370, %dma_start3A_384] : memref<80x128xi32, #tpu.memory_space<vmem>> -> memref<1x128xi32, #tpu.memory_space<vmem>>
        %dma_start3A_386 = tpu.memref_squeeze %dma_start3A_385 : memref<1x128xi32, #tpu.memory_space<vmem>> -> memref<128xi32, #tpu.memory_space<vmem>>
        %dma_start3A_387 = arith.constant 0 : i32
        %dma_start3A_388 = tpu.memref_slice %arg4[%add3A_373, %dma_start3A_387] : memref<2500x128xi32, #tpu.memory_space<hbm>> -> memref<1x128xi32, #tpu.memory_space<hbm>>
        %dma_start3A_389 = tpu.memref_squeeze %dma_start3A_388 : memref<1x128xi32, #tpu.memory_space<hbm>> -> memref<128xi32, #tpu.memory_space<hbm>>
        %dma_start3A_390 = arith.constant 0 : i32
        %dma_start3A_391 = tpu.memref_slice %arg9[%scan3A_370, %dma_start3A_390] : memref<80x128xi32, #tpu.memory_space<vmem>> -> memref<1x128xi32, #tpu.memory_space<vmem>>
        %dma_start3A_392 = tpu.memref_squeeze %dma_start3A_391 : memref<1x128xi32, #tpu.memory_space<vmem>> -> memref<128xi32, #tpu.memory_space<vmem>>
        %dma_start3A_393 = arith.constant 0 : i32
        %dma_start3A_394 = tpu.memref_slice %arg4[%add3A_373, %dma_start3A_393] : memref<2500x128xi32, #tpu.memory_space<hbm>> -> memref<1x128xi32, #tpu.memory_space<hbm>>
        %dma_start3A_395 = tpu.memref_squeeze %dma_start3A_394 : memref<1x128xi32, #tpu.memory_space<hbm>> -> memref<128xi32, #tpu.memory_space<hbm>>
        tpu.enqueue_dma source(%dma_start3A_395 : memref<128xi32, #tpu.memory_space<hbm>>) target(%dma_start3A_392 : memref<128xi32, #tpu.memory_space<vmem>>) target_semaphore(%arg12 : memref<!tpu.dma_semaphore, #tpu.memory_space<semaphore_mem>>)
      } else {
      }
      %ge3A_379 = arith.constant 2500 : i32
      %ge3A_380 = arith.cmpi sge, %add3A_373, %ge3A_379 : i32
      %convert_element_type3A_381 = arith.extui %ge3A_380 : i1 to i32
      %cond3A_382 = arith.constant 0 : i32
      %cond3A_383 = arith.cmpi ne, %convert_element_type3A_381, %cond3A_382 : i32
      scf.if %cond3A_383 {
        %sub3A = arith.constant 2500 : i32
        %sub3A_384 = arith.subi %add3A_373, %sub3A : i32
        %dma_start3A_385 = arith.constant 0 : i32
        %dma_start3A_386 = tpu.memref_slice %arg9[%scan3A_370, %dma_start3A_385] : memref<80x128xi32, #tpu.memory_space<vmem>> -> memref<1x128xi32, #tpu.memory_space<vmem>>
        %dma_start3A_387 = tpu.memref_squeeze %dma_start3A_386 : memref<1x128xi32, #tpu.memory_space<vmem>> -> memref<128xi32, #tpu.memory_space<vmem>>
        %dma_start3A_388 = arith.constant 0 : i32
        %dma_start3A_389 = tpu.memref_slice %arg5[%sub3A_384, %dma_start3A_388] : memref<60x128xi32, #tpu.memory_space<hbm>> -> memref<1x128xi32, #tpu.memory_space<hbm>>
        %dma_start3A_390 = tpu.memref_squeeze %dma_start3A_389 : memref<1x128xi32, #tpu.memory_space<hbm>> -> memref<128xi32, #tpu.memory_space<hbm>>
        %dma_start3A_391 = arith.constant 0 : i32
        %dma_start3A_392 = tpu.memref_slice %arg9[%scan3A_370, %dma_start3A_391] : memref<80x128xi32, #tpu.memory_space<vmem>> -> memref<1x128xi32, #tpu.memory_space<vmem>>
        %dma_start3A_393 = tpu.memref_squeeze %dma_start3A_392 : memref<1x128xi32, #tpu.memory_space<vmem>> -> memref<128xi32, #tpu.memory_space<vmem>>
        %dma_start3A_394 = arith.constant 0 : i32
        %dma_start3A_395 = tpu.memref_slice %arg5[%sub3A_384, %dma_start3A_394] : memref<60x128xi32, #tpu.memory_space<hbm>> -> memref<1x128xi32, #tpu.memory_space<hbm>>
        %dma_start3A_396 = tpu.memref_squeeze %dma_start3A_395 : memref<1x128xi32, #tpu.memory_space<hbm>> -> memref<128xi32, #tpu.memory_space<hbm>>
        tpu.enqueue_dma source(%dma_start3A_396 : memref<128xi32, #tpu.memory_space<hbm>>) target(%dma_start3A_393 : memref<128xi32, #tpu.memory_space<vmem>>) target_semaphore(%arg12 : memref<!tpu.dma_semaphore, #tpu.memory_space<semaphore_mem>>)
      } else {
      }
    }
    %scan3A_30 = arith.constant 80 : i32
    %scan3A_31 = arith.constant 0 : i32
    %scan3A_32 = arith.constant 0 : i32
    %scan3A_33 = arith.constant 80 : i32
    %scan3A_34 = arith.addi %scan3A_32, %scan3A_33 : i32
    %scan3A_35 = arith.constant 1 : i32
    scf.for %scan3A_370 = %scan3A_32 to %scan3A_34 step %scan3A_35  : i32 {
      %dma_wait3A_371 = arith.constant 0 : i32
      %dma_wait3A_372 = arith.constant 0 : i32
      %dma_wait3A_373 = arith.constant 0 : i32
      %dma_wait3A_374 = tpu.memref_slice %arg9[%dma_wait3A_372, %dma_wait3A_373] : memref<80x128xi32, #tpu.memory_space<vmem>> -> memref<1x128xi32, #tpu.memory_space<vmem>>
      %dma_wait3A_375 = tpu.memref_squeeze %dma_wait3A_374 : memref<1x128xi32, #tpu.memory_space<vmem>> -> memref<128xi32, #tpu.memory_space<vmem>>
      %dma_wait3A_376 = arith.constant 0 : i32
      %dma_wait3A_377 = tpu.memref_slice %arg5[%dma_wait3A_371, %dma_wait3A_376] : memref<60x128xi32, #tpu.memory_space<hbm>> -> memref<1x128xi32, #tpu.memory_space<hbm>>
      %dma_wait3A_378 = tpu.memref_squeeze %dma_wait3A_377 : memref<1x128xi32, #tpu.memory_space<hbm>> -> memref<128xi32, #tpu.memory_space<hbm>>
      %dma_wait3A_379 = arith.constant 0 : i32
      %dma_wait3A_380 = tpu.memref_slice %arg9[%dma_wait3A_372, %dma_wait3A_379] : memref<80x128xi32, #tpu.memory_space<vmem>> -> memref<1x128xi32, #tpu.memory_space<vmem>>
      %dma_wait3A_381 = tpu.memref_squeeze %dma_wait3A_380 : memref<1x128xi32, #tpu.memory_space<vmem>> -> memref<128xi32, #tpu.memory_space<vmem>>
      %dma_wait3A_382 = arith.constant 0 : i32
      %dma_wait3A_383 = tpu.memref_slice %arg5[%dma_wait3A_371, %dma_wait3A_382] : memref<60x128xi32, #tpu.memory_space<hbm>> -> memref<1x128xi32, #tpu.memory_space<hbm>>
      %dma_wait3A_384 = tpu.memref_squeeze %dma_wait3A_383 : memref<1x128xi32, #tpu.memory_space<hbm>> -> memref<128xi32, #tpu.memory_space<hbm>>
      tpu.wait_dma2 semaphore(%arg12 : memref<!tpu.dma_semaphore, #tpu.memory_space<semaphore_mem>>) src(%dma_wait3A_384 : memref<128xi32, #tpu.memory_space<hbm>>) dst(%dma_wait3A_381 : memref<128xi32, #tpu.memory_space<vmem>>)
    }
    %scan3A_36 = arith.constant 80 : i32
    %barrier3A = arith.constant 0 : index
    tpu.barrier barrier_id(%barrier3A)
    %mul3A_37 = arith.constant 80 : i32
    %mul3A_38 = arith.muli %add3A, %mul3A_37 : i32
    %add3A_39 = arith.constant 0 : i32
    %add3A_40 = arith.addi %mul3A_38, %add3A_39 : i32
    %lt3A = arith.constant 2500 : i32
    %lt3A_41 = arith.cmpi slt, %add3A_40, %lt3A : i32
    %convert_element_type3A = arith.extui %lt3A_41 : i1 to i32
    %cond3A = arith.constant 0 : i32
    %cond3A_42 = arith.cmpi ne, %convert_element_type3A, %cond3A : i32
    scf.if %cond3A_42 {
      %dma_start3A_370 = arith.constant 0 : i32
      %dma_start3A_371 = arith.constant 0 : i32
      %dma_start3A_372 = tpu.memref_slice %arg8[%dma_start3A_370, %dma_start3A_371] : memref<2x128xi32, #tpu.memory_space<vmem>> -> memref<1x128xi32, #tpu.memory_space<vmem>>
      %dma_start3A_373 = tpu.memref_squeeze %dma_start3A_372 : memref<1x128xi32, #tpu.memory_space<vmem>> -> memref<128xi32, #tpu.memory_space<vmem>>
      %dma_start3A_374 = arith.constant 0 : i32
      %dma_start3A_375 = tpu.memref_slice %arg3[%add3A_40, %dma_start3A_374] : memref<2500x128xi32, #tpu.memory_space<hbm>> -> memref<1x128xi32, #tpu.memory_space<hbm>>
      %dma_start3A_376 = tpu.memref_squeeze %dma_start3A_375 : memref<1x128xi32, #tpu.memory_space<hbm>> -> memref<128xi32, #tpu.memory_space<hbm>>
      %dma_start3A_377 = arith.constant 0 : i32
      %dma_start3A_378 = tpu.memref_slice %arg8[%dma_start3A_370, %dma_start3A_377] : memref<2x128xi32, #tpu.memory_space<vmem>> -> memref<1x128xi32, #tpu.memory_space<vmem>>
      %dma_start3A_379 = tpu.memref_squeeze %dma_start3A_378 : memref<1x128xi32, #tpu.memory_space<vmem>> -> memref<128xi32, #tpu.memory_space<vmem>>
      %dma_start3A_380 = arith.constant 0 : i32
      %dma_start3A_381 = tpu.memref_slice %arg3[%add3A_40, %dma_start3A_380] : memref<2500x128xi32, #tpu.memory_space<hbm>> -> memref<1x128xi32, #tpu.memory_space<hbm>>
      %dma_start3A_382 = tpu.memref_squeeze %dma_start3A_381 : memref<1x128xi32, #tpu.memory_space<hbm>> -> memref<128xi32, #tpu.memory_space<hbm>>
      tpu.enqueue_dma source(%dma_start3A_382 : memref<128xi32, #tpu.memory_space<hbm>>) target(%dma_start3A_379 : memref<128xi32, #tpu.memory_space<vmem>>) target_semaphore(%arg15 : memref<!tpu.dma_semaphore, #tpu.memory_space<semaphore_mem>>)
    } else {
    }
    %ge3A = arith.constant 2500 : i32
    %ge3A_43 = arith.cmpi sge, %add3A_40, %ge3A : i32
    %convert_element_type3A_44 = arith.extui %ge3A_43 : i1 to i32
    %cond3A_45 = arith.constant 0 : i32
    %cond3A_46 = arith.cmpi ne, %convert_element_type3A_44, %cond3A_45 : i32
    scf.if %cond3A_46 {
      %sub3A = arith.constant 2500 : i32
      %sub3A_370 = arith.subi %add3A_40, %sub3A : i32
      %dma_start3A_371 = arith.constant 0 : i32
      %dma_start3A_372 = arith.constant 0 : i32
      %dma_start3A_373 = tpu.memref_slice %arg8[%dma_start3A_371, %dma_start3A_372] : memref<2x128xi32, #tpu.memory_space<vmem>> -> memref<1x128xi32, #tpu.memory_space<vmem>>
      %dma_start3A_374 = tpu.memref_squeeze %dma_start3A_373 : memref<1x128xi32, #tpu.memory_space<vmem>> -> memref<128xi32, #tpu.memory_space<vmem>>
      %dma_start3A_375 = arith.constant 0 : i32
      %dma_start3A_376 = tpu.memref_slice %arg5[%sub3A_370, %dma_start3A_375] : memref<60x128xi32, #tpu.memory_space<hbm>> -> memref<1x128xi32, #tpu.memory_space<hbm>>
      %dma_start3A_377 = tpu.memref_squeeze %dma_start3A_376 : memref<1x128xi32, #tpu.memory_space<hbm>> -> memref<128xi32, #tpu.memory_space<hbm>>
      %dma_start3A_378 = arith.constant 0 : i32
      %dma_start3A_379 = tpu.memref_slice %arg8[%dma_start3A_371, %dma_start3A_378] : memref<2x128xi32, #tpu.memory_space<vmem>> -> memref<1x128xi32, #tpu.memory_space<vmem>>
      %dma_start3A_380 = tpu.memref_squeeze %dma_start3A_379 : memref<1x128xi32, #tpu.memory_space<vmem>> -> memref<128xi32, #tpu.memory_space<vmem>>
      %dma_start3A_381 = arith.constant 0 : i32
      %dma_start3A_382 = tpu.memref_slice %arg5[%sub3A_370, %dma_start3A_381] : memref<60x128xi32, #tpu.memory_space<hbm>> -> memref<1x128xi32, #tpu.memory_space<hbm>>
      %dma_start3A_383 = tpu.memref_squeeze %dma_start3A_382 : memref<1x128xi32, #tpu.memory_space<hbm>> -> memref<128xi32, #tpu.memory_space<hbm>>
      tpu.enqueue_dma source(%dma_start3A_383 : memref<128xi32, #tpu.memory_space<hbm>>) target(%dma_start3A_380 : memref<128xi32, #tpu.memory_space<vmem>>) target_semaphore(%arg15 : memref<!tpu.dma_semaphore, #tpu.memory_space<semaphore_mem>>)
    } else {
    }
    %dma_wait3A = arith.constant 0 : i32
    %dma_wait3A_47 = arith.constant 0 : i32
    %dma_wait3A_48 = arith.constant 0 : i32
    %dma_wait3A_49 = tpu.memref_slice %arg8[%dma_wait3A_47, %dma_wait3A_48] : memref<2x128xi32, #tpu.memory_space<vmem>> -> memref<1x128xi32, #tpu.memory_space<vmem>>
    %dma_wait3A_50 = tpu.memref_squeeze %dma_wait3A_49 : memref<1x128xi32, #tpu.memory_space<vmem>> -> memref<128xi32, #tpu.memory_space<vmem>>
    %dma_wait3A_51 = arith.constant 0 : i32
    %dma_wait3A_52 = tpu.memref_slice %arg5[%dma_wait3A, %dma_wait3A_51] : memref<60x128xi32, #tpu.memory_space<hbm>> -> memref<1x128xi32, #tpu.memory_space<hbm>>
    %dma_wait3A_53 = tpu.memref_squeeze %dma_wait3A_52 : memref<1x128xi32, #tpu.memory_space<hbm>> -> memref<128xi32, #tpu.memory_space<hbm>>
    %dma_wait3A_54 = arith.constant 0 : i32
    %dma_wait3A_55 = tpu.memref_slice %arg8[%dma_wait3A_47, %dma_wait3A_54] : memref<2x128xi32, #tpu.memory_space<vmem>> -> memref<1x128xi32, #tpu.memory_space<vmem>>
    %dma_wait3A_56 = tpu.memref_squeeze %dma_wait3A_55 : memref<1x128xi32, #tpu.memory_space<vmem>> -> memref<128xi32, #tpu.memory_space<vmem>>
    %dma_wait3A_57 = arith.constant 0 : i32
    %dma_wait3A_58 = tpu.memref_slice %arg5[%dma_wait3A, %dma_wait3A_57] : memref<60x128xi32, #tpu.memory_space<hbm>> -> memref<1x128xi32, #tpu.memory_space<hbm>>
    %dma_wait3A_59 = tpu.memref_squeeze %dma_wait3A_58 : memref<1x128xi32, #tpu.memory_space<hbm>> -> memref<128xi32, #tpu.memory_space<hbm>>
    tpu.wait_dma2 semaphore(%arg15 : memref<!tpu.dma_semaphore, #tpu.memory_space<semaphore_mem>>) src(%dma_wait3A_59 : memref<128xi32, #tpu.memory_space<hbm>>) dst(%dma_wait3A_56 : memref<128xi32, #tpu.memory_space<vmem>>)
    %dma_start3A = arith.constant 0 : i32
    %dma_start3A_60 = arith.constant 0 : i32
    %dma_start3A_61 = arith.constant 0 : i32
    %dma_start3A_62 = arith.constant 0 : i32
    %dma_start3A_63 = tpu.memref_slice %arg10[%dma_start3A_60, %dma_start3A_61, %dma_start3A_62] : memref<2x128x128xf32, #tpu.memory_space<vmem>> -> memref<1x128x128xf32, #tpu.memory_space<vmem>>
    %dma_start3A_64 = tpu.memref_squeeze %dma_start3A_63 : memref<1x128x128xf32, #tpu.memory_space<vmem>> -> memref<128x128xf32, #tpu.memory_space<vmem>>
    %dma_start3A_65 = arith.constant 0 : i32
    %dma_start3A_66 = tpu.memref_slice %arg8[%dma_start3A, %dma_start3A_65] : memref<2x128xi32, #tpu.memory_space<vmem>> -> memref<1x128xi32, #tpu.memory_space<vmem>>
    %dma_start3A_67 = tpu.memref_squeeze %dma_start3A_66 : memref<1x128xi32, #tpu.memory_space<vmem>> -> memref<128xi32, #tpu.memory_space<vmem>>
    %dma_start3A_68 = arith.constant 0 : i32
    %dma_start3A_69 = arith.constant 0 : i32
    %dma_start3A_70 = tpu.memref_slice %arg2[%dma_start3A_68, %dma_start3A_69] : memref<10240x128xf32, #tpu.memory_space<hbm>> -> memref<10240x128xf32, #tpu.memory_space<hbm>>
    tpu.enqueue_indirect_dma source(%dma_start3A_70 : memref<10240x128xf32, #tpu.memory_space<hbm>>) target(%dma_start3A_64 : memref<128x128xf32, #tpu.memory_space<vmem>>) offsets(%dma_start3A_67 : memref<128xi32, #tpu.memory_space<vmem>>) semaphore(%arg12 : memref<!tpu.dma_semaphore, #tpu.memory_space<semaphore_mem>>)
    %mul3A_71 = arith.constant 80 : i32
    %mul3A_72 = arith.muli %add3A, %mul3A_71 : i32
    %add3A_73 = arith.constant 1 : i32
    %add3A_74 = arith.addi %mul3A_72, %add3A_73 : i32
    %lt3A_75 = arith.constant 2500 : i32
    %lt3A_76 = arith.cmpi slt, %add3A_74, %lt3A_75 : i32
    %convert_element_type3A_77 = arith.extui %lt3A_76 : i1 to i32
    %cond3A_78 = arith.constant 0 : i32
    %cond3A_79 = arith.cmpi ne, %convert_element_type3A_77, %cond3A_78 : i32
    scf.if %cond3A_79 {
      %dma_start3A_370 = arith.constant 1 : i32
      %dma_start3A_371 = arith.constant 0 : i32
      %dma_start3A_372 = tpu.memref_slice %arg8[%dma_start3A_370, %dma_start3A_371] : memref<2x128xi32, #tpu.memory_space<vmem>> -> memref<1x128xi32, #tpu.memory_space<vmem>>
      %dma_start3A_373 = tpu.memref_squeeze %dma_start3A_372 : memref<1x128xi32, #tpu.memory_space<vmem>> -> memref<128xi32, #tpu.memory_space<vmem>>
      %dma_start3A_374 = arith.constant 0 : i32
      %dma_start3A_375 = tpu.memref_slice %arg3[%add3A_74, %dma_start3A_374] : memref<2500x128xi32, #tpu.memory_space<hbm>> -> memref<1x128xi32, #tpu.memory_space<hbm>>
      %dma_start3A_376 = tpu.memref_squeeze %dma_start3A_375 : memref<1x128xi32, #tpu.memory_space<hbm>> -> memref<128xi32, #tpu.memory_space<hbm>>
      %dma_start3A_377 = arith.constant 0 : i32
      %dma_start3A_378 = tpu.memref_slice %arg8[%dma_start3A_370, %dma_start3A_377] : memref<2x128xi32, #tpu.memory_space<vmem>> -> memref<1x128xi32, #tpu.memory_space<vmem>>
      %dma_start3A_379 = tpu.memref_squeeze %dma_start3A_378 : memref<1x128xi32, #tpu.memory_space<vmem>> -> memref<128xi32, #tpu.memory_space<vmem>>
      %dma_start3A_380 = arith.constant 0 : i32
      %dma_start3A_381 = tpu.memref_slice %arg3[%add3A_74, %dma_start3A_380] : memref<2500x128xi32, #tpu.memory_space<hbm>> -> memref<1x128xi32, #tpu.memory_space<hbm>>
      %dma_start3A_382 = tpu.memref_squeeze %dma_start3A_381 : memref<1x128xi32, #tpu.memory_space<hbm>> -> memref<128xi32, #tpu.memory_space<hbm>>
      tpu.enqueue_dma source(%dma_start3A_382 : memref<128xi32, #tpu.memory_space<hbm>>) target(%dma_start3A_379 : memref<128xi32, #tpu.memory_space<vmem>>) target_semaphore(%arg16 : memref<!tpu.dma_semaphore, #tpu.memory_space<semaphore_mem>>)
    } else {
    }
    %ge3A_80 = arith.constant 2500 : i32
    %ge3A_81 = arith.cmpi sge, %add3A_74, %ge3A_80 : i32
    %convert_element_type3A_82 = arith.extui %ge3A_81 : i1 to i32
    %cond3A_83 = arith.constant 0 : i32
    %cond3A_84 = arith.cmpi ne, %convert_element_type3A_82, %cond3A_83 : i32
    scf.if %cond3A_84 {
      %sub3A = arith.constant 2500 : i32
      %sub3A_370 = arith.subi %add3A_74, %sub3A : i32
      %dma_start3A_371 = arith.constant 1 : i32
      %dma_start3A_372 = arith.constant 0 : i32
      %dma_start3A_373 = tpu.memref_slice %arg8[%dma_start3A_371, %dma_start3A_372] : memref<2x128xi32, #tpu.memory_space<vmem>> -> memref<1x128xi32, #tpu.memory_space<vmem>>
      %dma_start3A_374 = tpu.memref_squeeze %dma_start3A_373 : memref<1x128xi32, #tpu.memory_space<vmem>> -> memref<128xi32, #tpu.memory_space<vmem>>
      %dma_start3A_375 = arith.constant 0 : i32
      %dma_start3A_376 = tpu.memref_slice %arg5[%sub3A_370, %dma_start3A_375] : memref<60x128xi32, #tpu.memory_space<hbm>> -> memref<1x128xi32, #tpu.memory_space<hbm>>
      %dma_start3A_377 = tpu.memref_squeeze %dma_start3A_376 : memref<1x128xi32, #tpu.memory_space<hbm>> -> memref<128xi32, #tpu.memory_space<hbm>>
      %dma_start3A_378 = arith.constant 0 : i32
      %dma_start3A_379 = tpu.memref_slice %arg8[%dma_start3A_371, %dma_start3A_378] : memref<2x128xi32, #tpu.memory_space<vmem>> -> memref<1x128xi32, #tpu.memory_space<vmem>>
      %dma_start3A_380 = tpu.memref_squeeze %dma_start3A_379 : memref<1x128xi32, #tpu.memory_space<vmem>> -> memref<128xi32, #tpu.memory_space<vmem>>
      %dma_start3A_381 = arith.constant 0 : i32
      %dma_start3A_382 = tpu.memref_slice %arg5[%sub3A_370, %dma_start3A_381] : memref<60x128xi32, #tpu.memory_space<hbm>> -> memref<1x128xi32, #tpu.memory_space<hbm>>
      %dma_start3A_383 = tpu.memref_squeeze %dma_start3A_382 : memref<1x128xi32, #tpu.memory_space<hbm>> -> memref<128xi32, #tpu.memory_space<hbm>>
      tpu.enqueue_dma source(%dma_start3A_383 : memref<128xi32, #tpu.memory_space<hbm>>) target(%dma_start3A_380 : memref<128xi32, #tpu.memory_space<vmem>>) target_semaphore(%arg16 : memref<!tpu.dma_semaphore, #tpu.memory_space<semaphore_mem>>)
    } else {
    }
    %dma_wait3A_85 = arith.constant 0 : i32
    %dma_wait3A_86 = arith.constant 0 : i32
    %dma_wait3A_87 = arith.constant 0 : i32
    %dma_wait3A_88 = tpu.memref_slice %arg10[%dma_wait3A_85, %dma_wait3A_86, %dma_wait3A_87] : memref<2x128x128xf32, #tpu.memory_space<vmem>> -> memref<1x128x128xf32, #tpu.memory_space<vmem>>
    %dma_wait3A_89 = tpu.memref_squeeze %dma_wait3A_88 : memref<1x128x128xf32, #tpu.memory_space<vmem>> -> memref<128x128xf32, #tpu.memory_space<vmem>>
    %dma_wait3A_90 = arith.constant 0 : i32
    %dma_wait3A_91 = arith.constant 0 : i32
    %dma_wait3A_92 = tpu.memref_slice %arg2[%dma_wait3A_90, %dma_wait3A_91] : memref<10240x128xf32, #tpu.memory_space<hbm>> -> memref<128x128xf32, #tpu.memory_space<hbm>>
    %dma_wait3A_93 = arith.constant 0 : i32
    %dma_wait3A_94 = arith.constant 0 : i32
    %dma_wait3A_95 = tpu.memref_slice %arg10[%dma_wait3A_85, %dma_wait3A_93, %dma_wait3A_94] : memref<2x128x128xf32, #tpu.memory_space<vmem>> -> memref<1x128x128xf32, #tpu.memory_space<vmem>>
    %dma_wait3A_96 = tpu.memref_squeeze %dma_wait3A_95 : memref<1x128x128xf32, #tpu.memory_space<vmem>> -> memref<128x128xf32, #tpu.memory_space<vmem>>
    %dma_wait3A_97 = arith.constant 0 : i32
    %dma_wait3A_98 = arith.constant 0 : i32
    %dma_wait3A_99 = tpu.memref_slice %arg2[%dma_wait3A_97, %dma_wait3A_98] : memref<10240x128xf32, #tpu.memory_space<hbm>> -> memref<128x128xf32, #tpu.memory_space<hbm>>
    tpu.wait_dma2 semaphore(%arg12 : memref<!tpu.dma_semaphore, #tpu.memory_space<semaphore_mem>>) src(%dma_wait3A_99 : memref<128x128xf32, #tpu.memory_space<hbm>>) dst(%dma_wait3A_96 : memref<128x128xf32, #tpu.memory_space<vmem>>)
    %mul3A_100 = arith.constant 80 : i32
    %mul3A_101 = arith.muli %add3A, %mul3A_100 : i32
    %add3A_102 = arith.constant 2 : i32
    %add3A_103 = arith.addi %mul3A_101, %add3A_102 : i32
    %lt3A_104 = arith.constant 2500 : i32
    %lt3A_105 = arith.cmpi slt, %add3A_103, %lt3A_104 : i32
    %convert_element_type3A_106 = arith.extui %lt3A_105 : i1 to i32
    %cond3A_107 = arith.constant 0 : i32
    %cond3A_108 = arith.cmpi ne, %convert_element_type3A_106, %cond3A_107 : i32
    scf.if %cond3A_108 {
      %dma_start3A_370 = arith.constant 0 : i32
      %dma_start3A_371 = arith.constant 0 : i32
      %dma_start3A_372 = tpu.memref_slice %arg8[%dma_start3A_370, %dma_start3A_371] : memref<2x128xi32, #tpu.memory_space<vmem>> -> memref<1x128xi32, #tpu.memory_space<vmem>>
      %dma_start3A_373 = tpu.memref_squeeze %dma_start3A_372 : memref<1x128xi32, #tpu.memory_space<vmem>> -> memref<128xi32, #tpu.memory_space<vmem>>
      %dma_start3A_374 = arith.constant 0 : i32
      %dma_start3A_375 = tpu.memref_slice %arg3[%add3A_103, %dma_start3A_374] : memref<2500x128xi32, #tpu.memory_space<hbm>> -> memref<1x128xi32, #tpu.memory_space<hbm>>
      %dma_start3A_376 = tpu.memref_squeeze %dma_start3A_375 : memref<1x128xi32, #tpu.memory_space<hbm>> -> memref<128xi32, #tpu.memory_space<hbm>>
      %dma_start3A_377 = arith.constant 0 : i32
      %dma_start3A_378 = tpu.memref_slice %arg8[%dma_start3A_370, %dma_start3A_377] : memref<2x128xi32, #tpu.memory_space<vmem>> -> memref<1x128xi32, #tpu.memory_space<vmem>>
      %dma_start3A_379 = tpu.memref_squeeze %dma_start3A_378 : memref<1x128xi32, #tpu.memory_space<vmem>> -> memref<128xi32, #tpu.memory_space<vmem>>
      %dma_start3A_380 = arith.constant 0 : i32
      %dma_start3A_381 = tpu.memref_slice %arg3[%add3A_103, %dma_start3A_380] : memref<2500x128xi32, #tpu.memory_space<hbm>> -> memref<1x128xi32, #tpu.memory_space<hbm>>
      %dma_start3A_382 = tpu.memref_squeeze %dma_start3A_381 : memref<1x128xi32, #tpu.memory_space<hbm>> -> memref<128xi32, #tpu.memory_space<hbm>>
      tpu.enqueue_dma source(%dma_start3A_382 : memref<128xi32, #tpu.memory_space<hbm>>) target(%dma_start3A_379 : memref<128xi32, #tpu.memory_space<vmem>>) target_semaphore(%arg15 : memref<!tpu.dma_semaphore, #tpu.memory_space<semaphore_mem>>)
    } else {
    }
    %ge3A_109 = arith.constant 2500 : i32
    %ge3A_110 = arith.cmpi sge, %add3A_103, %ge3A_109 : i32
    %convert_element_type3A_111 = arith.extui %ge3A_110 : i1 to i32
    %cond3A_112 = arith.constant 0 : i32
    %cond3A_113 = arith.cmpi ne, %convert_element_type3A_111, %cond3A_112 : i32
    scf.if %cond3A_113 {
      %sub3A = arith.constant 2500 : i32
      %sub3A_370 = arith.subi %add3A_103, %sub3A : i32
      %dma_start3A_371 = arith.constant 0 : i32
      %dma_start3A_372 = arith.constant 0 : i32
      %dma_start3A_373 = tpu.memref_slice %arg8[%dma_start3A_371, %dma_start3A_372] : memref<2x128xi32, #tpu.memory_space<vmem>> -> memref<1x128xi32, #tpu.memory_space<vmem>>
      %dma_start3A_374 = tpu.memref_squeeze %dma_start3A_373 : memref<1x128xi32, #tpu.memory_space<vmem>> -> memref<128xi32, #tpu.memory_space<vmem>>
      %dma_start3A_375 = arith.constant 0 : i32
      %dma_start3A_376 = tpu.memref_slice %arg5[%sub3A_370, %dma_start3A_375] : memref<60x128xi32, #tpu.memory_space<hbm>> -> memref<1x128xi32, #tpu.memory_space<hbm>>
      %dma_start3A_377 = tpu.memref_squeeze %dma_start3A_376 : memref<1x128xi32, #tpu.memory_space<hbm>> -> memref<128xi32, #tpu.memory_space<hbm>>
      %dma_start3A_378 = arith.constant 0 : i32
      %dma_start3A_379 = tpu.memref_slice %arg8[%dma_start3A_371, %dma_start3A_378] : memref<2x128xi32, #tpu.memory_space<vmem>> -> memref<1x128xi32, #tpu.memory_space<vmem>>
      %dma_start3A_380 = tpu.memref_squeeze %dma_start3A_379 : memref<1x128xi32, #tpu.memory_space<vmem>> -> memref<128xi32, #tpu.memory_space<vmem>>
      %dma_start3A_381 = arith.constant 0 : i32
      %dma_start3A_382 = tpu.memref_slice %arg5[%sub3A_370, %dma_start3A_381] : memref<60x128xi32, #tpu.memory_space<hbm>> -> memref<1x128xi32, #tpu.memory_space<hbm>>
      %dma_start3A_383 = tpu.memref_squeeze %dma_start3A_382 : memref<1x128xi32, #tpu.memory_space<hbm>> -> memref<128xi32, #tpu.memory_space<hbm>>
      tpu.enqueue_dma source(%dma_start3A_383 : memref<128xi32, #tpu.memory_space<hbm>>) target(%dma_start3A_380 : memref<128xi32, #tpu.memory_space<vmem>>) target_semaphore(%arg15 : memref<!tpu.dma_semaphore, #tpu.memory_space<semaphore_mem>>)
    } else {
    }
    %dma_wait3A_114 = arith.constant 0 : i32
    %dma_wait3A_115 = arith.constant 1 : i32
    %dma_wait3A_116 = arith.constant 0 : i32
    %dma_wait3A_117 = tpu.memref_slice %arg8[%dma_wait3A_115, %dma_wait3A_116] : memref<2x128xi32, #tpu.memory_space<vmem>> -> memref<1x128xi32, #tpu.memory_space<vmem>>
    %dma_wait3A_118 = tpu.memref_squeeze %dma_wait3A_117 : memref<1x128xi32, #tpu.memory_space<vmem>> -> memref<128xi32, #tpu.memory_space<vmem>>
    %dma_wait3A_119 = arith.constant 0 : i32
    %dma_wait3A_120 = tpu.memref_slice %arg5[%dma_wait3A_114, %dma_wait3A_119] : memref<60x128xi32, #tpu.memory_space<hbm>> -> memref<1x128xi32, #tpu.memory_space<hbm>>
    %dma_wait3A_121 = tpu.memref_squeeze %dma_wait3A_120 : memref<1x128xi32, #tpu.memory_space<hbm>> -> memref<128xi32, #tpu.memory_space<hbm>>
    %dma_wait3A_122 = arith.constant 0 : i32
    %dma_wait3A_123 = tpu.memref_slice %arg8[%dma_wait3A_115, %dma_wait3A_122] : memref<2x128xi32, #tpu.memory_space<vmem>> -> memref<1x128xi32, #tpu.memory_space<vmem>>
    %dma_wait3A_124 = tpu.memref_squeeze %dma_wait3A_123 : memref<1x128xi32, #tpu.memory_space<vmem>> -> memref<128xi32, #tpu.memory_space<vmem>>
    %dma_wait3A_125 = arith.constant 0 : i32
    %dma_wait3A_126 = tpu.memref_slice %arg5[%dma_wait3A_114, %dma_wait3A_125] : memref<60x128xi32, #tpu.memory_space<hbm>> -> memref<1x128xi32, #tpu.memory_space<hbm>>
    %dma_wait3A_127 = tpu.memref_squeeze %dma_wait3A_126 : memref<1x128xi32, #tpu.memory_space<hbm>> -> memref<128xi32, #tpu.memory_space<hbm>>
    tpu.wait_dma2 semaphore(%arg16 : memref<!tpu.dma_semaphore, #tpu.memory_space<semaphore_mem>>) src(%dma_wait3A_127 : memref<128xi32, #tpu.memory_space<hbm>>) dst(%dma_wait3A_124 : memref<128xi32, #tpu.memory_space<vmem>>)
    %dma_start3A_128 = arith.constant 1 : i32
    %dma_start3A_129 = arith.constant 1 : i32
    %dma_start3A_130 = arith.constant 0 : i32
    %dma_start3A_131 = arith.constant 0 : i32
    %dma_start3A_132 = tpu.memref_slice %arg10[%dma_start3A_129, %dma_start3A_130, %dma_start3A_131] : memref<2x128x128xf32, #tpu.memory_space<vmem>> -> memref<1x128x128xf32, #tpu.memory_space<vmem>>
    %dma_start3A_133 = tpu.memref_squeeze %dma_start3A_132 : memref<1x128x128xf32, #tpu.memory_space<vmem>> -> memref<128x128xf32, #tpu.memory_space<vmem>>
    %dma_start3A_134 = arith.constant 0 : i32
    %dma_start3A_135 = tpu.memref_slice %arg8[%dma_start3A_128, %dma_start3A_134] : memref<2x128xi32, #tpu.memory_space<vmem>> -> memref<1x128xi32, #tpu.memory_space<vmem>>
    %dma_start3A_136 = tpu.memref_squeeze %dma_start3A_135 : memref<1x128xi32, #tpu.memory_space<vmem>> -> memref<128xi32, #tpu.memory_space<vmem>>
    %dma_start3A_137 = arith.constant 0 : i32
    %dma_start3A_138 = arith.constant 0 : i32
    %dma_start3A_139 = tpu.memref_slice %arg2[%dma_start3A_137, %dma_start3A_138] : memref<10240x128xf32, #tpu.memory_space<hbm>> -> memref<10240x128xf32, #tpu.memory_space<hbm>>
    tpu.enqueue_indirect_dma source(%dma_start3A_139 : memref<10240x128xf32, #tpu.memory_space<hbm>>) target(%dma_start3A_133 : memref<128x128xf32, #tpu.memory_space<vmem>>) offsets(%dma_start3A_136 : memref<128xi32, #tpu.memory_space<vmem>>) semaphore(%arg12 : memref<!tpu.dma_semaphore, #tpu.memory_space<semaphore_mem>>)
    %dma_start3A_140 = arith.constant 0 : i32
    %dma_start3A_141 = arith.constant 0 : i32
    %dma_start3A_142 = arith.constant 0 : i32
    %dma_start3A_143 = arith.constant 0 : i32
    %dma_start3A_144 = tpu.memref_slice %arg10[%dma_start3A_140, %dma_start3A_142, %dma_start3A_143] : memref<2x128x128xf32, #tpu.memory_space<vmem>> -> memref<1x128x128xf32, #tpu.memory_space<vmem>>
    %dma_start3A_145 = tpu.memref_squeeze %dma_start3A_144 : memref<1x128x128xf32, #tpu.memory_space<vmem>> -> memref<128x128xf32, #tpu.memory_space<vmem>>
    %dma_start3A_146 = arith.constant 0 : i32
    %dma_start3A_147 = tpu.memref_slice %arg9[%dma_start3A_141, %dma_start3A_146] : memref<80x128xi32, #tpu.memory_space<vmem>> -> memref<1x128xi32, #tpu.memory_space<vmem>>
    %dma_start3A_148 = tpu.memref_squeeze %dma_start3A_147 : memref<1x128xi32, #tpu.memory_space<vmem>> -> memref<128xi32, #tpu.memory_space<vmem>>
    %dma_start3A_149 = arith.constant 0 : i32
    %dma_start3A_150 = arith.constant 0 : i32
    %dma_start3A_151 = tpu.memref_slice %arg11[%dma_start3A_149, %dma_start3A_150] : memref<10240x128xf32, #tpu.memory_space<vmem_shared>> -> memref<10240x128xf32, #tpu.memory_space<vmem_shared>>
    tpu.enqueue_indirect_dma source(%dma_start3A_145 : memref<128x128xf32, #tpu.memory_space<vmem>>) target(%dma_start3A_151 : memref<10240x128xf32, #tpu.memory_space<vmem_shared>>) offsets(%dma_start3A_148 : memref<128xi32, #tpu.memory_space<vmem>>) semaphore(%arg13 : memref<!tpu.dma_semaphore, #tpu.memory_space<semaphore_mem>>) {add = true}
    %dma_wait3A_152 = arith.constant 1 : i32
    %dma_wait3A_153 = arith.constant 0 : i32
    %dma_wait3A_154 = arith.constant 0 : i32
    %dma_wait3A_155 = tpu.memref_slice %arg10[%dma_wait3A_152, %dma_wait3A_153, %dma_wait3A_154] : memref<2x128x128xf32, #tpu.memory_space<vmem>> -> memref<1x128x128xf32, #tpu.memory_space<vmem>>
    %dma_wait3A_156 = tpu.memref_squeeze %dma_wait3A_155 : memref<1x128x128xf32, #tpu.memory_space<vmem>> -> memref<128x128xf32, #tpu.memory_space<vmem>>
    %dma_wait3A_157 = arith.constant 0 : i32
    %dma_wait3A_158 = arith.constant 0 : i32
    %dma_wait3A_159 = tpu.memref_slice %arg2[%dma_wait3A_157, %dma_wait3A_158] : memref<10240x128xf32, #tpu.memory_space<hbm>> -> memref<128x128xf32, #tpu.memory_space<hbm>>
    %dma_wait3A_160 = arith.constant 0 : i32
    %dma_wait3A_161 = arith.constant 0 : i32
    %dma_wait3A_162 = tpu.memref_slice %arg10[%dma_wait3A_152, %dma_wait3A_160, %dma_wait3A_161] : memref<2x128x128xf32, #tpu.memory_space<vmem>> -> memref<1x128x128xf32, #tpu.memory_space<vmem>>
    %dma_wait3A_163 = tpu.memref_squeeze %dma_wait3A_162 : memref<1x128x128xf32, #tpu.memory_space<vmem>> -> memref<128x128xf32, #tpu.memory_space<vmem>>
    %dma_wait3A_164 = arith.constant 0 : i32
    %dma_wait3A_165 = arith.constant 0 : i32
    %dma_wait3A_166 = tpu.memref_slice %arg2[%dma_wait3A_164, %dma_wait3A_165] : memref<10240x128xf32, #tpu.memory_space<hbm>> -> memref<128x128xf32, #tpu.memory_space<hbm>>
    tpu.wait_dma2 semaphore(%arg12 : memref<!tpu.dma_semaphore, #tpu.memory_space<semaphore_mem>>) src(%dma_wait3A_166 : memref<128x128xf32, #tpu.memory_space<hbm>>) dst(%dma_wait3A_163 : memref<128x128xf32, #tpu.memory_space<vmem>>)
    %mul3A_167 = arith.constant 80 : i32
    %mul3A_168 = arith.muli %add3A, %mul3A_167 : i32
    %add3A_169 = arith.constant 3 : i32
    %add3A_170 = arith.addi %mul3A_168, %add3A_169 : i32
    %lt3A_171 = arith.constant 2500 : i32
    %lt3A_172 = arith.cmpi slt, %add3A_170, %lt3A_171 : i32
    %convert_element_type3A_173 = arith.extui %lt3A_172 : i1 to i32
    %cond3A_174 = arith.constant 0 : i32
    %cond3A_175 = arith.cmpi ne, %convert_element_type3A_173, %cond3A_174 : i32
    scf.if %cond3A_175 {
      %dma_start3A_370 = arith.constant 1 : i32
      %dma_start3A_371 = arith.constant 0 : i32
      %dma_start3A_372 = tpu.memref_slice %arg8[%dma_start3A_370, %dma_start3A_371] : memref<2x128xi32, #tpu.memory_space<vmem>> -> memref<1x128xi32, #tpu.memory_space<vmem>>
      %dma_start3A_373 = tpu.memref_squeeze %dma_start3A_372 : memref<1x128xi32, #tpu.memory_space<vmem>> -> memref<128xi32, #tpu.memory_space<vmem>>
      %dma_start3A_374 = arith.constant 0 : i32
      %dma_start3A_375 = tpu.memref_slice %arg3[%add3A_170, %dma_start3A_374] : memref<2500x128xi32, #tpu.memory_space<hbm>> -> memref<1x128xi32, #tpu.memory_space<hbm>>
      %dma_start3A_376 = tpu.memref_squeeze %dma_start3A_375 : memref<1x128xi32, #tpu.memory_space<hbm>> -> memref<128xi32, #tpu.memory_space<hbm>>
      %dma_start3A_377 = arith.constant 0 : i32
      %dma_start3A_378 = tpu.memref_slice %arg8[%dma_start3A_370, %dma_start3A_377] : memref<2x128xi32, #tpu.memory_space<vmem>> -> memref<1x128xi32, #tpu.memory_space<vmem>>
      %dma_start3A_379 = tpu.memref_squeeze %dma_start3A_378 : memref<1x128xi32, #tpu.memory_space<vmem>> -> memref<128xi32, #tpu.memory_space<vmem>>
      %dma_start3A_380 = arith.constant 0 : i32
      %dma_start3A_381 = tpu.memref_slice %arg3[%add3A_170, %dma_start3A_380] : memref<2500x128xi32, #tpu.memory_space<hbm>> -> memref<1x128xi32, #tpu.memory_space<hbm>>
      %dma_start3A_382 = tpu.memref_squeeze %dma_start3A_381 : memref<1x128xi32, #tpu.memory_space<hbm>> -> memref<128xi32, #tpu.memory_space<hbm>>
      tpu.enqueue_dma source(%dma_start3A_382 : memref<128xi32, #tpu.memory_space<hbm>>) target(%dma_start3A_379 : memref<128xi32, #tpu.memory_space<vmem>>) target_semaphore(%arg16 : memref<!tpu.dma_semaphore, #tpu.memory_space<semaphore_mem>>)
    } else {
    }
    %ge3A_176 = arith.constant 2500 : i32
    %ge3A_177 = arith.cmpi sge, %add3A_170, %ge3A_176 : i32
    %convert_element_type3A_178 = arith.extui %ge3A_177 : i1 to i32
    %cond3A_179 = arith.constant 0 : i32
    %cond3A_180 = arith.cmpi ne, %convert_element_type3A_178, %cond3A_179 : i32
    scf.if %cond3A_180 {
      %sub3A = arith.constant 2500 : i32
      %sub3A_370 = arith.subi %add3A_170, %sub3A : i32
      %dma_start3A_371 = arith.constant 1 : i32
      %dma_start3A_372 = arith.constant 0 : i32
      %dma_start3A_373 = tpu.memref_slice %arg8[%dma_start3A_371, %dma_start3A_372] : memref<2x128xi32, #tpu.memory_space<vmem>> -> memref<1x128xi32, #tpu.memory_space<vmem>>
      %dma_start3A_374 = tpu.memref_squeeze %dma_start3A_373 : memref<1x128xi32, #tpu.memory_space<vmem>> -> memref<128xi32, #tpu.memory_space<vmem>>
      %dma_start3A_375 = arith.constant 0 : i32
      %dma_start3A_376 = tpu.memref_slice %arg5[%sub3A_370, %dma_start3A_375] : memref<60x128xi32, #tpu.memory_space<hbm>> -> memref<1x128xi32, #tpu.memory_space<hbm>>
      %dma_start3A_377 = tpu.memref_squeeze %dma_start3A_376 : memref<1x128xi32, #tpu.memory_space<hbm>> -> memref<128xi32, #tpu.memory_space<hbm>>
      %dma_start3A_378 = arith.constant 0 : i32
      %dma_start3A_379 = tpu.memref_slice %arg8[%dma_start3A_371, %dma_start3A_378] : memref<2x128xi32, #tpu.memory_space<vmem>> -> memref<1x128xi32, #tpu.memory_space<vmem>>
      %dma_start3A_380 = tpu.memref_squeeze %dma_start3A_379 : memref<1x128xi32, #tpu.memory_space<vmem>> -> memref<128xi32, #tpu.memory_space<vmem>>
      %dma_start3A_381 = arith.constant 0 : i32
      %dma_start3A_382 = tpu.memref_slice %arg5[%sub3A_370, %dma_start3A_381] : memref<60x128xi32, #tpu.memory_space<hbm>> -> memref<1x128xi32, #tpu.memory_space<hbm>>
      %dma_start3A_383 = tpu.memref_squeeze %dma_start3A_382 : memref<1x128xi32, #tpu.memory_space<hbm>> -> memref<128xi32, #tpu.memory_space<hbm>>
      tpu.enqueue_dma source(%dma_start3A_383 : memref<128xi32, #tpu.memory_space<hbm>>) target(%dma_start3A_380 : memref<128xi32, #tpu.memory_space<vmem>>) target_semaphore(%arg16 : memref<!tpu.dma_semaphore, #tpu.memory_space<semaphore_mem>>)
    } else {
    }
    %dma_start3A_181 = arith.constant 1 : i32
    %dma_start3A_182 = arith.constant 1 : i32
    %dma_start3A_183 = arith.constant 0 : i32
    %dma_start3A_184 = arith.constant 0 : i32
    %dma_start3A_185 = tpu.memref_slice %arg10[%dma_start3A_181, %dma_start3A_183, %dma_start3A_184] : memref<2x128x128xf32, #tpu.memory_space<vmem>> -> memref<1x128x128xf32, #tpu.memory_space<vmem>>
    %dma_start3A_186 = tpu.memref_squeeze %dma_start3A_185 : memref<1x128x128xf32, #tpu.memory_space<vmem>> -> memref<128x128xf32, #tpu.memory_space<vmem>>
    %dma_start3A_187 = arith.constant 0 : i32
    %dma_start3A_188 = tpu.memref_slice %arg9[%dma_start3A_182, %dma_start3A_187] : memref<80x128xi32, #tpu.memory_space<vmem>> -> memref<1x128xi32, #tpu.memory_space<vmem>>
    %dma_start3A_189 = tpu.memref_squeeze %dma_start3A_188 : memref<1x128xi32, #tpu.memory_space<vmem>> -> memref<128xi32, #tpu.memory_space<vmem>>
    %dma_start3A_190 = arith.constant 0 : i32
    %dma_start3A_191 = arith.constant 0 : i32
    %dma_start3A_192 = tpu.memref_slice %arg11[%dma_start3A_190, %dma_start3A_191] : memref<10240x128xf32, #tpu.memory_space<vmem_shared>> -> memref<10240x128xf32, #tpu.memory_space<vmem_shared>>
    tpu.enqueue_indirect_dma source(%dma_start3A_186 : memref<128x128xf32, #tpu.memory_space<vmem>>) target(%dma_start3A_192 : memref<10240x128xf32, #tpu.memory_space<vmem_shared>>) offsets(%dma_start3A_189 : memref<128xi32, #tpu.memory_space<vmem>>) semaphore(%arg14 : memref<!tpu.dma_semaphore, #tpu.memory_space<semaphore_mem>>) {add = true}
    %dma_wait3A_193 = arith.constant 0 : i32
    %dma_wait3A_194 = arith.constant 0 : i32
    %dma_wait3A_195 = arith.constant 0 : i32
    %dma_wait3A_196 = tpu.memref_slice %arg10[%dma_wait3A_193, %dma_wait3A_194, %dma_wait3A_195] : memref<2x128x128xf32, #tpu.memory_space<vmem>> -> memref<1x128x128xf32, #tpu.memory_space<vmem>>
    %dma_wait3A_197 = tpu.memref_squeeze %dma_wait3A_196 : memref<1x128x128xf32, #tpu.memory_space<vmem>> -> memref<128x128xf32, #tpu.memory_space<vmem>>
    %dma_wait3A_198 = arith.constant 0 : i32
    %dma_wait3A_199 = arith.constant 0 : i32
    %dma_wait3A_200 = tpu.memref_slice %arg11[%dma_wait3A_198, %dma_wait3A_199] : memref<10240x128xf32, #tpu.memory_space<vmem_shared>> -> memref<128x128xf32, #tpu.memory_space<vmem_shared>>
    %dma_wait3A_201 = arith.constant 0 : i32
    %dma_wait3A_202 = arith.constant 0 : i32
    %dma_wait3A_203 = tpu.memref_slice %arg11[%dma_wait3A_201, %dma_wait3A_202] : memref<10240x128xf32, #tpu.memory_space<vmem_shared>> -> memref<128x128xf32, #tpu.memory_space<vmem_shared>>
    %dma_wait3A_204 = arith.constant 0 : i32
    %dma_wait3A_205 = arith.constant 0 : i32
    %dma_wait3A_206 = tpu.memref_slice %arg10[%dma_wait3A_193, %dma_wait3A_204, %dma_wait3A_205] : memref<2x128x128xf32, #tpu.memory_space<vmem>> -> memref<1x128x128xf32, #tpu.memory_space<vmem>>
    %dma_wait3A_207 = tpu.memref_squeeze %dma_wait3A_206 : memref<1x128x128xf32, #tpu.memory_space<vmem>> -> memref<128x128xf32, #tpu.memory_space<vmem>>
    tpu.wait_dma2 semaphore(%arg13 : memref<!tpu.dma_semaphore, #tpu.memory_space<semaphore_mem>>) src(%dma_wait3A_207 : memref<128x128xf32, #tpu.memory_space<vmem>>) dst(%dma_wait3A_203 : memref<128x128xf32, #tpu.memory_space<vmem_shared>>)
    %dma_wait3A_208 = arith.constant 0 : i32
    %dma_wait3A_209 = arith.constant 0 : i32
    %dma_wait3A_210 = arith.constant 0 : i32
    %dma_wait3A_211 = tpu.memref_slice %arg8[%dma_wait3A_209, %dma_wait3A_210] : memref<2x128xi32, #tpu.memory_space<vmem>> -> memref<1x128xi32, #tpu.memory_space<vmem>>
    %dma_wait3A_212 = tpu.memref_squeeze %dma_wait3A_211 : memref<1x128xi32, #tpu.memory_space<vmem>> -> memref<128xi32, #tpu.memory_space<vmem>>
    %dma_wait3A_213 = arith.constant 0 : i32
    %dma_wait3A_214 = tpu.memref_slice %arg5[%dma_wait3A_208, %dma_wait3A_213] : memref<60x128xi32, #tpu.memory_space<hbm>> -> memref<1x128xi32, #tpu.memory_space<hbm>>
    %dma_wait3A_215 = tpu.memref_squeeze %dma_wait3A_214 : memref<1x128xi32, #tpu.memory_space<hbm>> -> memref<128xi32, #tpu.memory_space<hbm>>
    %dma_wait3A_216 = arith.constant 0 : i32
    %dma_wait3A_217 = tpu.memref_slice %arg8[%dma_wait3A_209, %dma_wait3A_216] : memref<2x128xi32, #tpu.memory_space<vmem>> -> memref<1x128xi32, #tpu.memory_space<vmem>>
    %dma_wait3A_218 = tpu.memref_squeeze %dma_wait3A_217 : memref<1x128xi32, #tpu.memory_space<vmem>> -> memref<128xi32, #tpu.memory_space<vmem>>
    %dma_wait3A_219 = arith.constant 0 : i32
    %dma_wait3A_220 = tpu.memref_slice %arg5[%dma_wait3A_208, %dma_wait3A_219] : memref<60x128xi32, #tpu.memory_space<hbm>> -> memref<1x128xi32, #tpu.memory_space<hbm>>
    %dma_wait3A_221 = tpu.memref_squeeze %dma_wait3A_220 : memref<1x128xi32, #tpu.memory_space<hbm>> -> memref<128xi32, #tpu.memory_space<hbm>>
    tpu.wait_dma2 semaphore(%arg15 : memref<!tpu.dma_semaphore, #tpu.memory_space<semaphore_mem>>) src(%dma_wait3A_221 : memref<128xi32, #tpu.memory_space<hbm>>) dst(%dma_wait3A_218 : memref<128xi32, #tpu.memory_space<vmem>>)
    %dma_start3A_222 = arith.constant 0 : i32
    %dma_start3A_223 = arith.constant 0 : i32
    %dma_start3A_224 = arith.constant 0 : i32
    %dma_start3A_225 = arith.constant 0 : i32
    %dma_start3A_226 = tpu.memref_slice %arg10[%dma_start3A_223, %dma_start3A_224, %dma_start3A_225] : memref<2x128x128xf32, #tpu.memory_space<vmem>> -> memref<1x128x128xf32, #tpu.memory_space<vmem>>
    %dma_start3A_227 = tpu.memref_squeeze %dma_start3A_226 : memref<1x128x128xf32, #tpu.memory_space<vmem>> -> memref<128x128xf32, #tpu.memory_space<vmem>>
    %dma_start3A_228 = arith.constant 0 : i32
    %dma_start3A_229 = tpu.memref_slice %arg8[%dma_start3A_222, %dma_start3A_228] : memref<2x128xi32, #tpu.memory_space<vmem>> -> memref<1x128xi32, #tpu.memory_space<vmem>>
    %dma_start3A_230 = tpu.memref_squeeze %dma_start3A_229 : memref<1x128xi32, #tpu.memory_space<vmem>> -> memref<128xi32, #tpu.memory_space<vmem>>
    %dma_start3A_231 = arith.constant 0 : i32
    %dma_start3A_232 = arith.constant 0 : i32
    %dma_start3A_233 = tpu.memref_slice %arg2[%dma_start3A_231, %dma_start3A_232] : memref<10240x128xf32, #tpu.memory_space<hbm>> -> memref<10240x128xf32, #tpu.memory_space<hbm>>
    tpu.enqueue_indirect_dma source(%dma_start3A_233 : memref<10240x128xf32, #tpu.memory_space<hbm>>) target(%dma_start3A_227 : memref<128x128xf32, #tpu.memory_space<vmem>>) offsets(%dma_start3A_230 : memref<128xi32, #tpu.memory_space<vmem>>) semaphore(%arg12 : memref<!tpu.dma_semaphore, #tpu.memory_space<semaphore_mem>>)
    %scan3A_234 = arith.constant 0 : i32
    %scan3A_235 = arith.constant 1 : i32
    %scan3A_236 = arith.constant 38 : i32
    %scan3A_237 = arith.addi %scan3A_235, %scan3A_236 : i32
    %scan3A_238 = arith.constant 1 : i32
    scf.for %scan3A_370 = %scan3A_235 to %scan3A_237 step %scan3A_238  : i32 {
      %mul3A_371 = arith.constant 2 : i32
      %mul3A_372 = arith.muli %mul3A_371, %scan3A_370 : i32
      %dma_wait3A_373 = arith.constant 0 : i32
      %dma_wait3A_374 = arith.constant 0 : i32
      %dma_wait3A_375 = arith.constant 0 : i32
      %dma_wait3A_376 = tpu.memref_slice %arg10[%dma_wait3A_373, %dma_wait3A_374, %dma_wait3A_375] : memref<2x128x128xf32, #tpu.memory_space<vmem>> -> memref<1x128x128xf32, #tpu.memory_space<vmem>>
      %dma_wait3A_377 = tpu.memref_squeeze %dma_wait3A_376 : memref<1x128x128xf32, #tpu.memory_space<vmem>> -> memref<128x128xf32, #tpu.memory_space<vmem>>
      %dma_wait3A_378 = arith.constant 0 : i32
      %dma_wait3A_379 = arith.constant 0 : i32
      %dma_wait3A_380 = tpu.memref_slice %arg2[%dma_wait3A_378, %dma_wait3A_379] : memref<10240x128xf32, #tpu.memory_space<hbm>> -> memref<128x128xf32, #tpu.memory_space<hbm>>
      %dma_wait3A_381 = arith.constant 0 : i32
      %dma_wait3A_382 = arith.constant 0 : i32
      %dma_wait3A_383 = tpu.memref_slice %arg10[%dma_wait3A_373, %dma_wait3A_381, %dma_wait3A_382] : memref<2x128x128xf32, #tpu.memory_space<vmem>> -> memref<1x128x128xf32, #tpu.memory_space<vmem>>
      %dma_wait3A_384 = tpu.memref_squeeze %dma_wait3A_383 : memref<1x128x128xf32, #tpu.memory_space<vmem>> -> memref<128x128xf32, #tpu.memory_space<vmem>>
      %dma_wait3A_385 = arith.constant 0 : i32
      %dma_wait3A_386 = arith.constant 0 : i32
      %dma_wait3A_387 = tpu.memref_slice %arg2[%dma_wait3A_385, %dma_wait3A_386] : memref<10240x128xf32, #tpu.memory_space<hbm>> -> memref<128x128xf32, #tpu.memory_space<hbm>>
      tpu.wait_dma2 semaphore(%arg12 : memref<!tpu.dma_semaphore, #tpu.memory_space<semaphore_mem>>) src(%dma_wait3A_387 : memref<128x128xf32, #tpu.memory_space<hbm>>) dst(%dma_wait3A_384 : memref<128x128xf32, #tpu.memory_space<vmem>>)
      %add3A_388 = arith.constant 2 : i32
      %add3A_389 = arith.addi %mul3A_372, %add3A_388 : i32
      %mul3A_390 = arith.constant 80 : i32
      %mul3A_391 = arith.muli %add3A, %mul3A_390 : i32
      %add3A_392 = arith.addi %mul3A_391, %add3A_389 : i32
      %lt3A_393 = arith.constant 2500 : i32
      %lt3A_394 = arith.cmpi slt, %add3A_392, %lt3A_393 : i32
      %convert_element_type3A_395 = arith.extui %lt3A_394 : i1 to i32
      %cond3A_396 = arith.constant 0 : i32
      %cond3A_397 = arith.cmpi ne, %convert_element_type3A_395, %cond3A_396 : i32
      scf.if %cond3A_397 {
        %dma_start3A_539 = arith.constant 0 : i32
        %dma_start3A_540 = arith.constant 0 : i32
        %dma_start3A_541 = tpu.memref_slice %arg8[%dma_start3A_539, %dma_start3A_540] : memref<2x128xi32, #tpu.memory_space<vmem>> -> memref<1x128xi32, #tpu.memory_space<vmem>>
        %dma_start3A_542 = tpu.memref_squeeze %dma_start3A_541 : memref<1x128xi32, #tpu.memory_space<vmem>> -> memref<128xi32, #tpu.memory_space<vmem>>
        %dma_start3A_543 = arith.constant 0 : i32
        %dma_start3A_544 = tpu.memref_slice %arg3[%add3A_392, %dma_start3A_543] : memref<2500x128xi32, #tpu.memory_space<hbm>> -> memref<1x128xi32, #tpu.memory_space<hbm>>
        %dma_start3A_545 = tpu.memref_squeeze %dma_start3A_544 : memref<1x128xi32, #tpu.memory_space<hbm>> -> memref<128xi32, #tpu.memory_space<hbm>>
        %dma_start3A_546 = arith.constant 0 : i32
        %dma_start3A_547 = tpu.memref_slice %arg8[%dma_start3A_539, %dma_start3A_546] : memref<2x128xi32, #tpu.memory_space<vmem>> -> memref<1x128xi32, #tpu.memory_space<vmem>>
        %dma_start3A_548 = tpu.memref_squeeze %dma_start3A_547 : memref<1x128xi32, #tpu.memory_space<vmem>> -> memref<128xi32, #tpu.memory_space<vmem>>
        %dma_start3A_549 = arith.constant 0 : i32
        %dma_start3A_550 = tpu.memref_slice %arg3[%add3A_392, %dma_start3A_549] : memref<2500x128xi32, #tpu.memory_space<hbm>> -> memref<1x128xi32, #tpu.memory_space<hbm>>
        %dma_start3A_551 = tpu.memref_squeeze %dma_start3A_550 : memref<1x128xi32, #tpu.memory_space<hbm>> -> memref<128xi32, #tpu.memory_space<hbm>>
        tpu.enqueue_dma source(%dma_start3A_551 : memref<128xi32, #tpu.memory_space<hbm>>) target(%dma_start3A_548 : memref<128xi32, #tpu.memory_space<vmem>>) target_semaphore(%arg15 : memref<!tpu.dma_semaphore, #tpu.memory_space<semaphore_mem>>)
      } else {
      }
      %ge3A_398 = arith.constant 2500 : i32
      %ge3A_399 = arith.cmpi sge, %add3A_392, %ge3A_398 : i32
      %convert_element_type3A_400 = arith.extui %ge3A_399 : i1 to i32
      %cond3A_401 = arith.constant 0 : i32
      %cond3A_402 = arith.cmpi ne, %convert_element_type3A_400, %cond3A_401 : i32
      scf.if %cond3A_402 {
        %sub3A = arith.constant 2500 : i32
        %sub3A_539 = arith.subi %add3A_392, %sub3A : i32
        %dma_start3A_540 = arith.constant 0 : i32
        %dma_start3A_541 = arith.constant 0 : i32
        %dma_start3A_542 = tpu.memref_slice %arg8[%dma_start3A_540, %dma_start3A_541] : memref<2x128xi32, #tpu.memory_space<vmem>> -> memref<1x128xi32, #tpu.memory_space<vmem>>
        %dma_start3A_543 = tpu.memref_squeeze %dma_start3A_542 : memref<1x128xi32, #tpu.memory_space<vmem>> -> memref<128xi32, #tpu.memory_space<vmem>>
        %dma_start3A_544 = arith.constant 0 : i32
        %dma_start3A_545 = tpu.memref_slice %arg5[%sub3A_539, %dma_start3A_544] : memref<60x128xi32, #tpu.memory_space<hbm>> -> memref<1x128xi32, #tpu.memory_space<hbm>>
        %dma_start3A_546 = tpu.memref_squeeze %dma_start3A_545 : memref<1x128xi32, #tpu.memory_space<hbm>> -> memref<128xi32, #tpu.memory_space<hbm>>
        %dma_start3A_547 = arith.constant 0 : i32
        %dma_start3A_548 = tpu.memref_slice %arg8[%dma_start3A_540, %dma_start3A_547] : memref<2x128xi32, #tpu.memory_space<vmem>> -> memref<1x128xi32, #tpu.memory_space<vmem>>
        %dma_start3A_549 = tpu.memref_squeeze %dma_start3A_548 : memref<1x128xi32, #tpu.memory_space<vmem>> -> memref<128xi32, #tpu.memory_space<vmem>>
        %dma_start3A_550 = arith.constant 0 : i32
        %dma_start3A_551 = tpu.memref_slice %arg5[%sub3A_539, %dma_start3A_550] : memref<60x128xi32, #tpu.memory_space<hbm>> -> memref<1x128xi32, #tpu.memory_space<hbm>>
        %dma_start3A_552 = tpu.memref_squeeze %dma_start3A_551 : memref<1x128xi32, #tpu.memory_space<hbm>> -> memref<128xi32, #tpu.memory_space<hbm>>
        tpu.enqueue_dma source(%dma_start3A_552 : memref<128xi32, #tpu.memory_space<hbm>>) target(%dma_start3A_549 : memref<128xi32, #tpu.memory_space<vmem>>) target_semaphore(%arg15 : memref<!tpu.dma_semaphore, #tpu.memory_space<semaphore_mem>>)
      } else {
      }
      %dma_wait3A_403 = arith.constant 1 : i32
      %dma_wait3A_404 = arith.constant 0 : i32
      %dma_wait3A_405 = arith.constant 0 : i32
      %dma_wait3A_406 = tpu.memref_slice %arg10[%dma_wait3A_403, %dma_wait3A_404, %dma_wait3A_405] : memref<2x128x128xf32, #tpu.memory_space<vmem>> -> memref<1x128x128xf32, #tpu.memory_space<vmem>>
      %dma_wait3A_407 = tpu.memref_squeeze %dma_wait3A_406 : memref<1x128x128xf32, #tpu.memory_space<vmem>> -> memref<128x128xf32, #tpu.memory_space<vmem>>
      %dma_wait3A_408 = arith.constant 0 : i32
      %dma_wait3A_409 = arith.constant 0 : i32
      %dma_wait3A_410 = tpu.memref_slice %arg11[%dma_wait3A_408, %dma_wait3A_409] : memref<10240x128xf32, #tpu.memory_space<vmem_shared>> -> memref<128x128xf32, #tpu.memory_space<vmem_shared>>
      %dma_wait3A_411 = arith.constant 0 : i32
      %dma_wait3A_412 = arith.constant 0 : i32
      %dma_wait3A_413 = tpu.memref_slice %arg11[%dma_wait3A_411, %dma_wait3A_412] : memref<10240x128xf32, #tpu.memory_space<vmem_shared>> -> memref<128x128xf32, #tpu.memory_space<vmem_shared>>
      %dma_wait3A_414 = arith.constant 0 : i32
      %dma_wait3A_415 = arith.constant 0 : i32
      %dma_wait3A_416 = tpu.memref_slice %arg10[%dma_wait3A_403, %dma_wait3A_414, %dma_wait3A_415] : memref<2x128x128xf32, #tpu.memory_space<vmem>> -> memref<1x128x128xf32, #tpu.memory_space<vmem>>
      %dma_wait3A_417 = tpu.memref_squeeze %dma_wait3A_416 : memref<1x128x128xf32, #tpu.memory_space<vmem>> -> memref<128x128xf32, #tpu.memory_space<vmem>>
      tpu.wait_dma2 semaphore(%arg14 : memref<!tpu.dma_semaphore, #tpu.memory_space<semaphore_mem>>) src(%dma_wait3A_417 : memref<128x128xf32, #tpu.memory_space<vmem>>) dst(%dma_wait3A_413 : memref<128x128xf32, #tpu.memory_space<vmem_shared>>)
      %dma_wait3A_418 = arith.constant 0 : i32
      %dma_wait3A_419 = arith.constant 1 : i32
      %dma_wait3A_420 = arith.constant 0 : i32
      %dma_wait3A_421 = tpu.memref_slice %arg8[%dma_wait3A_419, %dma_wait3A_420] : memref<2x128xi32, #tpu.memory_space<vmem>> -> memref<1x128xi32, #tpu.memory_space<vmem>>
      %dma_wait3A_422 = tpu.memref_squeeze %dma_wait3A_421 : memref<1x128xi32, #tpu.memory_space<vmem>> -> memref<128xi32, #tpu.memory_space<vmem>>
      %dma_wait3A_423 = arith.constant 0 : i32
      %dma_wait3A_424 = tpu.memref_slice %arg5[%dma_wait3A_418, %dma_wait3A_423] : memref<60x128xi32, #tpu.memory_space<hbm>> -> memref<1x128xi32, #tpu.memory_space<hbm>>
      %dma_wait3A_425 = tpu.memref_squeeze %dma_wait3A_424 : memref<1x128xi32, #tpu.memory_space<hbm>> -> memref<128xi32, #tpu.memory_space<hbm>>
      %dma_wait3A_426 = arith.constant 0 : i32
      %dma_wait3A_427 = tpu.memref_slice %arg8[%dma_wait3A_419, %dma_wait3A_426] : memref<2x128xi32, #tpu.memory_space<vmem>> -> memref<1x128xi32, #tpu.memory_space<vmem>>
      %dma_wait3A_428 = tpu.memref_squeeze %dma_wait3A_427 : memref<1x128xi32, #tpu.memory_space<vmem>> -> memref<128xi32, #tpu.memory_space<vmem>>
      %dma_wait3A_429 = arith.constant 0 : i32
      %dma_wait3A_430 = tpu.memref_slice %arg5[%dma_wait3A_418, %dma_wait3A_429] : memref<60x128xi32, #tpu.memory_space<hbm>> -> memref<1x128xi32, #tpu.memory_space<hbm>>
      %dma_wait3A_431 = tpu.memref_squeeze %dma_wait3A_430 : memref<1x128xi32, #tpu.memory_space<hbm>> -> memref<128xi32, #tpu.memory_space<hbm>>
      tpu.wait_dma2 semaphore(%arg16 : memref<!tpu.dma_semaphore, #tpu.memory_space<semaphore_mem>>) src(%dma_wait3A_431 : memref<128xi32, #tpu.memory_space<hbm>>) dst(%dma_wait3A_428 : memref<128xi32, #tpu.memory_space<vmem>>)
      %dma_start3A_432 = arith.constant 1 : i32
      %dma_start3A_433 = arith.constant 1 : i32
      %dma_start3A_434 = arith.constant 0 : i32
      %dma_start3A_435 = arith.constant 0 : i32
      %dma_start3A_436 = tpu.memref_slice %arg10[%dma_start3A_433, %dma_start3A_434, %dma_start3A_435] : memref<2x128x128xf32, #tpu.memory_space<vmem>> -> memref<1x128x128xf32, #tpu.memory_space<vmem>>
      %dma_start3A_437 = tpu.memref_squeeze %dma_start3A_436 : memref<1x128x128xf32, #tpu.memory_space<vmem>> -> memref<128x128xf32, #tpu.memory_space<vmem>>
      %dma_start3A_438 = arith.constant 0 : i32
      %dma_start3A_439 = tpu.memref_slice %arg8[%dma_start3A_432, %dma_start3A_438] : memref<2x128xi32, #tpu.memory_space<vmem>> -> memref<1x128xi32, #tpu.memory_space<vmem>>
      %dma_start3A_440 = tpu.memref_squeeze %dma_start3A_439 : memref<1x128xi32, #tpu.memory_space<vmem>> -> memref<128xi32, #tpu.memory_space<vmem>>
      %dma_start3A_441 = arith.constant 0 : i32
      %dma_start3A_442 = arith.constant 0 : i32
      %dma_start3A_443 = tpu.memref_slice %arg2[%dma_start3A_441, %dma_start3A_442] : memref<10240x128xf32, #tpu.memory_space<hbm>> -> memref<10240x128xf32, #tpu.memory_space<hbm>>
      tpu.enqueue_indirect_dma source(%dma_start3A_443 : memref<10240x128xf32, #tpu.memory_space<hbm>>) target(%dma_start3A_437 : memref<128x128xf32, #tpu.memory_space<vmem>>) offsets(%dma_start3A_440 : memref<128xi32, #tpu.memory_space<vmem>>) semaphore(%arg12 : memref<!tpu.dma_semaphore, #tpu.memory_space<semaphore_mem>>)
      %dma_start3A_444 = arith.constant 0 : i32
      %dma_start3A_445 = arith.constant 0 : i32
      %dma_start3A_446 = arith.constant 0 : i32
      %dma_start3A_447 = tpu.memref_slice %arg10[%dma_start3A_444, %dma_start3A_445, %dma_start3A_446] : memref<2x128x128xf32, #tpu.memory_space<vmem>> -> memref<1x128x128xf32, #tpu.memory_space<vmem>>
      %dma_start3A_448 = tpu.memref_squeeze %dma_start3A_447 : memref<1x128x128xf32, #tpu.memory_space<vmem>> -> memref<128x128xf32, #tpu.memory_space<vmem>>
      %dma_start3A_449 = arith.constant 0 : i32
      %dma_start3A_450 = tpu.memref_slice %arg9[%mul3A_372, %dma_start3A_449] : memref<80x128xi32, #tpu.memory_space<vmem>> -> memref<1x128xi32, #tpu.memory_space<vmem>>
      %dma_start3A_451 = tpu.memref_squeeze %dma_start3A_450 : memref<1x128xi32, #tpu.memory_space<vmem>> -> memref<128xi32, #tpu.memory_space<vmem>>
      %dma_start3A_452 = arith.constant 0 : i32
      %dma_start3A_453 = arith.constant 0 : i32
      %dma_start3A_454 = tpu.memref_slice %arg11[%dma_start3A_452, %dma_start3A_453] : memref<10240x128xf32, #tpu.memory_space<vmem_shared>> -> memref<10240x128xf32, #tpu.memory_space<vmem_shared>>
      tpu.enqueue_indirect_dma source(%dma_start3A_448 : memref<128x128xf32, #tpu.memory_space<vmem>>) target(%dma_start3A_454 : memref<10240x128xf32, #tpu.memory_space<vmem_shared>>) offsets(%dma_start3A_451 : memref<128xi32, #tpu.memory_space<vmem>>) semaphore(%arg13 : memref<!tpu.dma_semaphore, #tpu.memory_space<semaphore_mem>>) {add = true}
      %dma_wait3A_455 = arith.constant 1 : i32
      %dma_wait3A_456 = arith.constant 0 : i32
      %dma_wait3A_457 = arith.constant 0 : i32
      %dma_wait3A_458 = tpu.memref_slice %arg10[%dma_wait3A_455, %dma_wait3A_456, %dma_wait3A_457] : memref<2x128x128xf32, #tpu.memory_space<vmem>> -> memref<1x128x128xf32, #tpu.memory_space<vmem>>
      %dma_wait3A_459 = tpu.memref_squeeze %dma_wait3A_458 : memref<1x128x128xf32, #tpu.memory_space<vmem>> -> memref<128x128xf32, #tpu.memory_space<vmem>>
      %dma_wait3A_460 = arith.constant 0 : i32
      %dma_wait3A_461 = arith.constant 0 : i32
      %dma_wait3A_462 = tpu.memref_slice %arg2[%dma_wait3A_460, %dma_wait3A_461] : memref<10240x128xf32, #tpu.memory_space<hbm>> -> memref<128x128xf32, #tpu.memory_space<hbm>>
      %dma_wait3A_463 = arith.constant 0 : i32
      %dma_wait3A_464 = arith.constant 0 : i32
      %dma_wait3A_465 = tpu.memref_slice %arg10[%dma_wait3A_455, %dma_wait3A_463, %dma_wait3A_464] : memref<2x128x128xf32, #tpu.memory_space<vmem>> -> memref<1x128x128xf32, #tpu.memory_space<vmem>>
      %dma_wait3A_466 = tpu.memref_squeeze %dma_wait3A_465 : memref<1x128x128xf32, #tpu.memory_space<vmem>> -> memref<128x128xf32, #tpu.memory_space<vmem>>
      %dma_wait3A_467 = arith.constant 0 : i32
      %dma_wait3A_468 = arith.constant 0 : i32
      %dma_wait3A_469 = tpu.memref_slice %arg2[%dma_wait3A_467, %dma_wait3A_468] : memref<10240x128xf32, #tpu.memory_space<hbm>> -> memref<128x128xf32, #tpu.memory_space<hbm>>
      tpu.wait_dma2 semaphore(%arg12 : memref<!tpu.dma_semaphore, #tpu.memory_space<semaphore_mem>>) src(%dma_wait3A_469 : memref<128x128xf32, #tpu.memory_space<hbm>>) dst(%dma_wait3A_466 : memref<128x128xf32, #tpu.memory_space<vmem>>)
      %add3A_470 = arith.constant 3 : i32
      %add3A_471 = arith.addi %mul3A_372, %add3A_470 : i32
      %mul3A_472 = arith.constant 80 : i32
      %mul3A_473 = arith.muli %add3A, %mul3A_472 : i32
      %add3A_474 = arith.addi %mul3A_473, %add3A_471 : i32
      %lt3A_475 = arith.constant 2500 : i32
      %lt3A_476 = arith.cmpi slt, %add3A_474, %lt3A_475 : i32
      %convert_element_type3A_477 = arith.extui %lt3A_476 : i1 to i32
      %cond3A_478 = arith.constant 0 : i32
      %cond3A_479 = arith.cmpi ne, %convert_element_type3A_477, %cond3A_478 : i32
      scf.if %cond3A_479 {
        %dma_start3A_539 = arith.constant 1 : i32
        %dma_start3A_540 = arith.constant 0 : i32
        %dma_start3A_541 = tpu.memref_slice %arg8[%dma_start3A_539, %dma_start3A_540] : memref<2x128xi32, #tpu.memory_space<vmem>> -> memref<1x128xi32, #tpu.memory_space<vmem>>
        %dma_start3A_542 = tpu.memref_squeeze %dma_start3A_541 : memref<1x128xi32, #tpu.memory_space<vmem>> -> memref<128xi32, #tpu.memory_space<vmem>>
        %dma_start3A_543 = arith.constant 0 : i32
        %dma_start3A_544 = tpu.memref_slice %arg3[%add3A_474, %dma_start3A_543] : memref<2500x128xi32, #tpu.memory_space<hbm>> -> memref<1x128xi32, #tpu.memory_space<hbm>>
        %dma_start3A_545 = tpu.memref_squeeze %dma_start3A_544 : memref<1x128xi32, #tpu.memory_space<hbm>> -> memref<128xi32, #tpu.memory_space<hbm>>
        %dma_start3A_546 = arith.constant 0 : i32
        %dma_start3A_547 = tpu.memref_slice %arg8[%dma_start3A_539, %dma_start3A_546] : memref<2x128xi32, #tpu.memory_space<vmem>> -> memref<1x128xi32, #tpu.memory_space<vmem>>
        %dma_start3A_548 = tpu.memref_squeeze %dma_start3A_547 : memref<1x128xi32, #tpu.memory_space<vmem>> -> memref<128xi32, #tpu.memory_space<vmem>>
        %dma_start3A_549 = arith.constant 0 : i32
        %dma_start3A_550 = tpu.memref_slice %arg3[%add3A_474, %dma_start3A_549] : memref<2500x128xi32, #tpu.memory_space<hbm>> -> memref<1x128xi32, #tpu.memory_space<hbm>>
        %dma_start3A_551 = tpu.memref_squeeze %dma_start3A_550 : memref<1x128xi32, #tpu.memory_space<hbm>> -> memref<128xi32, #tpu.memory_space<hbm>>
        tpu.enqueue_dma source(%dma_start3A_551 : memref<128xi32, #tpu.memory_space<hbm>>) target(%dma_start3A_548 : memref<128xi32, #tpu.memory_space<vmem>>) target_semaphore(%arg16 : memref<!tpu.dma_semaphore, #tpu.memory_space<semaphore_mem>>)
      } else {
      }
      %ge3A_480 = arith.constant 2500 : i32
      %ge3A_481 = arith.cmpi sge, %add3A_474, %ge3A_480 : i32
      %convert_element_type3A_482 = arith.extui %ge3A_481 : i1 to i32
      %cond3A_483 = arith.constant 0 : i32
      %cond3A_484 = arith.cmpi ne, %convert_element_type3A_482, %cond3A_483 : i32
      scf.if %cond3A_484 {
        %sub3A = arith.constant 2500 : i32
        %sub3A_539 = arith.subi %add3A_474, %sub3A : i32
        %dma_start3A_540 = arith.constant 1 : i32
        %dma_start3A_541 = arith.constant 0 : i32
        %dma_start3A_542 = tpu.memref_slice %arg8[%dma_start3A_540, %dma_start3A_541] : memref<2x128xi32, #tpu.memory_space<vmem>> -> memref<1x128xi32, #tpu.memory_space<vmem>>
        %dma_start3A_543 = tpu.memref_squeeze %dma_start3A_542 : memref<1x128xi32, #tpu.memory_space<vmem>> -> memref<128xi32, #tpu.memory_space<vmem>>
        %dma_start3A_544 = arith.constant 0 : i32
        %dma_start3A_545 = tpu.memref_slice %arg5[%sub3A_539, %dma_start3A_544] : memref<60x128xi32, #tpu.memory_space<hbm>> -> memref<1x128xi32, #tpu.memory_space<hbm>>
        %dma_start3A_546 = tpu.memref_squeeze %dma_start3A_545 : memref<1x128xi32, #tpu.memory_space<hbm>> -> memref<128xi32, #tpu.memory_space<hbm>>
        %dma_start3A_547 = arith.constant 0 : i32
        %dma_start3A_548 = tpu.memref_slice %arg8[%dma_start3A_540, %dma_start3A_547] : memref<2x128xi32, #tpu.memory_space<vmem>> -> memref<1x128xi32, #tpu.memory_space<vmem>>
        %dma_start3A_549 = tpu.memref_squeeze %dma_start3A_548 : memref<1x128xi32, #tpu.memory_space<vmem>> -> memref<128xi32, #tpu.memory_space<vmem>>
        %dma_start3A_550 = arith.constant 0 : i32
        %dma_start3A_551 = tpu.memref_slice %arg5[%sub3A_539, %dma_start3A_550] : memref<60x128xi32, #tpu.memory_space<hbm>> -> memref<1x128xi32, #tpu.memory_space<hbm>>
        %dma_start3A_552 = tpu.memref_squeeze %dma_start3A_551 : memref<1x128xi32, #tpu.memory_space<hbm>> -> memref<128xi32, #tpu.memory_space<hbm>>
        tpu.enqueue_dma source(%dma_start3A_552 : memref<128xi32, #tpu.memory_space<hbm>>) target(%dma_start3A_549 : memref<128xi32, #tpu.memory_space<vmem>>) target_semaphore(%arg16 : memref<!tpu.dma_semaphore, #tpu.memory_space<semaphore_mem>>)
      } else {
      }
      %add3A_485 = arith.constant 1 : i32
      %add3A_486 = arith.addi %mul3A_372, %add3A_485 : i32
      %dma_start3A_487 = arith.constant 1 : i32
      %dma_start3A_488 = arith.constant 0 : i32
      %dma_start3A_489 = arith.constant 0 : i32
      %dma_start3A_490 = tpu.memref_slice %arg10[%dma_start3A_487, %dma_start3A_488, %dma_start3A_489] : memref<2x128x128xf32, #tpu.memory_space<vmem>> -> memref<1x128x128xf32, #tpu.memory_space<vmem>>
      %dma_start3A_491 = tpu.memref_squeeze %dma_start3A_490 : memref<1x128x128xf32, #tpu.memory_space<vmem>> -> memref<128x128xf32, #tpu.memory_space<vmem>>
      %dma_start3A_492 = arith.constant 0 : i32
      %dma_start3A_493 = tpu.memref_slice %arg9[%add3A_486, %dma_start3A_492] : memref<80x128xi32, #tpu.memory_space<vmem>> -> memref<1x128xi32, #tpu.memory_space<vmem>>
      %dma_start3A_494 = tpu.memref_squeeze %dma_start3A_493 : memref<1x128xi32, #tpu.memory_space<vmem>> -> memref<128xi32, #tpu.memory_space<vmem>>
      %dma_start3A_495 = arith.constant 0 : i32
      %dma_start3A_496 = arith.constant 0 : i32
      %dma_start3A_497 = tpu.memref_slice %arg11[%dma_start3A_495, %dma_start3A_496] : memref<10240x128xf32, #tpu.memory_space<vmem_shared>> -> memref<10240x128xf32, #tpu.memory_space<vmem_shared>>
      tpu.enqueue_indirect_dma source(%dma_start3A_491 : memref<128x128xf32, #tpu.memory_space<vmem>>) target(%dma_start3A_497 : memref<10240x128xf32, #tpu.memory_space<vmem_shared>>) offsets(%dma_start3A_494 : memref<128xi32, #tpu.memory_space<vmem>>) semaphore(%arg14 : memref<!tpu.dma_semaphore, #tpu.memory_space<semaphore_mem>>) {add = true}
      %dma_wait3A_498 = arith.constant 0 : i32
      %dma_wait3A_499 = arith.constant 0 : i32
      %dma_wait3A_500 = arith.constant 0 : i32
      %dma_wait3A_501 = tpu.memref_slice %arg10[%dma_wait3A_498, %dma_wait3A_499, %dma_wait3A_500] : memref<2x128x128xf32, #tpu.memory_space<vmem>> -> memref<1x128x128xf32, #tpu.memory_space<vmem>>
      %dma_wait3A_502 = tpu.memref_squeeze %dma_wait3A_501 : memref<1x128x128xf32, #tpu.memory_space<vmem>> -> memref<128x128xf32, #tpu.memory_space<vmem>>
      %dma_wait3A_503 = arith.constant 0 : i32
      %dma_wait3A_504 = arith.constant 0 : i32
      %dma_wait3A_505 = tpu.memref_slice %arg11[%dma_wait3A_503, %dma_wait3A_504] : memref<10240x128xf32, #tpu.memory_space<vmem_shared>> -> memref<128x128xf32, #tpu.memory_space<vmem_shared>>
      %dma_wait3A_506 = arith.constant 0 : i32
      %dma_wait3A_507 = arith.constant 0 : i32
      %dma_wait3A_508 = tpu.memref_slice %arg11[%dma_wait3A_506, %dma_wait3A_507] : memref<10240x128xf32, #tpu.memory_space<vmem_shared>> -> memref<128x128xf32, #tpu.memory_space<vmem_shared>>
      %dma_wait3A_509 = arith.constant 0 : i32
      %dma_wait3A_510 = arith.constant 0 : i32
      %dma_wait3A_511 = tpu.memref_slice %arg10[%dma_wait3A_498, %dma_wait3A_509, %dma_wait3A_510] : memref<2x128x128xf32, #tpu.memory_space<vmem>> -> memref<1x128x128xf32, #tpu.memory_space<vmem>>
      %dma_wait3A_512 = tpu.memref_squeeze %dma_wait3A_511 : memref<1x128x128xf32, #tpu.memory_space<vmem>> -> memref<128x128xf32, #tpu.memory_space<vmem>>
      tpu.wait_dma2 semaphore(%arg13 : memref<!tpu.dma_semaphore, #tpu.memory_space<semaphore_mem>>) src(%dma_wait3A_512 : memref<128x128xf32, #tpu.memory_space<vmem>>) dst(%dma_wait3A_508 : memref<128x128xf32, #tpu.memory_space<vmem_shared>>)
      %dma_wait3A_513 = arith.constant 0 : i32
      %dma_wait3A_514 = arith.constant 0 : i32
      %dma_wait3A_515 = arith.constant 0 : i32
      %dma_wait3A_516 = tpu.memref_slice %arg8[%dma_wait3A_514, %dma_wait3A_515] : memref<2x128xi32, #tpu.memory_space<vmem>> -> memref<1x128xi32, #tpu.memory_space<vmem>>
      %dma_wait3A_517 = tpu.memref_squeeze %dma_wait3A_516 : memref<1x128xi32, #tpu.memory_space<vmem>> -> memref<128xi32, #tpu.memory_space<vmem>>
      %dma_wait3A_518 = arith.constant 0 : i32
      %dma_wait3A_519 = tpu.memref_slice %arg5[%dma_wait3A_513, %dma_wait3A_518] : memref<60x128xi32, #tpu.memory_space<hbm>> -> memref<1x128xi32, #tpu.memory_space<hbm>>
      %dma_wait3A_520 = tpu.memref_squeeze %dma_wait3A_519 : memref<1x128xi32, #tpu.memory_space<hbm>> -> memref<128xi32, #tpu.memory_space<hbm>>
      %dma_wait3A_521 = arith.constant 0 : i32
      %dma_wait3A_522 = tpu.memref_slice %arg8[%dma_wait3A_514, %dma_wait3A_521] : memref<2x128xi32, #tpu.memory_space<vmem>> -> memref<1x128xi32, #tpu.memory_space<vmem>>
      %dma_wait3A_523 = tpu.memref_squeeze %dma_wait3A_522 : memref<1x128xi32, #tpu.memory_space<vmem>> -> memref<128xi32, #tpu.memory_space<vmem>>
      %dma_wait3A_524 = arith.constant 0 : i32
      %dma_wait3A_525 = tpu.memref_slice %arg5[%dma_wait3A_513, %dma_wait3A_524] : memref<60x128xi32, #tpu.memory_space<hbm>> -> memref<1x128xi32, #tpu.memory_space<hbm>>
      %dma_wait3A_526 = tpu.memref_squeeze %dma_wait3A_525 : memref<1x128xi32, #tpu.memory_space<hbm>> -> memref<128xi32, #tpu.memory_space<hbm>>
      tpu.wait_dma2 semaphore(%arg15 : memref<!tpu.dma_semaphore, #tpu.memory_space<semaphore_mem>>) src(%dma_wait3A_526 : memref<128xi32, #tpu.memory_space<hbm>>) dst(%dma_wait3A_523 : memref<128xi32, #tpu.memory_space<vmem>>)
      %dma_start3A_527 = arith.constant 0 : i32
      %dma_start3A_528 = arith.constant 0 : i32
      %dma_start3A_529 = arith.constant 0 : i32
      %dma_start3A_530 = arith.constant 0 : i32
      %dma_start3A_531 = tpu.memref_slice %arg10[%dma_start3A_528, %dma_start3A_529, %dma_start3A_530] : memref<2x128x128xf32, #tpu.memory_space<vmem>> -> memref<1x128x128xf32, #tpu.memory_space<vmem>>
      %dma_start3A_532 = tpu.memref_squeeze %dma_start3A_531 : memref<1x128x128xf32, #tpu.memory_space<vmem>> -> memref<128x128xf32, #tpu.memory_space<vmem>>
      %dma_start3A_533 = arith.constant 0 : i32
      %dma_start3A_534 = tpu.memref_slice %arg8[%dma_start3A_527, %dma_start3A_533] : memref<2x128xi32, #tpu.memory_space<vmem>> -> memref<1x128xi32, #tpu.memory_space<vmem>>
      %dma_start3A_535 = tpu.memref_squeeze %dma_start3A_534 : memref<1x128xi32, #tpu.memory_space<vmem>> -> memref<128xi32, #tpu.memory_space<vmem>>
      %dma_start3A_536 = arith.constant 0 : i32
      %dma_start3A_537 = arith.constant 0 : i32
      %dma_start3A_538 = tpu.memref_slice %arg2[%dma_start3A_536, %dma_start3A_537] : memref<10240x128xf32, #tpu.memory_space<hbm>> -> memref<10240x128xf32, #tpu.memory_space<hbm>>
      tpu.enqueue_indirect_dma source(%dma_start3A_538 : memref<10240x128xf32, #tpu.memory_space<hbm>>) target(%dma_start3A_532 : memref<128x128xf32, #tpu.memory_space<vmem>>) offsets(%dma_start3A_535 : memref<128xi32, #tpu.memory_space<vmem>>) semaphore(%arg12 : memref<!tpu.dma_semaphore, #tpu.memory_space<semaphore_mem>>)
    }
    %scan3A_239 = arith.constant 38 : i32
    %dma_wait3A_240 = arith.constant 0 : i32
    %dma_wait3A_241 = arith.constant 0 : i32
    %dma_wait3A_242 = arith.constant 0 : i32
    %dma_wait3A_243 = tpu.memref_slice %arg10[%dma_wait3A_240, %dma_wait3A_241, %dma_wait3A_242] : memref<2x128x128xf32, #tpu.memory_space<vmem>> -> memref<1x128x128xf32, #tpu.memory_space<vmem>>
    %dma_wait3A_244 = tpu.memref_squeeze %dma_wait3A_243 : memref<1x128x128xf32, #tpu.memory_space<vmem>> -> memref<128x128xf32, #tpu.memory_space<vmem>>
    %dma_wait3A_245 = arith.constant 0 : i32
    %dma_wait3A_246 = arith.constant 0 : i32
    %dma_wait3A_247 = tpu.memref_slice %arg2[%dma_wait3A_245, %dma_wait3A_246] : memref<10240x128xf32, #tpu.memory_space<hbm>> -> memref<128x128xf32, #tpu.memory_space<hbm>>
    %dma_wait3A_248 = arith.constant 0 : i32
    %dma_wait3A_249 = arith.constant 0 : i32
    %dma_wait3A_250 = tpu.memref_slice %arg10[%dma_wait3A_240, %dma_wait3A_248, %dma_wait3A_249] : memref<2x128x128xf32, #tpu.memory_space<vmem>> -> memref<1x128x128xf32, #tpu.memory_space<vmem>>
    %dma_wait3A_251 = tpu.memref_squeeze %dma_wait3A_250 : memref<1x128x128xf32, #tpu.memory_space<vmem>> -> memref<128x128xf32, #tpu.memory_space<vmem>>
    %dma_wait3A_252 = arith.constant 0 : i32
    %dma_wait3A_253 = arith.constant 0 : i32
    %dma_wait3A_254 = tpu.memref_slice %arg2[%dma_wait3A_252, %dma_wait3A_253] : memref<10240x128xf32, #tpu.memory_space<hbm>> -> memref<128x128xf32, #tpu.memory_space<hbm>>
    tpu.wait_dma2 semaphore(%arg12 : memref<!tpu.dma_semaphore, #tpu.memory_space<semaphore_mem>>) src(%dma_wait3A_254 : memref<128x128xf32, #tpu.memory_space<hbm>>) dst(%dma_wait3A_251 : memref<128x128xf32, #tpu.memory_space<vmem>>)
    %dma_wait3A_255 = arith.constant 1 : i32
    %dma_wait3A_256 = arith.constant 0 : i32
    %dma_wait3A_257 = arith.constant 0 : i32
    %dma_wait3A_258 = tpu.memref_slice %arg10[%dma_wait3A_255, %dma_wait3A_256, %dma_wait3A_257] : memref<2x128x128xf32, #tpu.memory_space<vmem>> -> memref<1x128x128xf32, #tpu.memory_space<vmem>>
    %dma_wait3A_259 = tpu.memref_squeeze %dma_wait3A_258 : memref<1x128x128xf32, #tpu.memory_space<vmem>> -> memref<128x128xf32, #tpu.memory_space<vmem>>
    %dma_wait3A_260 = arith.constant 0 : i32
    %dma_wait3A_261 = arith.constant 0 : i32
    %dma_wait3A_262 = tpu.memref_slice %arg11[%dma_wait3A_260, %dma_wait3A_261] : memref<10240x128xf32, #tpu.memory_space<vmem_shared>> -> memref<128x128xf32, #tpu.memory_space<vmem_shared>>
    %dma_wait3A_263 = arith.constant 0 : i32
    %dma_wait3A_264 = arith.constant 0 : i32
    %dma_wait3A_265 = tpu.memref_slice %arg11[%dma_wait3A_263, %dma_wait3A_264] : memref<10240x128xf32, #tpu.memory_space<vmem_shared>> -> memref<128x128xf32, #tpu.memory_space<vmem_shared>>
    %dma_wait3A_266 = arith.constant 0 : i32
    %dma_wait3A_267 = arith.constant 0 : i32
    %dma_wait3A_268 = tpu.memref_slice %arg10[%dma_wait3A_255, %dma_wait3A_266, %dma_wait3A_267] : memref<2x128x128xf32, #tpu.memory_space<vmem>> -> memref<1x128x128xf32, #tpu.memory_space<vmem>>
    %dma_wait3A_269 = tpu.memref_squeeze %dma_wait3A_268 : memref<1x128x128xf32, #tpu.memory_space<vmem>> -> memref<128x128xf32, #tpu.memory_space<vmem>>
    tpu.wait_dma2 semaphore(%arg14 : memref<!tpu.dma_semaphore, #tpu.memory_space<semaphore_mem>>) src(%dma_wait3A_269 : memref<128x128xf32, #tpu.memory_space<vmem>>) dst(%dma_wait3A_265 : memref<128x128xf32, #tpu.memory_space<vmem_shared>>)
    %dma_wait3A_270 = arith.constant 0 : i32
    %dma_wait3A_271 = arith.constant 1 : i32
    %dma_wait3A_272 = arith.constant 0 : i32
    %dma_wait3A_273 = tpu.memref_slice %arg8[%dma_wait3A_271, %dma_wait3A_272] : memref<2x128xi32, #tpu.memory_space<vmem>> -> memref<1x128xi32, #tpu.memory_space<vmem>>
    %dma_wait3A_274 = tpu.memref_squeeze %dma_wait3A_273 : memref<1x128xi32, #tpu.memory_space<vmem>> -> memref<128xi32, #tpu.memory_space<vmem>>
    %dma_wait3A_275 = arith.constant 0 : i32
    %dma_wait3A_276 = tpu.memref_slice %arg5[%dma_wait3A_270, %dma_wait3A_275] : memref<60x128xi32, #tpu.memory_space<hbm>> -> memref<1x128xi32, #tpu.memory_space<hbm>>
    %dma_wait3A_277 = tpu.memref_squeeze %dma_wait3A_276 : memref<1x128xi32, #tpu.memory_space<hbm>> -> memref<128xi32, #tpu.memory_space<hbm>>
    %dma_wait3A_278 = arith.constant 0 : i32
    %dma_wait3A_279 = tpu.memref_slice %arg8[%dma_wait3A_271, %dma_wait3A_278] : memref<2x128xi32, #tpu.memory_space<vmem>> -> memref<1x128xi32, #tpu.memory_space<vmem>>
    %dma_wait3A_280 = tpu.memref_squeeze %dma_wait3A_279 : memref<1x128xi32, #tpu.memory_space<vmem>> -> memref<128xi32, #tpu.memory_space<vmem>>
    %dma_wait3A_281 = arith.constant 0 : i32
    %dma_wait3A_282 = tpu.memref_slice %arg5[%dma_wait3A_270, %dma_wait3A_281] : memref<60x128xi32, #tpu.memory_space<hbm>> -> memref<1x128xi32, #tpu.memory_space<hbm>>
    %dma_wait3A_283 = tpu.memref_squeeze %dma_wait3A_282 : memref<1x128xi32, #tpu.memory_space<hbm>> -> memref<128xi32, #tpu.memory_space<hbm>>
    tpu.wait_dma2 semaphore(%arg16 : memref<!tpu.dma_semaphore, #tpu.memory_space<semaphore_mem>>) src(%dma_wait3A_283 : memref<128xi32, #tpu.memory_space<hbm>>) dst(%dma_wait3A_280 : memref<128xi32, #tpu.memory_space<vmem>>)
    %dma_start3A_284 = arith.constant 1 : i32
    %dma_start3A_285 = arith.constant 1 : i32
    %dma_start3A_286 = arith.constant 0 : i32
    %dma_start3A_287 = arith.constant 0 : i32
    %dma_start3A_288 = tpu.memref_slice %arg10[%dma_start3A_285, %dma_start3A_286, %dma_start3A_287] : memref<2x128x128xf32, #tpu.memory_space<vmem>> -> memref<1x128x128xf32, #tpu.memory_space<vmem>>
    %dma_start3A_289 = tpu.memref_squeeze %dma_start3A_288 : memref<1x128x128xf32, #tpu.memory_space<vmem>> -> memref<128x128xf32, #tpu.memory_space<vmem>>
    %dma_start3A_290 = arith.constant 0 : i32
    %dma_start3A_291 = tpu.memref_slice %arg8[%dma_start3A_284, %dma_start3A_290] : memref<2x128xi32, #tpu.memory_space<vmem>> -> memref<1x128xi32, #tpu.memory_space<vmem>>
    %dma_start3A_292 = tpu.memref_squeeze %dma_start3A_291 : memref<1x128xi32, #tpu.memory_space<vmem>> -> memref<128xi32, #tpu.memory_space<vmem>>
    %dma_start3A_293 = arith.constant 0 : i32
    %dma_start3A_294 = arith.constant 0 : i32
    %dma_start3A_295 = tpu.memref_slice %arg2[%dma_start3A_293, %dma_start3A_294] : memref<10240x128xf32, #tpu.memory_space<hbm>> -> memref<10240x128xf32, #tpu.memory_space<hbm>>
    tpu.enqueue_indirect_dma source(%dma_start3A_295 : memref<10240x128xf32, #tpu.memory_space<hbm>>) target(%dma_start3A_289 : memref<128x128xf32, #tpu.memory_space<vmem>>) offsets(%dma_start3A_292 : memref<128xi32, #tpu.memory_space<vmem>>) semaphore(%arg12 : memref<!tpu.dma_semaphore, #tpu.memory_space<semaphore_mem>>)
    %dma_start3A_296 = arith.constant 0 : i32
    %dma_start3A_297 = arith.constant 78 : i32
    %dma_start3A_298 = arith.constant 0 : i32
    %dma_start3A_299 = arith.constant 0 : i32
    %dma_start3A_300 = tpu.memref_slice %arg10[%dma_start3A_296, %dma_start3A_298, %dma_start3A_299] : memref<2x128x128xf32, #tpu.memory_space<vmem>> -> memref<1x128x128xf32, #tpu.memory_space<vmem>>
    %dma_start3A_301 = tpu.memref_squeeze %dma_start3A_300 : memref<1x128x128xf32, #tpu.memory_space<vmem>> -> memref<128x128xf32, #tpu.memory_space<vmem>>
    %dma_start3A_302 = arith.constant 0 : i32
    %dma_start3A_303 = tpu.memref_slice %arg9[%dma_start3A_297, %dma_start3A_302] : memref<80x128xi32, #tpu.memory_space<vmem>> -> memref<1x128xi32, #tpu.memory_space<vmem>>
    %dma_start3A_304 = tpu.memref_squeeze %dma_start3A_303 : memref<1x128xi32, #tpu.memory_space<vmem>> -> memref<128xi32, #tpu.memory_space<vmem>>
    %dma_start3A_305 = arith.constant 0 : i32
    %dma_start3A_306 = arith.constant 0 : i32
    %dma_start3A_307 = tpu.memref_slice %arg11[%dma_start3A_305, %dma_start3A_306] : memref<10240x128xf32, #tpu.memory_space<vmem_shared>> -> memref<10240x128xf32, #tpu.memory_space<vmem_shared>>
    tpu.enqueue_indirect_dma source(%dma_start3A_301 : memref<128x128xf32, #tpu.memory_space<vmem>>) target(%dma_start3A_307 : memref<10240x128xf32, #tpu.memory_space<vmem_shared>>) offsets(%dma_start3A_304 : memref<128xi32, #tpu.memory_space<vmem>>) semaphore(%arg13 : memref<!tpu.dma_semaphore, #tpu.memory_space<semaphore_mem>>) {add = true}
    %dma_wait3A_308 = arith.constant 1 : i32
    %dma_wait3A_309 = arith.constant 0 : i32
    %dma_wait3A_310 = arith.constant 0 : i32
    %dma_wait3A_311 = tpu.memref_slice %arg10[%dma_wait3A_308, %dma_wait3A_309, %dma_wait3A_310] : memref<2x128x128xf32, #tpu.memory_space<vmem>> -> memref<1x128x128xf32, #tpu.memory_space<vmem>>
    %dma_wait3A_312 = tpu.memref_squeeze %dma_wait3A_311 : memref<1x128x128xf32, #tpu.memory_space<vmem>> -> memref<128x128xf32, #tpu.memory_space<vmem>>
    %dma_wait3A_313 = arith.constant 0 : i32
    %dma_wait3A_314 = arith.constant 0 : i32
    %dma_wait3A_315 = tpu.memref_slice %arg2[%dma_wait3A_313, %dma_wait3A_314] : memref<10240x128xf32, #tpu.memory_space<hbm>> -> memref<128x128xf32, #tpu.memory_space<hbm>>
    %dma_wait3A_316 = arith.constant 0 : i32
    %dma_wait3A_317 = arith.constant 0 : i32
    %dma_wait3A_318 = tpu.memref_slice %arg10[%dma_wait3A_308, %dma_wait3A_316, %dma_wait3A_317] : memref<2x128x128xf32, #tpu.memory_space<vmem>> -> memref<1x128x128xf32, #tpu.memory_space<vmem>>
    %dma_wait3A_319 = tpu.memref_squeeze %dma_wait3A_318 : memref<1x128x128xf32, #tpu.memory_space<vmem>> -> memref<128x128xf32, #tpu.memory_space<vmem>>
    %dma_wait3A_320 = arith.constant 0 : i32
    %dma_wait3A_321 = arith.constant 0 : i32
    %dma_wait3A_322 = tpu.memref_slice %arg2[%dma_wait3A_320, %dma_wait3A_321] : memref<10240x128xf32, #tpu.memory_space<hbm>> -> memref<128x128xf32, #tpu.memory_space<hbm>>
    tpu.wait_dma2 semaphore(%arg12 : memref<!tpu.dma_semaphore, #tpu.memory_space<semaphore_mem>>) src(%dma_wait3A_322 : memref<128x128xf32, #tpu.memory_space<hbm>>) dst(%dma_wait3A_319 : memref<128x128xf32, #tpu.memory_space<vmem>>)
    %dma_start3A_323 = arith.constant 1 : i32
    %dma_start3A_324 = arith.constant 79 : i32
    %dma_start3A_325 = arith.constant 0 : i32
    %dma_start3A_326 = arith.constant 0 : i32
    %dma_start3A_327 = tpu.memref_slice %arg10[%dma_start3A_323, %dma_start3A_325, %dma_start3A_326] : memref<2x128x128xf32, #tpu.memory_space<vmem>> -> memref<1x128x128xf32, #tpu.memory_space<vmem>>
    %dma_start3A_328 = tpu.memref_squeeze %dma_start3A_327 : memref<1x128x128xf32, #tpu.memory_space<vmem>> -> memref<128x128xf32, #tpu.memory_space<vmem>>
    %dma_start3A_329 = arith.constant 0 : i32
    %dma_start3A_330 = tpu.memref_slice %arg9[%dma_start3A_324, %dma_start3A_329] : memref<80x128xi32, #tpu.memory_space<vmem>> -> memref<1x128xi32, #tpu.memory_space<vmem>>
    %dma_start3A_331 = tpu.memref_squeeze %dma_start3A_330 : memref<1x128xi32, #tpu.memory_space<vmem>> -> memref<128xi32, #tpu.memory_space<vmem>>
    %dma_start3A_332 = arith.constant 0 : i32
    %dma_start3A_333 = arith.constant 0 : i32
    %dma_start3A_334 = tpu.memref_slice %arg11[%dma_start3A_332, %dma_start3A_333] : memref<10240x128xf32, #tpu.memory_space<vmem_shared>> -> memref<10240x128xf32, #tpu.memory_space<vmem_shared>>
    tpu.enqueue_indirect_dma source(%dma_start3A_328 : memref<128x128xf32, #tpu.memory_space<vmem>>) target(%dma_start3A_334 : memref<10240x128xf32, #tpu.memory_space<vmem_shared>>) offsets(%dma_start3A_331 : memref<128xi32, #tpu.memory_space<vmem>>) semaphore(%arg14 : memref<!tpu.dma_semaphore, #tpu.memory_space<semaphore_mem>>) {add = true}
    %dma_wait3A_335 = arith.constant 0 : i32
    %dma_wait3A_336 = arith.constant 0 : i32
    %dma_wait3A_337 = arith.constant 0 : i32
    %dma_wait3A_338 = tpu.memref_slice %arg10[%dma_wait3A_335, %dma_wait3A_336, %dma_wait3A_337] : memref<2x128x128xf32, #tpu.memory_space<vmem>> -> memref<1x128x128xf32, #tpu.memory_space<vmem>>
    %dma_wait3A_339 = tpu.memref_squeeze %dma_wait3A_338 : memref<1x128x128xf32, #tpu.memory_space<vmem>> -> memref<128x128xf32, #tpu.memory_space<vmem>>
    %dma_wait3A_340 = arith.constant 0 : i32
    %dma_wait3A_341 = arith.constant 0 : i32
    %dma_wait3A_342 = tpu.memref_slice %arg11[%dma_wait3A_340, %dma_wait3A_341] : memref<10240x128xf32, #tpu.memory_space<vmem_shared>> -> memref<128x128xf32, #tpu.memory_space<vmem_shared>>
    %dma_wait3A_343 = arith.constant 0 : i32
    %dma_wait3A_344 = arith.constant 0 : i32
    %dma_wait3A_345 = tpu.memref_slice %arg11[%dma_wait3A_343, %dma_wait3A_344] : memref<10240x128xf32, #tpu.memory_space<vmem_shared>> -> memref<128x128xf32, #tpu.memory_space<vmem_shared>>
    %dma_wait3A_346 = arith.constant 0 : i32
    %dma_wait3A_347 = arith.constant 0 : i32
    %dma_wait3A_348 = tpu.memref_slice %arg10[%dma_wait3A_335, %dma_wait3A_346, %dma_wait3A_347] : memref<2x128x128xf32, #tpu.memory_space<vmem>> -> memref<1x128x128xf32, #tpu.memory_space<vmem>>
    %dma_wait3A_349 = tpu.memref_squeeze %dma_wait3A_348 : memref<1x128x128xf32, #tpu.memory_space<vmem>> -> memref<128x128xf32, #tpu.memory_space<vmem>>
    tpu.wait_dma2 semaphore(%arg13 : memref<!tpu.dma_semaphore, #tpu.memory_space<semaphore_mem>>) src(%dma_wait3A_349 : memref<128x128xf32, #tpu.memory_space<vmem>>) dst(%dma_wait3A_345 : memref<128x128xf32, #tpu.memory_space<vmem_shared>>)
    %dma_wait3A_350 = arith.constant 1 : i32
    %dma_wait3A_351 = arith.constant 0 : i32
    %dma_wait3A_352 = arith.constant 0 : i32
    %dma_wait3A_353 = tpu.memref_slice %arg10[%dma_wait3A_350, %dma_wait3A_351, %dma_wait3A_352] : memref<2x128x128xf32, #tpu.memory_space<vmem>> -> memref<1x128x128xf32, #tpu.memory_space<vmem>>
    %dma_wait3A_354 = tpu.memref_squeeze %dma_wait3A_353 : memref<1x128x128xf32, #tpu.memory_space<vmem>> -> memref<128x128xf32, #tpu.memory_space<vmem>>
    %dma_wait3A_355 = arith.constant 0 : i32
    %dma_wait3A_356 = arith.constant 0 : i32
    %dma_wait3A_357 = tpu.memref_slice %arg11[%dma_wait3A_355, %dma_wait3A_356] : memref<10240x128xf32, #tpu.memory_space<vmem_shared>> -> memref<128x128xf32, #tpu.memory_space<vmem_shared>>
    %dma_wait3A_358 = arith.constant 0 : i32
    %dma_wait3A_359 = arith.constant 0 : i32
    %dma_wait3A_360 = tpu.memref_slice %arg11[%dma_wait3A_358, %dma_wait3A_359] : memref<10240x128xf32, #tpu.memory_space<vmem_shared>> -> memref<128x128xf32, #tpu.memory_space<vmem_shared>>
    %dma_wait3A_361 = arith.constant 0 : i32
    %dma_wait3A_362 = arith.constant 0 : i32
    %dma_wait3A_363 = tpu.memref_slice %arg10[%dma_wait3A_350, %dma_wait3A_361, %dma_wait3A_362] : memref<2x128x128xf32, #tpu.memory_space<vmem>> -> memref<1x128x128xf32, #tpu.memory_space<vmem>>
    %dma_wait3A_364 = tpu.memref_squeeze %dma_wait3A_363 : memref<1x128x128xf32, #tpu.memory_space<vmem>> -> memref<128x128xf32, #tpu.memory_space<vmem>>
    tpu.wait_dma2 semaphore(%arg14 : memref<!tpu.dma_semaphore, #tpu.memory_space<semaphore_mem>>) src(%dma_wait3A_364 : memref<128x128xf32, #tpu.memory_space<vmem>>) dst(%dma_wait3A_360 : memref<128x128xf32, #tpu.memory_space<vmem_shared>>)
    %barrier3A_365 = arith.constant 0 : index
    tpu.barrier barrier_id(%barrier3A_365)
    %mul3A_366 = arith.constant 640 : i32
    %mul3A_367 = arith.muli %arg1, %mul3A_366 : i32
    %mul3A_368 = arith.constant 640 : i32
    %mul3A_369 = arith.muli %arg1, %mul3A_368 : i32
    "tpu.region"() ({
      %run_scoped3A_370 = tpu.sem_alloc : memref<!tpu.dma_semaphore, #tpu.memory_space<semaphore_mem>>
      %dma_start3A_371 = arith.constant 0 : i32
      %dma_start3A_372 = tpu.memref_slice %arg7[%arg0, %mul3A_369, %dma_start3A_371] : memref<2x10240x128xf32, #tpu.memory_space<hbm>> -> memref<1x640x128xf32, #tpu.memory_space<hbm>>
      %dma_start3A_373 = tpu.memref_squeeze %dma_start3A_372 : memref<1x640x128xf32, #tpu.memory_space<hbm>> -> memref<640x128xf32, #tpu.memory_space<hbm>>
      %dma_start3A_374 = arith.constant 0 : i32
      %dma_start3A_375 = tpu.memref_slice %arg11[%mul3A_367, %dma_start3A_374] : memref<10240x128xf32, #tpu.memory_space<vmem_shared>> -> memref<640x128xf32, #tpu.memory_space<vmem_shared>>
      tpu.enqueue_dma source(%dma_start3A_375 : memref<640x128xf32, #tpu.memory_space<vmem_shared>>) target(%dma_start3A_373 : memref<640x128xf32, #tpu.memory_space<hbm>>) target_semaphore(%run_scoped3A_370 : memref<!tpu.dma_semaphore, #tpu.memory_space<semaphore_mem>>)
      %dma_wait3A_376 = arith.constant 0 : i32
      %dma_wait3A_377 = tpu.memref_slice %arg7[%arg0, %mul3A_369, %dma_wait3A_376] : memref<2x10240x128xf32, #tpu.memory_space<hbm>> -> memref<1x640x128xf32, #tpu.memory_space<hbm>>
      %dma_wait3A_378 = tpu.memref_squeeze %dma_wait3A_377 : memref<1x640x128xf32, #tpu.memory_space<hbm>> -> memref<640x128xf32, #tpu.memory_space<hbm>>
      %dma_wait3A_379 = arith.constant 0 : i32
      %dma_wait3A_380 = tpu.memref_slice %arg11[%mul3A_367, %dma_wait3A_379] : memref<10240x128xf32, #tpu.memory_space<vmem_shared>> -> memref<640x128xf32, #tpu.memory_space<vmem_shared>>
      tpu.wait_dma2 semaphore(%run_scoped3A_370 : memref<!tpu.dma_semaphore, #tpu.memory_space<semaphore_mem>>) src(%dma_wait3A_380 : memref<640x128xf32, #tpu.memory_space<vmem_shared>>) dst(%dma_wait3A_378 : memref<640x128xf32, #tpu.memory_space<hbm>>)
      tpu.yield
    }) : () -> ()
    return
  }
}

#map = affine_map<(d0, d1) -> (0, 0)>
#map1 = affine_map<(d0, d1) -> (0)>
module attributes {stable_mosaic.version = 14 : i64} {
  func.func @_deg_kernel(%arg0: i32, %arg1: i32, %arg2: memref<2500x128xi32, #tpu.memory_space<hbm>>, %arg3: memref<60x128xi32, #tpu.memory_space<hbm>>, %arg4: memref<128xf32, #tpu.memory_space<hbm>>, %arg5: memref<10240xf32, #tpu.memory_space<hbm>>, %arg6: memref<2x10240xf32, #tpu.memory_space<hbm>>, %arg7: memref<80x128xi32, #tpu.memory_space<vmem>>, %arg8: memref<128xf32, #tpu.memory_space<vmem>>, %arg9: memref<10240xf32, #tpu.memory_space<vmem_shared>>, %arg10: memref<!tpu.dma_semaphore, #tpu.memory_space<semaphore_mem>>) attributes {dimension_semantics = [#tpu.dimension_semantics<core_parallel>, #tpu.dimension_semantics<subcore_parallel>], iteration_bounds = array<i64: 2, 16>, scalar_prefetch = 0 : i64, scratch_operands = 4 : i64, tpu.core_type = #tpu.core_type<sc_vector_subcore>, window_params = [{transform_indices = #map}, {transform_indices = #map}, {transform_indices = #map1}, {transform_indices = #map1}, {transform_indices = #map}]} {
    %mul3A = arith.constant 2 : i32
    %mul3A_0 = arith.muli %arg1, %mul3A : i32
    %add3A = arith.addi %mul3A_0, %arg0 : i32
    %mul3A_1 = arith.constant 640 : i32
    %mul3A_2 = arith.muli %arg1, %mul3A_1 : i32
    %mul3A_3 = arith.constant 640 : i32
    %mul3A_4 = arith.muli %arg1, %mul3A_3 : i32
    "tpu.region"() ({
      %run_scoped3A = tpu.sem_alloc : memref<!tpu.dma_semaphore, #tpu.memory_space<semaphore_mem>>
      %dma_start3A = tpu.memref_slice %arg9[%mul3A_4] : memref<10240xf32, #tpu.memory_space<vmem_shared>> -> memref<640xf32, #tpu.memory_space<vmem_shared>>
      %dma_start3A_33 = tpu.memref_slice %arg5[%mul3A_2] : memref<10240xf32, #tpu.memory_space<hbm>> -> memref<640xf32, #tpu.memory_space<hbm>>
      tpu.enqueue_dma source(%dma_start3A_33 : memref<640xf32, #tpu.memory_space<hbm>>) target(%dma_start3A : memref<640xf32, #tpu.memory_space<vmem_shared>>) target_semaphore(%run_scoped3A : memref<!tpu.dma_semaphore, #tpu.memory_space<semaphore_mem>>)
      %dma_wait3A = tpu.memref_slice %arg9[%mul3A_4] : memref<10240xf32, #tpu.memory_space<vmem_shared>> -> memref<640xf32, #tpu.memory_space<vmem_shared>>
      %dma_wait3A_34 = tpu.memref_slice %arg5[%mul3A_2] : memref<10240xf32, #tpu.memory_space<hbm>> -> memref<640xf32, #tpu.memory_space<hbm>>
      tpu.wait_dma2 semaphore(%run_scoped3A : memref<!tpu.dma_semaphore, #tpu.memory_space<semaphore_mem>>) src(%dma_wait3A_34 : memref<640xf32, #tpu.memory_space<hbm>>) dst(%dma_wait3A : memref<640xf32, #tpu.memory_space<vmem_shared>>)
      tpu.yield
    }) : () -> ()
    %scan3A = arith.constant 0 : i32
    %scan3A_5 = arith.constant 0 : i32
    %scan3A_6 = arith.constant 80 : i32
    %scan3A_7 = arith.addi %scan3A_5, %scan3A_6 : i32
    %scan3A_8 = arith.constant 1 : i32
    scf.for %scan3A_33 = %scan3A_5 to %scan3A_7 step %scan3A_8  : i32 {
      %mul3A_34 = arith.constant 80 : i32
      %mul3A_35 = arith.muli %add3A, %mul3A_34 : i32
      %add3A_36 = arith.addi %mul3A_35, %scan3A_33 : i32
      %lt3A = arith.constant 2500 : i32
      %lt3A_37 = arith.cmpi slt, %add3A_36, %lt3A : i32
      %convert_element_type3A = arith.extui %lt3A_37 : i1 to i32
      %cond3A = arith.constant 0 : i32
      %cond3A_38 = arith.cmpi ne, %convert_element_type3A, %cond3A : i32
      scf.if %cond3A_38 {
        %dma_start3A = arith.constant 0 : i32
        %dma_start3A_43 = tpu.memref_slice %arg7[%scan3A_33, %dma_start3A] : memref<80x128xi32, #tpu.memory_space<vmem>> -> memref<1x128xi32, #tpu.memory_space<vmem>>
        %dma_start3A_44 = tpu.memref_squeeze %dma_start3A_43 : memref<1x128xi32, #tpu.memory_space<vmem>> -> memref<128xi32, #tpu.memory_space<vmem>>
        %dma_start3A_45 = arith.constant 0 : i32
        %dma_start3A_46 = tpu.memref_slice %arg2[%add3A_36, %dma_start3A_45] : memref<2500x128xi32, #tpu.memory_space<hbm>> -> memref<1x128xi32, #tpu.memory_space<hbm>>
        %dma_start3A_47 = tpu.memref_squeeze %dma_start3A_46 : memref<1x128xi32, #tpu.memory_space<hbm>> -> memref<128xi32, #tpu.memory_space<hbm>>
        %dma_start3A_48 = arith.constant 0 : i32
        %dma_start3A_49 = tpu.memref_slice %arg7[%scan3A_33, %dma_start3A_48] : memref<80x128xi32, #tpu.memory_space<vmem>> -> memref<1x128xi32, #tpu.memory_space<vmem>>
        %dma_start3A_50 = tpu.memref_squeeze %dma_start3A_49 : memref<1x128xi32, #tpu.memory_space<vmem>> -> memref<128xi32, #tpu.memory_space<vmem>>
        %dma_start3A_51 = arith.constant 0 : i32
        %dma_start3A_52 = tpu.memref_slice %arg2[%add3A_36, %dma_start3A_51] : memref<2500x128xi32, #tpu.memory_space<hbm>> -> memref<1x128xi32, #tpu.memory_space<hbm>>
        %dma_start3A_53 = tpu.memref_squeeze %dma_start3A_52 : memref<1x128xi32, #tpu.memory_space<hbm>> -> memref<128xi32, #tpu.memory_space<hbm>>
        tpu.enqueue_dma source(%dma_start3A_53 : memref<128xi32, #tpu.memory_space<hbm>>) target(%dma_start3A_50 : memref<128xi32, #tpu.memory_space<vmem>>) target_semaphore(%arg10 : memref<!tpu.dma_semaphore, #tpu.memory_space<semaphore_mem>>)
      } else {
      }
      %ge3A = arith.constant 2500 : i32
      %ge3A_39 = arith.cmpi sge, %add3A_36, %ge3A : i32
      %convert_element_type3A_40 = arith.extui %ge3A_39 : i1 to i32
      %cond3A_41 = arith.constant 0 : i32
      %cond3A_42 = arith.cmpi ne, %convert_element_type3A_40, %cond3A_41 : i32
      scf.if %cond3A_42 {
        %sub3A = arith.constant 2500 : i32
        %sub3A_43 = arith.subi %add3A_36, %sub3A : i32
        %dma_start3A = arith.constant 0 : i32
        %dma_start3A_44 = tpu.memref_slice %arg7[%scan3A_33, %dma_start3A] : memref<80x128xi32, #tpu.memory_space<vmem>> -> memref<1x128xi32, #tpu.memory_space<vmem>>
        %dma_start3A_45 = tpu.memref_squeeze %dma_start3A_44 : memref<1x128xi32, #tpu.memory_space<vmem>> -> memref<128xi32, #tpu.memory_space<vmem>>
        %dma_start3A_46 = arith.constant 0 : i32
        %dma_start3A_47 = tpu.memref_slice %arg3[%sub3A_43, %dma_start3A_46] : memref<60x128xi32, #tpu.memory_space<hbm>> -> memref<1x128xi32, #tpu.memory_space<hbm>>
        %dma_start3A_48 = tpu.memref_squeeze %dma_start3A_47 : memref<1x128xi32, #tpu.memory_space<hbm>> -> memref<128xi32, #tpu.memory_space<hbm>>
        %dma_start3A_49 = arith.constant 0 : i32
        %dma_start3A_50 = tpu.memref_slice %arg7[%scan3A_33, %dma_start3A_49] : memref<80x128xi32, #tpu.memory_space<vmem>> -> memref<1x128xi32, #tpu.memory_space<vmem>>
        %dma_start3A_51 = tpu.memref_squeeze %dma_start3A_50 : memref<1x128xi32, #tpu.memory_space<vmem>> -> memref<128xi32, #tpu.memory_space<vmem>>
        %dma_start3A_52 = arith.constant 0 : i32
        %dma_start3A_53 = tpu.memref_slice %arg3[%sub3A_43, %dma_start3A_52] : memref<60x128xi32, #tpu.memory_space<hbm>> -> memref<1x128xi32, #tpu.memory_space<hbm>>
        %dma_start3A_54 = tpu.memref_squeeze %dma_start3A_53 : memref<1x128xi32, #tpu.memory_space<hbm>> -> memref<128xi32, #tpu.memory_space<hbm>>
        tpu.enqueue_dma source(%dma_start3A_54 : memref<128xi32, #tpu.memory_space<hbm>>) target(%dma_start3A_51 : memref<128xi32, #tpu.memory_space<vmem>>) target_semaphore(%arg10 : memref<!tpu.dma_semaphore, #tpu.memory_space<semaphore_mem>>)
      } else {
      }
    }
    %scan3A_9 = arith.constant 80 : i32
    %scan3A_10 = arith.constant 0 : i32
    %scan3A_11 = arith.constant 0 : i32
    %scan3A_12 = arith.constant 80 : i32
    %scan3A_13 = arith.addi %scan3A_11, %scan3A_12 : i32
    %scan3A_14 = arith.constant 1 : i32
    scf.for %scan3A_33 = %scan3A_11 to %scan3A_13 step %scan3A_14  : i32 {
      %dma_wait3A = arith.constant 0 : i32
      %dma_wait3A_34 = arith.constant 0 : i32
      %dma_wait3A_35 = arith.constant 0 : i32
      %dma_wait3A_36 = tpu.memref_slice %arg7[%dma_wait3A_34, %dma_wait3A_35] : memref<80x128xi32, #tpu.memory_space<vmem>> -> memref<1x128xi32, #tpu.memory_space<vmem>>
      %dma_wait3A_37 = tpu.memref_squeeze %dma_wait3A_36 : memref<1x128xi32, #tpu.memory_space<vmem>> -> memref<128xi32, #tpu.memory_space<vmem>>
      %dma_wait3A_38 = arith.constant 0 : i32
      %dma_wait3A_39 = tpu.memref_slice %arg3[%dma_wait3A, %dma_wait3A_38] : memref<60x128xi32, #tpu.memory_space<hbm>> -> memref<1x128xi32, #tpu.memory_space<hbm>>
      %dma_wait3A_40 = tpu.memref_squeeze %dma_wait3A_39 : memref<1x128xi32, #tpu.memory_space<hbm>> -> memref<128xi32, #tpu.memory_space<hbm>>
      %dma_wait3A_41 = arith.constant 0 : i32
      %dma_wait3A_42 = tpu.memref_slice %arg7[%dma_wait3A_34, %dma_wait3A_41] : memref<80x128xi32, #tpu.memory_space<vmem>> -> memref<1x128xi32, #tpu.memory_space<vmem>>
      %dma_wait3A_43 = tpu.memref_squeeze %dma_wait3A_42 : memref<1x128xi32, #tpu.memory_space<vmem>> -> memref<128xi32, #tpu.memory_space<vmem>>
      %dma_wait3A_44 = arith.constant 0 : i32
      %dma_wait3A_45 = tpu.memref_slice %arg3[%dma_wait3A, %dma_wait3A_44] : memref<60x128xi32, #tpu.memory_space<hbm>> -> memref<1x128xi32, #tpu.memory_space<hbm>>
      %dma_wait3A_46 = tpu.memref_squeeze %dma_wait3A_45 : memref<1x128xi32, #tpu.memory_space<hbm>> -> memref<128xi32, #tpu.memory_space<hbm>>
      tpu.wait_dma2 semaphore(%arg10 : memref<!tpu.dma_semaphore, #tpu.memory_space<semaphore_mem>>) src(%dma_wait3A_46 : memref<128xi32, #tpu.memory_space<hbm>>) dst(%dma_wait3A_43 : memref<128xi32, #tpu.memory_space<vmem>>)
    }
    %scan3A_15 = arith.constant 80 : i32
    "tpu.region"() ({
      %run_scoped3A = tpu.sem_alloc : memref<!tpu.dma_semaphore, #tpu.memory_space<semaphore_mem>>
      tpu.enqueue_dma source(%arg4 : memref<128xf32, #tpu.memory_space<hbm>>) target(%arg8 : memref<128xf32, #tpu.memory_space<vmem>>) target_semaphore(%run_scoped3A : memref<!tpu.dma_semaphore, #tpu.memory_space<semaphore_mem>>)
      tpu.wait_dma2 semaphore(%run_scoped3A : memref<!tpu.dma_semaphore, #tpu.memory_space<semaphore_mem>>) src(%arg4 : memref<128xf32, #tpu.memory_space<hbm>>) dst(%arg8 : memref<128xf32, #tpu.memory_space<vmem>>)
      tpu.yield
    }) : () -> ()
    %barrier3A = arith.constant 0 : index
    tpu.barrier barrier_id(%barrier3A)
    %scan3A_16 = arith.constant 0 : i32
    %scan3A_17 = arith.constant 0 : i32
    %scan3A_18 = arith.constant 80 : i32
    %scan3A_19 = arith.addi %scan3A_17, %scan3A_18 : i32
    %scan3A_20 = arith.constant 1 : i32
    scf.for %scan3A_33 = %scan3A_17 to %scan3A_19 step %scan3A_20  : i32 {
      %dma_start3A = arith.constant 0 : i32
      %dma_start3A_34 = tpu.memref_slice %arg7[%scan3A_33, %dma_start3A] : memref<80x128xi32, #tpu.memory_space<vmem>> -> memref<1x128xi32, #tpu.memory_space<vmem>>
      %dma_start3A_35 = tpu.memref_squeeze %dma_start3A_34 : memref<1x128xi32, #tpu.memory_space<vmem>> -> memref<128xi32, #tpu.memory_space<vmem>>
      %dma_start3A_36 = arith.constant 0 : i32
      %dma_start3A_37 = tpu.memref_slice %arg9[%dma_start3A_36] : memref<10240xf32, #tpu.memory_space<vmem_shared>> -> memref<10240xf32, #tpu.memory_space<vmem_shared>>
      tpu.enqueue_indirect_dma source(%arg8 : memref<128xf32, #tpu.memory_space<vmem>>) target(%dma_start3A_37 : memref<10240xf32, #tpu.memory_space<vmem_shared>>) offsets(%dma_start3A_35 : memref<128xi32, #tpu.memory_space<vmem>>) semaphore(%arg10 : memref<!tpu.dma_semaphore, #tpu.memory_space<semaphore_mem>>) {add = true}
    }
    %scan3A_21 = arith.constant 80 : i32
    %scan3A_22 = arith.constant 0 : i32
    %scan3A_23 = arith.constant 0 : i32
    %scan3A_24 = arith.constant 80 : i32
    %scan3A_25 = arith.addi %scan3A_23, %scan3A_24 : i32
    %scan3A_26 = arith.constant 1 : i32
    scf.for %scan3A_33 = %scan3A_23 to %scan3A_25 step %scan3A_26  : i32 {
      %dma_wait3A = arith.constant 0 : i32
      %dma_wait3A_34 = tpu.memref_slice %arg9[%dma_wait3A] : memref<10240xf32, #tpu.memory_space<vmem_shared>> -> memref<128xf32, #tpu.memory_space<vmem_shared>>
      %dma_wait3A_35 = arith.constant 0 : i32
      %dma_wait3A_36 = tpu.memref_slice %arg9[%dma_wait3A_35] : memref<10240xf32, #tpu.memory_space<vmem_shared>> -> memref<128xf32, #tpu.memory_space<vmem_shared>>
      tpu.wait_dma2 semaphore(%arg10 : memref<!tpu.dma_semaphore, #tpu.memory_space<semaphore_mem>>) src(%arg8 : memref<128xf32, #tpu.memory_space<vmem>>) dst(%dma_wait3A_36 : memref<128xf32, #tpu.memory_space<vmem_shared>>)
    }
    %scan3A_27 = arith.constant 80 : i32
    %barrier3A_28 = arith.constant 0 : index
    tpu.barrier barrier_id(%barrier3A_28)
    %mul3A_29 = arith.constant 640 : i32
    %mul3A_30 = arith.muli %arg1, %mul3A_29 : i32
    %mul3A_31 = arith.constant 640 : i32
    %mul3A_32 = arith.muli %arg1, %mul3A_31 : i32
    "tpu.region"() ({
      %run_scoped3A = tpu.sem_alloc : memref<!tpu.dma_semaphore, #tpu.memory_space<semaphore_mem>>
      %dma_start3A = tpu.memref_slice %arg6[%arg0, %mul3A_32] : memref<2x10240xf32, #tpu.memory_space<hbm>> -> memref<1x640xf32, #tpu.memory_space<hbm>>
      %dma_start3A_33 = tpu.memref_squeeze %dma_start3A : memref<1x640xf32, #tpu.memory_space<hbm>> -> memref<640xf32, #tpu.memory_space<hbm>>
      %dma_start3A_34 = tpu.memref_slice %arg9[%mul3A_30] : memref<10240xf32, #tpu.memory_space<vmem_shared>> -> memref<640xf32, #tpu.memory_space<vmem_shared>>
      tpu.enqueue_dma source(%dma_start3A_34 : memref<640xf32, #tpu.memory_space<vmem_shared>>) target(%dma_start3A_33 : memref<640xf32, #tpu.memory_space<hbm>>) target_semaphore(%run_scoped3A : memref<!tpu.dma_semaphore, #tpu.memory_space<semaphore_mem>>)
      %dma_wait3A = tpu.memref_slice %arg6[%arg0, %mul3A_32] : memref<2x10240xf32, #tpu.memory_space<hbm>> -> memref<1x640xf32, #tpu.memory_space<hbm>>
      %dma_wait3A_35 = tpu.memref_squeeze %dma_wait3A : memref<1x640xf32, #tpu.memory_space<hbm>> -> memref<640xf32, #tpu.memory_space<hbm>>
      %dma_wait3A_36 = tpu.memref_slice %arg9[%mul3A_30] : memref<10240xf32, #tpu.memory_space<vmem_shared>> -> memref<640xf32, #tpu.memory_space<vmem_shared>>
      tpu.wait_dma2 semaphore(%run_scoped3A : memref<!tpu.dma_semaphore, #tpu.memory_space<semaphore_mem>>) src(%dma_wait3A_36 : memref<640xf32, #tpu.memory_space<vmem_shared>>) dst(%dma_wait3A_35 : memref<640xf32, #tpu.memory_space<hbm>>)
      tpu.yield
    }) : () -> ()
    return
  }
}

#map = affine_map<(d0, d1) -> (0, 0)>
#map1 = affine_map<(d0, d1) -> (0, 0, 0)>
module attributes {stable_mosaic.version = 14 : i64} {
  func.func @_edge_kernel(%arg0: i32, %arg1: i32, %arg2: memref<10240x128xf32, #tpu.memory_space<hbm>>, %arg3: memref<2500x128xi32, #tpu.memory_space<hbm>>, %arg4: memref<2500x128xi32, #tpu.memory_space<hbm>>, %arg5: memref<60x128xi32, #tpu.memory_space<hbm>>, %arg6: memref<128x128xf32, #tpu.memory_space<hbm>>, %arg7: memref<2x10240x128xf32, #tpu.memory_space<hbm>>, %arg8: memref<2x128xi32, #tpu.memory_space<vmem>>, %arg9: memref<80x128xi32, #tpu.memory_space<vmem>>, %arg10: memref<2x128x128xf32, #tpu.memory_space<vmem>>, %arg11: memref<10240x128xf32, #tpu.memory_space<vmem_shared>>, %arg12: memref<!tpu.dma_semaphore, #tpu.memory_space<semaphore_mem>>, %arg13: memref<!tpu.dma_semaphore, #tpu.memory_space<semaphore_mem>>, %arg14: memref<!tpu.dma_semaphore, #tpu.memory_space<semaphore_mem>>, %arg15: memref<!tpu.dma_semaphore, #tpu.memory_space<semaphore_mem>>, %arg16: memref<!tpu.dma_semaphore, #tpu.memory_space<semaphore_mem>>) attributes {dimension_semantics = [#tpu.dimension_semantics<core_parallel>, #tpu.dimension_semantics<subcore_parallel>], iteration_bounds = array<i64: 2, 16>, scalar_prefetch = 0 : i64, scratch_operands = 9 : i64, tpu.core_type = #tpu.core_type<sc_vector_subcore>, window_params = [{transform_indices = #map}, {transform_indices = #map}, {transform_indices = #map}, {transform_indices = #map}, {transform_indices = #map}, {transform_indices = #map1}]} {
    %mul3A = arith.constant 2 : i32
    %mul3A_0 = arith.muli %arg1, %mul3A : i32
    %add3A = arith.addi %mul3A_0, %arg0 : i32
    %run_scoped3A = arith.constant 0 : i32
    "tpu.region"() ({
      %run_scoped3A_370 = tpu.sem_alloc : memref<!tpu.dma_semaphore, #tpu.memory_space<semaphore_mem>>
      %dma_start3A_371 = arith.constant 0 : i32
      %dma_start3A_372 = arith.constant 0 : i32
      %dma_start3A_373 = tpu.memref_slice %arg10[%run_scoped3A, %dma_start3A_371, %dma_start3A_372] : memref<2x128x128xf32, #tpu.memory_space<vmem>> -> memref<1x128x128xf32, #tpu.memory_space<vmem>>
      %dma_start3A_374 = tpu.memref_squeeze %dma_start3A_373 : memref<1x128x128xf32, #tpu.memory_space<vmem>> -> memref<128x128xf32, #tpu.memory_space<vmem>>
      %dma_start3A_375 = arith.constant 0 : i32
      %dma_start3A_376 = arith.constant 0 : i32
      %dma_start3A_377 = tpu.memref_slice %arg10[%run_scoped3A, %dma_start3A_375, %dma_start3A_376] : memref<2x128x128xf32, #tpu.memory_space<vmem>> -> memref<1x128x128xf32, #tpu.memory_space<vmem>>
      %dma_start3A_378 = tpu.memref_squeeze %dma_start3A_377 : memref<1x128x128xf32, #tpu.memory_space<vmem>> -> memref<128x128xf32, #tpu.memory_space<vmem>>
      tpu.enqueue_dma source(%arg6 : memref<128x128xf32, #tpu.memory_space<hbm>>) target(%dma_start3A_378 : memref<128x128xf32, #tpu.memory_space<vmem>>) target_semaphore(%run_scoped3A_370 : memref<!tpu.dma_semaphore, #tpu.memory_space<semaphore_mem>>)
      %dma_wait3A_379 = arith.constant 0 : i32
      %dma_wait3A_380 = arith.constant 0 : i32
      %dma_wait3A_381 = tpu.memref_slice %arg10[%run_scoped3A, %dma_wait3A_379, %dma_wait3A_380] : memref<2x128x128xf32, #tpu.memory_space<vmem>> -> memref<1x128x128xf32, #tpu.memory_space<vmem>>
      %dma_wait3A_382 = tpu.memref_squeeze %dma_wait3A_381 : memref<1x128x128xf32, #tpu.memory_space<vmem>> -> memref<128x128xf32, #tpu.memory_space<vmem>>
      %dma_wait3A_383 = arith.constant 0 : i32
      %dma_wait3A_384 = arith.constant 0 : i32
      %dma_wait3A_385 = tpu.memref_slice %arg10[%run_scoped3A, %dma_wait3A_383, %dma_wait3A_384] : memref<2x128x128xf32, #tpu.memory_space<vmem>> -> memref<1x128x128xf32, #tpu.memory_space<vmem>>
      %dma_wait3A_386 = tpu.memref_squeeze %dma_wait3A_385 : memref<1x128x128xf32, #tpu.memory_space<vmem>> -> memref<128x128xf32, #tpu.memory_space<vmem>>
      tpu.wait_dma2 semaphore(%run_scoped3A_370 : memref<!tpu.dma_semaphore, #tpu.memory_space<semaphore_mem>>) src(%arg6 : memref<128x128xf32, #tpu.memory_space<hbm>>) dst(%dma_wait3A_386 : memref<128x128xf32, #tpu.memory_space<vmem>>)
      tpu.yield
    }) : () -> ()
    %mul3A_1 = arith.constant 640 : i32
    %mul3A_2 = arith.muli %arg1, %mul3A_1 : i32
    %add3A_3 = arith.constant 0 : i32
    %add3A_4 = arith.addi %mul3A_2, %add3A_3 : i32
    %run_scoped3A_5 = arith.constant 0 : i32
    "tpu.region"() ({
      %run_scoped3A_370 = tpu.sem_alloc : memref<!tpu.dma_semaphore, #tpu.memory_space<semaphore_mem>>
      %dma_start3A_371 = arith.constant 0 : i32
      %dma_start3A_372 = arith.constant 0 : i32
      %dma_start3A_373 = tpu.memref_slice %arg10[%run_scoped3A_5, %dma_start3A_371, %dma_start3A_372] : memref<2x128x128xf32, #tpu.memory_space<vmem>> -> memref<1x128x128xf32, #tpu.memory_space<vmem>>
      %dma_start3A_374 = tpu.memref_squeeze %dma_start3A_373 : memref<1x128x128xf32, #tpu.memory_space<vmem>> -> memref<128x128xf32, #tpu.memory_space<vmem>>
      %dma_start3A_375 = arith.constant 0 : i32
      %dma_start3A_376 = tpu.memref_slice %arg11[%add3A_4, %dma_start3A_375] : memref<10240x128xf32, #tpu.memory_space<vmem_shared>> -> memref<128x128xf32, #tpu.memory_space<vmem_shared>>
      %dma_start3A_377 = arith.constant 0 : i32
      %dma_start3A_378 = tpu.memref_slice %arg11[%add3A_4, %dma_start3A_377] : memref<10240x128xf32, #tpu.memory_space<vmem_shared>> -> memref<128x128xf32, #tpu.memory_space<vmem_shared>>
      %dma_start3A_379 = arith.constant 0 : i32
      %dma_start3A_380 = arith.constant 0 : i32
      %dma_start3A_381 = tpu.memref_slice %arg10[%run_scoped3A_5, %dma_start3A_379, %dma_start3A_380] : memref<2x128x128xf32, #tpu.memory_space<vmem>> -> memref<1x128x128xf32, #tpu.memory_space<vmem>>
      %dma_start3A_382 = tpu.memref_squeeze %dma_start3A_381 : memref<1x128x128xf32, #tpu.memory_space<vmem>> -> memref<128x128xf32, #tpu.memory_space<vmem>>
      tpu.enqueue_dma source(%dma_start3A_382 : memref<128x128xf32, #tpu.memory_space<vmem>>) target(%dma_start3A_378 : memref<128x128xf32, #tpu.memory_space<vmem_shared>>) target_semaphore(%run_scoped3A_370 : memref<!tpu.dma_semaphore, #tpu.memory_space<semaphore_mem>>)
      %dma_wait3A_383 = arith.constant 0 : i32
      %dma_wait3A_384 = arith.constant 0 : i32
      %dma_wait3A_385 = tpu.memref_slice %arg10[%run_scoped3A_5, %dma_wait3A_383, %dma_wait3A_384] : memref<2x128x128xf32, #tpu.memory_space<vmem>> -> memref<1x128x128xf32, #tpu.memory_space<vmem>>
      %dma_wait3A_386 = tpu.memref_squeeze %dma_wait3A_385 : memref<1x128x128xf32, #tpu.memory_space<vmem>> -> memref<128x128xf32, #tpu.memory_space<vmem>>
      %dma_wait3A_387 = arith.constant 0 : i32
      %dma_wait3A_388 = tpu.memref_slice %arg11[%add3A_4, %dma_wait3A_387] : memref<10240x128xf32, #tpu.memory_space<vmem_shared>> -> memref<128x128xf32, #tpu.memory_space<vmem_shared>>
      %dma_wait3A_389 = arith.constant 0 : i32
      %dma_wait3A_390 = tpu.memref_slice %arg11[%add3A_4, %dma_wait3A_389] : memref<10240x128xf32, #tpu.memory_space<vmem_shared>> -> memref<128x128xf32, #tpu.memory_space<vmem_shared>>
      %dma_wait3A_391 = arith.constant 0 : i32
      %dma_wait3A_392 = arith.constant 0 : i32
      %dma_wait3A_393 = tpu.memref_slice %arg10[%run_scoped3A_5, %dma_wait3A_391, %dma_wait3A_392] : memref<2x128x128xf32, #tpu.memory_space<vmem>> -> memref<1x128x128xf32, #tpu.memory_space<vmem>>
      %dma_wait3A_394 = tpu.memref_squeeze %dma_wait3A_393 : memref<1x128x128xf32, #tpu.memory_space<vmem>> -> memref<128x128xf32, #tpu.memory_space<vmem>>
      tpu.wait_dma2 semaphore(%run_scoped3A_370 : memref<!tpu.dma_semaphore, #tpu.memory_space<semaphore_mem>>) src(%dma_wait3A_394 : memref<128x128xf32, #tpu.memory_space<vmem>>) dst(%dma_wait3A_390 : memref<128x128xf32, #tpu.memory_space<vmem_shared>>)
      tpu.yield
    }) : () -> ()
    %mul3A_6 = arith.constant 640 : i32
    %mul3A_7 = arith.muli %arg1, %mul3A_6 : i32
    %add3A_8 = arith.constant 128 : i32
    %add3A_9 = arith.addi %mul3A_7, %add3A_8 : i32
    %run_scoped3A_10 = arith.constant 0 : i32
    "tpu.region"() ({
      %run_scoped3A_370 = tpu.sem_alloc : memref<!tpu.dma_semaphore, #tpu.memory_space<semaphore_mem>>
      %dma_start3A_371 = arith.constant 0 : i32
      %dma_start3A_372 = arith.constant 0 : i32
      %dma_start3A_373 = tpu.memref_slice %arg10[%run_scoped3A_10, %dma_start3A_371, %dma_start3A_372] : memref<2x128x128xf32, #tpu.memory_space<vmem>> -> memref<1x128x128xf32, #tpu.memory_space<vmem>>
      %dma_start3A_374 = tpu.memref_squeeze %dma_start3A_373 : memref<1x128x128xf32, #tpu.memory_space<vmem>> -> memref<128x128xf32, #tpu.memory_space<vmem>>
      %dma_start3A_375 = arith.constant 0 : i32
      %dma_start3A_376 = tpu.memref_slice %arg11[%add3A_9, %dma_start3A_375] : memref<10240x128xf32, #tpu.memory_space<vmem_shared>> -> memref<128x128xf32, #tpu.memory_space<vmem_shared>>
      %dma_start3A_377 = arith.constant 0 : i32
      %dma_start3A_378 = tpu.memref_slice %arg11[%add3A_9, %dma_start3A_377] : memref<10240x128xf32, #tpu.memory_space<vmem_shared>> -> memref<128x128xf32, #tpu.memory_space<vmem_shared>>
      %dma_start3A_379 = arith.constant 0 : i32
      %dma_start3A_380 = arith.constant 0 : i32
      %dma_start3A_381 = tpu.memref_slice %arg10[%run_scoped3A_10, %dma_start3A_379, %dma_start3A_380] : memref<2x128x128xf32, #tpu.memory_space<vmem>> -> memref<1x128x128xf32, #tpu.memory_space<vmem>>
      %dma_start3A_382 = tpu.memref_squeeze %dma_start3A_381 : memref<1x128x128xf32, #tpu.memory_space<vmem>> -> memref<128x128xf32, #tpu.memory_space<vmem>>
      tpu.enqueue_dma source(%dma_start3A_382 : memref<128x128xf32, #tpu.memory_space<vmem>>) target(%dma_start3A_378 : memref<128x128xf32, #tpu.memory_space<vmem_shared>>) target_semaphore(%run_scoped3A_370 : memref<!tpu.dma_semaphore, #tpu.memory_space<semaphore_mem>>)
      %dma_wait3A_383 = arith.constant 0 : i32
      %dma_wait3A_384 = arith.constant 0 : i32
      %dma_wait3A_385 = tpu.memref_slice %arg10[%run_scoped3A_10, %dma_wait3A_383, %dma_wait3A_384] : memref<2x128x128xf32, #tpu.memory_space<vmem>> -> memref<1x128x128xf32, #tpu.memory_space<vmem>>
      %dma_wait3A_386 = tpu.memref_squeeze %dma_wait3A_385 : memref<1x128x128xf32, #tpu.memory_space<vmem>> -> memref<128x128xf32, #tpu.memory_space<vmem>>
      %dma_wait3A_387 = arith.constant 0 : i32
      %dma_wait3A_388 = tpu.memref_slice %arg11[%add3A_9, %dma_wait3A_387] : memref<10240x128xf32, #tpu.memory_space<vmem_shared>> -> memref<128x128xf32, #tpu.memory_space<vmem_shared>>
      %dma_wait3A_389 = arith.constant 0 : i32
      %dma_wait3A_390 = tpu.memref_slice %arg11[%add3A_9, %dma_wait3A_389] : memref<10240x128xf32, #tpu.memory_space<vmem_shared>> -> memref<128x128xf32, #tpu.memory_space<vmem_shared>>
      %dma_wait3A_391 = arith.constant 0 : i32
      %dma_wait3A_392 = arith.constant 0 : i32
      %dma_wait3A_393 = tpu.memref_slice %arg10[%run_scoped3A_10, %dma_wait3A_391, %dma_wait3A_392] : memref<2x128x128xf32, #tpu.memory_space<vmem>> -> memref<1x128x128xf32, #tpu.memory_space<vmem>>
      %dma_wait3A_394 = tpu.memref_squeeze %dma_wait3A_393 : memref<1x128x128xf32, #tpu.memory_space<vmem>> -> memref<128x128xf32, #tpu.memory_space<vmem>>
      tpu.wait_dma2 semaphore(%run_scoped3A_370 : memref<!tpu.dma_semaphore, #tpu.memory_space<semaphore_mem>>) src(%dma_wait3A_394 : memref<128x128xf32, #tpu.memory_space<vmem>>) dst(%dma_wait3A_390 : memref<128x128xf32, #tpu.memory_space<vmem_shared>>)
      tpu.yield
    }) : () -> ()
    %mul3A_11 = arith.constant 640 : i32
    %mul3A_12 = arith.muli %arg1, %mul3A_11 : i32
    %add3A_13 = arith.constant 256 : i32
    %add3A_14 = arith.addi %mul3A_12, %add3A_13 : i32
    %run_scoped3A_15 = arith.constant 0 : i32
    "tpu.region"() ({
      %run_scoped3A_370 = tpu.sem_alloc : memref<!tpu.dma_semaphore, #tpu.memory_space<semaphore_mem>>
      %dma_start3A_371 = arith.constant 0 : i32
      %dma_start3A_372 = arith.constant 0 : i32
      %dma_start3A_373 = tpu.memref_slice %arg10[%run_scoped3A_15, %dma_start3A_371, %dma_start3A_372] : memref<2x128x128xf32, #tpu.memory_space<vmem>> -> memref<1x128x128xf32, #tpu.memory_space<vmem>>
      %dma_start3A_374 = tpu.memref_squeeze %dma_start3A_373 : memref<1x128x128xf32, #tpu.memory_space<vmem>> -> memref<128x128xf32, #tpu.memory_space<vmem>>
      %dma_start3A_375 = arith.constant 0 : i32
      %dma_start3A_376 = tpu.memref_slice %arg11[%add3A_14, %dma_start3A_375] : memref<10240x128xf32, #tpu.memory_space<vmem_shared>> -> memref<128x128xf32, #tpu.memory_space<vmem_shared>>
      %dma_start3A_377 = arith.constant 0 : i32
      %dma_start3A_378 = tpu.memref_slice %arg11[%add3A_14, %dma_start3A_377] : memref<10240x128xf32, #tpu.memory_space<vmem_shared>> -> memref<128x128xf32, #tpu.memory_space<vmem_shared>>
      %dma_start3A_379 = arith.constant 0 : i32
      %dma_start3A_380 = arith.constant 0 : i32
      %dma_start3A_381 = tpu.memref_slice %arg10[%run_scoped3A_15, %dma_start3A_379, %dma_start3A_380] : memref<2x128x128xf32, #tpu.memory_space<vmem>> -> memref<1x128x128xf32, #tpu.memory_space<vmem>>
      %dma_start3A_382 = tpu.memref_squeeze %dma_start3A_381 : memref<1x128x128xf32, #tpu.memory_space<vmem>> -> memref<128x128xf32, #tpu.memory_space<vmem>>
      tpu.enqueue_dma source(%dma_start3A_382 : memref<128x128xf32, #tpu.memory_space<vmem>>) target(%dma_start3A_378 : memref<128x128xf32, #tpu.memory_space<vmem_shared>>) target_semaphore(%run_scoped3A_370 : memref<!tpu.dma_semaphore, #tpu.memory_space<semaphore_mem>>)
      %dma_wait3A_383 = arith.constant 0 : i32
      %dma_wait3A_384 = arith.constant 0 : i32
      %dma_wait3A_385 = tpu.memref_slice %arg10[%run_scoped3A_15, %dma_wait3A_383, %dma_wait3A_384] : memref<2x128x128xf32, #tpu.memory_space<vmem>> -> memref<1x128x128xf32, #tpu.memory_space<vmem>>
      %dma_wait3A_386 = tpu.memref_squeeze %dma_wait3A_385 : memref<1x128x128xf32, #tpu.memory_space<vmem>> -> memref<128x128xf32, #tpu.memory_space<vmem>>
      %dma_wait3A_387 = arith.constant 0 : i32
      %dma_wait3A_388 = tpu.memref_slice %arg11[%add3A_14, %dma_wait3A_387] : memref<10240x128xf32, #tpu.memory_space<vmem_shared>> -> memref<128x128xf32, #tpu.memory_space<vmem_shared>>
      %dma_wait3A_389 = arith.constant 0 : i32
      %dma_wait3A_390 = tpu.memref_slice %arg11[%add3A_14, %dma_wait3A_389] : memref<10240x128xf32, #tpu.memory_space<vmem_shared>> -> memref<128x128xf32, #tpu.memory_space<vmem_shared>>
      %dma_wait3A_391 = arith.constant 0 : i32
      %dma_wait3A_392 = arith.constant 0 : i32
      %dma_wait3A_393 = tpu.memref_slice %arg10[%run_scoped3A_15, %dma_wait3A_391, %dma_wait3A_392] : memref<2x128x128xf32, #tpu.memory_space<vmem>> -> memref<1x128x128xf32, #tpu.memory_space<vmem>>
      %dma_wait3A_394 = tpu.memref_squeeze %dma_wait3A_393 : memref<1x128x128xf32, #tpu.memory_space<vmem>> -> memref<128x128xf32, #tpu.memory_space<vmem>>
      tpu.wait_dma2 semaphore(%run_scoped3A_370 : memref<!tpu.dma_semaphore, #tpu.memory_space<semaphore_mem>>) src(%dma_wait3A_394 : memref<128x128xf32, #tpu.memory_space<vmem>>) dst(%dma_wait3A_390 : memref<128x128xf32, #tpu.memory_space<vmem_shared>>)
      tpu.yield
    }) : () -> ()
    %mul3A_16 = arith.constant 640 : i32
    %mul3A_17 = arith.muli %arg1, %mul3A_16 : i32
    %add3A_18 = arith.constant 384 : i32
    %add3A_19 = arith.addi %mul3A_17, %add3A_18 : i32
    %run_scoped3A_20 = arith.constant 0 : i32
    "tpu.region"() ({
      %run_scoped3A_370 = tpu.sem_alloc : memref<!tpu.dma_semaphore, #tpu.memory_space<semaphore_mem>>
      %dma_start3A_371 = arith.constant 0 : i32
      %dma_start3A_372 = arith.constant 0 : i32
      %dma_start3A_373 = tpu.memref_slice %arg10[%run_scoped3A_20, %dma_start3A_371, %dma_start3A_372] : memref<2x128x128xf32, #tpu.memory_space<vmem>> -> memref<1x128x128xf32, #tpu.memory_space<vmem>>
      %dma_start3A_374 = tpu.memref_squeeze %dma_start3A_373 : memref<1x128x128xf32, #tpu.memory_space<vmem>> -> memref<128x128xf32, #tpu.memory_space<vmem>>
      %dma_start3A_375 = arith.constant 0 : i32
      %dma_start3A_376 = tpu.memref_slice %arg11[%add3A_19, %dma_start3A_375] : memref<10240x128xf32, #tpu.memory_space<vmem_shared>> -> memref<128x128xf32, #tpu.memory_space<vmem_shared>>
      %dma_start3A_377 = arith.constant 0 : i32
      %dma_start3A_378 = tpu.memref_slice %arg11[%add3A_19, %dma_start3A_377] : memref<10240x128xf32, #tpu.memory_space<vmem_shared>> -> memref<128x128xf32, #tpu.memory_space<vmem_shared>>
      %dma_start3A_379 = arith.constant 0 : i32
      %dma_start3A_380 = arith.constant 0 : i32
      %dma_start3A_381 = tpu.memref_slice %arg10[%run_scoped3A_20, %dma_start3A_379, %dma_start3A_380] : memref<2x128x128xf32, #tpu.memory_space<vmem>> -> memref<1x128x128xf32, #tpu.memory_space<vmem>>
      %dma_start3A_382 = tpu.memref_squeeze %dma_start3A_381 : memref<1x128x128xf32, #tpu.memory_space<vmem>> -> memref<128x128xf32, #tpu.memory_space<vmem>>
      tpu.enqueue_dma source(%dma_start3A_382 : memref<128x128xf32, #tpu.memory_space<vmem>>) target(%dma_start3A_378 : memref<128x128xf32, #tpu.memory_space<vmem_shared>>) target_semaphore(%run_scoped3A_370 : memref<!tpu.dma_semaphore, #tpu.memory_space<semaphore_mem>>)
      %dma_wait3A_383 = arith.constant 0 : i32
      %dma_wait3A_384 = arith.constant 0 : i32
      %dma_wait3A_385 = tpu.memref_slice %arg10[%run_scoped3A_20, %dma_wait3A_383, %dma_wait3A_384] : memref<2x128x128xf32, #tpu.memory_space<vmem>> -> memref<1x128x128xf32, #tpu.memory_space<vmem>>
      %dma_wait3A_386 = tpu.memref_squeeze %dma_wait3A_385 : memref<1x128x128xf32, #tpu.memory_space<vmem>> -> memref<128x128xf32, #tpu.memory_space<vmem>>
      %dma_wait3A_387 = arith.constant 0 : i32
      %dma_wait3A_388 = tpu.memref_slice %arg11[%add3A_19, %dma_wait3A_387] : memref<10240x128xf32, #tpu.memory_space<vmem_shared>> -> memref<128x128xf32, #tpu.memory_space<vmem_shared>>
      %dma_wait3A_389 = arith.constant 0 : i32
      %dma_wait3A_390 = tpu.memref_slice %arg11[%add3A_19, %dma_wait3A_389] : memref<10240x128xf32, #tpu.memory_space<vmem_shared>> -> memref<128x128xf32, #tpu.memory_space<vmem_shared>>
      %dma_wait3A_391 = arith.constant 0 : i32
      %dma_wait3A_392 = arith.constant 0 : i32
      %dma_wait3A_393 = tpu.memref_slice %arg10[%run_scoped3A_20, %dma_wait3A_391, %dma_wait3A_392] : memref<2x128x128xf32, #tpu.memory_space<vmem>> -> memref<1x128x128xf32, #tpu.memory_space<vmem>>
      %dma_wait3A_394 = tpu.memref_squeeze %dma_wait3A_393 : memref<1x128x128xf32, #tpu.memory_space<vmem>> -> memref<128x128xf32, #tpu.memory_space<vmem>>
      tpu.wait_dma2 semaphore(%run_scoped3A_370 : memref<!tpu.dma_semaphore, #tpu.memory_space<semaphore_mem>>) src(%dma_wait3A_394 : memref<128x128xf32, #tpu.memory_space<vmem>>) dst(%dma_wait3A_390 : memref<128x128xf32, #tpu.memory_space<vmem_shared>>)
      tpu.yield
    }) : () -> ()
    %mul3A_21 = arith.constant 640 : i32
    %mul3A_22 = arith.muli %arg1, %mul3A_21 : i32
    %add3A_23 = arith.constant 512 : i32
    %add3A_24 = arith.addi %mul3A_22, %add3A_23 : i32
    %run_scoped3A_25 = arith.constant 0 : i32
    "tpu.region"() ({
      %run_scoped3A_370 = tpu.sem_alloc : memref<!tpu.dma_semaphore, #tpu.memory_space<semaphore_mem>>
      %dma_start3A_371 = arith.constant 0 : i32
      %dma_start3A_372 = arith.constant 0 : i32
      %dma_start3A_373 = tpu.memref_slice %arg10[%run_scoped3A_25, %dma_start3A_371, %dma_start3A_372] : memref<2x128x128xf32, #tpu.memory_space<vmem>> -> memref<1x128x128xf32, #tpu.memory_space<vmem>>
      %dma_start3A_374 = tpu.memref_squeeze %dma_start3A_373 : memref<1x128x128xf32, #tpu.memory_space<vmem>> -> memref<128x128xf32, #tpu.memory_space<vmem>>
      %dma_start3A_375 = arith.constant 0 : i32
      %dma_start3A_376 = tpu.memref_slice %arg11[%add3A_24, %dma_start3A_375] : memref<10240x128xf32, #tpu.memory_space<vmem_shared>> -> memref<128x128xf32, #tpu.memory_space<vmem_shared>>
      %dma_start3A_377 = arith.constant 0 : i32
      %dma_start3A_378 = tpu.memref_slice %arg11[%add3A_24, %dma_start3A_377] : memref<10240x128xf32, #tpu.memory_space<vmem_shared>> -> memref<128x128xf32, #tpu.memory_space<vmem_shared>>
      %dma_start3A_379 = arith.constant 0 : i32
      %dma_start3A_380 = arith.constant 0 : i32
      %dma_start3A_381 = tpu.memref_slice %arg10[%run_scoped3A_25, %dma_start3A_379, %dma_start3A_380] : memref<2x128x128xf32, #tpu.memory_space<vmem>> -> memref<1x128x128xf32, #tpu.memory_space<vmem>>
      %dma_start3A_382 = tpu.memref_squeeze %dma_start3A_381 : memref<1x128x128xf32, #tpu.memory_space<vmem>> -> memref<128x128xf32, #tpu.memory_space<vmem>>
      tpu.enqueue_dma source(%dma_start3A_382 : memref<128x128xf32, #tpu.memory_space<vmem>>) target(%dma_start3A_378 : memref<128x128xf32, #tpu.memory_space<vmem_shared>>) target_semaphore(%run_scoped3A_370 : memref<!tpu.dma_semaphore, #tpu.memory_space<semaphore_mem>>)
      %dma_wait3A_383 = arith.constant 0 : i32
      %dma_wait3A_384 = arith.constant 0 : i32
      %dma_wait3A_385 = tpu.memref_slice %arg10[%run_scoped3A_25, %dma_wait3A_383, %dma_wait3A_384] : memref<2x128x128xf32, #tpu.memory_space<vmem>> -> memref<1x128x128xf32, #tpu.memory_space<vmem>>
      %dma_wait3A_386 = tpu.memref_squeeze %dma_wait3A_385 : memref<1x128x128xf32, #tpu.memory_space<vmem>> -> memref<128x128xf32, #tpu.memory_space<vmem>>
      %dma_wait3A_387 = arith.constant 0 : i32
      %dma_wait3A_388 = tpu.memref_slice %arg11[%add3A_24, %dma_wait3A_387] : memref<10240x128xf32, #tpu.memory_space<vmem_shared>> -> memref<128x128xf32, #tpu.memory_space<vmem_shared>>
      %dma_wait3A_389 = arith.constant 0 : i32
      %dma_wait3A_390 = tpu.memref_slice %arg11[%add3A_24, %dma_wait3A_389] : memref<10240x128xf32, #tpu.memory_space<vmem_shared>> -> memref<128x128xf32, #tpu.memory_space<vmem_shared>>
      %dma_wait3A_391 = arith.constant 0 : i32
      %dma_wait3A_392 = arith.constant 0 : i32
      %dma_wait3A_393 = tpu.memref_slice %arg10[%run_scoped3A_25, %dma_wait3A_391, %dma_wait3A_392] : memref<2x128x128xf32, #tpu.memory_space<vmem>> -> memref<1x128x128xf32, #tpu.memory_space<vmem>>
      %dma_wait3A_394 = tpu.memref_squeeze %dma_wait3A_393 : memref<1x128x128xf32, #tpu.memory_space<vmem>> -> memref<128x128xf32, #tpu.memory_space<vmem>>
      tpu.wait_dma2 semaphore(%run_scoped3A_370 : memref<!tpu.dma_semaphore, #tpu.memory_space<semaphore_mem>>) src(%dma_wait3A_394 : memref<128x128xf32, #tpu.memory_space<vmem>>) dst(%dma_wait3A_390 : memref<128x128xf32, #tpu.memory_space<vmem_shared>>)
      tpu.yield
    }) : () -> ()
    %scan3A = arith.constant 0 : i32
    %scan3A_26 = arith.constant 0 : i32
    %scan3A_27 = arith.constant 80 : i32
    %scan3A_28 = arith.addi %scan3A_26, %scan3A_27 : i32
    %scan3A_29 = arith.constant 1 : i32
    scf.for %scan3A_370 = %scan3A_26 to %scan3A_28 step %scan3A_29  : i32 {
      %mul3A_371 = arith.constant 80 : i32
      %mul3A_372 = arith.muli %add3A, %mul3A_371 : i32
      %add3A_373 = arith.addi %mul3A_372, %scan3A_370 : i32
      %lt3A_374 = arith.constant 2500 : i32
      %lt3A_375 = arith.cmpi slt, %add3A_373, %lt3A_374 : i32
      %convert_element_type3A_376 = arith.extui %lt3A_375 : i1 to i32
      %cond3A_377 = arith.constant 0 : i32
      %cond3A_378 = arith.cmpi ne, %convert_element_type3A_376, %cond3A_377 : i32
      scf.if %cond3A_378 {
        %dma_start3A_384 = arith.constant 0 : i32
        %dma_start3A_385 = tpu.memref_slice %arg9[%scan3A_370, %dma_start3A_384] : memref<80x128xi32, #tpu.memory_space<vmem>> -> memref<1x128xi32, #tpu.memory_space<vmem>>
        %dma_start3A_386 = tpu.memref_squeeze %dma_start3A_385 : memref<1x128xi32, #tpu.memory_space<vmem>> -> memref<128xi32, #tpu.memory_space<vmem>>
        %dma_start3A_387 = arith.constant 0 : i32
        %dma_start3A_388 = tpu.memref_slice %arg4[%add3A_373, %dma_start3A_387] : memref<2500x128xi32, #tpu.memory_space<hbm>> -> memref<1x128xi32, #tpu.memory_space<hbm>>
        %dma_start3A_389 = tpu.memref_squeeze %dma_start3A_388 : memref<1x128xi32, #tpu.memory_space<hbm>> -> memref<128xi32, #tpu.memory_space<hbm>>
        %dma_start3A_390 = arith.constant 0 : i32
        %dma_start3A_391 = tpu.memref_slice %arg9[%scan3A_370, %dma_start3A_390] : memref<80x128xi32, #tpu.memory_space<vmem>> -> memref<1x128xi32, #tpu.memory_space<vmem>>
        %dma_start3A_392 = tpu.memref_squeeze %dma_start3A_391 : memref<1x128xi32, #tpu.memory_space<vmem>> -> memref<128xi32, #tpu.memory_space<vmem>>
        %dma_start3A_393 = arith.constant 0 : i32
        %dma_start3A_394 = tpu.memref_slice %arg4[%add3A_373, %dma_start3A_393] : memref<2500x128xi32, #tpu.memory_space<hbm>> -> memref<1x128xi32, #tpu.memory_space<hbm>>
        %dma_start3A_395 = tpu.memref_squeeze %dma_start3A_394 : memref<1x128xi32, #tpu.memory_space<hbm>> -> memref<128xi32, #tpu.memory_space<hbm>>
        tpu.enqueue_dma source(%dma_start3A_395 : memref<128xi32, #tpu.memory_space<hbm>>) target(%dma_start3A_392 : memref<128xi32, #tpu.memory_space<vmem>>) target_semaphore(%arg12 : memref<!tpu.dma_semaphore, #tpu.memory_space<semaphore_mem>>)
      } else {
      }
      %ge3A_379 = arith.constant 2500 : i32
      %ge3A_380 = arith.cmpi sge, %add3A_373, %ge3A_379 : i32
      %convert_element_type3A_381 = arith.extui %ge3A_380 : i1 to i32
      %cond3A_382 = arith.constant 0 : i32
      %cond3A_383 = arith.cmpi ne, %convert_element_type3A_381, %cond3A_382 : i32
      scf.if %cond3A_383 {
        %sub3A = arith.constant 2500 : i32
        %sub3A_384 = arith.subi %add3A_373, %sub3A : i32
        %dma_start3A_385 = arith.constant 0 : i32
        %dma_start3A_386 = tpu.memref_slice %arg9[%scan3A_370, %dma_start3A_385] : memref<80x128xi32, #tpu.memory_space<vmem>> -> memref<1x128xi32, #tpu.memory_space<vmem>>
        %dma_start3A_387 = tpu.memref_squeeze %dma_start3A_386 : memref<1x128xi32, #tpu.memory_space<vmem>> -> memref<128xi32, #tpu.memory_space<vmem>>
        %dma_start3A_388 = arith.constant 0 : i32
        %dma_start3A_389 = tpu.memref_slice %arg5[%sub3A_384, %dma_start3A_388] : memref<60x128xi32, #tpu.memory_space<hbm>> -> memref<1x128xi32, #tpu.memory_space<hbm>>
        %dma_start3A_390 = tpu.memref_squeeze %dma_start3A_389 : memref<1x128xi32, #tpu.memory_space<hbm>> -> memref<128xi32, #tpu.memory_space<hbm>>
        %dma_start3A_391 = arith.constant 0 : i32
        %dma_start3A_392 = tpu.memref_slice %arg9[%scan3A_370, %dma_start3A_391] : memref<80x128xi32, #tpu.memory_space<vmem>> -> memref<1x128xi32, #tpu.memory_space<vmem>>
        %dma_start3A_393 = tpu.memref_squeeze %dma_start3A_392 : memref<1x128xi32, #tpu.memory_space<vmem>> -> memref<128xi32, #tpu.memory_space<vmem>>
        %dma_start3A_394 = arith.constant 0 : i32
        %dma_start3A_395 = tpu.memref_slice %arg5[%sub3A_384, %dma_start3A_394] : memref<60x128xi32, #tpu.memory_space<hbm>> -> memref<1x128xi32, #tpu.memory_space<hbm>>
        %dma_start3A_396 = tpu.memref_squeeze %dma_start3A_395 : memref<1x128xi32, #tpu.memory_space<hbm>> -> memref<128xi32, #tpu.memory_space<hbm>>
        tpu.enqueue_dma source(%dma_start3A_396 : memref<128xi32, #tpu.memory_space<hbm>>) target(%dma_start3A_393 : memref<128xi32, #tpu.memory_space<vmem>>) target_semaphore(%arg12 : memref<!tpu.dma_semaphore, #tpu.memory_space<semaphore_mem>>)
      } else {
      }
    }
    %scan3A_30 = arith.constant 80 : i32
    %scan3A_31 = arith.constant 0 : i32
    %scan3A_32 = arith.constant 0 : i32
    %scan3A_33 = arith.constant 80 : i32
    %scan3A_34 = arith.addi %scan3A_32, %scan3A_33 : i32
    %scan3A_35 = arith.constant 1 : i32
    scf.for %scan3A_370 = %scan3A_32 to %scan3A_34 step %scan3A_35  : i32 {
      %dma_wait3A_371 = arith.constant 0 : i32
      %dma_wait3A_372 = arith.constant 0 : i32
      %dma_wait3A_373 = arith.constant 0 : i32
      %dma_wait3A_374 = tpu.memref_slice %arg9[%dma_wait3A_372, %dma_wait3A_373] : memref<80x128xi32, #tpu.memory_space<vmem>> -> memref<1x128xi32, #tpu.memory_space<vmem>>
      %dma_wait3A_375 = tpu.memref_squeeze %dma_wait3A_374 : memref<1x128xi32, #tpu.memory_space<vmem>> -> memref<128xi32, #tpu.memory_space<vmem>>
      %dma_wait3A_376 = arith.constant 0 : i32
      %dma_wait3A_377 = tpu.memref_slice %arg5[%dma_wait3A_371, %dma_wait3A_376] : memref<60x128xi32, #tpu.memory_space<hbm>> -> memref<1x128xi32, #tpu.memory_space<hbm>>
      %dma_wait3A_378 = tpu.memref_squeeze %dma_wait3A_377 : memref<1x128xi32, #tpu.memory_space<hbm>> -> memref<128xi32, #tpu.memory_space<hbm>>
      %dma_wait3A_379 = arith.constant 0 : i32
      %dma_wait3A_380 = tpu.memref_slice %arg9[%dma_wait3A_372, %dma_wait3A_379] : memref<80x128xi32, #tpu.memory_space<vmem>> -> memref<1x128xi32, #tpu.memory_space<vmem>>
      %dma_wait3A_381 = tpu.memref_squeeze %dma_wait3A_380 : memref<1x128xi32, #tpu.memory_space<vmem>> -> memref<128xi32, #tpu.memory_space<vmem>>
      %dma_wait3A_382 = arith.constant 0 : i32
      %dma_wait3A_383 = tpu.memref_slice %arg5[%dma_wait3A_371, %dma_wait3A_382] : memref<60x128xi32, #tpu.memory_space<hbm>> -> memref<1x128xi32, #tpu.memory_space<hbm>>
      %dma_wait3A_384 = tpu.memref_squeeze %dma_wait3A_383 : memref<1x128xi32, #tpu.memory_space<hbm>> -> memref<128xi32, #tpu.memory_space<hbm>>
      tpu.wait_dma2 semaphore(%arg12 : memref<!tpu.dma_semaphore, #tpu.memory_space<semaphore_mem>>) src(%dma_wait3A_384 : memref<128xi32, #tpu.memory_space<hbm>>) dst(%dma_wait3A_381 : memref<128xi32, #tpu.memory_space<vmem>>)
    }
    %scan3A_36 = arith.constant 80 : i32
    %barrier3A = arith.constant 0 : index
    tpu.barrier barrier_id(%barrier3A)
    %mul3A_37 = arith.constant 80 : i32
    %mul3A_38 = arith.muli %add3A, %mul3A_37 : i32
    %add3A_39 = arith.constant 0 : i32
    %add3A_40 = arith.addi %mul3A_38, %add3A_39 : i32
    %lt3A = arith.constant 2500 : i32
    %lt3A_41 = arith.cmpi slt, %add3A_40, %lt3A : i32
    %convert_element_type3A = arith.extui %lt3A_41 : i1 to i32
    %cond3A = arith.constant 0 : i32
    %cond3A_42 = arith.cmpi ne, %convert_element_type3A, %cond3A : i32
    scf.if %cond3A_42 {
      %dma_start3A_370 = arith.constant 0 : i32
      %dma_start3A_371 = arith.constant 0 : i32
      %dma_start3A_372 = tpu.memref_slice %arg8[%dma_start3A_370, %dma_start3A_371] : memref<2x128xi32, #tpu.memory_space<vmem>> -> memref<1x128xi32, #tpu.memory_space<vmem>>
      %dma_start3A_373 = tpu.memref_squeeze %dma_start3A_372 : memref<1x128xi32, #tpu.memory_space<vmem>> -> memref<128xi32, #tpu.memory_space<vmem>>
      %dma_start3A_374 = arith.constant 0 : i32
      %dma_start3A_375 = tpu.memref_slice %arg3[%add3A_40, %dma_start3A_374] : memref<2500x128xi32, #tpu.memory_space<hbm>> -> memref<1x128xi32, #tpu.memory_space<hbm>>
      %dma_start3A_376 = tpu.memref_squeeze %dma_start3A_375 : memref<1x128xi32, #tpu.memory_space<hbm>> -> memref<128xi32, #tpu.memory_space<hbm>>
      %dma_start3A_377 = arith.constant 0 : i32
      %dma_start3A_378 = tpu.memref_slice %arg8[%dma_start3A_370, %dma_start3A_377] : memref<2x128xi32, #tpu.memory_space<vmem>> -> memref<1x128xi32, #tpu.memory_space<vmem>>
      %dma_start3A_379 = tpu.memref_squeeze %dma_start3A_378 : memref<1x128xi32, #tpu.memory_space<vmem>> -> memref<128xi32, #tpu.memory_space<vmem>>
      %dma_start3A_380 = arith.constant 0 : i32
      %dma_start3A_381 = tpu.memref_slice %arg3[%add3A_40, %dma_start3A_380] : memref<2500x128xi32, #tpu.memory_space<hbm>> -> memref<1x128xi32, #tpu.memory_space<hbm>>
      %dma_start3A_382 = tpu.memref_squeeze %dma_start3A_381 : memref<1x128xi32, #tpu.memory_space<hbm>> -> memref<128xi32, #tpu.memory_space<hbm>>
      tpu.enqueue_dma source(%dma_start3A_382 : memref<128xi32, #tpu.memory_space<hbm>>) target(%dma_start3A_379 : memref<128xi32, #tpu.memory_space<vmem>>) target_semaphore(%arg15 : memref<!tpu.dma_semaphore, #tpu.memory_space<semaphore_mem>>)
    } else {
    }
    %ge3A = arith.constant 2500 : i32
    %ge3A_43 = arith.cmpi sge, %add3A_40, %ge3A : i32
    %convert_element_type3A_44 = arith.extui %ge3A_43 : i1 to i32
    %cond3A_45 = arith.constant 0 : i32
    %cond3A_46 = arith.cmpi ne, %convert_element_type3A_44, %cond3A_45 : i32
    scf.if %cond3A_46 {
      %sub3A = arith.constant 2500 : i32
      %sub3A_370 = arith.subi %add3A_40, %sub3A : i32
      %dma_start3A_371 = arith.constant 0 : i32
      %dma_start3A_372 = arith.constant 0 : i32
      %dma_start3A_373 = tpu.memref_slice %arg8[%dma_start3A_371, %dma_start3A_372] : memref<2x128xi32, #tpu.memory_space<vmem>> -> memref<1x128xi32, #tpu.memory_space<vmem>>
      %dma_start3A_374 = tpu.memref_squeeze %dma_start3A_373 : memref<1x128xi32, #tpu.memory_space<vmem>> -> memref<128xi32, #tpu.memory_space<vmem>>
      %dma_start3A_375 = arith.constant 0 : i32
      %dma_start3A_376 = tpu.memref_slice %arg5[%sub3A_370, %dma_start3A_375] : memref<60x128xi32, #tpu.memory_space<hbm>> -> memref<1x128xi32, #tpu.memory_space<hbm>>
      %dma_start3A_377 = tpu.memref_squeeze %dma_start3A_376 : memref<1x128xi32, #tpu.memory_space<hbm>> -> memref<128xi32, #tpu.memory_space<hbm>>
      %dma_start3A_378 = arith.constant 0 : i32
      %dma_start3A_379 = tpu.memref_slice %arg8[%dma_start3A_371, %dma_start3A_378] : memref<2x128xi32, #tpu.memory_space<vmem>> -> memref<1x128xi32, #tpu.memory_space<vmem>>
      %dma_start3A_380 = tpu.memref_squeeze %dma_start3A_379 : memref<1x128xi32, #tpu.memory_space<vmem>> -> memref<128xi32, #tpu.memory_space<vmem>>
      %dma_start3A_381 = arith.constant 0 : i32
      %dma_start3A_382 = tpu.memref_slice %arg5[%sub3A_370, %dma_start3A_381] : memref<60x128xi32, #tpu.memory_space<hbm>> -> memref<1x128xi32, #tpu.memory_space<hbm>>
      %dma_start3A_383 = tpu.memref_squeeze %dma_start3A_382 : memref<1x128xi32, #tpu.memory_space<hbm>> -> memref<128xi32, #tpu.memory_space<hbm>>
      tpu.enqueue_dma source(%dma_start3A_383 : memref<128xi32, #tpu.memory_space<hbm>>) target(%dma_start3A_380 : memref<128xi32, #tpu.memory_space<vmem>>) target_semaphore(%arg15 : memref<!tpu.dma_semaphore, #tpu.memory_space<semaphore_mem>>)
    } else {
    }
    %dma_wait3A = arith.constant 0 : i32
    %dma_wait3A_47 = arith.constant 0 : i32
    %dma_wait3A_48 = arith.constant 0 : i32
    %dma_wait3A_49 = tpu.memref_slice %arg8[%dma_wait3A_47, %dma_wait3A_48] : memref<2x128xi32, #tpu.memory_space<vmem>> -> memref<1x128xi32, #tpu.memory_space<vmem>>
    %dma_wait3A_50 = tpu.memref_squeeze %dma_wait3A_49 : memref<1x128xi32, #tpu.memory_space<vmem>> -> memref<128xi32, #tpu.memory_space<vmem>>
    %dma_wait3A_51 = arith.constant 0 : i32
    %dma_wait3A_52 = tpu.memref_slice %arg5[%dma_wait3A, %dma_wait3A_51] : memref<60x128xi32, #tpu.memory_space<hbm>> -> memref<1x128xi32, #tpu.memory_space<hbm>>
    %dma_wait3A_53 = tpu.memref_squeeze %dma_wait3A_52 : memref<1x128xi32, #tpu.memory_space<hbm>> -> memref<128xi32, #tpu.memory_space<hbm>>
    %dma_wait3A_54 = arith.constant 0 : i32
    %dma_wait3A_55 = tpu.memref_slice %arg8[%dma_wait3A_47, %dma_wait3A_54] : memref<2x128xi32, #tpu.memory_space<vmem>> -> memref<1x128xi32, #tpu.memory_space<vmem>>
    %dma_wait3A_56 = tpu.memref_squeeze %dma_wait3A_55 : memref<1x128xi32, #tpu.memory_space<vmem>> -> memref<128xi32, #tpu.memory_space<vmem>>
    %dma_wait3A_57 = arith.constant 0 : i32
    %dma_wait3A_58 = tpu.memref_slice %arg5[%dma_wait3A, %dma_wait3A_57] : memref<60x128xi32, #tpu.memory_space<hbm>> -> memref<1x128xi32, #tpu.memory_space<hbm>>
    %dma_wait3A_59 = tpu.memref_squeeze %dma_wait3A_58 : memref<1x128xi32, #tpu.memory_space<hbm>> -> memref<128xi32, #tpu.memory_space<hbm>>
    tpu.wait_dma2 semaphore(%arg15 : memref<!tpu.dma_semaphore, #tpu.memory_space<semaphore_mem>>) src(%dma_wait3A_59 : memref<128xi32, #tpu.memory_space<hbm>>) dst(%dma_wait3A_56 : memref<128xi32, #tpu.memory_space<vmem>>)
    %dma_start3A = arith.constant 0 : i32
    %dma_start3A_60 = arith.constant 0 : i32
    %dma_start3A_61 = arith.constant 0 : i32
    %dma_start3A_62 = arith.constant 0 : i32
    %dma_start3A_63 = tpu.memref_slice %arg10[%dma_start3A_60, %dma_start3A_61, %dma_start3A_62] : memref<2x128x128xf32, #tpu.memory_space<vmem>> -> memref<1x128x128xf32, #tpu.memory_space<vmem>>
    %dma_start3A_64 = tpu.memref_squeeze %dma_start3A_63 : memref<1x128x128xf32, #tpu.memory_space<vmem>> -> memref<128x128xf32, #tpu.memory_space<vmem>>
    %dma_start3A_65 = arith.constant 0 : i32
    %dma_start3A_66 = tpu.memref_slice %arg8[%dma_start3A, %dma_start3A_65] : memref<2x128xi32, #tpu.memory_space<vmem>> -> memref<1x128xi32, #tpu.memory_space<vmem>>
    %dma_start3A_67 = tpu.memref_squeeze %dma_start3A_66 : memref<1x128xi32, #tpu.memory_space<vmem>> -> memref<128xi32, #tpu.memory_space<vmem>>
    %dma_start3A_68 = arith.constant 0 : i32
    %dma_start3A_69 = arith.constant 0 : i32
    %dma_start3A_70 = tpu.memref_slice %arg2[%dma_start3A_68, %dma_start3A_69] : memref<10240x128xf32, #tpu.memory_space<hbm>> -> memref<10240x128xf32, #tpu.memory_space<hbm>>
    tpu.enqueue_indirect_dma source(%dma_start3A_70 : memref<10240x128xf32, #tpu.memory_space<hbm>>) target(%dma_start3A_64 : memref<128x128xf32, #tpu.memory_space<vmem>>) offsets(%dma_start3A_67 : memref<128xi32, #tpu.memory_space<vmem>>) semaphore(%arg12 : memref<!tpu.dma_semaphore, #tpu.memory_space<semaphore_mem>>)
    %mul3A_71 = arith.constant 80 : i32
    %mul3A_72 = arith.muli %add3A, %mul3A_71 : i32
    %add3A_73 = arith.constant 1 : i32
    %add3A_74 = arith.addi %mul3A_72, %add3A_73 : i32
    %lt3A_75 = arith.constant 2500 : i32
    %lt3A_76 = arith.cmpi slt, %add3A_74, %lt3A_75 : i32
    %convert_element_type3A_77 = arith.extui %lt3A_76 : i1 to i32
    %cond3A_78 = arith.constant 0 : i32
    %cond3A_79 = arith.cmpi ne, %convert_element_type3A_77, %cond3A_78 : i32
    scf.if %cond3A_79 {
      %dma_start3A_370 = arith.constant 1 : i32
      %dma_start3A_371 = arith.constant 0 : i32
      %dma_start3A_372 = tpu.memref_slice %arg8[%dma_start3A_370, %dma_start3A_371] : memref<2x128xi32, #tpu.memory_space<vmem>> -> memref<1x128xi32, #tpu.memory_space<vmem>>
      %dma_start3A_373 = tpu.memref_squeeze %dma_start3A_372 : memref<1x128xi32, #tpu.memory_space<vmem>> -> memref<128xi32, #tpu.memory_space<vmem>>
      %dma_start3A_374 = arith.constant 0 : i32
      %dma_start3A_375 = tpu.memref_slice %arg3[%add3A_74, %dma_start3A_374] : memref<2500x128xi32, #tpu.memory_space<hbm>> -> memref<1x128xi32, #tpu.memory_space<hbm>>
      %dma_start3A_376 = tpu.memref_squeeze %dma_start3A_375 : memref<1x128xi32, #tpu.memory_space<hbm>> -> memref<128xi32, #tpu.memory_space<hbm>>
      %dma_start3A_377 = arith.constant 0 : i32
      %dma_start3A_378 = tpu.memref_slice %arg8[%dma_start3A_370, %dma_start3A_377] : memref<2x128xi32, #tpu.memory_space<vmem>> -> memref<1x128xi32, #tpu.memory_space<vmem>>
      %dma_start3A_379 = tpu.memref_squeeze %dma_start3A_378 : memref<1x128xi32, #tpu.memory_space<vmem>> -> memref<128xi32, #tpu.memory_space<vmem>>
      %dma_start3A_380 = arith.constant 0 : i32
      %dma_start3A_381 = tpu.memref_slice %arg3[%add3A_74, %dma_start3A_380] : memref<2500x128xi32, #tpu.memory_space<hbm>> -> memref<1x128xi32, #tpu.memory_space<hbm>>
      %dma_start3A_382 = tpu.memref_squeeze %dma_start3A_381 : memref<1x128xi32, #tpu.memory_space<hbm>> -> memref<128xi32, #tpu.memory_space<hbm>>
      tpu.enqueue_dma source(%dma_start3A_382 : memref<128xi32, #tpu.memory_space<hbm>>) target(%dma_start3A_379 : memref<128xi32, #tpu.memory_space<vmem>>) target_semaphore(%arg16 : memref<!tpu.dma_semaphore, #tpu.memory_space<semaphore_mem>>)
    } else {
    }
    %ge3A_80 = arith.constant 2500 : i32
    %ge3A_81 = arith.cmpi sge, %add3A_74, %ge3A_80 : i32
    %convert_element_type3A_82 = arith.extui %ge3A_81 : i1 to i32
    %cond3A_83 = arith.constant 0 : i32
    %cond3A_84 = arith.cmpi ne, %convert_element_type3A_82, %cond3A_83 : i32
    scf.if %cond3A_84 {
      %sub3A = arith.constant 2500 : i32
      %sub3A_370 = arith.subi %add3A_74, %sub3A : i32
      %dma_start3A_371 = arith.constant 1 : i32
      %dma_start3A_372 = arith.constant 0 : i32
      %dma_start3A_373 = tpu.memref_slice %arg8[%dma_start3A_371, %dma_start3A_372] : memref<2x128xi32, #tpu.memory_space<vmem>> -> memref<1x128xi32, #tpu.memory_space<vmem>>
      %dma_start3A_374 = tpu.memref_squeeze %dma_start3A_373 : memref<1x128xi32, #tpu.memory_space<vmem>> -> memref<128xi32, #tpu.memory_space<vmem>>
      %dma_start3A_375 = arith.constant 0 : i32
      %dma_start3A_376 = tpu.memref_slice %arg5[%sub3A_370, %dma_start3A_375] : memref<60x128xi32, #tpu.memory_space<hbm>> -> memref<1x128xi32, #tpu.memory_space<hbm>>
      %dma_start3A_377 = tpu.memref_squeeze %dma_start3A_376 : memref<1x128xi32, #tpu.memory_space<hbm>> -> memref<128xi32, #tpu.memory_space<hbm>>
      %dma_start3A_378 = arith.constant 0 : i32
      %dma_start3A_379 = tpu.memref_slice %arg8[%dma_start3A_371, %dma_start3A_378] : memref<2x128xi32, #tpu.memory_space<vmem>> -> memref<1x128xi32, #tpu.memory_space<vmem>>
      %dma_start3A_380 = tpu.memref_squeeze %dma_start3A_379 : memref<1x128xi32, #tpu.memory_space<vmem>> -> memref<128xi32, #tpu.memory_space<vmem>>
      %dma_start3A_381 = arith.constant 0 : i32
      %dma_start3A_382 = tpu.memref_slice %arg5[%sub3A_370, %dma_start3A_381] : memref<60x128xi32, #tpu.memory_space<hbm>> -> memref<1x128xi32, #tpu.memory_space<hbm>>
      %dma_start3A_383 = tpu.memref_squeeze %dma_start3A_382 : memref<1x128xi32, #tpu.memory_space<hbm>> -> memref<128xi32, #tpu.memory_space<hbm>>
      tpu.enqueue_dma source(%dma_start3A_383 : memref<128xi32, #tpu.memory_space<hbm>>) target(%dma_start3A_380 : memref<128xi32, #tpu.memory_space<vmem>>) target_semaphore(%arg16 : memref<!tpu.dma_semaphore, #tpu.memory_space<semaphore_mem>>)
    } else {
    }
    %dma_wait3A_85 = arith.constant 0 : i32
    %dma_wait3A_86 = arith.constant 0 : i32
    %dma_wait3A_87 = arith.constant 0 : i32
    %dma_wait3A_88 = tpu.memref_slice %arg10[%dma_wait3A_85, %dma_wait3A_86, %dma_wait3A_87] : memref<2x128x128xf32, #tpu.memory_space<vmem>> -> memref<1x128x128xf32, #tpu.memory_space<vmem>>
    %dma_wait3A_89 = tpu.memref_squeeze %dma_wait3A_88 : memref<1x128x128xf32, #tpu.memory_space<vmem>> -> memref<128x128xf32, #tpu.memory_space<vmem>>
    %dma_wait3A_90 = arith.constant 0 : i32
    %dma_wait3A_91 = arith.constant 0 : i32
    %dma_wait3A_92 = tpu.memref_slice %arg2[%dma_wait3A_90, %dma_wait3A_91] : memref<10240x128xf32, #tpu.memory_space<hbm>> -> memref<128x128xf32, #tpu.memory_space<hbm>>
    %dma_wait3A_93 = arith.constant 0 : i32
    %dma_wait3A_94 = arith.constant 0 : i32
    %dma_wait3A_95 = tpu.memref_slice %arg10[%dma_wait3A_85, %dma_wait3A_93, %dma_wait3A_94] : memref<2x128x128xf32, #tpu.memory_space<vmem>> -> memref<1x128x128xf32, #tpu.memory_space<vmem>>
    %dma_wait3A_96 = tpu.memref_squeeze %dma_wait3A_95 : memref<1x128x128xf32, #tpu.memory_space<vmem>> -> memref<128x128xf32, #tpu.memory_space<vmem>>
    %dma_wait3A_97 = arith.constant 0 : i32
    %dma_wait3A_98 = arith.constant 0 : i32
    %dma_wait3A_99 = tpu.memref_slice %arg2[%dma_wait3A_97, %dma_wait3A_98] : memref<10240x128xf32, #tpu.memory_space<hbm>> -> memref<128x128xf32, #tpu.memory_space<hbm>>
    tpu.wait_dma2 semaphore(%arg12 : memref<!tpu.dma_semaphore, #tpu.memory_space<semaphore_mem>>) src(%dma_wait3A_99 : memref<128x128xf32, #tpu.memory_space<hbm>>) dst(%dma_wait3A_96 : memref<128x128xf32, #tpu.memory_space<vmem>>)
    %mul3A_100 = arith.constant 80 : i32
    %mul3A_101 = arith.muli %add3A, %mul3A_100 : i32
    %add3A_102 = arith.constant 2 : i32
    %add3A_103 = arith.addi %mul3A_101, %add3A_102 : i32
    %lt3A_104 = arith.constant 2500 : i32
    %lt3A_105 = arith.cmpi slt, %add3A_103, %lt3A_104 : i32
    %convert_element_type3A_106 = arith.extui %lt3A_105 : i1 to i32
    %cond3A_107 = arith.constant 0 : i32
    %cond3A_108 = arith.cmpi ne, %convert_element_type3A_106, %cond3A_107 : i32
    scf.if %cond3A_108 {
      %dma_start3A_370 = arith.constant 0 : i32
      %dma_start3A_371 = arith.constant 0 : i32
      %dma_start3A_372 = tpu.memref_slice %arg8[%dma_start3A_370, %dma_start3A_371] : memref<2x128xi32, #tpu.memory_space<vmem>> -> memref<1x128xi32, #tpu.memory_space<vmem>>
      %dma_start3A_373 = tpu.memref_squeeze %dma_start3A_372 : memref<1x128xi32, #tpu.memory_space<vmem>> -> memref<128xi32, #tpu.memory_space<vmem>>
      %dma_start3A_374 = arith.constant 0 : i32
      %dma_start3A_375 = tpu.memref_slice %arg3[%add3A_103, %dma_start3A_374] : memref<2500x128xi32, #tpu.memory_space<hbm>> -> memref<1x128xi32, #tpu.memory_space<hbm>>
      %dma_start3A_376 = tpu.memref_squeeze %dma_start3A_375 : memref<1x128xi32, #tpu.memory_space<hbm>> -> memref<128xi32, #tpu.memory_space<hbm>>
      %dma_start3A_377 = arith.constant 0 : i32
      %dma_start3A_378 = tpu.memref_slice %arg8[%dma_start3A_370, %dma_start3A_377] : memref<2x128xi32, #tpu.memory_space<vmem>> -> memref<1x128xi32, #tpu.memory_space<vmem>>
      %dma_start3A_379 = tpu.memref_squeeze %dma_start3A_378 : memref<1x128xi32, #tpu.memory_space<vmem>> -> memref<128xi32, #tpu.memory_space<vmem>>
      %dma_start3A_380 = arith.constant 0 : i32
      %dma_start3A_381 = tpu.memref_slice %arg3[%add3A_103, %dma_start3A_380] : memref<2500x128xi32, #tpu.memory_space<hbm>> -> memref<1x128xi32, #tpu.memory_space<hbm>>
      %dma_start3A_382 = tpu.memref_squeeze %dma_start3A_381 : memref<1x128xi32, #tpu.memory_space<hbm>> -> memref<128xi32, #tpu.memory_space<hbm>>
      tpu.enqueue_dma source(%dma_start3A_382 : memref<128xi32, #tpu.memory_space<hbm>>) target(%dma_start3A_379 : memref<128xi32, #tpu.memory_space<vmem>>) target_semaphore(%arg15 : memref<!tpu.dma_semaphore, #tpu.memory_space<semaphore_mem>>)
    } else {
    }
    %ge3A_109 = arith.constant 2500 : i32
    %ge3A_110 = arith.cmpi sge, %add3A_103, %ge3A_109 : i32
    %convert_element_type3A_111 = arith.extui %ge3A_110 : i1 to i32
    %cond3A_112 = arith.constant 0 : i32
    %cond3A_113 = arith.cmpi ne, %convert_element_type3A_111, %cond3A_112 : i32
    scf.if %cond3A_113 {
      %sub3A = arith.constant 2500 : i32
      %sub3A_370 = arith.subi %add3A_103, %sub3A : i32
      %dma_start3A_371 = arith.constant 0 : i32
      %dma_start3A_372 = arith.constant 0 : i32
      %dma_start3A_373 = tpu.memref_slice %arg8[%dma_start3A_371, %dma_start3A_372] : memref<2x128xi32, #tpu.memory_space<vmem>> -> memref<1x128xi32, #tpu.memory_space<vmem>>
      %dma_start3A_374 = tpu.memref_squeeze %dma_start3A_373 : memref<1x128xi32, #tpu.memory_space<vmem>> -> memref<128xi32, #tpu.memory_space<vmem>>
      %dma_start3A_375 = arith.constant 0 : i32
      %dma_start3A_376 = tpu.memref_slice %arg5[%sub3A_370, %dma_start3A_375] : memref<60x128xi32, #tpu.memory_space<hbm>> -> memref<1x128xi32, #tpu.memory_space<hbm>>
      %dma_start3A_377 = tpu.memref_squeeze %dma_start3A_376 : memref<1x128xi32, #tpu.memory_space<hbm>> -> memref<128xi32, #tpu.memory_space<hbm>>
      %dma_start3A_378 = arith.constant 0 : i32
      %dma_start3A_379 = tpu.memref_slice %arg8[%dma_start3A_371, %dma_start3A_378] : memref<2x128xi32, #tpu.memory_space<vmem>> -> memref<1x128xi32, #tpu.memory_space<vmem>>
      %dma_start3A_380 = tpu.memref_squeeze %dma_start3A_379 : memref<1x128xi32, #tpu.memory_space<vmem>> -> memref<128xi32, #tpu.memory_space<vmem>>
      %dma_start3A_381 = arith.constant 0 : i32
      %dma_start3A_382 = tpu.memref_slice %arg5[%sub3A_370, %dma_start3A_381] : memref<60x128xi32, #tpu.memory_space<hbm>> -> memref<1x128xi32, #tpu.memory_space<hbm>>
      %dma_start3A_383 = tpu.memref_squeeze %dma_start3A_382 : memref<1x128xi32, #tpu.memory_space<hbm>> -> memref<128xi32, #tpu.memory_space<hbm>>
      tpu.enqueue_dma source(%dma_start3A_383 : memref<128xi32, #tpu.memory_space<hbm>>) target(%dma_start3A_380 : memref<128xi32, #tpu.memory_space<vmem>>) target_semaphore(%arg15 : memref<!tpu.dma_semaphore, #tpu.memory_space<semaphore_mem>>)
    } else {
    }
    %dma_wait3A_114 = arith.constant 0 : i32
    %dma_wait3A_115 = arith.constant 1 : i32
    %dma_wait3A_116 = arith.constant 0 : i32
    %dma_wait3A_117 = tpu.memref_slice %arg8[%dma_wait3A_115, %dma_wait3A_116] : memref<2x128xi32, #tpu.memory_space<vmem>> -> memref<1x128xi32, #tpu.memory_space<vmem>>
    %dma_wait3A_118 = tpu.memref_squeeze %dma_wait3A_117 : memref<1x128xi32, #tpu.memory_space<vmem>> -> memref<128xi32, #tpu.memory_space<vmem>>
    %dma_wait3A_119 = arith.constant 0 : i32
    %dma_wait3A_120 = tpu.memref_slice %arg5[%dma_wait3A_114, %dma_wait3A_119] : memref<60x128xi32, #tpu.memory_space<hbm>> -> memref<1x128xi32, #tpu.memory_space<hbm>>
    %dma_wait3A_121 = tpu.memref_squeeze %dma_wait3A_120 : memref<1x128xi32, #tpu.memory_space<hbm>> -> memref<128xi32, #tpu.memory_space<hbm>>
    %dma_wait3A_122 = arith.constant 0 : i32
    %dma_wait3A_123 = tpu.memref_slice %arg8[%dma_wait3A_115, %dma_wait3A_122] : memref<2x128xi32, #tpu.memory_space<vmem>> -> memref<1x128xi32, #tpu.memory_space<vmem>>
    %dma_wait3A_124 = tpu.memref_squeeze %dma_wait3A_123 : memref<1x128xi32, #tpu.memory_space<vmem>> -> memref<128xi32, #tpu.memory_space<vmem>>
    %dma_wait3A_125 = arith.constant 0 : i32
    %dma_wait3A_126 = tpu.memref_slice %arg5[%dma_wait3A_114, %dma_wait3A_125] : memref<60x128xi32, #tpu.memory_space<hbm>> -> memref<1x128xi32, #tpu.memory_space<hbm>>
    %dma_wait3A_127 = tpu.memref_squeeze %dma_wait3A_126 : memref<1x128xi32, #tpu.memory_space<hbm>> -> memref<128xi32, #tpu.memory_space<hbm>>
    tpu.wait_dma2 semaphore(%arg16 : memref<!tpu.dma_semaphore, #tpu.memory_space<semaphore_mem>>) src(%dma_wait3A_127 : memref<128xi32, #tpu.memory_space<hbm>>) dst(%dma_wait3A_124 : memref<128xi32, #tpu.memory_space<vmem>>)
    %dma_start3A_128 = arith.constant 1 : i32
    %dma_start3A_129 = arith.constant 1 : i32
    %dma_start3A_130 = arith.constant 0 : i32
    %dma_start3A_131 = arith.constant 0 : i32
    %dma_start3A_132 = tpu.memref_slice %arg10[%dma_start3A_129, %dma_start3A_130, %dma_start3A_131] : memref<2x128x128xf32, #tpu.memory_space<vmem>> -> memref<1x128x128xf32, #tpu.memory_space<vmem>>
    %dma_start3A_133 = tpu.memref_squeeze %dma_start3A_132 : memref<1x128x128xf32, #tpu.memory_space<vmem>> -> memref<128x128xf32, #tpu.memory_space<vmem>>
    %dma_start3A_134 = arith.constant 0 : i32
    %dma_start3A_135 = tpu.memref_slice %arg8[%dma_start3A_128, %dma_start3A_134] : memref<2x128xi32, #tpu.memory_space<vmem>> -> memref<1x128xi32, #tpu.memory_space<vmem>>
    %dma_start3A_136 = tpu.memref_squeeze %dma_start3A_135 : memref<1x128xi32, #tpu.memory_space<vmem>> -> memref<128xi32, #tpu.memory_space<vmem>>
    %dma_start3A_137 = arith.constant 0 : i32
    %dma_start3A_138 = arith.constant 0 : i32
    %dma_start3A_139 = tpu.memref_slice %arg2[%dma_start3A_137, %dma_start3A_138] : memref<10240x128xf32, #tpu.memory_space<hbm>> -> memref<10240x128xf32, #tpu.memory_space<hbm>>
    tpu.enqueue_indirect_dma source(%dma_start3A_139 : memref<10240x128xf32, #tpu.memory_space<hbm>>) target(%dma_start3A_133 : memref<128x128xf32, #tpu.memory_space<vmem>>) offsets(%dma_start3A_136 : memref<128xi32, #tpu.memory_space<vmem>>) semaphore(%arg12 : memref<!tpu.dma_semaphore, #tpu.memory_space<semaphore_mem>>)
    %dma_start3A_140 = arith.constant 0 : i32
    %dma_start3A_141 = arith.constant 0 : i32
    %dma_start3A_142 = arith.constant 0 : i32
    %dma_start3A_143 = arith.constant 0 : i32
    %dma_start3A_144 = tpu.memref_slice %arg10[%dma_start3A_140, %dma_start3A_142, %dma_start3A_143] : memref<2x128x128xf32, #tpu.memory_space<vmem>> -> memref<1x128x128xf32, #tpu.memory_space<vmem>>
    %dma_start3A_145 = tpu.memref_squeeze %dma_start3A_144 : memref<1x128x128xf32, #tpu.memory_space<vmem>> -> memref<128x128xf32, #tpu.memory_space<vmem>>
    %dma_start3A_146 = arith.constant 0 : i32
    %dma_start3A_147 = tpu.memref_slice %arg9[%dma_start3A_141, %dma_start3A_146] : memref<80x128xi32, #tpu.memory_space<vmem>> -> memref<1x128xi32, #tpu.memory_space<vmem>>
    %dma_start3A_148 = tpu.memref_squeeze %dma_start3A_147 : memref<1x128xi32, #tpu.memory_space<vmem>> -> memref<128xi32, #tpu.memory_space<vmem>>
    %dma_start3A_149 = arith.constant 0 : i32
    %dma_start3A_150 = arith.constant 0 : i32
    %dma_start3A_151 = tpu.memref_slice %arg11[%dma_start3A_149, %dma_start3A_150] : memref<10240x128xf32, #tpu.memory_space<vmem_shared>> -> memref<10240x128xf32, #tpu.memory_space<vmem_shared>>
    tpu.enqueue_indirect_dma source(%dma_start3A_145 : memref<128x128xf32, #tpu.memory_space<vmem>>) target(%dma_start3A_151 : memref<10240x128xf32, #tpu.memory_space<vmem_shared>>) offsets(%dma_start3A_148 : memref<128xi32, #tpu.memory_space<vmem>>) semaphore(%arg13 : memref<!tpu.dma_semaphore, #tpu.memory_space<semaphore_mem>>) {add = true}
    %dma_wait3A_152 = arith.constant 1 : i32
    %dma_wait3A_153 = arith.constant 0 : i32
    %dma_wait3A_154 = arith.constant 0 : i32
    %dma_wait3A_155 = tpu.memref_slice %arg10[%dma_wait3A_152, %dma_wait3A_153, %dma_wait3A_154] : memref<2x128x128xf32, #tpu.memory_space<vmem>> -> memref<1x128x128xf32, #tpu.memory_space<vmem>>
    %dma_wait3A_156 = tpu.memref_squeeze %dma_wait3A_155 : memref<1x128x128xf32, #tpu.memory_space<vmem>> -> memref<128x128xf32, #tpu.memory_space<vmem>>
    %dma_wait3A_157 = arith.constant 0 : i32
    %dma_wait3A_158 = arith.constant 0 : i32
    %dma_wait3A_159 = tpu.memref_slice %arg2[%dma_wait3A_157, %dma_wait3A_158] : memref<10240x128xf32, #tpu.memory_space<hbm>> -> memref<128x128xf32, #tpu.memory_space<hbm>>
    %dma_wait3A_160 = arith.constant 0 : i32
    %dma_wait3A_161 = arith.constant 0 : i32
    %dma_wait3A_162 = tpu.memref_slice %arg10[%dma_wait3A_152, %dma_wait3A_160, %dma_wait3A_161] : memref<2x128x128xf32, #tpu.memory_space<vmem>> -> memref<1x128x128xf32, #tpu.memory_space<vmem>>
    %dma_wait3A_163 = tpu.memref_squeeze %dma_wait3A_162 : memref<1x128x128xf32, #tpu.memory_space<vmem>> -> memref<128x128xf32, #tpu.memory_space<vmem>>
    %dma_wait3A_164 = arith.constant 0 : i32
    %dma_wait3A_165 = arith.constant 0 : i32
    %dma_wait3A_166 = tpu.memref_slice %arg2[%dma_wait3A_164, %dma_wait3A_165] : memref<10240x128xf32, #tpu.memory_space<hbm>> -> memref<128x128xf32, #tpu.memory_space<hbm>>
    tpu.wait_dma2 semaphore(%arg12 : memref<!tpu.dma_semaphore, #tpu.memory_space<semaphore_mem>>) src(%dma_wait3A_166 : memref<128x128xf32, #tpu.memory_space<hbm>>) dst(%dma_wait3A_163 : memref<128x128xf32, #tpu.memory_space<vmem>>)
    %mul3A_167 = arith.constant 80 : i32
    %mul3A_168 = arith.muli %add3A, %mul3A_167 : i32
    %add3A_169 = arith.constant 3 : i32
    %add3A_170 = arith.addi %mul3A_168, %add3A_169 : i32
    %lt3A_171 = arith.constant 2500 : i32
    %lt3A_172 = arith.cmpi slt, %add3A_170, %lt3A_171 : i32
    %convert_element_type3A_173 = arith.extui %lt3A_172 : i1 to i32
    %cond3A_174 = arith.constant 0 : i32
    %cond3A_175 = arith.cmpi ne, %convert_element_type3A_173, %cond3A_174 : i32
    scf.if %cond3A_175 {
      %dma_start3A_370 = arith.constant 1 : i32
      %dma_start3A_371 = arith.constant 0 : i32
      %dma_start3A_372 = tpu.memref_slice %arg8[%dma_start3A_370, %dma_start3A_371] : memref<2x128xi32, #tpu.memory_space<vmem>> -> memref<1x128xi32, #tpu.memory_space<vmem>>
      %dma_start3A_373 = tpu.memref_squeeze %dma_start3A_372 : memref<1x128xi32, #tpu.memory_space<vmem>> -> memref<128xi32, #tpu.memory_space<vmem>>
      %dma_start3A_374 = arith.constant 0 : i32
      %dma_start3A_375 = tpu.memref_slice %arg3[%add3A_170, %dma_start3A_374] : memref<2500x128xi32, #tpu.memory_space<hbm>> -> memref<1x128xi32, #tpu.memory_space<hbm>>
      %dma_start3A_376 = tpu.memref_squeeze %dma_start3A_375 : memref<1x128xi32, #tpu.memory_space<hbm>> -> memref<128xi32, #tpu.memory_space<hbm>>
      %dma_start3A_377 = arith.constant 0 : i32
      %dma_start3A_378 = tpu.memref_slice %arg8[%dma_start3A_370, %dma_start3A_377] : memref<2x128xi32, #tpu.memory_space<vmem>> -> memref<1x128xi32, #tpu.memory_space<vmem>>
      %dma_start3A_379 = tpu.memref_squeeze %dma_start3A_378 : memref<1x128xi32, #tpu.memory_space<vmem>> -> memref<128xi32, #tpu.memory_space<vmem>>
      %dma_start3A_380 = arith.constant 0 : i32
      %dma_start3A_381 = tpu.memref_slice %arg3[%add3A_170, %dma_start3A_380] : memref<2500x128xi32, #tpu.memory_space<hbm>> -> memref<1x128xi32, #tpu.memory_space<hbm>>
      %dma_start3A_382 = tpu.memref_squeeze %dma_start3A_381 : memref<1x128xi32, #tpu.memory_space<hbm>> -> memref<128xi32, #tpu.memory_space<hbm>>
      tpu.enqueue_dma source(%dma_start3A_382 : memref<128xi32, #tpu.memory_space<hbm>>) target(%dma_start3A_379 : memref<128xi32, #tpu.memory_space<vmem>>) target_semaphore(%arg16 : memref<!tpu.dma_semaphore, #tpu.memory_space<semaphore_mem>>)
    } else {
    }
    %ge3A_176 = arith.constant 2500 : i32
    %ge3A_177 = arith.cmpi sge, %add3A_170, %ge3A_176 : i32
    %convert_element_type3A_178 = arith.extui %ge3A_177 : i1 to i32
    %cond3A_179 = arith.constant 0 : i32
    %cond3A_180 = arith.cmpi ne, %convert_element_type3A_178, %cond3A_179 : i32
    scf.if %cond3A_180 {
      %sub3A = arith.constant 2500 : i32
      %sub3A_370 = arith.subi %add3A_170, %sub3A : i32
      %dma_start3A_371 = arith.constant 1 : i32
      %dma_start3A_372 = arith.constant 0 : i32
      %dma_start3A_373 = tpu.memref_slice %arg8[%dma_start3A_371, %dma_start3A_372] : memref<2x128xi32, #tpu.memory_space<vmem>> -> memref<1x128xi32, #tpu.memory_space<vmem>>
      %dma_start3A_374 = tpu.memref_squeeze %dma_start3A_373 : memref<1x128xi32, #tpu.memory_space<vmem>> -> memref<128xi32, #tpu.memory_space<vmem>>
      %dma_start3A_375 = arith.constant 0 : i32
      %dma_start3A_376 = tpu.memref_slice %arg5[%sub3A_370, %dma_start3A_375] : memref<60x128xi32, #tpu.memory_space<hbm>> -> memref<1x128xi32, #tpu.memory_space<hbm>>
      %dma_start3A_377 = tpu.memref_squeeze %dma_start3A_376 : memref<1x128xi32, #tpu.memory_space<hbm>> -> memref<128xi32, #tpu.memory_space<hbm>>
      %dma_start3A_378 = arith.constant 0 : i32
      %dma_start3A_379 = tpu.memref_slice %arg8[%dma_start3A_371, %dma_start3A_378] : memref<2x128xi32, #tpu.memory_space<vmem>> -> memref<1x128xi32, #tpu.memory_space<vmem>>
      %dma_start3A_380 = tpu.memref_squeeze %dma_start3A_379 : memref<1x128xi32, #tpu.memory_space<vmem>> -> memref<128xi32, #tpu.memory_space<vmem>>
      %dma_start3A_381 = arith.constant 0 : i32
      %dma_start3A_382 = tpu.memref_slice %arg5[%sub3A_370, %dma_start3A_381] : memref<60x128xi32, #tpu.memory_space<hbm>> -> memref<1x128xi32, #tpu.memory_space<hbm>>
      %dma_start3A_383 = tpu.memref_squeeze %dma_start3A_382 : memref<1x128xi32, #tpu.memory_space<hbm>> -> memref<128xi32, #tpu.memory_space<hbm>>
      tpu.enqueue_dma source(%dma_start3A_383 : memref<128xi32, #tpu.memory_space<hbm>>) target(%dma_start3A_380 : memref<128xi32, #tpu.memory_space<vmem>>) target_semaphore(%arg16 : memref<!tpu.dma_semaphore, #tpu.memory_space<semaphore_mem>>)
    } else {
    }
    %dma_start3A_181 = arith.constant 1 : i32
    %dma_start3A_182 = arith.constant 1 : i32
    %dma_start3A_183 = arith.constant 0 : i32
    %dma_start3A_184 = arith.constant 0 : i32
    %dma_start3A_185 = tpu.memref_slice %arg10[%dma_start3A_181, %dma_start3A_183, %dma_start3A_184] : memref<2x128x128xf32, #tpu.memory_space<vmem>> -> memref<1x128x128xf32, #tpu.memory_space<vmem>>
    %dma_start3A_186 = tpu.memref_squeeze %dma_start3A_185 : memref<1x128x128xf32, #tpu.memory_space<vmem>> -> memref<128x128xf32, #tpu.memory_space<vmem>>
    %dma_start3A_187 = arith.constant 0 : i32
    %dma_start3A_188 = tpu.memref_slice %arg9[%dma_start3A_182, %dma_start3A_187] : memref<80x128xi32, #tpu.memory_space<vmem>> -> memref<1x128xi32, #tpu.memory_space<vmem>>
    %dma_start3A_189 = tpu.memref_squeeze %dma_start3A_188 : memref<1x128xi32, #tpu.memory_space<vmem>> -> memref<128xi32, #tpu.memory_space<vmem>>
    %dma_start3A_190 = arith.constant 0 : i32
    %dma_start3A_191 = arith.constant 0 : i32
    %dma_start3A_192 = tpu.memref_slice %arg11[%dma_start3A_190, %dma_start3A_191] : memref<10240x128xf32, #tpu.memory_space<vmem_shared>> -> memref<10240x128xf32, #tpu.memory_space<vmem_shared>>
    tpu.enqueue_indirect_dma source(%dma_start3A_186 : memref<128x128xf32, #tpu.memory_space<vmem>>) target(%dma_start3A_192 : memref<10240x128xf32, #tpu.memory_space<vmem_shared>>) offsets(%dma_start3A_189 : memref<128xi32, #tpu.memory_space<vmem>>) semaphore(%arg14 : memref<!tpu.dma_semaphore, #tpu.memory_space<semaphore_mem>>) {add = true}
    %dma_wait3A_193 = arith.constant 0 : i32
    %dma_wait3A_194 = arith.constant 0 : i32
    %dma_wait3A_195 = arith.constant 0 : i32
    %dma_wait3A_196 = tpu.memref_slice %arg10[%dma_wait3A_193, %dma_wait3A_194, %dma_wait3A_195] : memref<2x128x128xf32, #tpu.memory_space<vmem>> -> memref<1x128x128xf32, #tpu.memory_space<vmem>>
    %dma_wait3A_197 = tpu.memref_squeeze %dma_wait3A_196 : memref<1x128x128xf32, #tpu.memory_space<vmem>> -> memref<128x128xf32, #tpu.memory_space<vmem>>
    %dma_wait3A_198 = arith.constant 0 : i32
    %dma_wait3A_199 = arith.constant 0 : i32
    %dma_wait3A_200 = tpu.memref_slice %arg11[%dma_wait3A_198, %dma_wait3A_199] : memref<10240x128xf32, #tpu.memory_space<vmem_shared>> -> memref<128x128xf32, #tpu.memory_space<vmem_shared>>
    %dma_wait3A_201 = arith.constant 0 : i32
    %dma_wait3A_202 = arith.constant 0 : i32
    %dma_wait3A_203 = tpu.memref_slice %arg11[%dma_wait3A_201, %dma_wait3A_202] : memref<10240x128xf32, #tpu.memory_space<vmem_shared>> -> memref<128x128xf32, #tpu.memory_space<vmem_shared>>
    %dma_wait3A_204 = arith.constant 0 : i32
    %dma_wait3A_205 = arith.constant 0 : i32
    %dma_wait3A_206 = tpu.memref_slice %arg10[%dma_wait3A_193, %dma_wait3A_204, %dma_wait3A_205] : memref<2x128x128xf32, #tpu.memory_space<vmem>> -> memref<1x128x128xf32, #tpu.memory_space<vmem>>
    %dma_wait3A_207 = tpu.memref_squeeze %dma_wait3A_206 : memref<1x128x128xf32, #tpu.memory_space<vmem>> -> memref<128x128xf32, #tpu.memory_space<vmem>>
    tpu.wait_dma2 semaphore(%arg13 : memref<!tpu.dma_semaphore, #tpu.memory_space<semaphore_mem>>) src(%dma_wait3A_207 : memref<128x128xf32, #tpu.memory_space<vmem>>) dst(%dma_wait3A_203 : memref<128x128xf32, #tpu.memory_space<vmem_shared>>)
    %dma_wait3A_208 = arith.constant 0 : i32
    %dma_wait3A_209 = arith.constant 0 : i32
    %dma_wait3A_210 = arith.constant 0 : i32
    %dma_wait3A_211 = tpu.memref_slice %arg8[%dma_wait3A_209, %dma_wait3A_210] : memref<2x128xi32, #tpu.memory_space<vmem>> -> memref<1x128xi32, #tpu.memory_space<vmem>>
    %dma_wait3A_212 = tpu.memref_squeeze %dma_wait3A_211 : memref<1x128xi32, #tpu.memory_space<vmem>> -> memref<128xi32, #tpu.memory_space<vmem>>
    %dma_wait3A_213 = arith.constant 0 : i32
    %dma_wait3A_214 = tpu.memref_slice %arg5[%dma_wait3A_208, %dma_wait3A_213] : memref<60x128xi32, #tpu.memory_space<hbm>> -> memref<1x128xi32, #tpu.memory_space<hbm>>
    %dma_wait3A_215 = tpu.memref_squeeze %dma_wait3A_214 : memref<1x128xi32, #tpu.memory_space<hbm>> -> memref<128xi32, #tpu.memory_space<hbm>>
    %dma_wait3A_216 = arith.constant 0 : i32
    %dma_wait3A_217 = tpu.memref_slice %arg8[%dma_wait3A_209, %dma_wait3A_216] : memref<2x128xi32, #tpu.memory_space<vmem>> -> memref<1x128xi32, #tpu.memory_space<vmem>>
    %dma_wait3A_218 = tpu.memref_squeeze %dma_wait3A_217 : memref<1x128xi32, #tpu.memory_space<vmem>> -> memref<128xi32, #tpu.memory_space<vmem>>
    %dma_wait3A_219 = arith.constant 0 : i32
    %dma_wait3A_220 = tpu.memref_slice %arg5[%dma_wait3A_208, %dma_wait3A_219] : memref<60x128xi32, #tpu.memory_space<hbm>> -> memref<1x128xi32, #tpu.memory_space<hbm>>
    %dma_wait3A_221 = tpu.memref_squeeze %dma_wait3A_220 : memref<1x128xi32, #tpu.memory_space<hbm>> -> memref<128xi32, #tpu.memory_space<hbm>>
    tpu.wait_dma2 semaphore(%arg15 : memref<!tpu.dma_semaphore, #tpu.memory_space<semaphore_mem>>) src(%dma_wait3A_221 : memref<128xi32, #tpu.memory_space<hbm>>) dst(%dma_wait3A_218 : memref<128xi32, #tpu.memory_space<vmem>>)
    %dma_start3A_222 = arith.constant 0 : i32
    %dma_start3A_223 = arith.constant 0 : i32
    %dma_start3A_224 = arith.constant 0 : i32
    %dma_start3A_225 = arith.constant 0 : i32
    %dma_start3A_226 = tpu.memref_slice %arg10[%dma_start3A_223, %dma_start3A_224, %dma_start3A_225] : memref<2x128x128xf32, #tpu.memory_space<vmem>> -> memref<1x128x128xf32, #tpu.memory_space<vmem>>
    %dma_start3A_227 = tpu.memref_squeeze %dma_start3A_226 : memref<1x128x128xf32, #tpu.memory_space<vmem>> -> memref<128x128xf32, #tpu.memory_space<vmem>>
    %dma_start3A_228 = arith.constant 0 : i32
    %dma_start3A_229 = tpu.memref_slice %arg8[%dma_start3A_222, %dma_start3A_228] : memref<2x128xi32, #tpu.memory_space<vmem>> -> memref<1x128xi32, #tpu.memory_space<vmem>>
    %dma_start3A_230 = tpu.memref_squeeze %dma_start3A_229 : memref<1x128xi32, #tpu.memory_space<vmem>> -> memref<128xi32, #tpu.memory_space<vmem>>
    %dma_start3A_231 = arith.constant 0 : i32
    %dma_start3A_232 = arith.constant 0 : i32
    %dma_start3A_233 = tpu.memref_slice %arg2[%dma_start3A_231, %dma_start3A_232] : memref<10240x128xf32, #tpu.memory_space<hbm>> -> memref<10240x128xf32, #tpu.memory_space<hbm>>
    tpu.enqueue_indirect_dma source(%dma_start3A_233 : memref<10240x128xf32, #tpu.memory_space<hbm>>) target(%dma_start3A_227 : memref<128x128xf32, #tpu.memory_space<vmem>>) offsets(%dma_start3A_230 : memref<128xi32, #tpu.memory_space<vmem>>) semaphore(%arg12 : memref<!tpu.dma_semaphore, #tpu.memory_space<semaphore_mem>>)
    %scan3A_234 = arith.constant 0 : i32
    %scan3A_235 = arith.constant 1 : i32
    %scan3A_236 = arith.constant 38 : i32
    %scan3A_237 = arith.addi %scan3A_235, %scan3A_236 : i32
    %scan3A_238 = arith.constant 1 : i32
    scf.for %scan3A_370 = %scan3A_235 to %scan3A_237 step %scan3A_238  : i32 {
      %mul3A_371 = arith.constant 2 : i32
      %mul3A_372 = arith.muli %mul3A_371, %scan3A_370 : i32
      %dma_wait3A_373 = arith.constant 0 : i32
      %dma_wait3A_374 = arith.constant 0 : i32
      %dma_wait3A_375 = arith.constant 0 : i32
      %dma_wait3A_376 = tpu.memref_slice %arg10[%dma_wait3A_373, %dma_wait3A_374, %dma_wait3A_375] : memref<2x128x128xf32, #tpu.memory_space<vmem>> -> memref<1x128x128xf32, #tpu.memory_space<vmem>>
      %dma_wait3A_377 = tpu.memref_squeeze %dma_wait3A_376 : memref<1x128x128xf32, #tpu.memory_space<vmem>> -> memref<128x128xf32, #tpu.memory_space<vmem>>
      %dma_wait3A_378 = arith.constant 0 : i32
      %dma_wait3A_379 = arith.constant 0 : i32
      %dma_wait3A_380 = tpu.memref_slice %arg2[%dma_wait3A_378, %dma_wait3A_379] : memref<10240x128xf32, #tpu.memory_space<hbm>> -> memref<128x128xf32, #tpu.memory_space<hbm>>
      %dma_wait3A_381 = arith.constant 0 : i32
      %dma_wait3A_382 = arith.constant 0 : i32
      %dma_wait3A_383 = tpu.memref_slice %arg10[%dma_wait3A_373, %dma_wait3A_381, %dma_wait3A_382] : memref<2x128x128xf32, #tpu.memory_space<vmem>> -> memref<1x128x128xf32, #tpu.memory_space<vmem>>
      %dma_wait3A_384 = tpu.memref_squeeze %dma_wait3A_383 : memref<1x128x128xf32, #tpu.memory_space<vmem>> -> memref<128x128xf32, #tpu.memory_space<vmem>>
      %dma_wait3A_385 = arith.constant 0 : i32
      %dma_wait3A_386 = arith.constant 0 : i32
      %dma_wait3A_387 = tpu.memref_slice %arg2[%dma_wait3A_385, %dma_wait3A_386] : memref<10240x128xf32, #tpu.memory_space<hbm>> -> memref<128x128xf32, #tpu.memory_space<hbm>>
      tpu.wait_dma2 semaphore(%arg12 : memref<!tpu.dma_semaphore, #tpu.memory_space<semaphore_mem>>) src(%dma_wait3A_387 : memref<128x128xf32, #tpu.memory_space<hbm>>) dst(%dma_wait3A_384 : memref<128x128xf32, #tpu.memory_space<vmem>>)
      %add3A_388 = arith.constant 2 : i32
      %add3A_389 = arith.addi %mul3A_372, %add3A_388 : i32
      %mul3A_390 = arith.constant 80 : i32
      %mul3A_391 = arith.muli %add3A, %mul3A_390 : i32
      %add3A_392 = arith.addi %mul3A_391, %add3A_389 : i32
      %lt3A_393 = arith.constant 2500 : i32
      %lt3A_394 = arith.cmpi slt, %add3A_392, %lt3A_393 : i32
      %convert_element_type3A_395 = arith.extui %lt3A_394 : i1 to i32
      %cond3A_396 = arith.constant 0 : i32
      %cond3A_397 = arith.cmpi ne, %convert_element_type3A_395, %cond3A_396 : i32
      scf.if %cond3A_397 {
        %dma_start3A_539 = arith.constant 0 : i32
        %dma_start3A_540 = arith.constant 0 : i32
        %dma_start3A_541 = tpu.memref_slice %arg8[%dma_start3A_539, %dma_start3A_540] : memref<2x128xi32, #tpu.memory_space<vmem>> -> memref<1x128xi32, #tpu.memory_space<vmem>>
        %dma_start3A_542 = tpu.memref_squeeze %dma_start3A_541 : memref<1x128xi32, #tpu.memory_space<vmem>> -> memref<128xi32, #tpu.memory_space<vmem>>
        %dma_start3A_543 = arith.constant 0 : i32
        %dma_start3A_544 = tpu.memref_slice %arg3[%add3A_392, %dma_start3A_543] : memref<2500x128xi32, #tpu.memory_space<hbm>> -> memref<1x128xi32, #tpu.memory_space<hbm>>
        %dma_start3A_545 = tpu.memref_squeeze %dma_start3A_544 : memref<1x128xi32, #tpu.memory_space<hbm>> -> memref<128xi32, #tpu.memory_space<hbm>>
        %dma_start3A_546 = arith.constant 0 : i32
        %dma_start3A_547 = tpu.memref_slice %arg8[%dma_start3A_539, %dma_start3A_546] : memref<2x128xi32, #tpu.memory_space<vmem>> -> memref<1x128xi32, #tpu.memory_space<vmem>>
        %dma_start3A_548 = tpu.memref_squeeze %dma_start3A_547 : memref<1x128xi32, #tpu.memory_space<vmem>> -> memref<128xi32, #tpu.memory_space<vmem>>
        %dma_start3A_549 = arith.constant 0 : i32
        %dma_start3A_550 = tpu.memref_slice %arg3[%add3A_392, %dma_start3A_549] : memref<2500x128xi32, #tpu.memory_space<hbm>> -> memref<1x128xi32, #tpu.memory_space<hbm>>
        %dma_start3A_551 = tpu.memref_squeeze %dma_start3A_550 : memref<1x128xi32, #tpu.memory_space<hbm>> -> memref<128xi32, #tpu.memory_space<hbm>>
        tpu.enqueue_dma source(%dma_start3A_551 : memref<128xi32, #tpu.memory_space<hbm>>) target(%dma_start3A_548 : memref<128xi32, #tpu.memory_space<vmem>>) target_semaphore(%arg15 : memref<!tpu.dma_semaphore, #tpu.memory_space<semaphore_mem>>)
      } else {
      }
      %ge3A_398 = arith.constant 2500 : i32
      %ge3A_399 = arith.cmpi sge, %add3A_392, %ge3A_398 : i32
      %convert_element_type3A_400 = arith.extui %ge3A_399 : i1 to i32
      %cond3A_401 = arith.constant 0 : i32
      %cond3A_402 = arith.cmpi ne, %convert_element_type3A_400, %cond3A_401 : i32
      scf.if %cond3A_402 {
        %sub3A = arith.constant 2500 : i32
        %sub3A_539 = arith.subi %add3A_392, %sub3A : i32
        %dma_start3A_540 = arith.constant 0 : i32
        %dma_start3A_541 = arith.constant 0 : i32
        %dma_start3A_542 = tpu.memref_slice %arg8[%dma_start3A_540, %dma_start3A_541] : memref<2x128xi32, #tpu.memory_space<vmem>> -> memref<1x128xi32, #tpu.memory_space<vmem>>
        %dma_start3A_543 = tpu.memref_squeeze %dma_start3A_542 : memref<1x128xi32, #tpu.memory_space<vmem>> -> memref<128xi32, #tpu.memory_space<vmem>>
        %dma_start3A_544 = arith.constant 0 : i32
        %dma_start3A_545 = tpu.memref_slice %arg5[%sub3A_539, %dma_start3A_544] : memref<60x128xi32, #tpu.memory_space<hbm>> -> memref<1x128xi32, #tpu.memory_space<hbm>>
        %dma_start3A_546 = tpu.memref_squeeze %dma_start3A_545 : memref<1x128xi32, #tpu.memory_space<hbm>> -> memref<128xi32, #tpu.memory_space<hbm>>
        %dma_start3A_547 = arith.constant 0 : i32
        %dma_start3A_548 = tpu.memref_slice %arg8[%dma_start3A_540, %dma_start3A_547] : memref<2x128xi32, #tpu.memory_space<vmem>> -> memref<1x128xi32, #tpu.memory_space<vmem>>
        %dma_start3A_549 = tpu.memref_squeeze %dma_start3A_548 : memref<1x128xi32, #tpu.memory_space<vmem>> -> memref<128xi32, #tpu.memory_space<vmem>>
        %dma_start3A_550 = arith.constant 0 : i32
        %dma_start3A_551 = tpu.memref_slice %arg5[%sub3A_539, %dma_start3A_550] : memref<60x128xi32, #tpu.memory_space<hbm>> -> memref<1x128xi32, #tpu.memory_space<hbm>>
        %dma_start3A_552 = tpu.memref_squeeze %dma_start3A_551 : memref<1x128xi32, #tpu.memory_space<hbm>> -> memref<128xi32, #tpu.memory_space<hbm>>
        tpu.enqueue_dma source(%dma_start3A_552 : memref<128xi32, #tpu.memory_space<hbm>>) target(%dma_start3A_549 : memref<128xi32, #tpu.memory_space<vmem>>) target_semaphore(%arg15 : memref<!tpu.dma_semaphore, #tpu.memory_space<semaphore_mem>>)
      } else {
      }
      %dma_wait3A_403 = arith.constant 1 : i32
      %dma_wait3A_404 = arith.constant 0 : i32
      %dma_wait3A_405 = arith.constant 0 : i32
      %dma_wait3A_406 = tpu.memref_slice %arg10[%dma_wait3A_403, %dma_wait3A_404, %dma_wait3A_405] : memref<2x128x128xf32, #tpu.memory_space<vmem>> -> memref<1x128x128xf32, #tpu.memory_space<vmem>>
      %dma_wait3A_407 = tpu.memref_squeeze %dma_wait3A_406 : memref<1x128x128xf32, #tpu.memory_space<vmem>> -> memref<128x128xf32, #tpu.memory_space<vmem>>
      %dma_wait3A_408 = arith.constant 0 : i32
      %dma_wait3A_409 = arith.constant 0 : i32
      %dma_wait3A_410 = tpu.memref_slice %arg11[%dma_wait3A_408, %dma_wait3A_409] : memref<10240x128xf32, #tpu.memory_space<vmem_shared>> -> memref<128x128xf32, #tpu.memory_space<vmem_shared>>
      %dma_wait3A_411 = arith.constant 0 : i32
      %dma_wait3A_412 = arith.constant 0 : i32
      %dma_wait3A_413 = tpu.memref_slice %arg11[%dma_wait3A_411, %dma_wait3A_412] : memref<10240x128xf32, #tpu.memory_space<vmem_shared>> -> memref<128x128xf32, #tpu.memory_space<vmem_shared>>
      %dma_wait3A_414 = arith.constant 0 : i32
      %dma_wait3A_415 = arith.constant 0 : i32
      %dma_wait3A_416 = tpu.memref_slice %arg10[%dma_wait3A_403, %dma_wait3A_414, %dma_wait3A_415] : memref<2x128x128xf32, #tpu.memory_space<vmem>> -> memref<1x128x128xf32, #tpu.memory_space<vmem>>
      %dma_wait3A_417 = tpu.memref_squeeze %dma_wait3A_416 : memref<1x128x128xf32, #tpu.memory_space<vmem>> -> memref<128x128xf32, #tpu.memory_space<vmem>>
      tpu.wait_dma2 semaphore(%arg14 : memref<!tpu.dma_semaphore, #tpu.memory_space<semaphore_mem>>) src(%dma_wait3A_417 : memref<128x128xf32, #tpu.memory_space<vmem>>) dst(%dma_wait3A_413 : memref<128x128xf32, #tpu.memory_space<vmem_shared>>)
      %dma_wait3A_418 = arith.constant 0 : i32
      %dma_wait3A_419 = arith.constant 1 : i32
      %dma_wait3A_420 = arith.constant 0 : i32
      %dma_wait3A_421 = tpu.memref_slice %arg8[%dma_wait3A_419, %dma_wait3A_420] : memref<2x128xi32, #tpu.memory_space<vmem>> -> memref<1x128xi32, #tpu.memory_space<vmem>>
      %dma_wait3A_422 = tpu.memref_squeeze %dma_wait3A_421 : memref<1x128xi32, #tpu.memory_space<vmem>> -> memref<128xi32, #tpu.memory_space<vmem>>
      %dma_wait3A_423 = arith.constant 0 : i32
      %dma_wait3A_424 = tpu.memref_slice %arg5[%dma_wait3A_418, %dma_wait3A_423] : memref<60x128xi32, #tpu.memory_space<hbm>> -> memref<1x128xi32, #tpu.memory_space<hbm>>
      %dma_wait3A_425 = tpu.memref_squeeze %dma_wait3A_424 : memref<1x128xi32, #tpu.memory_space<hbm>> -> memref<128xi32, #tpu.memory_space<hbm>>
      %dma_wait3A_426 = arith.constant 0 : i32
      %dma_wait3A_427 = tpu.memref_slice %arg8[%dma_wait3A_419, %dma_wait3A_426] : memref<2x128xi32, #tpu.memory_space<vmem>> -> memref<1x128xi32, #tpu.memory_space<vmem>>
      %dma_wait3A_428 = tpu.memref_squeeze %dma_wait3A_427 : memref<1x128xi32, #tpu.memory_space<vmem>> -> memref<128xi32, #tpu.memory_space<vmem>>
      %dma_wait3A_429 = arith.constant 0 : i32
      %dma_wait3A_430 = tpu.memref_slice %arg5[%dma_wait3A_418, %dma_wait3A_429] : memref<60x128xi32, #tpu.memory_space<hbm>> -> memref<1x128xi32, #tpu.memory_space<hbm>>
      %dma_wait3A_431 = tpu.memref_squeeze %dma_wait3A_430 : memref<1x128xi32, #tpu.memory_space<hbm>> -> memref<128xi32, #tpu.memory_space<hbm>>
      tpu.wait_dma2 semaphore(%arg16 : memref<!tpu.dma_semaphore, #tpu.memory_space<semaphore_mem>>) src(%dma_wait3A_431 : memref<128xi32, #tpu.memory_space<hbm>>) dst(%dma_wait3A_428 : memref<128xi32, #tpu.memory_space<vmem>>)
      %dma_start3A_432 = arith.constant 1 : i32
      %dma_start3A_433 = arith.constant 1 : i32
      %dma_start3A_434 = arith.constant 0 : i32
      %dma_start3A_435 = arith.constant 0 : i32
      %dma_start3A_436 = tpu.memref_slice %arg10[%dma_start3A_433, %dma_start3A_434, %dma_start3A_435] : memref<2x128x128xf32, #tpu.memory_space<vmem>> -> memref<1x128x128xf32, #tpu.memory_space<vmem>>
      %dma_start3A_437 = tpu.memref_squeeze %dma_start3A_436 : memref<1x128x128xf32, #tpu.memory_space<vmem>> -> memref<128x128xf32, #tpu.memory_space<vmem>>
      %dma_start3A_438 = arith.constant 0 : i32
      %dma_start3A_439 = tpu.memref_slice %arg8[%dma_start3A_432, %dma_start3A_438] : memref<2x128xi32, #tpu.memory_space<vmem>> -> memref<1x128xi32, #tpu.memory_space<vmem>>
      %dma_start3A_440 = tpu.memref_squeeze %dma_start3A_439 : memref<1x128xi32, #tpu.memory_space<vmem>> -> memref<128xi32, #tpu.memory_space<vmem>>
      %dma_start3A_441 = arith.constant 0 : i32
      %dma_start3A_442 = arith.constant 0 : i32
      %dma_start3A_443 = tpu.memref_slice %arg2[%dma_start3A_441, %dma_start3A_442] : memref<10240x128xf32, #tpu.memory_space<hbm>> -> memref<10240x128xf32, #tpu.memory_space<hbm>>
      tpu.enqueue_indirect_dma source(%dma_start3A_443 : memref<10240x128xf32, #tpu.memory_space<hbm>>) target(%dma_start3A_437 : memref<128x128xf32, #tpu.memory_space<vmem>>) offsets(%dma_start3A_440 : memref<128xi32, #tpu.memory_space<vmem>>) semaphore(%arg12 : memref<!tpu.dma_semaphore, #tpu.memory_space<semaphore_mem>>)
      %dma_start3A_444 = arith.constant 0 : i32
      %dma_start3A_445 = arith.constant 0 : i32
      %dma_start3A_446 = arith.constant 0 : i32
      %dma_start3A_447 = tpu.memref_slice %arg10[%dma_start3A_444, %dma_start3A_445, %dma_start3A_446] : memref<2x128x128xf32, #tpu.memory_space<vmem>> -> memref<1x128x128xf32, #tpu.memory_space<vmem>>
      %dma_start3A_448 = tpu.memref_squeeze %dma_start3A_447 : memref<1x128x128xf32, #tpu.memory_space<vmem>> -> memref<128x128xf32, #tpu.memory_space<vmem>>
      %dma_start3A_449 = arith.constant 0 : i32
      %dma_start3A_450 = tpu.memref_slice %arg9[%mul3A_372, %dma_start3A_449] : memref<80x128xi32, #tpu.memory_space<vmem>> -> memref<1x128xi32, #tpu.memory_space<vmem>>
      %dma_start3A_451 = tpu.memref_squeeze %dma_start3A_450 : memref<1x128xi32, #tpu.memory_space<vmem>> -> memref<128xi32, #tpu.memory_space<vmem>>
      %dma_start3A_452 = arith.constant 0 : i32
      %dma_start3A_453 = arith.constant 0 : i32
      %dma_start3A_454 = tpu.memref_slice %arg11[%dma_start3A_452, %dma_start3A_453] : memref<10240x128xf32, #tpu.memory_space<vmem_shared>> -> memref<10240x128xf32, #tpu.memory_space<vmem_shared>>
      tpu.enqueue_indirect_dma source(%dma_start3A_448 : memref<128x128xf32, #tpu.memory_space<vmem>>) target(%dma_start3A_454 : memref<10240x128xf32, #tpu.memory_space<vmem_shared>>) offsets(%dma_start3A_451 : memref<128xi32, #tpu.memory_space<vmem>>) semaphore(%arg13 : memref<!tpu.dma_semaphore, #tpu.memory_space<semaphore_mem>>) {add = true}
      %dma_wait3A_455 = arith.constant 1 : i32
      %dma_wait3A_456 = arith.constant 0 : i32
      %dma_wait3A_457 = arith.constant 0 : i32
      %dma_wait3A_458 = tpu.memref_slice %arg10[%dma_wait3A_455, %dma_wait3A_456, %dma_wait3A_457] : memref<2x128x128xf32, #tpu.memory_space<vmem>> -> memref<1x128x128xf32, #tpu.memory_space<vmem>>
      %dma_wait3A_459 = tpu.memref_squeeze %dma_wait3A_458 : memref<1x128x128xf32, #tpu.memory_space<vmem>> -> memref<128x128xf32, #tpu.memory_space<vmem>>
      %dma_wait3A_460 = arith.constant 0 : i32
      %dma_wait3A_461 = arith.constant 0 : i32
      %dma_wait3A_462 = tpu.memref_slice %arg2[%dma_wait3A_460, %dma_wait3A_461] : memref<10240x128xf32, #tpu.memory_space<hbm>> -> memref<128x128xf32, #tpu.memory_space<hbm>>
      %dma_wait3A_463 = arith.constant 0 : i32
      %dma_wait3A_464 = arith.constant 0 : i32
      %dma_wait3A_465 = tpu.memref_slice %arg10[%dma_wait3A_455, %dma_wait3A_463, %dma_wait3A_464] : memref<2x128x128xf32, #tpu.memory_space<vmem>> -> memref<1x128x128xf32, #tpu.memory_space<vmem>>
      %dma_wait3A_466 = tpu.memref_squeeze %dma_wait3A_465 : memref<1x128x128xf32, #tpu.memory_space<vmem>> -> memref<128x128xf32, #tpu.memory_space<vmem>>
      %dma_wait3A_467 = arith.constant 0 : i32
      %dma_wait3A_468 = arith.constant 0 : i32
      %dma_wait3A_469 = tpu.memref_slice %arg2[%dma_wait3A_467, %dma_wait3A_468] : memref<10240x128xf32, #tpu.memory_space<hbm>> -> memref<128x128xf32, #tpu.memory_space<hbm>>
      tpu.wait_dma2 semaphore(%arg12 : memref<!tpu.dma_semaphore, #tpu.memory_space<semaphore_mem>>) src(%dma_wait3A_469 : memref<128x128xf32, #tpu.memory_space<hbm>>) dst(%dma_wait3A_466 : memref<128x128xf32, #tpu.memory_space<vmem>>)
      %add3A_470 = arith.constant 3 : i32
      %add3A_471 = arith.addi %mul3A_372, %add3A_470 : i32
      %mul3A_472 = arith.constant 80 : i32
      %mul3A_473 = arith.muli %add3A, %mul3A_472 : i32
      %add3A_474 = arith.addi %mul3A_473, %add3A_471 : i32
      %lt3A_475 = arith.constant 2500 : i32
      %lt3A_476 = arith.cmpi slt, %add3A_474, %lt3A_475 : i32
      %convert_element_type3A_477 = arith.extui %lt3A_476 : i1 to i32
      %cond3A_478 = arith.constant 0 : i32
      %cond3A_479 = arith.cmpi ne, %convert_element_type3A_477, %cond3A_478 : i32
      scf.if %cond3A_479 {
        %dma_start3A_539 = arith.constant 1 : i32
        %dma_start3A_540 = arith.constant 0 : i32
        %dma_start3A_541 = tpu.memref_slice %arg8[%dma_start3A_539, %dma_start3A_540] : memref<2x128xi32, #tpu.memory_space<vmem>> -> memref<1x128xi32, #tpu.memory_space<vmem>>
        %dma_start3A_542 = tpu.memref_squeeze %dma_start3A_541 : memref<1x128xi32, #tpu.memory_space<vmem>> -> memref<128xi32, #tpu.memory_space<vmem>>
        %dma_start3A_543 = arith.constant 0 : i32
        %dma_start3A_544 = tpu.memref_slice %arg3[%add3A_474, %dma_start3A_543] : memref<2500x128xi32, #tpu.memory_space<hbm>> -> memref<1x128xi32, #tpu.memory_space<hbm>>
        %dma_start3A_545 = tpu.memref_squeeze %dma_start3A_544 : memref<1x128xi32, #tpu.memory_space<hbm>> -> memref<128xi32, #tpu.memory_space<hbm>>
        %dma_start3A_546 = arith.constant 0 : i32
        %dma_start3A_547 = tpu.memref_slice %arg8[%dma_start3A_539, %dma_start3A_546] : memref<2x128xi32, #tpu.memory_space<vmem>> -> memref<1x128xi32, #tpu.memory_space<vmem>>
        %dma_start3A_548 = tpu.memref_squeeze %dma_start3A_547 : memref<1x128xi32, #tpu.memory_space<vmem>> -> memref<128xi32, #tpu.memory_space<vmem>>
        %dma_start3A_549 = arith.constant 0 : i32
        %dma_start3A_550 = tpu.memref_slice %arg3[%add3A_474, %dma_start3A_549] : memref<2500x128xi32, #tpu.memory_space<hbm>> -> memref<1x128xi32, #tpu.memory_space<hbm>>
        %dma_start3A_551 = tpu.memref_squeeze %dma_start3A_550 : memref<1x128xi32, #tpu.memory_space<hbm>> -> memref<128xi32, #tpu.memory_space<hbm>>
        tpu.enqueue_dma source(%dma_start3A_551 : memref<128xi32, #tpu.memory_space<hbm>>) target(%dma_start3A_548 : memref<128xi32, #tpu.memory_space<vmem>>) target_semaphore(%arg16 : memref<!tpu.dma_semaphore, #tpu.memory_space<semaphore_mem>>)
      } else {
      }
      %ge3A_480 = arith.constant 2500 : i32
      %ge3A_481 = arith.cmpi sge, %add3A_474, %ge3A_480 : i32
      %convert_element_type3A_482 = arith.extui %ge3A_481 : i1 to i32
      %cond3A_483 = arith.constant 0 : i32
      %cond3A_484 = arith.cmpi ne, %convert_element_type3A_482, %cond3A_483 : i32
      scf.if %cond3A_484 {
        %sub3A = arith.constant 2500 : i32
        %sub3A_539 = arith.subi %add3A_474, %sub3A : i32
        %dma_start3A_540 = arith.constant 1 : i32
        %dma_start3A_541 = arith.constant 0 : i32
        %dma_start3A_542 = tpu.memref_slice %arg8[%dma_start3A_540, %dma_start3A_541] : memref<2x128xi32, #tpu.memory_space<vmem>> -> memref<1x128xi32, #tpu.memory_space<vmem>>
        %dma_start3A_543 = tpu.memref_squeeze %dma_start3A_542 : memref<1x128xi32, #tpu.memory_space<vmem>> -> memref<128xi32, #tpu.memory_space<vmem>>
        %dma_start3A_544 = arith.constant 0 : i32
        %dma_start3A_545 = tpu.memref_slice %arg5[%sub3A_539, %dma_start3A_544] : memref<60x128xi32, #tpu.memory_space<hbm>> -> memref<1x128xi32, #tpu.memory_space<hbm>>
        %dma_start3A_546 = tpu.memref_squeeze %dma_start3A_545 : memref<1x128xi32, #tpu.memory_space<hbm>> -> memref<128xi32, #tpu.memory_space<hbm>>
        %dma_start3A_547 = arith.constant 0 : i32
        %dma_start3A_548 = tpu.memref_slice %arg8[%dma_start3A_540, %dma_start3A_547] : memref<2x128xi32, #tpu.memory_space<vmem>> -> memref<1x128xi32, #tpu.memory_space<vmem>>
        %dma_start3A_549 = tpu.memref_squeeze %dma_start3A_548 : memref<1x128xi32, #tpu.memory_space<vmem>> -> memref<128xi32, #tpu.memory_space<vmem>>
        %dma_start3A_550 = arith.constant 0 : i32
        %dma_start3A_551 = tpu.memref_slice %arg5[%sub3A_539, %dma_start3A_550] : memref<60x128xi32, #tpu.memory_space<hbm>> -> memref<1x128xi32, #tpu.memory_space<hbm>>
        %dma_start3A_552 = tpu.memref_squeeze %dma_start3A_551 : memref<1x128xi32, #tpu.memory_space<hbm>> -> memref<128xi32, #tpu.memory_space<hbm>>
        tpu.enqueue_dma source(%dma_start3A_552 : memref<128xi32, #tpu.memory_space<hbm>>) target(%dma_start3A_549 : memref<128xi32, #tpu.memory_space<vmem>>) target_semaphore(%arg16 : memref<!tpu.dma_semaphore, #tpu.memory_space<semaphore_mem>>)
      } else {
      }
      %add3A_485 = arith.constant 1 : i32
      %add3A_486 = arith.addi %mul3A_372, %add3A_485 : i32
      %dma_start3A_487 = arith.constant 1 : i32
      %dma_start3A_488 = arith.constant 0 : i32
      %dma_start3A_489 = arith.constant 0 : i32
      %dma_start3A_490 = tpu.memref_slice %arg10[%dma_start3A_487, %dma_start3A_488, %dma_start3A_489] : memref<2x128x128xf32, #tpu.memory_space<vmem>> -> memref<1x128x128xf32, #tpu.memory_space<vmem>>
      %dma_start3A_491 = tpu.memref_squeeze %dma_start3A_490 : memref<1x128x128xf32, #tpu.memory_space<vmem>> -> memref<128x128xf32, #tpu.memory_space<vmem>>
      %dma_start3A_492 = arith.constant 0 : i32
      %dma_start3A_493 = tpu.memref_slice %arg9[%add3A_486, %dma_start3A_492] : memref<80x128xi32, #tpu.memory_space<vmem>> -> memref<1x128xi32, #tpu.memory_space<vmem>>
      %dma_start3A_494 = tpu.memref_squeeze %dma_start3A_493 : memref<1x128xi32, #tpu.memory_space<vmem>> -> memref<128xi32, #tpu.memory_space<vmem>>
      %dma_start3A_495 = arith.constant 0 : i32
      %dma_start3A_496 = arith.constant 0 : i32
      %dma_start3A_497 = tpu.memref_slice %arg11[%dma_start3A_495, %dma_start3A_496] : memref<10240x128xf32, #tpu.memory_space<vmem_shared>> -> memref<10240x128xf32, #tpu.memory_space<vmem_shared>>
      tpu.enqueue_indirect_dma source(%dma_start3A_491 : memref<128x128xf32, #tpu.memory_space<vmem>>) target(%dma_start3A_497 : memref<10240x128xf32, #tpu.memory_space<vmem_shared>>) offsets(%dma_start3A_494 : memref<128xi32, #tpu.memory_space<vmem>>) semaphore(%arg14 : memref<!tpu.dma_semaphore, #tpu.memory_space<semaphore_mem>>) {add = true}
      %dma_wait3A_498 = arith.constant 0 : i32
      %dma_wait3A_499 = arith.constant 0 : i32
      %dma_wait3A_500 = arith.constant 0 : i32
      %dma_wait3A_501 = tpu.memref_slice %arg10[%dma_wait3A_498, %dma_wait3A_499, %dma_wait3A_500] : memref<2x128x128xf32, #tpu.memory_space<vmem>> -> memref<1x128x128xf32, #tpu.memory_space<vmem>>
      %dma_wait3A_502 = tpu.memref_squeeze %dma_wait3A_501 : memref<1x128x128xf32, #tpu.memory_space<vmem>> -> memref<128x128xf32, #tpu.memory_space<vmem>>
      %dma_wait3A_503 = arith.constant 0 : i32
      %dma_wait3A_504 = arith.constant 0 : i32
      %dma_wait3A_505 = tpu.memref_slice %arg11[%dma_wait3A_503, %dma_wait3A_504] : memref<10240x128xf32, #tpu.memory_space<vmem_shared>> -> memref<128x128xf32, #tpu.memory_space<vmem_shared>>
      %dma_wait3A_506 = arith.constant 0 : i32
      %dma_wait3A_507 = arith.constant 0 : i32
      %dma_wait3A_508 = tpu.memref_slice %arg11[%dma_wait3A_506, %dma_wait3A_507] : memref<10240x128xf32, #tpu.memory_space<vmem_shared>> -> memref<128x128xf32, #tpu.memory_space<vmem_shared>>
      %dma_wait3A_509 = arith.constant 0 : i32
      %dma_wait3A_510 = arith.constant 0 : i32
      %dma_wait3A_511 = tpu.memref_slice %arg10[%dma_wait3A_498, %dma_wait3A_509, %dma_wait3A_510] : memref<2x128x128xf32, #tpu.memory_space<vmem>> -> memref<1x128x128xf32, #tpu.memory_space<vmem>>
      %dma_wait3A_512 = tpu.memref_squeeze %dma_wait3A_511 : memref<1x128x128xf32, #tpu.memory_space<vmem>> -> memref<128x128xf32, #tpu.memory_space<vmem>>
      tpu.wait_dma2 semaphore(%arg13 : memref<!tpu.dma_semaphore, #tpu.memory_space<semaphore_mem>>) src(%dma_wait3A_512 : memref<128x128xf32, #tpu.memory_space<vmem>>) dst(%dma_wait3A_508 : memref<128x128xf32, #tpu.memory_space<vmem_shared>>)
      %dma_wait3A_513 = arith.constant 0 : i32
      %dma_wait3A_514 = arith.constant 0 : i32
      %dma_wait3A_515 = arith.constant 0 : i32
      %dma_wait3A_516 = tpu.memref_slice %arg8[%dma_wait3A_514, %dma_wait3A_515] : memref<2x128xi32, #tpu.memory_space<vmem>> -> memref<1x128xi32, #tpu.memory_space<vmem>>
      %dma_wait3A_517 = tpu.memref_squeeze %dma_wait3A_516 : memref<1x128xi32, #tpu.memory_space<vmem>> -> memref<128xi32, #tpu.memory_space<vmem>>
      %dma_wait3A_518 = arith.constant 0 : i32
      %dma_wait3A_519 = tpu.memref_slice %arg5[%dma_wait3A_513, %dma_wait3A_518] : memref<60x128xi32, #tpu.memory_space<hbm>> -> memref<1x128xi32, #tpu.memory_space<hbm>>
      %dma_wait3A_520 = tpu.memref_squeeze %dma_wait3A_519 : memref<1x128xi32, #tpu.memory_space<hbm>> -> memref<128xi32, #tpu.memory_space<hbm>>
      %dma_wait3A_521 = arith.constant 0 : i32
      %dma_wait3A_522 = tpu.memref_slice %arg8[%dma_wait3A_514, %dma_wait3A_521] : memref<2x128xi32, #tpu.memory_space<vmem>> -> memref<1x128xi32, #tpu.memory_space<vmem>>
      %dma_wait3A_523 = tpu.memref_squeeze %dma_wait3A_522 : memref<1x128xi32, #tpu.memory_space<vmem>> -> memref<128xi32, #tpu.memory_space<vmem>>
      %dma_wait3A_524 = arith.constant 0 : i32
      %dma_wait3A_525 = tpu.memref_slice %arg5[%dma_wait3A_513, %dma_wait3A_524] : memref<60x128xi32, #tpu.memory_space<hbm>> -> memref<1x128xi32, #tpu.memory_space<hbm>>
      %dma_wait3A_526 = tpu.memref_squeeze %dma_wait3A_525 : memref<1x128xi32, #tpu.memory_space<hbm>> -> memref<128xi32, #tpu.memory_space<hbm>>
      tpu.wait_dma2 semaphore(%arg15 : memref<!tpu.dma_semaphore, #tpu.memory_space<semaphore_mem>>) src(%dma_wait3A_526 : memref<128xi32, #tpu.memory_space<hbm>>) dst(%dma_wait3A_523 : memref<128xi32, #tpu.memory_space<vmem>>)
      %dma_start3A_527 = arith.constant 0 : i32
      %dma_start3A_528 = arith.constant 0 : i32
      %dma_start3A_529 = arith.constant 0 : i32
      %dma_start3A_530 = arith.constant 0 : i32
      %dma_start3A_531 = tpu.memref_slice %arg10[%dma_start3A_528, %dma_start3A_529, %dma_start3A_530] : memref<2x128x128xf32, #tpu.memory_space<vmem>> -> memref<1x128x128xf32, #tpu.memory_space<vmem>>
      %dma_start3A_532 = tpu.memref_squeeze %dma_start3A_531 : memref<1x128x128xf32, #tpu.memory_space<vmem>> -> memref<128x128xf32, #tpu.memory_space<vmem>>
      %dma_start3A_533 = arith.constant 0 : i32
      %dma_start3A_534 = tpu.memref_slice %arg8[%dma_start3A_527, %dma_start3A_533] : memref<2x128xi32, #tpu.memory_space<vmem>> -> memref<1x128xi32, #tpu.memory_space<vmem>>
      %dma_start3A_535 = tpu.memref_squeeze %dma_start3A_534 : memref<1x128xi32, #tpu.memory_space<vmem>> -> memref<128xi32, #tpu.memory_space<vmem>>
      %dma_start3A_536 = arith.constant 0 : i32
      %dma_start3A_537 = arith.constant 0 : i32
      %dma_start3A_538 = tpu.memref_slice %arg2[%dma_start3A_536, %dma_start3A_537] : memref<10240x128xf32, #tpu.memory_space<hbm>> -> memref<10240x128xf32, #tpu.memory_space<hbm>>
      tpu.enqueue_indirect_dma source(%dma_start3A_538 : memref<10240x128xf32, #tpu.memory_space<hbm>>) target(%dma_start3A_532 : memref<128x128xf32, #tpu.memory_space<vmem>>) offsets(%dma_start3A_535 : memref<128xi32, #tpu.memory_space<vmem>>) semaphore(%arg12 : memref<!tpu.dma_semaphore, #tpu.memory_space<semaphore_mem>>)
    }
    %scan3A_239 = arith.constant 38 : i32
    %dma_wait3A_240 = arith.constant 0 : i32
    %dma_wait3A_241 = arith.constant 0 : i32
    %dma_wait3A_242 = arith.constant 0 : i32
    %dma_wait3A_243 = tpu.memref_slice %arg10[%dma_wait3A_240, %dma_wait3A_241, %dma_wait3A_242] : memref<2x128x128xf32, #tpu.memory_space<vmem>> -> memref<1x128x128xf32, #tpu.memory_space<vmem>>
    %dma_wait3A_244 = tpu.memref_squeeze %dma_wait3A_243 : memref<1x128x128xf32, #tpu.memory_space<vmem>> -> memref<128x128xf32, #tpu.memory_space<vmem>>
    %dma_wait3A_245 = arith.constant 0 : i32
    %dma_wait3A_246 = arith.constant 0 : i32
    %dma_wait3A_247 = tpu.memref_slice %arg2[%dma_wait3A_245, %dma_wait3A_246] : memref<10240x128xf32, #tpu.memory_space<hbm>> -> memref<128x128xf32, #tpu.memory_space<hbm>>
    %dma_wait3A_248 = arith.constant 0 : i32
    %dma_wait3A_249 = arith.constant 0 : i32
    %dma_wait3A_250 = tpu.memref_slice %arg10[%dma_wait3A_240, %dma_wait3A_248, %dma_wait3A_249] : memref<2x128x128xf32, #tpu.memory_space<vmem>> -> memref<1x128x128xf32, #tpu.memory_space<vmem>>
    %dma_wait3A_251 = tpu.memref_squeeze %dma_wait3A_250 : memref<1x128x128xf32, #tpu.memory_space<vmem>> -> memref<128x128xf32, #tpu.memory_space<vmem>>
    %dma_wait3A_252 = arith.constant 0 : i32
    %dma_wait3A_253 = arith.constant 0 : i32
    %dma_wait3A_254 = tpu.memref_slice %arg2[%dma_wait3A_252, %dma_wait3A_253] : memref<10240x128xf32, #tpu.memory_space<hbm>> -> memref<128x128xf32, #tpu.memory_space<hbm>>
    tpu.wait_dma2 semaphore(%arg12 : memref<!tpu.dma_semaphore, #tpu.memory_space<semaphore_mem>>) src(%dma_wait3A_254 : memref<128x128xf32, #tpu.memory_space<hbm>>) dst(%dma_wait3A_251 : memref<128x128xf32, #tpu.memory_space<vmem>>)
    %dma_wait3A_255 = arith.constant 1 : i32
    %dma_wait3A_256 = arith.constant 0 : i32
    %dma_wait3A_257 = arith.constant 0 : i32
    %dma_wait3A_258 = tpu.memref_slice %arg10[%dma_wait3A_255, %dma_wait3A_256, %dma_wait3A_257] : memref<2x128x128xf32, #tpu.memory_space<vmem>> -> memref<1x128x128xf32, #tpu.memory_space<vmem>>
    %dma_wait3A_259 = tpu.memref_squeeze %dma_wait3A_258 : memref<1x128x128xf32, #tpu.memory_space<vmem>> -> memref<128x128xf32, #tpu.memory_space<vmem>>
    %dma_wait3A_260 = arith.constant 0 : i32
    %dma_wait3A_261 = arith.constant 0 : i32
    %dma_wait3A_262 = tpu.memref_slice %arg11[%dma_wait3A_260, %dma_wait3A_261] : memref<10240x128xf32, #tpu.memory_space<vmem_shared>> -> memref<128x128xf32, #tpu.memory_space<vmem_shared>>
    %dma_wait3A_263 = arith.constant 0 : i32
    %dma_wait3A_264 = arith.constant 0 : i32
    %dma_wait3A_265 = tpu.memref_slice %arg11[%dma_wait3A_263, %dma_wait3A_264] : memref<10240x128xf32, #tpu.memory_space<vmem_shared>> -> memref<128x128xf32, #tpu.memory_space<vmem_shared>>
    %dma_wait3A_266 = arith.constant 0 : i32
    %dma_wait3A_267 = arith.constant 0 : i32
    %dma_wait3A_268 = tpu.memref_slice %arg10[%dma_wait3A_255, %dma_wait3A_266, %dma_wait3A_267] : memref<2x128x128xf32, #tpu.memory_space<vmem>> -> memref<1x128x128xf32, #tpu.memory_space<vmem>>
    %dma_wait3A_269 = tpu.memref_squeeze %dma_wait3A_268 : memref<1x128x128xf32, #tpu.memory_space<vmem>> -> memref<128x128xf32, #tpu.memory_space<vmem>>
    tpu.wait_dma2 semaphore(%arg14 : memref<!tpu.dma_semaphore, #tpu.memory_space<semaphore_mem>>) src(%dma_wait3A_269 : memref<128x128xf32, #tpu.memory_space<vmem>>) dst(%dma_wait3A_265 : memref<128x128xf32, #tpu.memory_space<vmem_shared>>)
    %dma_wait3A_270 = arith.constant 0 : i32
    %dma_wait3A_271 = arith.constant 1 : i32
    %dma_wait3A_272 = arith.constant 0 : i32
    %dma_wait3A_273 = tpu.memref_slice %arg8[%dma_wait3A_271, %dma_wait3A_272] : memref<2x128xi32, #tpu.memory_space<vmem>> -> memref<1x128xi32, #tpu.memory_space<vmem>>
    %dma_wait3A_274 = tpu.memref_squeeze %dma_wait3A_273 : memref<1x128xi32, #tpu.memory_space<vmem>> -> memref<128xi32, #tpu.memory_space<vmem>>
    %dma_wait3A_275 = arith.constant 0 : i32
    %dma_wait3A_276 = tpu.memref_slice %arg5[%dma_wait3A_270, %dma_wait3A_275] : memref<60x128xi32, #tpu.memory_space<hbm>> -> memref<1x128xi32, #tpu.memory_space<hbm>>
    %dma_wait3A_277 = tpu.memref_squeeze %dma_wait3A_276 : memref<1x128xi32, #tpu.memory_space<hbm>> -> memref<128xi32, #tpu.memory_space<hbm>>
    %dma_wait3A_278 = arith.constant 0 : i32
    %dma_wait3A_279 = tpu.memref_slice %arg8[%dma_wait3A_271, %dma_wait3A_278] : memref<2x128xi32, #tpu.memory_space<vmem>> -> memref<1x128xi32, #tpu.memory_space<vmem>>
    %dma_wait3A_280 = tpu.memref_squeeze %dma_wait3A_279 : memref<1x128xi32, #tpu.memory_space<vmem>> -> memref<128xi32, #tpu.memory_space<vmem>>
    %dma_wait3A_281 = arith.constant 0 : i32
    %dma_wait3A_282 = tpu.memref_slice %arg5[%dma_wait3A_270, %dma_wait3A_281] : memref<60x128xi32, #tpu.memory_space<hbm>> -> memref<1x128xi32, #tpu.memory_space<hbm>>
    %dma_wait3A_283 = tpu.memref_squeeze %dma_wait3A_282 : memref<1x128xi32, #tpu.memory_space<hbm>> -> memref<128xi32, #tpu.memory_space<hbm>>
    tpu.wait_dma2 semaphore(%arg16 : memref<!tpu.dma_semaphore, #tpu.memory_space<semaphore_mem>>) src(%dma_wait3A_283 : memref<128xi32, #tpu.memory_space<hbm>>) dst(%dma_wait3A_280 : memref<128xi32, #tpu.memory_space<vmem>>)
    %dma_start3A_284 = arith.constant 1 : i32
    %dma_start3A_285 = arith.constant 1 : i32
    %dma_start3A_286 = arith.constant 0 : i32
    %dma_start3A_287 = arith.constant 0 : i32
    %dma_start3A_288 = tpu.memref_slice %arg10[%dma_start3A_285, %dma_start3A_286, %dma_start3A_287] : memref<2x128x128xf32, #tpu.memory_space<vmem>> -> memref<1x128x128xf32, #tpu.memory_space<vmem>>
    %dma_start3A_289 = tpu.memref_squeeze %dma_start3A_288 : memref<1x128x128xf32, #tpu.memory_space<vmem>> -> memref<128x128xf32, #tpu.memory_space<vmem>>
    %dma_start3A_290 = arith.constant 0 : i32
    %dma_start3A_291 = tpu.memref_slice %arg8[%dma_start3A_284, %dma_start3A_290] : memref<2x128xi32, #tpu.memory_space<vmem>> -> memref<1x128xi32, #tpu.memory_space<vmem>>
    %dma_start3A_292 = tpu.memref_squeeze %dma_start3A_291 : memref<1x128xi32, #tpu.memory_space<vmem>> -> memref<128xi32, #tpu.memory_space<vmem>>
    %dma_start3A_293 = arith.constant 0 : i32
    %dma_start3A_294 = arith.constant 0 : i32
    %dma_start3A_295 = tpu.memref_slice %arg2[%dma_start3A_293, %dma_start3A_294] : memref<10240x128xf32, #tpu.memory_space<hbm>> -> memref<10240x128xf32, #tpu.memory_space<hbm>>
    tpu.enqueue_indirect_dma source(%dma_start3A_295 : memref<10240x128xf32, #tpu.memory_space<hbm>>) target(%dma_start3A_289 : memref<128x128xf32, #tpu.memory_space<vmem>>) offsets(%dma_start3A_292 : memref<128xi32, #tpu.memory_space<vmem>>) semaphore(%arg12 : memref<!tpu.dma_semaphore, #tpu.memory_space<semaphore_mem>>)
    %dma_start3A_296 = arith.constant 0 : i32
    %dma_start3A_297 = arith.constant 78 : i32
    %dma_start3A_298 = arith.constant 0 : i32
    %dma_start3A_299 = arith.constant 0 : i32
    %dma_start3A_300 = tpu.memref_slice %arg10[%dma_start3A_296, %dma_start3A_298, %dma_start3A_299] : memref<2x128x128xf32, #tpu.memory_space<vmem>> -> memref<1x128x128xf32, #tpu.memory_space<vmem>>
    %dma_start3A_301 = tpu.memref_squeeze %dma_start3A_300 : memref<1x128x128xf32, #tpu.memory_space<vmem>> -> memref<128x128xf32, #tpu.memory_space<vmem>>
    %dma_start3A_302 = arith.constant 0 : i32
    %dma_start3A_303 = tpu.memref_slice %arg9[%dma_start3A_297, %dma_start3A_302] : memref<80x128xi32, #tpu.memory_space<vmem>> -> memref<1x128xi32, #tpu.memory_space<vmem>>
    %dma_start3A_304 = tpu.memref_squeeze %dma_start3A_303 : memref<1x128xi32, #tpu.memory_space<vmem>> -> memref<128xi32, #tpu.memory_space<vmem>>
    %dma_start3A_305 = arith.constant 0 : i32
    %dma_start3A_306 = arith.constant 0 : i32
    %dma_start3A_307 = tpu.memref_slice %arg11[%dma_start3A_305, %dma_start3A_306] : memref<10240x128xf32, #tpu.memory_space<vmem_shared>> -> memref<10240x128xf32, #tpu.memory_space<vmem_shared>>
    tpu.enqueue_indirect_dma source(%dma_start3A_301 : memref<128x128xf32, #tpu.memory_space<vmem>>) target(%dma_start3A_307 : memref<10240x128xf32, #tpu.memory_space<vmem_shared>>) offsets(%dma_start3A_304 : memref<128xi32, #tpu.memory_space<vmem>>) semaphore(%arg13 : memref<!tpu.dma_semaphore, #tpu.memory_space<semaphore_mem>>) {add = true}
    %dma_wait3A_308 = arith.constant 1 : i32
    %dma_wait3A_309 = arith.constant 0 : i32
    %dma_wait3A_310 = arith.constant 0 : i32
    %dma_wait3A_311 = tpu.memref_slice %arg10[%dma_wait3A_308, %dma_wait3A_309, %dma_wait3A_310] : memref<2x128x128xf32, #tpu.memory_space<vmem>> -> memref<1x128x128xf32, #tpu.memory_space<vmem>>
    %dma_wait3A_312 = tpu.memref_squeeze %dma_wait3A_311 : memref<1x128x128xf32, #tpu.memory_space<vmem>> -> memref<128x128xf32, #tpu.memory_space<vmem>>
    %dma_wait3A_313 = arith.constant 0 : i32
    %dma_wait3A_314 = arith.constant 0 : i32
    %dma_wait3A_315 = tpu.memref_slice %arg2[%dma_wait3A_313, %dma_wait3A_314] : memref<10240x128xf32, #tpu.memory_space<hbm>> -> memref<128x128xf32, #tpu.memory_space<hbm>>
    %dma_wait3A_316 = arith.constant 0 : i32
    %dma_wait3A_317 = arith.constant 0 : i32
    %dma_wait3A_318 = tpu.memref_slice %arg10[%dma_wait3A_308, %dma_wait3A_316, %dma_wait3A_317] : memref<2x128x128xf32, #tpu.memory_space<vmem>> -> memref<1x128x128xf32, #tpu.memory_space<vmem>>
    %dma_wait3A_319 = tpu.memref_squeeze %dma_wait3A_318 : memref<1x128x128xf32, #tpu.memory_space<vmem>> -> memref<128x128xf32, #tpu.memory_space<vmem>>
    %dma_wait3A_320 = arith.constant 0 : i32
    %dma_wait3A_321 = arith.constant 0 : i32
    %dma_wait3A_322 = tpu.memref_slice %arg2[%dma_wait3A_320, %dma_wait3A_321] : memref<10240x128xf32, #tpu.memory_space<hbm>> -> memref<128x128xf32, #tpu.memory_space<hbm>>
    tpu.wait_dma2 semaphore(%arg12 : memref<!tpu.dma_semaphore, #tpu.memory_space<semaphore_mem>>) src(%dma_wait3A_322 : memref<128x128xf32, #tpu.memory_space<hbm>>) dst(%dma_wait3A_319 : memref<128x128xf32, #tpu.memory_space<vmem>>)
    %dma_start3A_323 = arith.constant 1 : i32
    %dma_start3A_324 = arith.constant 79 : i32
    %dma_start3A_325 = arith.constant 0 : i32
    %dma_start3A_326 = arith.constant 0 : i32
    %dma_start3A_327 = tpu.memref_slice %arg10[%dma_start3A_323, %dma_start3A_325, %dma_start3A_326] : memref<2x128x128xf32, #tpu.memory_space<vmem>> -> memref<1x128x128xf32, #tpu.memory_space<vmem>>
    %dma_start3A_328 = tpu.memref_squeeze %dma_start3A_327 : memref<1x128x128xf32, #tpu.memory_space<vmem>> -> memref<128x128xf32, #tpu.memory_space<vmem>>
    %dma_start3A_329 = arith.constant 0 : i32
    %dma_start3A_330 = tpu.memref_slice %arg9[%dma_start3A_324, %dma_start3A_329] : memref<80x128xi32, #tpu.memory_space<vmem>> -> memref<1x128xi32, #tpu.memory_space<vmem>>
    %dma_start3A_331 = tpu.memref_squeeze %dma_start3A_330 : memref<1x128xi32, #tpu.memory_space<vmem>> -> memref<128xi32, #tpu.memory_space<vmem>>
    %dma_start3A_332 = arith.constant 0 : i32
    %dma_start3A_333 = arith.constant 0 : i32
    %dma_start3A_334 = tpu.memref_slice %arg11[%dma_start3A_332, %dma_start3A_333] : memref<10240x128xf32, #tpu.memory_space<vmem_shared>> -> memref<10240x128xf32, #tpu.memory_space<vmem_shared>>
    tpu.enqueue_indirect_dma source(%dma_start3A_328 : memref<128x128xf32, #tpu.memory_space<vmem>>) target(%dma_start3A_334 : memref<10240x128xf32, #tpu.memory_space<vmem_shared>>) offsets(%dma_start3A_331 : memref<128xi32, #tpu.memory_space<vmem>>) semaphore(%arg14 : memref<!tpu.dma_semaphore, #tpu.memory_space<semaphore_mem>>) {add = true}
    %dma_wait3A_335 = arith.constant 0 : i32
    %dma_wait3A_336 = arith.constant 0 : i32
    %dma_wait3A_337 = arith.constant 0 : i32
    %dma_wait3A_338 = tpu.memref_slice %arg10[%dma_wait3A_335, %dma_wait3A_336, %dma_wait3A_337] : memref<2x128x128xf32, #tpu.memory_space<vmem>> -> memref<1x128x128xf32, #tpu.memory_space<vmem>>
    %dma_wait3A_339 = tpu.memref_squeeze %dma_wait3A_338 : memref<1x128x128xf32, #tpu.memory_space<vmem>> -> memref<128x128xf32, #tpu.memory_space<vmem>>
    %dma_wait3A_340 = arith.constant 0 : i32
    %dma_wait3A_341 = arith.constant 0 : i32
    %dma_wait3A_342 = tpu.memref_slice %arg11[%dma_wait3A_340, %dma_wait3A_341] : memref<10240x128xf32, #tpu.memory_space<vmem_shared>> -> memref<128x128xf32, #tpu.memory_space<vmem_shared>>
    %dma_wait3A_343 = arith.constant 0 : i32
    %dma_wait3A_344 = arith.constant 0 : i32
    %dma_wait3A_345 = tpu.memref_slice %arg11[%dma_wait3A_343, %dma_wait3A_344] : memref<10240x128xf32, #tpu.memory_space<vmem_shared>> -> memref<128x128xf32, #tpu.memory_space<vmem_shared>>
    %dma_wait3A_346 = arith.constant 0 : i32
    %dma_wait3A_347 = arith.constant 0 : i32
    %dma_wait3A_348 = tpu.memref_slice %arg10[%dma_wait3A_335, %dma_wait3A_346, %dma_wait3A_347] : memref<2x128x128xf32, #tpu.memory_space<vmem>> -> memref<1x128x128xf32, #tpu.memory_space<vmem>>
    %dma_wait3A_349 = tpu.memref_squeeze %dma_wait3A_348 : memref<1x128x128xf32, #tpu.memory_space<vmem>> -> memref<128x128xf32, #tpu.memory_space<vmem>>
    tpu.wait_dma2 semaphore(%arg13 : memref<!tpu.dma_semaphore, #tpu.memory_space<semaphore_mem>>) src(%dma_wait3A_349 : memref<128x128xf32, #tpu.memory_space<vmem>>) dst(%dma_wait3A_345 : memref<128x128xf32, #tpu.memory_space<vmem_shared>>)
    %dma_wait3A_350 = arith.constant 1 : i32
    %dma_wait3A_351 = arith.constant 0 : i32
    %dma_wait3A_352 = arith.constant 0 : i32
    %dma_wait3A_353 = tpu.memref_slice %arg10[%dma_wait3A_350, %dma_wait3A_351, %dma_wait3A_352] : memref<2x128x128xf32, #tpu.memory_space<vmem>> -> memref<1x128x128xf32, #tpu.memory_space<vmem>>
    %dma_wait3A_354 = tpu.memref_squeeze %dma_wait3A_353 : memref<1x128x128xf32, #tpu.memory_space<vmem>> -> memref<128x128xf32, #tpu.memory_space<vmem>>
    %dma_wait3A_355 = arith.constant 0 : i32
    %dma_wait3A_356 = arith.constant 0 : i32
    %dma_wait3A_357 = tpu.memref_slice %arg11[%dma_wait3A_355, %dma_wait3A_356] : memref<10240x128xf32, #tpu.memory_space<vmem_shared>> -> memref<128x128xf32, #tpu.memory_space<vmem_shared>>
    %dma_wait3A_358 = arith.constant 0 : i32
    %dma_wait3A_359 = arith.constant 0 : i32
    %dma_wait3A_360 = tpu.memref_slice %arg11[%dma_wait3A_358, %dma_wait3A_359] : memref<10240x128xf32, #tpu.memory_space<vmem_shared>> -> memref<128x128xf32, #tpu.memory_space<vmem_shared>>
    %dma_wait3A_361 = arith.constant 0 : i32
    %dma_wait3A_362 = arith.constant 0 : i32
    %dma_wait3A_363 = tpu.memref_slice %arg10[%dma_wait3A_350, %dma_wait3A_361, %dma_wait3A_362] : memref<2x128x128xf32, #tpu.memory_space<vmem>> -> memref<1x128x128xf32, #tpu.memory_space<vmem>>
    %dma_wait3A_364 = tpu.memref_squeeze %dma_wait3A_363 : memref<1x128x128xf32, #tpu.memory_space<vmem>> -> memref<128x128xf32, #tpu.memory_space<vmem>>
    tpu.wait_dma2 semaphore(%arg14 : memref<!tpu.dma_semaphore, #tpu.memory_space<semaphore_mem>>) src(%dma_wait3A_364 : memref<128x128xf32, #tpu.memory_space<vmem>>) dst(%dma_wait3A_360 : memref<128x128xf32, #tpu.memory_space<vmem_shared>>)
    %barrier3A_365 = arith.constant 0 : index
    tpu.barrier barrier_id(%barrier3A_365)
    %mul3A_366 = arith.constant 640 : i32
    %mul3A_367 = arith.muli %arg1, %mul3A_366 : i32
    %mul3A_368 = arith.constant 640 : i32
    %mul3A_369 = arith.muli %arg1, %mul3A_368 : i32
    "tpu.region"() ({
      %run_scoped3A_370 = tpu.sem_alloc : memref<!tpu.dma_semaphore, #tpu.memory_space<semaphore_mem>>
      %dma_start3A_371 = arith.constant 0 : i32
      %dma_start3A_372 = tpu.memref_slice %arg7[%arg0, %mul3A_369, %dma_start3A_371] : memref<2x10240x128xf32, #tpu.memory_space<hbm>> -> memref<1x640x128xf32, #tpu.memory_space<hbm>>
      %dma_start3A_373 = tpu.memref_squeeze %dma_start3A_372 : memref<1x640x128xf32, #tpu.memory_space<hbm>> -> memref<640x128xf32, #tpu.memory_space<hbm>>
      %dma_start3A_374 = arith.constant 0 : i32
      %dma_start3A_375 = tpu.memref_slice %arg11[%mul3A_367, %dma_start3A_374] : memref<10240x128xf32, #tpu.memory_space<vmem_shared>> -> memref<640x128xf32, #tpu.memory_space<vmem_shared>>
      tpu.enqueue_dma source(%dma_start3A_375 : memref<640x128xf32, #tpu.memory_space<vmem_shared>>) target(%dma_start3A_373 : memref<640x128xf32, #tpu.memory_space<hbm>>) target_semaphore(%run_scoped3A_370 : memref<!tpu.dma_semaphore, #tpu.memory_space<semaphore_mem>>)
      %dma_wait3A_376 = arith.constant 0 : i32
      %dma_wait3A_377 = tpu.memref_slice %arg7[%arg0, %mul3A_369, %dma_wait3A_376] : memref<2x10240x128xf32, #tpu.memory_space<hbm>> -> memref<1x640x128xf32, #tpu.memory_space<hbm>>
      %dma_wait3A_378 = tpu.memref_squeeze %dma_wait3A_377 : memref<1x640x128xf32, #tpu.memory_space<hbm>> -> memref<640x128xf32, #tpu.memory_space<hbm>>
      %dma_wait3A_379 = arith.constant 0 : i32
      %dma_wait3A_380 = tpu.memref_slice %arg11[%mul3A_367, %dma_wait3A_379] : memref<10240x128xf32, #tpu.memory_space<vmem_shared>> -> memref<640x128xf32, #tpu.memory_space<vmem_shared>>
      tpu.wait_dma2 semaphore(%run_scoped3A_370 : memref<!tpu.dma_semaphore, #tpu.memory_space<semaphore_mem>>) src(%dma_wait3A_380 : memref<640x128xf32, #tpu.memory_space<vmem_shared>>) dst(%dma_wait3A_378 : memref<640x128xf32, #tpu.memory_space<hbm>>)
      tpu.yield
    }) : () -> ()
    return
  }
}

module attributes {stable_mosaic.version = 14 : i64} {
  func.func @_k0_body(%arg0: i32, %arg1: memref<2048x128xf32, #tpu.memory_space<vmem>>, %arg2: memref<128x128xf32, #tpu.memory_space<vmem>>, %arg3: memref<2048x128xf32, #tpu.memory_space<vmem>>) attributes {dimension_semantics = [#tpu.dimension_semantics<arbitrary>], iteration_bounds = array<i64: 5>, scalar_prefetch = 0 : i64, scratch_operands = 0 : i64, tpu.core_type = #tpu.core_type<tc>, window_params = [{transform_indices = @transform_0, window_bounds = array<i64: 2048, 128>}, {pipeline_mode = #tpu.pipeline_mode<synchronous>, transform_indices = @transform_1, window_bounds = array<i64: 128, 128>}, {transform_indices = @transform_2, window_bounds = array<i64: 2048, 128>}]} {
    %get3A = arith.constant 0 : index
    %get3A_0 = arith.constant 0 : index
    %get3A_1 = vector.load %arg1[%get3A, %get3A_0] : memref<2048x128xf32, #tpu.memory_space<vmem>>, vector<2048x128xf32>
    %get3A_2 = arith.constant 0 : index
    %get3A_3 = arith.constant 0 : index
    %get3A_4 = vector.load %arg2[%get3A_2, %get3A_3] : memref<128x128xf32, #tpu.memory_space<vmem>>, vector<128x128xf32>
    %dot_general3A = arith.constant dense<0.000000e+00> : vector<2048x128xf32>
    %dot_general3A_5 = tpu.matmul %get3A_1, %get3A_4, %dot_general3A {dimension_numbers = #tpu.dot_dimension_numbers<[1], [0], [0], [1], [0, 0, 1, 1], [], []>, transpose_lhs_hint = false} : vector<2048x128xf32>, vector<128x128xf32>, vector<2048x128xf32> -> vector<2048x128xf32>
    %swap3A = arith.constant 0 : index
    %swap3A_6 = arith.constant 0 : index
    %swap3A_7 = vector.load %arg3[%swap3A, %swap3A_6] : memref<2048x128xf32, #tpu.memory_space<vmem>>, vector<2048x128xf32>
    tpu.vector_store %arg3[%swap3A, %swap3A_6], %dot_general3A_5 {strides = array<i32>} : memref<2048x128xf32, #tpu.memory_space<vmem>>, vector<2048x128xf32>,
    return
  }
  func.func @transform_0(%arg0: i32) -> (i32, i32) {
    %c0_i32 = arith.constant 0 : i32
    %c0_i32_0 = arith.constant 0 : i32
    return %arg0, %c0_i32 : i32, i32
  }
  func.func @transform_1(%arg0: i32) -> (i32, i32) {
    %c0_i32 = arith.constant 0 : i32
    %c0_i32_0 = arith.constant 0 : i32
    %c0_i32_1 = arith.constant 0 : i32
    return %c0_i32, %c0_i32_0 : i32, i32
  }
  func.func @transform_2(%arg0: i32) -> (i32, i32) {
    %c0_i32 = arith.constant 0 : i32
    %c0_i32_0 = arith.constant 0 : i32
    return %arg0, %c0_i32 : i32, i32
  }
}

module attributes {stable_mosaic.version = 14 : i64} {
  func.func @_k1_body(%arg0: i32, %arg1: memref<2048x2xf32, #tpu.memory_space<vmem>>, %arg2: memref<2048x128xf32, #tpu.memory_space<vmem>>, %arg3: memref<2048x1xf32, #tpu.memory_space<vmem>>, %arg4: memref<2048x128xf32, #tpu.memory_space<vmem>>) attributes {dimension_semantics = [#tpu.dimension_semantics<arbitrary>], iteration_bounds = array<i64: 5>, scalar_prefetch = 0 : i64, scratch_operands = 0 : i64, tpu.core_type = #tpu.core_type<tc>, window_params = [{transform_indices = @transform_0, window_bounds = array<i64: 2048, 2>}, {transform_indices = @transform_1, window_bounds = array<i64: 2048, 128>}, {transform_indices = @transform_2, window_bounds = array<i64: 2048, 1>}, {transform_indices = @transform_3, window_bounds = array<i64: 2048, 128>}]} {
    %iota3A = tpu.iota {dimensions = array<i32: 0>} : vector<2048x1xi32>
    %mul3A = arith.constant 2048 : i32
    %mul3A_0 = arith.muli %arg0, %mul3A : i32
    %add3A = vector.broadcast %mul3A_0 : i32 to vector<2048x1xi32>
    %add3A_1 = arith.addi %iota3A, %add3A : vector<2048x1xi32>
    %get3A = arith.constant 0 : index
    %get3A_2 = arith.constant 0 : index
    %get3A_3 = vector.load %arg1[%get3A, %get3A_2] : memref<2048x2xf32, #tpu.memory_space<vmem>>, vector<2048x1xf32>
    %get3A_4 = arith.constant 0 : index
    %get3A_5 = arith.constant 1 : index
    %get3A_6 = vector.load %arg1[%get3A_4, %get3A_5] : memref<2048x2xf32, #tpu.memory_space<vmem>>, vector<2048x1xf32>
    %add3A_7 = arith.addf %get3A_3, %get3A_6 : vector<2048x1xf32>
    %add3A_8 = arith.constant 1.000000e+00 : f32
    %add3A_9 = vector.broadcast %add3A_8 : f32 to vector<2048x1xf32>
    %add3A_10 = arith.addf %add3A_7, %add3A_9 : vector<2048x1xf32>
    %rsqrt3A = math.rsqrt %add3A_10 : vector<2048x1xf32>
    %swap3A = arith.constant 0 : index
    %swap3A_11 = arith.constant 0 : index
    %swap3A_12 = vector.load %arg3[%swap3A, %swap3A_11] : memref<2048x1xf32, #tpu.memory_space<vmem>>, vector<2048x1xf32>
    tpu.vector_store %arg3[%swap3A, %swap3A_11], %rsqrt3A {strides = array<i32>} : memref<2048x1xf32, #tpu.memory_space<vmem>>, vector<2048x1xf32>,
    %lt3A = arith.constant 10000 : i32
    %lt3A_13 = vector.broadcast %lt3A : i32 to vector<2048x1xi32>
    %lt3A_14 = arith.cmpi slt, %add3A_1, %lt3A_13 : vector<2048x1xi32>
    %get3A_15 = arith.constant 0 : index
    %get3A_16 = arith.constant 0 : index
    %get3A_17 = vector.load %arg2[%get3A_15, %get3A_16] : memref<2048x128xf32, #tpu.memory_space<vmem>>, vector<2048x128xf32>
    %mul3A_18 = vector.broadcast %rsqrt3A : vector<2048x1xf32> to vector<2048x128xf32>
    %mul3A_19 = arith.mulf %get3A_17, %mul3A_18 : vector<2048x128xf32>
    %jit3A = arith.constant 0.000000e+00 : f32
    %broadcast_in_dim3A = vector.shape_cast %lt3A_14 : vector<2048x1xi1> to vector<2048x1xi1>
    %broadcast_in_dim3A_20 = vector.broadcast %broadcast_in_dim3A : vector<2048x1xi1> to vector<2048x128xi1>
    %broadcast_in_dim3A_21 = vector.broadcast %jit3A : f32 to vector<2048x128xf32>
    %select_n3A = arith.select %broadcast_in_dim3A_20, %mul3A_19, %broadcast_in_dim3A_21 : vector<2048x128xi1>, vector<2048x128xf32>
    %swap3A_22 = arith.constant 0 : index
    %swap3A_23 = arith.constant 0 : index
    %swap3A_24 = vector.load %arg4[%swap3A_22, %swap3A_23] : memref<2048x128xf32, #tpu.memory_space<vmem>>, vector<2048x128xf32>
    tpu.vector_store %arg4[%swap3A_22, %swap3A_23], %select_n3A {strides = array<i32>} : memref<2048x128xf32, #tpu.memory_space<vmem>>, vector<2048x128xf32>,
    return
  }
  func.func @transform_0(%arg0: i32) -> (i32, i32) {
    %c0_i32 = arith.constant 0 : i32
    %c0_i32_0 = arith.constant 0 : i32
    return %arg0, %c0_i32 : i32, i32
  }
  func.func @transform_1(%arg0: i32) -> (i32, i32) {
    %c0_i32 = arith.constant 0 : i32
    %c0_i32_0 = arith.constant 0 : i32
    return %arg0, %c0_i32 : i32, i32
  }
  func.func @transform_2(%arg0: i32) -> (i32, i32) {
    %c0_i32 = arith.constant 0 : i32
    %c0_i32_0 = arith.constant 0 : i32
    return %arg0, %c0_i32 : i32, i32
  }
  func.func @transform_3(%arg0: i32) -> (i32, i32) {
    %c0_i32 = arith.constant 0 : i32
    %c0_i32_0 = arith.constant 0 : i32
    return %arg0, %c0_i32 : i32, i32
  }
}

module attributes {stable_mosaic.version = 14 : i64} {
  func.func @_k2_body(%arg0: i32, %arg1: memref<2x2048x128xf32, #tpu.memory_space<vmem>>, %arg2: memref<2048x128xf32, #tpu.memory_space<vmem>>, %arg3: memref<2048x1xf32, #tpu.memory_space<vmem>>, %arg4: memref<1x128xf32, #tpu.memory_space<vmem>>, %arg5: memref<128x128xf32, #tpu.memory_space<vmem>>, %arg6: memref<2048x128xf32, #tpu.memory_space<vmem>>) attributes {dimension_semantics = [#tpu.dimension_semantics<arbitrary>], iteration_bounds = array<i64: 5>, scalar_prefetch = 0 : i64, scratch_operands = 0 : i64, tpu.core_type = #tpu.core_type<tc>, window_params = [{transform_indices = @transform_0, window_bounds = array<i64: 2, 2048, 128>}, {transform_indices = @transform_1, window_bounds = array<i64: 2048, 128>}, {transform_indices = @transform_2, window_bounds = array<i64: 2048, 1>}, {pipeline_mode = #tpu.pipeline_mode<synchronous>, transform_indices = @transform_3, window_bounds = array<i64: 1, 128>}, {pipeline_mode = #tpu.pipeline_mode<synchronous>, transform_indices = @transform_4, window_bounds = array<i64: 128, 128>}, {transform_indices = @transform_5, window_bounds = array<i64: 2048, 128>}]} {
    %iota3A = tpu.iota {dimensions = array<i32: 0>} : vector<2048x1xi32>
    %mul3A = arith.constant 2048 : i32
    %mul3A_0 = arith.muli %arg0, %mul3A : i32
    %add3A = vector.broadcast %mul3A_0 : i32 to vector<2048x1xi32>
    %add3A_1 = arith.addi %iota3A, %add3A : vector<2048x1xi32>
    %get3A = arith.constant 0 : index
    %get3A_2 = arith.constant 0 : index
    %get3A_3 = arith.constant 0 : index
    %get3A_4 = vector.load %arg1[%get3A, %get3A_2, %get3A_3] : memref<2x2048x128xf32, #tpu.memory_space<vmem>>, vector<1x2048x128xf32>
    %get3A_5 = vector.shape_cast %get3A_4 : vector<1x2048x128xf32> to vector<2048x128xf32>
    %get3A_6 = arith.constant 1 : index
    %get3A_7 = arith.constant 0 : index
    %get3A_8 = arith.constant 0 : index
    %get3A_9 = vector.load %arg1[%get3A_6, %get3A_7, %get3A_8] : memref<2x2048x128xf32, #tpu.memory_space<vmem>>, vector<1x2048x128xf32>
    %get3A_10 = vector.shape_cast %get3A_9 : vector<1x2048x128xf32> to vector<2048x128xf32>
    %add3A_11 = arith.addf %get3A_5, %get3A_10 : vector<2048x128xf32>
    %get3A_12 = arith.constant 0 : index
    %get3A_13 = arith.constant 0 : index
    %get3A_14 = vector.load %arg2[%get3A_12, %get3A_13] : memref<2048x128xf32, #tpu.memory_space<vmem>>, vector<2048x128xf32>
    %add3A_15 = arith.addf %add3A_11, %get3A_14 : vector<2048x128xf32>
    %get3A_16 = arith.constant 0 : index
    %get3A_17 = arith.constant 0 : index
    %get3A_18 = vector.load %arg3[%get3A_16, %get3A_17] : memref<2048x1xf32, #tpu.memory_space<vmem>>, vector<2048x1xf32>
    %mul3A_19 = vector.broadcast %get3A_18 : vector<2048x1xf32> to vector<2048x128xf32>
    %mul3A_20 = arith.mulf %add3A_15, %mul3A_19 : vector<2048x128xf32>
    %get3A_21 = arith.constant 0 : index
    %get3A_22 = arith.constant 0 : index
    %get3A_23 = vector.load %arg4[%get3A_21, %get3A_22] : memref<1x128xf32, #tpu.memory_space<vmem>>, vector<1x128xf32>
    %add3A_24 = vector.broadcast %get3A_23 : vector<1x128xf32> to vector<2048x128xf32>
    %add3A_25 = arith.addf %mul3A_20, %add3A_24 : vector<2048x128xf32>
    %max3A = arith.constant 0.000000e+00 : f32
    %max3A_26 = vector.broadcast %max3A : f32 to vector<2048x128xf32>
    %max3A_27 = arith.maximumf %add3A_25, %max3A_26 : vector<2048x128xf32>
    %lt3A = arith.constant 10000 : i32
    %lt3A_28 = vector.broadcast %lt3A : i32 to vector<2048x1xi32>
    %lt3A_29 = arith.cmpi slt, %add3A_1, %lt3A_28 : vector<2048x1xi32>
    %get3A_30 = arith.constant 0 : index
    %get3A_31 = arith.constant 0 : index
    %get3A_32 = vector.load %arg5[%get3A_30, %get3A_31] : memref<128x128xf32, #tpu.memory_space<vmem>>, vector<128x128xf32>
    %dot_general3A = arith.constant dense<0.000000e+00> : vector<2048x128xf32>
    %dot_general3A_33 = tpu.matmul %max3A_27, %get3A_32, %dot_general3A {dimension_numbers = #tpu.dot_dimension_numbers<[1], [0], [0], [1], [0, 0, 1, 1], [], []>, transpose_lhs_hint = false} : vector<2048x128xf32>, vector<128x128xf32>, vector<2048x128xf32> -> vector<2048x128xf32>
    %get3A_34 = arith.constant 0 : index
    %get3A_35 = arith.constant 0 : index
    %get3A_36 = vector.load %arg3[%get3A_34, %get3A_35] : memref<2048x1xf32, #tpu.memory_space<vmem>>, vector<2048x1xf32>
    %mul3A_37 = vector.broadcast %get3A_36 : vector<2048x1xf32> to vector<2048x128xf32>
    %mul3A_38 = arith.mulf %dot_general3A_33, %mul3A_37 : vector<2048x128xf32>
    %jit3A = arith.constant 0.000000e+00 : f32
    %broadcast_in_dim3A = vector.shape_cast %lt3A_29 : vector<2048x1xi1> to vector<2048x1xi1>
    %broadcast_in_dim3A_39 = vector.broadcast %broadcast_in_dim3A : vector<2048x1xi1> to vector<2048x128xi1>
    %broadcast_in_dim3A_40 = vector.broadcast %jit3A : f32 to vector<2048x128xf32>
    %select_n3A = arith.select %broadcast_in_dim3A_39, %mul3A_38, %broadcast_in_dim3A_40 : vector<2048x128xi1>, vector<2048x128xf32>
    %swap3A = arith.constant 0 : index
    %swap3A_41 = arith.constant 0 : index
    %swap3A_42 = vector.load %arg6[%swap3A, %swap3A_41] : memref<2048x128xf32, #tpu.memory_space<vmem>>, vector<2048x128xf32>
    tpu.vector_store %arg6[%swap3A, %swap3A_41], %select_n3A {strides = array<i32>} : memref<2048x128xf32, #tpu.memory_space<vmem>>, vector<2048x128xf32>,
    return
  }
  func.func @transform_0(%arg0: i32) -> (i32, i32, i32) {
    %c0_i32 = arith.constant 0 : i32
    %c0_i32_0 = arith.constant 0 : i32
    %c0_i32_1 = arith.constant 0 : i32
    return %c0_i32, %arg0, %c0_i32_0 : i32, i32, i32
  }
  func.func @transform_1(%arg0: i32) -> (i32, i32) {
    %c0_i32 = arith.constant 0 : i32
    %c0_i32_0 = arith.constant 0 : i32
    return %arg0, %c0_i32 : i32, i32
  }
  func.func @transform_2(%arg0: i32) -> (i32, i32) {
    %c0_i32 = arith.constant 0 : i32
    %c0_i32_0 = arith.constant 0 : i32
    return %arg0, %c0_i32 : i32, i32
  }
  func.func @transform_3(%arg0: i32) -> (i32, i32) {
    %c0_i32 = arith.constant 0 : i32
    %c0_i32_0 = arith.constant 0 : i32
    %c0_i32_1 = arith.constant 0 : i32
    return %c0_i32, %c0_i32_0 : i32, i32
  }
  func.func @transform_4(%arg0: i32) -> (i32, i32) {
    %c0_i32 = arith.constant 0 : i32
    %c0_i32_0 = arith.constant 0 : i32
    %c0_i32_1 = arith.constant 0 : i32
    return %c0_i32, %c0_i32_0 : i32, i32
  }
  func.func @transform_5(%arg0: i32) -> (i32, i32) {
    %c0_i32 = arith.constant 0 : i32
    %c0_i32_0 = arith.constant 0 : i32
    return %arg0, %c0_i32 : i32, i32
  }
}

module attributes {stable_mosaic.version = 14 : i64} {
  func.func @_k3_body(%arg0: i32, %arg1: memref<2x2048x128xf32, #tpu.memory_space<vmem>>, %arg2: memref<2048x128xf32, #tpu.memory_space<vmem>>, %arg3: memref<2048x1xf32, #tpu.memory_space<vmem>>, %arg4: memref<1x128xf32, #tpu.memory_space<vmem>>, %arg5: memref<2048x128xf32, #tpu.memory_space<vmem>>) attributes {dimension_semantics = [#tpu.dimension_semantics<arbitrary>], iteration_bounds = array<i64: 5>, scalar_prefetch = 0 : i64, scratch_operands = 0 : i64, tpu.core_type = #tpu.core_type<tc>, window_params = [{transform_indices = @transform_0, window_bounds = array<i64: 2, 2048, 128>}, {transform_indices = @transform_1, window_bounds = array<i64: 2048, 128>}, {transform_indices = @transform_2, window_bounds = array<i64: 2048, 1>}, {pipeline_mode = #tpu.pipeline_mode<synchronous>, transform_indices = @transform_3, window_bounds = array<i64: 1, 128>}, {transform_indices = @transform_4, window_bounds = array<i64: 2048, 128>}]} {
    %get3A = arith.constant 0 : index
    %get3A_0 = arith.constant 0 : index
    %get3A_1 = arith.constant 0 : index
    %get3A_2 = vector.load %arg1[%get3A, %get3A_0, %get3A_1] : memref<2x2048x128xf32, #tpu.memory_space<vmem>>, vector<1x2048x128xf32>
    %get3A_3 = vector.shape_cast %get3A_2 : vector<1x2048x128xf32> to vector<2048x128xf32>
    %get3A_4 = arith.constant 1 : index
    %get3A_5 = arith.constant 0 : index
    %get3A_6 = arith.constant 0 : index
    %get3A_7 = vector.load %arg1[%get3A_4, %get3A_5, %get3A_6] : memref<2x2048x128xf32, #tpu.memory_space<vmem>>, vector<1x2048x128xf32>
    %get3A_8 = vector.shape_cast %get3A_7 : vector<1x2048x128xf32> to vector<2048x128xf32>
    %add3A = arith.addf %get3A_3, %get3A_8 : vector<2048x128xf32>
    %get3A_9 = arith.constant 0 : index
    %get3A_10 = arith.constant 0 : index
    %get3A_11 = vector.load %arg2[%get3A_9, %get3A_10] : memref<2048x128xf32, #tpu.memory_space<vmem>>, vector<2048x128xf32>
    %add3A_12 = arith.addf %add3A, %get3A_11 : vector<2048x128xf32>
    %get3A_13 = arith.constant 0 : index
    %get3A_14 = arith.constant 0 : index
    %get3A_15 = vector.load %arg3[%get3A_13, %get3A_14] : memref<2048x1xf32, #tpu.memory_space<vmem>>, vector<2048x1xf32>
    %mul3A = vector.broadcast %get3A_15 : vector<2048x1xf32> to vector<2048x128xf32>
    %mul3A_16 = arith.mulf %add3A_12, %mul3A : vector<2048x128xf32>
    %get3A_17 = arith.constant 0 : index
    %get3A_18 = arith.constant 0 : index
    %get3A_19 = vector.load %arg4[%get3A_17, %get3A_18] : memref<1x128xf32, #tpu.memory_space<vmem>>, vector<1x128xf32>
    %add3A_20 = vector.broadcast %get3A_19 : vector<1x128xf32> to vector<2048x128xf32>
    %add3A_21 = arith.addf %mul3A_16, %add3A_20 : vector<2048x128xf32>
    %max3A = arith.constant 0.000000e+00 : f32
    %max3A_22 = vector.broadcast %max3A : f32 to vector<2048x128xf32>
    %max3A_23 = arith.maximumf %add3A_21, %max3A_22 : vector<2048x128xf32>
    %swap3A = arith.constant 0 : index
    %swap3A_24 = arith.constant 0 : index
    %swap3A_25 = vector.load %arg5[%swap3A, %swap3A_24] : memref<2048x128xf32, #tpu.memory_space<vmem>>, vector<2048x128xf32>
    tpu.vector_store %arg5[%swap3A, %swap3A_24], %max3A_23 {strides = array<i32>} : memref<2048x128xf32, #tpu.memory_space<vmem>>, vector<2048x128xf32>,
    return
  }
  func.func @transform_0(%arg0: i32) -> (i32, i32, i32) {
    %c0_i32 = arith.constant 0 : i32
    %c0_i32_0 = arith.constant 0 : i32
    %c0_i32_1 = arith.constant 0 : i32
    return %c0_i32, %arg0, %c0_i32_0 : i32, i32, i32
  }
  func.func @transform_1(%arg0: i32) -> (i32, i32) {
    %c0_i32 = arith.constant 0 : i32
    %c0_i32_0 = arith.constant 0 : i32
    return %arg0, %c0_i32 : i32, i32
  }
  func.func @transform_2(%arg0: i32) -> (i32, i32) {
    %c0_i32 = arith.constant 0 : i32
    %c0_i32_0 = arith.constant 0 : i32
    return %arg0, %c0_i32 : i32, i32
  }
  func.func @transform_3(%arg0: i32) -> (i32, i32) {
    %c0_i32 = arith.constant 0 : i32
    %c0_i32_0 = arith.constant 0 : i32
    %c0_i32_1 = arith.constant 0 : i32
    return %c0_i32, %c0_i32_0 : i32, i32
  }
  func.func @transform_4(%arg0: i32) -> (i32, i32) {
    %c0_i32 = arith.constant 0 : i32
    %c0_i32_0 = arith.constant 0 : i32
    return %arg0, %c0_i32 : i32, i32
  }
}

</mosaic_0001>

<sc_bundles>
// kernel: kernel.12.cloned.1.call-start
scs
__scs_entry_jumppad:
0x0: {  	(pc) =	sbr.rel $0x88, $3  }
0x1: {  	(tag) =	ssettag $0x0;
	lr =	simm.s32 $0x1  }
0x2: {  	[smem:$0x3F9B] =	sst lr;
	_ =	strace $0xD0000000  }
0x3: {  	_ = 	snop  }
0x4: {  	_ = 	snop  }
0x5: {  	_ = 	snop  }
0x6: {  	_ = 	snop  }
0x7: {  	_ = 	snop  }
__scs_overlays_trampoline_lowered:
0x8: {  	[smem:$0x3FAA] =	sst s0  }
0x9: {  	[smem:$0x3FAB] =	sst s1  }
0xa: {  	[smem:$0x3FAC] =	sst s2  }
0xb: {  	[smem:$0x3FAD] =	sst s3  }
0xc: {  	[smem:$0x3FAE] =	sst s4  }
0xd: {  	[smem:$0x3FAF] =	sst s5  }
0xe: {  	[smem:$0x3FB0] =	sst s6  }
0xf: {  	[smem:$0x3FB1] =	sst s7  }
0x10: {  	[smem:$0x3FB2] =	sst s8  }
0x11: {  	[smem:$0x3FB3] =	sst s9;
	s0 =	simm.s32 @!p0 $0x0  }
0x12: {  	s1 =	sld [smem:$0x3F99];
	s0 =	simm.s32 @p0 $0x1  }
0x13: {  	[smem:$0x3FB4] =	sst s0;
	s0 =	simm.s32 @!p1 $0x0  }
0x14: {  	s2 =	sld [smem:$0x3F98];
	s0 =	simm.s32 @p1 $0x1  }
0x15: {  	[smem:$0x3FB5] =	sst s0;
	s0 =	simm.s32 @!p2 $0x0  }
0x16: {  	s3 =	sld [smem:$0x3FDB];
	s0 =	simm.s32 @p2 $0x1  }
0x17: {  	s4 =	simm.s32 $0x1BF5;
	[smem:$0x3FB7] =	sst s0  }
0x18: {  	s0 =	sld [smem:$0x3F9A];
	_ =	swait.ge [sflag:s4], $0x0  }
0x19: {  	s7 =	sld [smem:$0x3F9B]  }
0x1a: {  	s8 =	sadd.s32 $0xFFFFE003, lr  }
0x1b: {  	s9 =	sadd.s32 $0xFFFFFEF7, lr;
	s5 =	simm.s32 $0xFFFFFFFF;
	p2 =	slt.u32 s8, $0xFFFFF086  }
0x1c: {  	p1 =	slt.u32 s9, $0xF7A;
	s5 =	simm.s32 @!p2 $0x0  }
0x1d: {  	s5 =	simm.s32 @p1 $0x1;
	p0 =	seq.s32 s7, s2  }
0x1e: {  	s7 =	smul.u32 @!p0 $0xF7A, s2;
	p2 =	seq.s32 @!p0 s5, $0x0  }
0x1f: {  	s9 =	smul.u32 $0xF7A, s1;
	s8 =	simm.s32 @!p0 $0x1BF5;
	p2 =	por !p2, p0  }
0x20: {  	[sflag:s8] =	ssyncset.s32 @!p0 $0xFFFFF086;
	s6 =	sadd.s32 @!p0 s3, s7;
	s7 =	simm.s32 @!p0 $0x108  }
0x21: {  	s3 =	sadd.s32 s3, s9;
	s6 =	sadd.s32 @!p0 $0x88, s6;
	s7 =	simm.s32 @p2 $0x1082  }
0x22: {  	[simem:s7], [sflag:s8] =	dma.local @!p0 [hbm:s6], $0xF7A  }
0x23: {  	s9 =	sor.u32 $0xD0000000, s2;
	s6 =	simm.s32 $0x108;
	_ =	swait.ge @!p0 [sflag:s8], $0x0  }
0x24: {  	s3 =	sadd.s32 $0x88, s3;
	s6 =	simm.s32 @!p1 $0x1082;
	[sflag:s4] =	ssyncset.s32 $0xFFFFF086  }
0x25: {  	[simem:s6], [sflag:s4] =	dma.local [hbm:s3], $0xF7A  }
0x26: {  	[smem:$0x3F9B] =	sst s1;
	(tag) =	ssettag s2;
	_ =	strace s9  }
0x27: {  	s1 =	sld [smem:$0x3FAB]  }
0x28: {  	s2 =	sld [smem:$0x3FAC]  }
0x29: {  	s4 =	sld [smem:$0x3FAE]  }
0x2a: {  	p0 =	seq.s32 s5, $0x0;
	s5 =	sld [smem:$0x3FAF]  }
0x2b: {  	s6 =	sld [smem:$0x3FB0]  }
0x2c: {  	s7 =	sld [smem:$0x3FB1]  }
0x2d: {  	s3 =	simm.s32 $0x108;
	s8 =	sld [smem:$0x3FB2]  }
0x2e: {  	s3 =	simm.s32 @!p0 $0x1082;
	s9 =	sld [smem:$0x3FB3]  }
0x2f: {  	lr =	sadd.s32 s0, s3;
	s0 =	sld [smem:$0x3FAA]  }
0x30: {  	s3 =	sld [smem:$0x3FAD]  }
0x31: {  	[smem:$0x3FB6] =	sst s10  }
0x32: {  	s10 =	sld [smem:$0x3FB4];
	_ =	sdelay $0x3  }
0x33: {  	p0 =	seq.s32 s10, $0x1;
	s10 =	sld [smem:$0x3FB6];
	_ =	sdelay $0x3  }
0x34: {  	[smem:$0x3FB6] =	sst s10  }
0x35: {  	s10 =	sld [smem:$0x3FB5];
	_ =	sdelay $0x3  }
0x36: {  	p1 =	seq.s32 s10, $0x1;
	s10 =	sld [smem:$0x3FB6];
	_ =	sdelay $0x3  }
0x37: {  	[smem:$0x3FB6] =	sst s10  }
0x38: {  	s10 =	sld [smem:$0x3FB7]  }
0x39: {  	_ = 	snop;
	(pc) =	sbr.ind lr, $3  }
0x3a: {  	_ = 	snop  }
0x3b: {  	_ = 	snop  }
0x3c: {  	p2 =	seq.s32 s10, $0x1;
	s10 =	sld [smem:$0x3FB6]  }
0x3d: {  	_ =	shalt  }
0x3e: {  	_ =	shalt  }
0x3f: {  	_ =	shalt  }
0x40: {  	_ =	shalt  }
0x41: {  	_ =	shalt  }
0x42: {  	_ =	shalt  }
0x43: {  	_ =	shalt  }
0x44: {  	_ =	shalt  }
0x45: {  	_ =	shalt  }
0x46: {  	_ =	shalt  }
0x47: {  	_ =	shalt  }
0x48: {  	_ =	shalt  }
0x49: {  	_ =	shalt  }
0x4a: {  	_ =	shalt  }
0x4b: {  	_ =	shalt  }
0x4c: {  	_ =	shalt  }
0x4d: {  	_ =	shalt  }
0x4e: {  	_ =	shalt  }
0x4f: {  	_ =	shalt  }
0x50: {  	_ =	shalt  }
0x51: {  	_ =	shalt  }
0x52: {  	_ =	shalt  }
0x53: {  	_ =	shalt  }
0x54: {  	_ =	shalt  }
0x55: {  	_ =	shalt  }
0x56: {  	_ =	shalt  }
0x57: {  	_ =	shalt  }
0x58: {  	_ =	shalt  }
0x59: {  	_ =	shalt  }
0x5a: {  	_ =	shalt  }
0x5b: {  	_ =	shalt  }
0x5c: {  	_ =	shalt  }
0x5d: {  	_ =	shalt  }
0x5e: {  	_ =	shalt  }
0x5f: {  	_ =	shalt  }
0x60: {  	_ =	shalt  }
0x61: {  	_ =	shalt  }
0x62: {  	_ =	shalt  }
0x63: {  	_ =	shalt  }
0x64: {  	_ =	shalt  }
0x65: {  	_ =	shalt  }
0x66: {  	_ =	shalt  }
0x67: {  	_ =	shalt  }
0x68: {  	_ =	shalt  }
0x69: {  	_ =	shalt  }
0x6a: {  	_ =	shalt  }
0x6b: {  	_ =	shalt  }
0x6c: {  	_ =	shalt  }
0x6d: {  	_ =	shalt  }
0x6e: {  	_ =	shalt  }
0x6f: {  	_ =	shalt  }
0x70: {  	_ =	shalt  }
0x71: {  	_ =	shalt  }
0x72: {  	_ =	shalt  }
0x73: {  	_ =	shalt  }
0x74: {  	_ =	shalt  }
0x75: {  	_ =	shalt  }
0x76: {  	_ =	shalt  }
0x77: {  	_ =	shalt  }
0x78: {  	_ =	shalt  }
0x79: {  	_ =	shalt  }
0x7a: {  	_ =	shalt  }
0x7b: {  	_ =	shalt  }
0x7c: {  	_ =	shalt  }
0x7d: {  	_ =	shalt  }
0x7e: {  	_ =	shalt  }
0x7f: {  	_ =	shalt  }
0x80: {  	_ =	shalt  }
0x81: {  	_ =	shalt  }
0x82: {  	_ =	shalt  }
0x83: {  	_ =	shalt  }
0x84: {  	_ =	shalt  }
0x85: {  	_ =	shalt  }
0x86: {  	_ =	shalt  }
0x87: {  	_ =	shalt  }
.Lfunc_end0:
.L_simem_size_0:
called_computation.1_lowered:
.L_overlay_start_0:
0x88: {  	s2 =	sld [smem:$0x3FD9]  }
0x89: {  	s3 =	sld [smem:$0x3FFE];
	_ =	sdelay $0x1  }
0x8a: {  	s1 =	srdreg.scid  }
0x8b: {  	s0 =	sand.u32 $0x1, s1  }
0x8c: {  	s17 =	sshll.u32 s0, $0xA;
	s2 =	sadd.s32 s3, s2  }
0x8d: {  	s2 =	sadd.s32 s2, s17  }
0x8e: {  	[smem:$0x3FC2] =	sst s2  }
0x8f: {  	_ = 	snop  }
0x90: {  	s2 =	sld [smem:$0x3FD0];
	(tm) =	ssettm $0x1  }
0x91: {  	s18 =	sld [smem:$0x3FFB];
	_ =	sdelay $0x3  }
0x92: {  	_ =	strace s18  }
0x93: {  	s3 =	sld [smem:$0x3FFC];
	_ =	sdelay $0x3  }
0x94: {  	_ =	strace s3  }
0x95: {  	s3 =	sld [smem:$0x3FFD];
	_ =	sdelay $0x3  }
0x96: {  	_ =	strace s3  }
0x97: {  	_ =	strace $0x8FFFFFFF  }
0x98: {  	s19 =	sld [smem:$0x3FDB];
	_ =	sdelay $0x1  }
0x99: {  	s4 =	simm.s32 $_scs_section_size  }
0x9a: {  	s5 =	simm.s32 $_size__tile_overlayer_lowered;
	s6 =	simm.s32 $_tile_overlayer_lowered  }
0x9b: {  	s22 =	simm.s32 $0x1BFF;
	s21 =	sshll.u32 s6, $0x1;
	s3 =	sadd.s32 s4, s19  }
0x9c: {  	s7 =	simm.s32 $0x0;
	s20 =	sshll.u32 s5, $0x1;
	s5 =	sadd.s32 s21, s3  }
0x9d: {  	[timem:s7], [sflag:s22] =	dma.local [hbm:s5], s20  }
0x9e: {  	_ =	swait.ge [sflag:s22], s20  }
0x9f: {  	s4 =	ssub.s32 $0x0, s20;
	[sflag:s22] =	ssyncset.done $0x0  }
0xa0: {  	[sflag:s22] =	ssyncadd.s32 s4;
	_ =	sdelay $0x1  }
0xa1: {  	s23 =	simm.s32 $0x1B8B  }
0xa2: {  	_ =	swait.ge [sflag:s23], $0x1  }
0xa3: {  	[sflag:s23] =	ssyncset.done $0x0  }
0xa4: {  	s25 =	simm.s32 $0x1B8E;
	s24 =	sld [smem:$0x3FFE];
	[sflag:s23] =	ssyncadd.s32 $0xFFFFFFFF  }
0xa5: {  	s26 =	simm.s32 $execute0_lowered;
	[smem:$0x3FD2] =	sst s25  }
0xa6: {  	s5 =	sshll.u32 s26, $0x1;
	_ =	strace $0x80000049;
	[dreg:$0x1] =	wrdreg $0xFFFFFFFF  }
0xa7: {  	s28 =	simm.s32 $_size_execute0_lowered;
	s3 =	sadd.s32 s3, s5;
	[dreg:$0x0] =	wrdreg $0x0  }
0xa8: {  	s5 =	sshll.u32 s28, $0x1;
	[dreg:$0x2] =	wrdreg s3  }
0xa9: {  	[dreg:$0x3] =	wrdreg s5  }
0xaa: {  	[dreg:$0x4] =	wrdreg $0xC0  }
0xab: {  	_ =	task [dreg:s7], $0x5FFFF  }
0xac: {  	[dreg:$0x1] =	wrdreg $0xFFFFFFFF  }
0xad: {  	[dreg:$0x0] =	wrdreg $0x60  }
0xae: {  	[dreg:$0x2] =	wrdreg s24  }
0xaf: {  	[dreg:$0x3] =	wrdreg s2  }
0xb0: {  	[dreg:$0x4] =	wrdreg $0xA9000  }
0xb1: {  	[dreg:$0x5] =	wrdreg $0x9  }
0xb2: {  	_ =	task.clear_ibuf [dreg:s7], $0x6FFFF;
	_ =	strace $0x90000049  }
0xb3: {  	s29 =	simm.s32 $0x9;
	_ =	strace $0x8000004B  }
0xb4: {  	_ =	swait.ge [sflag:s29], $0x1  }
0xb5: {  	[sflag:s29] =	ssyncadd.s32 $0xFFFFFFFF  }
0xb6: {  	_ =	strace $0x9000004B  }
0xb7: {  	_ =	sfence  }
0xb8: {  	s30 =	sld [smem:$0x0];
	_ =	sdelay $0x2  }
0xb9: {  	s31 =	sshll.u32 s1, $0xD;
	s1 =	sshrl.u32 s1, $0x2  }
0xba: {  	s3 =	sand.u32 $0x4000, s31;
	s1 =	sadd.s32 s1, s30  }
0xbb: {  	s0 =	sor.u32 s3, s0;
	s1 =	sshll.u32 s1, $0x11  }
0xbc: {  	s0 =	sor.u32 s1, s0  }
0xbd: {  	s0 =	sadd.s32 $0x8F2B, s0  }
0xbe: {  	[sflag:s0] =	ssyncadd.remote.s32 $0x1  }
0xbf: {  	_ =	sfence.sel $0xFFFF  }
0xc0: {  	[dreg:$0x0] =	wrdreg $0xFFFFFFFF;
	(pc) =	sbr.abs _section_cstart, $3  }
0xc1: {  	[dreg:$0x1] =	wrdreg $0xFFFFFFFF  }
0xc2: {  	_ =	task.clear_ibuf [dreg:s7], $0x2FFFF;
	_ =	strace $0x9FFFFFFF  }
0xc3: {  	(tm) =	ssettm $0x7FFFFFFF  }
tec
execute0_lowered:
.L_overlay_start_1:
0x0: {  	(tag) =	ssettag $0x1  }
0x1: {  	s0 =	rddreg [dreg:$0x0]  }
0x2: {  	s1 =	rddreg [dreg:$0x1]  }
0x3: {  	s2 =	rddreg [dreg:$0x2];
	s4 =	simm.s32 $0x0  }
0x4: {  	s3 =	srdreg.scid;
	s13 =	stileid.u32;
	s28 =	simm.s32 $0x4  }
0x5: {  	s29 =	simm.s32 $0x80;
	s30 =	simm.s32 $0x5;
	s9 =	smul.u32 $0x14000, s13  }
0x6: {  	s31 =	simm.s32 $0x6900;
	[smem:$0x7FF] =	sst s4;
	s14 =	smul.u32 $0x50000, s13  }
0x7: {  	s3 =	sand.u32 $0x1, s3;
	s5 =	sadd.s32 $0xC200, s0;
	s18 =	smul.u32 $0xA0, s13  }
0x8: {  	s6 =	sadd.s32 $0x2400, s0;
	s7 =	sadd.s32 $0x2000, s0;
	s19 =	smul.u32 $0x5000, s13  }
0x9: {  	s10 =	sadd.s32 $0x34200, s0;
	s12 =	sshll.u32 s13, $0x1;
	s8 =	smul.u32 $0x140000, s3  }
0xa: {  	_ =	strace $0x8000004A;
	[dreg:$0x4] =	wrdreg s10;
	s15 =	ssub.s32 $0x2, s3  }
0xb: {  	s22 =	smul.u32 $0x2800, s3;
	s16 =	sshrl.u32 s15, $0x1;
	s10 =	sshrl.u32 s14, $0x2  }
0xc: {  	s8 =	sadd.s32 s9, s8;
	s9 =	sor.u32 s3, s12;
	s12 =	smul.u32 $0xA00, s13  }
0xd: {  	s26 =	sadd.s32 s22, s19;
	s11 =	smul.u32 $0x500, s9;
	s9 =	sadd.s32 s10, s2  }
0xe: {  	s13 =	simm.s32 $0x100;
	s8 =	sshrl.u32 s8, $0x3;
	s14 =	sadd.s32 $0x4000, s9  }
0xf: {  	s0 =	sadd.s32 s8, s0;
	s17 =	sadd.s32 $0x8000, s9;
	[dreg:$0x5] =	wrdreg s14  }
0x10: {  	s8 =	ssub.s32 s15, s16;
	s15 =	sadd.s32 $0xC000, s9;
	[dreg:$0x6] =	wrdreg s17  }
0x11: {  	s10 =	smul.u32 $0x500, s3;
	s20 =	sadd.s32 $0x10000, s9;
	[dreg:$0x7] =	wrdreg s15  }
0x12: {  	s3 =	smul.u32 $0x50, s3;
	s16 =	sadd.s32 s1, s11;
	[dreg:$0x9] =	wrdreg s20  }
0x13: {  	s22 =	sadd.s32 $0xFFFB2000, s26;
	s0 =	sadd.s32 $0x34A00, s0;
	[dreg:$0x8] =	wrdreg s16  }
0x14: {  	s26 =	simm.s32 $0x1;
	s25 =	smax.u32 s8, $0x1;
	[dreg:$0xd] =	wrdreg s0  }
0x15: {  	s20 =	sadd.s32 s10, s12;
	s21 =	sadd.s32 $0x10, s16;
	[dreg:$0xe] =	wrdreg s25  }
0x16: {  	s8 =	simm.s32 $0x3;
	s23 =	sadd.s32 $0x20, s16;
	[dreg:$0xa] =	wrdreg s21  }
0x17: {  	s10 =	simm.s32 $0x0;
	s24 =	sadd.s32 $0x30, s16;
	[dreg:$0xb] =	wrdreg s23  }
0x18: {  	s25 =	simm.s32 $0x6;
	[dreg:$0xc] =	wrdreg s24;
	s21 =	sadd.s32 s3, s18  }
0x19: {  	s24 =	simm.s32 $0x2900;
	s3 =	simm.s32 $0x2;
	s23 =	sor.u32 $0x4, s21  }
.LBB2_1:
0x1a: {  	s0 =	rddreg [dreg:$0x4]  }
0x1b: {  	[tilespmem:s24], [sflag:$0x6] =	stream.linear.gather [hbm4b:s0+s4], $0x4000, $0x38;
	[tilespmem:$0x1E900] =	vst v63  }
0x1c: {  	_ =	swait.ge [sflag:s25], $0x4000  }
0x1d: {  	[sflag:s25] =	ssyncset.done $0x0  }
0x1e: {  	[sflag:s25] =	ssyncadd.s32 $0xFFFFC000  }
0x1f: {  	[spmem:s9] =	stream.linear.scatter [tilespmem:s24], [sflag:$0x6], $0x4000, $0x38;
	[tilespmem:$0x1E900] =	vst v63  }
0x20: {  	_ =	swait.ge [sflag:s25], $0x4000  }
0x21: {  	[sflag:s25] =	ssyncset.done $0x0  }
0x22: {  	s16 =	rddreg [dreg:$0x5];
	[sflag:s25] =	ssyncadd.s32 $0xFFFFC000  }
0x23: {  	[spmem:s16] =	stream.linear.scatter [tilespmem:s24], [sflag:$0x6], $0x4000, $0x38;
	[tilespmem:$0x1E900] =	vst v63  }
0x24: {  	_ =	swait.ge [sflag:s25], $0x4000  }
0x25: {  	[sflag:s25] =	ssyncset.done $0x0  }
0x26: {  	s17 =	rddreg [dreg:$0x6];
	[sflag:s25] =	ssyncadd.s32 $0xFFFFC000  }
0x27: {  	[spmem:s17] =	stream.linear.scatter [tilespmem:s24], [sflag:$0x6], $0x4000, $0x38;
	[tilespmem:$0x1E900] =	vst v63  }
0x28: {  	_ =	swait.ge [sflag:s25], $0x4000  }
0x29: {  	[sflag:s25] =	ssyncset.done $0x0  }
0x2a: {  	p0 =	sgt.u32 s21, $0x9C3;
	s18 =	rddreg [dreg:$0x7];
	[sflag:s25] =	ssyncadd.s32 $0xFFFFC000  }
0x2b: {  	[spmem:s18] =	stream.linear.scatter [tilespmem:s24], [sflag:$0x6], $0x4000, $0x38;
	[tilespmem:$0x1E900] =	vst v63  }
0x2c: {  	s12 =	sadd.s32 $0x0, s20;
	s11 =	sadd.s32 @p0 $0x0, s20;
	_ =	swait.ge [sflag:s25], $0x4000  }
0x2d: {  	s14 =	sand.u32 @!p0 $0x70, s4;
	s12 =	sand.u32 @!p0 $0xFF80, s12;
	[sflag:s25] =	ssyncset.done $0x0  }
0x2e: {  	s11 =	sadd.s32 @p0 $0xFFF63C0, s11;
	s19 =	rddreg [dreg:$0x9];
	[sflag:s25] =	ssyncadd.s32 $0xFFFFC000  }
0x2f: {  	[spmem:s19] =	stream.linear.scatter [tilespmem:s24], [sflag:$0x6], $0x4000, $0x38;
	[tilespmem:$0x1E900] =	vst v63  }
0x30: {  	s14 =	sadd.s32 @!p0 s6, s14;
	s11 =	sand.u32 @p0 $0xFFFFFF0, s11;
	_ =	swait.ge [sflag:s25], $0x4000  }
0x31: {  	s12 =	sadd.s32 @!p0 s12, s14;
	s11 =	sadd.s32 @p0 s7, s11;
	[sflag:s25] =	ssyncset.done $0x0  }
0x32: {  	s12 =	smov.u32 @p0 s11;
	[sflag:s25] =	ssyncadd.s32 $0xFFFFC000  }
0x33: {  	[tilespmem:s13], [sflag:$0x1] =	stream.linear.gather [hbm4b:s12+s4], $0x80, $0x38;
	[tilespmem:$0x1E900] =	vst v63  }
0x34: {  	s14 =	simm.s32 $0x100;
	s11 =	simm.s32 $0x10;
	s12 =	sadd.s32 $0x1, s21  }
.LBB2_2:
0x35: {  	p0 =	sgt.u32 s12, $0x9C3;
	s15 =	smov.u32 s11;
	s11 =	sadd.s32 $0x10, s11  }
0x36: {  	s16 =	sadd.s32 @p0 s15, s20;
	p1 =	sne.s32 s11, $0x500;
	s17 =	sadd.s32 s15, s20  }
.Ltmp0:
0x37: {  	s15 =	sand.u32 @!p0 $0x70, s15;
	s16 =	sadd.s32 @p0 $0xFFF63C0, s16;
	(pc) =	sbr.rel @p1 .LBB2_2-.Ltmp0, $4  }
0x38: {  	s17 =	sand.u32 @!p0 $0xFF80, s17;
	s15 =	sadd.s32 @!p0 s6, s15;
	s16 =	sand.u32 @p0 $0xFFFFFF0, s16  }
0x39: {  	s15 =	sadd.s32 @!p0 s17, s15;
	s16 =	sadd.s32 @p0 s7, s16  }
0x3a: {  	s12 =	sadd.s32 $0x1, s12;
	s14 =	sadd.s32 $0x80, s14;
	s15 =	smov.u32 @p0 s16  }
0x3b: {  	[tilespmem:s14], [sflag:$0x1] =	stream.linear.gather [hbm4b:s15+s4], $0x80, $0x38;
	[tilespmem:$0x1E900] =	vst v63  }
0x3c: {  	_ =	swait.ge [sflag:s26], $0x80  }
0x3d: {  	s11 =	simm.s32 $0x4F;
	[sflag:s26] =	ssyncset.done $0x0  }
.LBB2_4:
0x3e: {  	p0 =	sne.s32 s11, $0x1;
	s11 =	sadd.s32 $0xFFFFFFFF, s11;
	[sflag:s26] =	ssyncadd.s32 $0xFFFFFF80  }
.Ltmp1:
0x3f: {  	(pc) =	sbr.rel @p0 .LBB2_4-.Ltmp1, $3  }
0x40: {  	_ =	sdelay $0x1  }
0x41: {  	_ =	swait.ge [sflag:s26], $0x80  }
0x42: {  	[sflag:s26] =	ssyncset.done $0x0  }
0x43: {  	[sflag:s26] =	ssyncadd.s32 $0xFFFFFF80  }
0x44: {  	[bflag:$0x0] =	sbarrier.arrive $0xFFFF  }
0x45: {  	s0 =	rddreg [dreg:$0x8]  }
0x46: {  	[tilespmem:s4], [sflag:$0x4] =	stream.linear.gather [hbm4b:s0+s4], $0x80, $0x38;
	[tilespmem:$0x1E900] =	vst v63  }
0x47: {  	_ =	swait.ge [sflag:s28], $0x80  }
0x48: {  	[sflag:s28] =	ssyncset.done $0x0  }
0x49: {  	[sflag:s28] =	ssyncadd.s32 $0xFFFFFF80  }
0x4a: {  	[tilespmem:s24], [sflag:$0x1] =	stream.indirect.gather [hbm4b:s5+s29], $0x80, s4, s29, $0xb8;
	[tilespmem:$0x1E900] =	vst v63  }
0x4b: {  	s14 =	rddreg [dreg:$0xa]  }
0x4c: {  	[tilespmem:s29], [sflag:$0x5] =	stream.linear.gather [hbm4b:s14+s4], $0x80, $0x38;
	[tilespmem:$0x1E900] =	vst v63  }
0x4d: {  	_ =	swait.ge [sflag:s26], $0x4000  }
0x4e: {  	[sflag:s26] =	ssyncset.done $0x0  }
0x4f: {  	s15 =	rddreg [dreg:$0xb];
	[sflag:s26] =	ssyncadd.s32 $0xFFFFC000  }
0x50: {  	[tilespmem:s4], [sflag:$0x4] =	stream.linear.gather [hbm4b:s15+s4], $0x80, $0x38;
	[tilespmem:$0x1E900] =	vst v63  }
0x51: {  	_ =	swait.ge [sflag:s30], $0x80  }
0x52: {  	[sflag:s30] =	ssyncset.done $0x0  }
0x53: {  	[sflag:s30] =	ssyncadd.s32 $0xFFFFFF80  }
0x54: {  	[tilespmem:s31], [sflag:$0x1] =	stream.indirect.gather [hbm4b:s5+s29], $0x80, s29, s29, $0xb8;
	[tilespmem:$0x1E900] =	vst v63  }
0x55: {  	_ = 	snop  }
0x56: {  	[spmem:s2] =	stream.indirect.scatter.add.f32 [tilespmem:s24], [sflag:$0x2], $0x80, s13, s29, $0xb8;
	[tilespmem:$0x1E900] =	vst v63  }
0x57: {  	_ =	swait.ge [sflag:s26], $0x4000  }
0x58: {  	[sflag:s26] =	ssyncset.done $0x0  }
0x59: {  	s16 =	rddreg [dreg:$0xc];
	[sflag:s26] =	ssyncadd.s32 $0xFFFFC000  }
0x5a: {  	[tilespmem:s29], [sflag:$0x5] =	stream.linear.gather [hbm4b:s16+s4], $0x80, $0x38;
	[tilespmem:$0x1E900] =	vst v63  }
0x5b: {  	s17 =	simm.s32 $0x180  }
0x5c: {  	[spmem:s2] =	stream.indirect.scatter.add.f32 [tilespmem:s31], [sflag:$0x3], $0x80, s17, s29, $0xb8;
	[tilespmem:$0x1E900] =	vst v63  }
0x5d: {  	_ =	swait.ge [sflag:s3], $0x4000  }
0x5e: {  	[sflag:s3] =	ssyncset.done $0x0  }
0x5f: {  	p0 =	sgt.u32 s23, $0x9C3;
	[sflag:s3] =	ssyncadd.s32 $0xFFFFC000  }
0x60: {  	s18 =	sadd.s32 $0x1, s23;
	s19 =	simm.s32 $0x200;
	_ =	swait.ge [sflag:s28], $0x80  }
0x61: {  	s11 =	simm.s32 @!p0 $0x40;
	s12 =	sshrl.u32 @p0 s22, $0x3;
	[sflag:s28] =	ssyncset.done $0x0  }
0x62: {  	s11 =	sand.u32 @!p0 $0x60, s11;
	s14 =	sadd.s32 @!p0 $0x40, s20;
	[sflag:s28] =	ssyncadd.s32 $0xFFFFFF80  }
0x63: {  	[tilespmem:s24], [sflag:$0x1] =	stream.indirect.gather [hbm4b:s5+s29], $0x80, s4, s29, $0xb8;
	[tilespmem:$0x1E900] =	vst v63  }
0x64: {  	s11 =	sadd.s32 @!p0 s1, s11;
	s14 =	sand.u32 @!p0 $0xFF80, s14;
	_ =	swait.ge [sflag:s26], $0x4000  }
0x65: {  	s12 =	sadd.s32 @p0 s7, s12;
	s11 =	sadd.s32 @!p0 s14, s11;
	[sflag:s26] =	ssyncset.done $0x0  }
0x66: {  	s14 =	simm.s32 $0x50;
	s11 =	smov.u32 @p0 s12;
	[sflag:s26] =	ssyncadd.s32 $0xFFFFC000  }
0x67: {  	[tilespmem:s4], [sflag:$0x4] =	stream.linear.gather [hbm4b:s11+s4], $0x80, $0x38;
	[tilespmem:$0x1E900] =	vst v63  }
0x68: {  	s12 =	simm.s32 $0x280;
	p0 =	sgt.u32 s18, $0x9C3;
	_ =	swait.ge [sflag:s8], $0x4000  }
0x69: {  	s15 =	sadd.s32 @!p0 $0x50, s20;
	s14 =	sand.u32 @!p0 $0x70, s14;
	[sflag:s8] =	ssyncset.done $0x0  }
0x6a: {  	s15 =	sand.u32 @!p0 $0xFF80, s15;
	s14 =	sadd.s32 @!p0 s1, s14;
	[sflag:s8] =	ssyncadd.s32 $0xFFFFC000  }
0x6b: {  	s18 =	sadd.s32 @!p0 s15, s14;
	s16 =	sadd.s32 @p0 $0x80, s22;
	_ =	swait.ge [sflag:s30], $0x80  }
0x6c: {  	s15 =	sadd.s32 $0x2, s23;
	s16 =	sshrl.u32 @p0 s16, $0x3;
	[sflag:s30] =	ssyncset.done $0x0  }
0x6d: {  	s14 =	sadd.s32 $0x100, s22;
	s17 =	sadd.s32 @p0 s7, s16;
	[sflag:s30] =	ssyncadd.s32 $0xFFFFFF80  }
0x6e: {  	[tilespmem:s31], [sflag:$0x1] =	stream.indirect.gather [hbm4b:s5+s29], $0x80, s29, s29, $0xb8;
	[tilespmem:$0x1E900] =	vst v63  }
0x6f: {  	s16 =	simm.s32 $0x90;
	s18 =	smov.u32 @p0 s17;
	p0 =	sgt.u32 s15, $0x9C3  }
0x70: {  	[spmem:s2] =	stream.indirect.scatter.add.f32 [tilespmem:s24], [sflag:$0x2], $0x80, s19, s29, $0xb8;
	[tilespmem:$0x1E900] =	vst v63  }
0x71: {  	s17 =	simm.s32 $0x280;
	s11 =	simm.s32 $0x70;
	_ =	swait.ge [sflag:s26], $0x4000  }
.LBB2_6:
0x72: {  	[sflag:s26] =	ssyncset.done $0x0;
	s12 =	sadd.s32 $0x100, s12  }
0x73: {  	s19 =	smov.u32 s11;
	s11 =	smov.u32 s16;
	s16 =	sadd.s32 $0x20, s16  }
0x74: {  	p1 =	sne.s32 s16, $0x510;
	[sflag:s26] =	ssyncadd.s32 $0xFFFFC000  }
0x75: {  	[tilespmem:s29], [sflag:$0x5] =	stream.linear.gather [hbm4b:s18+s4], $0x80, $0x38;
	[tilespmem:$0x1E900] =	vst v63  }
0x76: {  	_ = 	snop  }
0x77: {  	[spmem:s2] =	stream.indirect.scatter.add.f32 [tilespmem:s31], [sflag:$0x3], $0x80, s17, s29, $0xb8;
	[tilespmem:$0x1E900] =	vst v63  }
0x78: {  	s17 =	smov.u32 s12;
	_ =	swait.ge [sflag:s3], $0x4000  }
0x79: {  	[sflag:s3] =	ssyncset.done $0x0  }
0x7a: {  	[sflag:s3] =	ssyncadd.s32 $0xFFFFC000  }
0x7b: {  	_ =	swait.ge [sflag:s28], $0x80  }
0x7c: {  	[sflag:s28] =	ssyncset.done $0x0  }
0x7d: {  	s18 =	sadd.s32 @!p0 $0xFFFFFFF0, s19;
	[sflag:s28] =	ssyncadd.s32 $0xFFFFFF80  }
0x7e: {  	[tilespmem:s24], [sflag:$0x1] =	stream.indirect.gather [hbm4b:s5+s29], $0x80, s4, s29, $0xb8;
	[tilespmem:$0x1E900] =	vst v63  }
0x7f: {  	s0 =	sshrl.u32 @p0 s14, $0x3;
	s13 =	sadd.s32 @!p0 s20, s18;
	s18 =	sand.u32 @!p0 $0x60, s18  }
0x80: {  	s13 =	sand.u32 @!p0 $0xFF80, s13;
	s18 =	sadd.s32 @!p0 s1, s18;
	_ =	swait.ge [sflag:s26], $0x4000  }
0x81: {  	s0 =	sadd.s32 @p0 s7, s0;
	s13 =	sadd.s32 @!p0 s13, s18;
	[sflag:s26] =	ssyncset.done $0x0  }
0x82: {  	s13 =	smov.u32 @p0 s0;
	s0 =	sadd.s32 $0x1, s15;
	[sflag:s26] =	ssyncadd.s32 $0xFFFFC000  }
0x83: {  	[tilespmem:s4], [sflag:$0x4] =	stream.linear.gather [hbm4b:s13+s4], $0x80, $0x38;
	[tilespmem:$0x1E900] =	vst v63  }
0x84: {  	p0 =	sgt.u32 s0, $0x9C3;
	_ =	swait.ge [sflag:s8], $0x4000  }
0x85: {  	s0 =	sadd.s32 @!p0 s19, s20;
	[sflag:s8] =	ssyncset.done $0x0  }
0x86: {  	s18 =	sand.u32 @!p0 $0x70, s19;
	s0 =	sand.u32 @!p0 $0xFF80, s0;
	[sflag:s8] =	ssyncadd.s32 $0xFFFFC000  }
0x87: {  	s18 =	sadd.s32 @!p0 s1, s18;
	s13 =	sadd.s32 @p0 $0x80, s14;
	_ =	swait.ge [sflag:s30], $0x80  }
0x88: {  	s18 =	sadd.s32 @!p0 s0, s18;
	s13 =	sshrl.u32 @p0 s13, $0x3;
	[sflag:s30] =	ssyncset.done $0x0  }
.Ltmp2:
0x89: {  	s13 =	sadd.s32 @p0 s7, s13;
	[sflag:s30] =	ssyncadd.s32 $0xFFFFFF80;
	(pc) =	sbr.rel @p1 .LBB2_6-.Ltmp2, $4  }
0x8a: {  	[tilespmem:s31], [sflag:$0x1] =	stream.indirect.gather [hbm4b:s5+s29], $0x80, s29, s29, $0xb8;
	[tilespmem:$0x1E900] =	vst v63  }
0x8b: {  	s15 =	sadd.s32 $0x2, s15;
	s0 =	sadd.s32 $0xFFFFFF80, s12;
	s18 =	smov.u32 @p0 s13  }
0x8c: {  	[spmem:s2] =	stream.indirect.scatter.add.f32 [tilespmem:s24], [sflag:$0x2], $0x80, s0, s29, $0xb8;
	[tilespmem:$0x1E900] =	vst v63  }
0x8d: {  	s14 =	sadd.s32 $0x100, s14;
	p0 =	sgt.u32 s15, $0x9C3;
	_ =	swait.ge [sflag:s26], $0x4000  }
0x8e: {  	[sflag:s26] =	ssyncset.done $0x0  }
0x8f: {  	[sflag:s26] =	ssyncadd.s32 $0xFFFFC000  }
0x90: {  	[tilespmem:s29], [sflag:$0x5] =	stream.linear.gather [hbm4b:s18+s4], $0x80, $0x38;
	[tilespmem:$0x1E900] =	vst v63  }
0x91: {  	_ = 	snop  }
0x92: {  	[spmem:s2] =	stream.indirect.scatter.add.f32 [tilespmem:s31], [sflag:$0x3], $0x80, s17, s29, $0xb8;
	[tilespmem:$0x1E900] =	vst v63  }
0x93: {  	_ =	swait.ge [sflag:s3], $0x4000  }
0x94: {  	[sflag:s3] =	ssyncset.done $0x0  }
0x95: {  	[sflag:s3] =	ssyncadd.s32 $0xFFFFC000  }
0x96: {  	_ =	swait.ge [sflag:s28], $0x80  }
0x97: {  	s0 =	sadd.s32 @!p0 $0xFFFFFFF0, s11;
	s13 =	sshrl.u32 @p0 s14, $0x3;
	[sflag:s28] =	ssyncset.done $0x0  }
0x98: {  	s16 =	sadd.s32 @!p0 s20, s0;
	s0 =	sand.u32 @!p0 $0x60, s0;
	[sflag:s28] =	ssyncadd.s32 $0xFFFFFF80  }
0x99: {  	[tilespmem:s24], [sflag:$0x1] =	stream.indirect.gather [hbm4b:s5+s29], $0x80, s4, s29, $0xb8;
	[tilespmem:$0x1E900] =	vst v63  }
0x9a: {  	s16 =	sand.u32 @!p0 $0xFF80, s16;
	s0 =	sadd.s32 @!p0 s1, s0;
	_ =	swait.ge [sflag:s26], $0x4000  }
0x9b: {  	s13 =	sadd.s32 @p0 s7, s13;
	s0 =	sadd.s32 @!p0 s16, s0;
	[sflag:s26] =	ssyncset.done $0x0  }
0x9c: {  	s0 =	smov.u32 @p0 s13;
	[sflag:s26] =	ssyncadd.s32 $0xFFFFC000  }
0x9d: {  	[tilespmem:s4], [sflag:$0x4] =	stream.linear.gather [hbm4b:s0+s4], $0x80, $0x38;
	[tilespmem:$0x1E900] =	vst v63  }
0x9e: {  	_ =	swait.ge [sflag:s8], $0x4000  }
0x9f: {  	[sflag:s8] =	ssyncset.done $0x0  }
0xa0: {  	[sflag:s8] =	ssyncadd.s32 $0xFFFFC000  }
0xa1: {  	_ =	swait.ge [sflag:s30], $0x80  }
0xa2: {  	s19 =	sadd.s32 $0x1, s15;
	[sflag:s30] =	ssyncset.done $0x0  }
0xa3: {  	s18 =	sadd.s32 $0x100, s12;
	p0 =	sgt.u32 s19, $0x9C3;
	[sflag:s30] =	ssyncadd.s32 $0xFFFFFF80  }
0xa4: {  	[tilespmem:s31], [sflag:$0x1] =	stream.indirect.gather [hbm4b:s5+s29], $0x80, s29, s29, $0xb8;
	[tilespmem:$0x1E900] =	vst v63  }
0xa5: {  	s13 =	sadd.s32 $0xFFFFFF80, s18;
	s12 =	sadd.s32 @!p0 s11, s20  }
0xa6: {  	[spmem:s2] =	stream.indirect.scatter.add.f32 [tilespmem:s24], [sflag:$0x2], $0x80, s13, s29, $0xb8;
	[tilespmem:$0x1E900] =	vst v63  }
0xa7: {  	s11 =	sand.u32 @!p0 $0x70, s11;
	s12 =	sand.u32 @!p0 $0xFF80, s12;
	s13 =	sadd.s32 @p0 $0x80, s14  }
0xa8: {  	s11 =	sadd.s32 @!p0 s1, s11;
	s13 =	sshrl.u32 @p0 s13, $0x3;
	_ =	swait.ge [sflag:s26], $0x4000  }
0xa9: {  	s11 =	sadd.s32 @!p0 s12, s11;
	s12 =	sadd.s32 @p0 s7, s13;
	[sflag:s26] =	ssyncset.done $0x0  }
0xaa: {  	s11 =	smov.u32 @p0 s12;
	[sflag:s26] =	ssyncadd.s32 $0xFFFFC000  }
0xab: {  	[tilespmem:s29], [sflag:$0x5] =	stream.linear.gather [hbm4b:s11+s4], $0x80, $0x38;
	[tilespmem:$0x1E900] =	vst v63  }
0xac: {  	_ = 	snop  }
0xad: {  	[spmem:s2] =	stream.indirect.scatter.add.f32 [tilespmem:s31], [sflag:$0x3], $0x80, s18, s29, $0xb8;
	[tilespmem:$0x1E900] =	vst v63  }
0xae: {  	_ =	swait.ge [sflag:s3], $0x4000  }
0xaf: {  	[sflag:s3] =	ssyncset.done $0x0  }
0xb0: {  	[sflag:s3] =	ssyncadd.s32 $0xFFFFC000  }
0xb1: {  	_ =	swait.ge [sflag:s28], $0x80  }
0xb2: {  	[sflag:s28] =	ssyncset.done $0x0  }
0xb3: {  	[sflag:s28] =	ssyncadd.s32 $0xFFFFFF80  }
0xb4: {  	[tilespmem:s24], [sflag:$0x1] =	stream.indirect.gather [hbm4b:s5+s29], $0x80, s4, s29, $0xb8;
	[tilespmem:$0x1E900] =	vst v63  }
0xb5: {  	_ =	swait.ge [sflag:s26], $0x4000  }
0xb6: {  	[sflag:s26] =	ssyncset.done $0x0  }
0xb7: {  	[sflag:s26] =	ssyncadd.s32 $0xFFFFC000  }
0xb8: {  	_ =	swait.ge [sflag:s8], $0x4000  }
0xb9: {  	[sflag:s8] =	ssyncset.done $0x0  }
0xba: {  	[sflag:s8] =	ssyncadd.s32 $0xFFFFC000  }
0xbb: {  	_ =	swait.ge [sflag:s30], $0x80  }
0xbc: {  	[sflag:s30] =	ssyncset.done $0x0  }
0xbd: {  	[sflag:s30] =	ssyncadd.s32 $0xFFFFFF80  }
0xbe: {  	[tilespmem:s31], [sflag:$0x1] =	stream.indirect.gather [hbm4b:s5+s29], $0x80, s29, s29, $0xb8;
	[tilespmem:$0x1E900] =	vst v63  }
0xbf: {  	s14 =	simm.s32 $0x2800  }
0xc0: {  	[spmem:s2] =	stream.indirect.scatter.add.f32 [tilespmem:s24], [sflag:$0x2], $0x80, s14, s29, $0xb8;
	[tilespmem:$0x1E900] =	vst v63  }
0xc1: {  	_ =	swait.ge [sflag:s26], $0x4000  }
0xc2: {  	[sflag:s26] =	ssyncset.done $0x0  }
0xc3: {  	s15 =	simm.s32 $0x2880;
	[sflag:s26] =	ssyncadd.s32 $0xFFFFC000  }
0xc4: {  	[spmem:s2] =	stream.indirect.scatter.add.f32 [tilespmem:s31], [sflag:$0x3], $0x80, s15, s29, $0xb8;
	[tilespmem:$0x1E900] =	vst v63  }
0xc5: {  	_ =	swait.ge [sflag:s3], $0x4000  }
0xc6: {  	[sflag:s3] =	ssyncset.done $0x0  }
0xc7: {  	[sflag:s3] =	ssyncadd.s32 $0xFFFFC000  }
0xc8: {  	_ =	swait.ge [sflag:s8], $0x4000  }
0xc9: {  	[sflag:s8] =	ssyncset.done $0x0  }
0xca: {  	s16 =	stileid.u32;
	[sflag:s8] =	ssyncadd.s32 $0xFFFFC000  }
0xcb: {  	s0 =	sshll.u32 s16, $0x6;
	[bflag:$0x0] =	sbarrier.arrive $0xFFFF  }
0xcc: {  	s17 =	sshrl.u32 s9, $0x3;
	s0 =	sor.u32 $0x1C06, s0;
	s18 =	rddreg [dreg:$0xd]  }
0xcd: {  	[hbm:s18], [sflag:s0] =	dma.local [spmem:s17], $0x2800  }
0xce: {  	_ =	swait.ge [sflag:s25], $0x2800  }
0xcf: {  	s10 =	sadd.s32 $0x1, s10;
	s19 =	rddreg [dreg:$0xe]  }
0xd0: {  	p0 =	sne.s32 s10, s19  }
.Ltmp3:
0xd1: {  	_ = 	snop;
	(pc) =	sbr.rel @p0 .LBB2_1-.Ltmp3, $3  }
0xd2: {  	_ =	sdelay $0x1  }
0xd3: {  	[sflag:s25] =	ssyncset.done $0x0  }
0xd4: {  	s13 =	simm.s32 $0x100;
	[sflag:s25] =	ssyncadd.s32 $0xFFFFD800  }
0xd5: {  	_ =	sfence.sel $0x180000  }
0xd6: {  	[bflag:$0x0] =	sbarrier.arrive $0xFFFF  }
0xd7: {  	_ =	strace $0x9000004A  }
0xd8: {  	s0 =	stileid.u32;
	[bflag:$0x2] =	sbarrier.arrive $0xFFFF  }
0xd9: {  	p0 =	sne.s32 s0, $0x0;
	s0 =	rddreg [dreg:$0x3]  }
0xda: {  	s0 =	sadd.s32 @!p0 $0x100000, s0  }
0xdb: {  	[sflag:s0] =	ssyncadd.tile.s32 @!p0 $0x1;
	_ =	shalt  }
.Lfunc_end2:
_tile_overlayer_lowered:
.L_overlay_start_2:
0xdc: {  	(tag) =	ssettag $0x2  }
0xdd: {  	s0 =	rddreg [dreg:$0x0];
	s2 =	stileid.u32  }
0xde: {  	s1 =	rddreg [dreg:$0x1];
	p0 =	sne.s32 s2, $0x0  }
0xdf: {  	s3 =	rddreg [dreg:$0x2];
	[bflag:$0x3] =	sbarrier.arrive $0xFFFF;
	s2 =	simm.s32 @!p0 $0x1C06  }
0xe0: {  	[timem:s3], [sflag:s2] =	dma.local @!p0 [hbm:s0], s1  }
0xe1: {  	s0 =	simm.s32 @!p0 $0x6  }
0xe2: {  	_ =	swait.ge @!p0 [sflag:s0], s1  }
0xe3: {  	s1 =	ssub.s32 @!p0 $0x0, s1;
	[sflag:s0] =	ssyncset.done @!p0 $0x0  }
0xe4: {  	[sflag:s0] =	ssyncadd.s32 @!p0 s1  }
0xe5: {  	[bflag:$0x3] =	sbarrier.arrive $0xFFFF  }
0xe6: {  	_ =	shalt  }

// kernel: kernel.15.cloned.1.call-start
scs
__scs_entry_jumppad:
0x0: {  	(pc) =	sbr.rel $0x88, $3  }
0x1: {  	(tag) =	ssettag $0x0;
	lr =	simm.s32 $0x1  }
0x2: {  	[smem:$0x3F9B] =	sst lr;
	_ =	strace $0xD0000000  }
0x3: {  	_ = 	snop  }
0x4: {  	_ = 	snop  }
0x5: {  	_ = 	snop  }
0x6: {  	_ = 	snop  }
0x7: {  	_ = 	snop  }
__scs_overlays_trampoline_lowered:
0x8: {  	[smem:$0x3FAA] =	sst s0  }
0x9: {  	[smem:$0x3FAB] =	sst s1  }
0xa: {  	[smem:$0x3FAC] =	sst s2  }
0xb: {  	[smem:$0x3FAD] =	sst s3  }
0xc: {  	[smem:$0x3FAE] =	sst s4  }
0xd: {  	[smem:$0x3FAF] =	sst s5  }
0xe: {  	[smem:$0x3FB0] =	sst s6  }
0xf: {  	[smem:$0x3FB1] =	sst s7  }
0x10: {  	[smem:$0x3FB2] =	sst s8  }
0x11: {  	[smem:$0x3FB3] =	sst s9;
	s0 =	simm.s32 @!p0 $0x0  }
0x12: {  	s1 =	sld [smem:$0x3F99];
	s0 =	simm.s32 @p0 $0x1  }
0x13: {  	[smem:$0x3FB4] =	sst s0;
	s0 =	simm.s32 @!p1 $0x0  }
0x14: {  	s2 =	sld [smem:$0x3F98];
	s0 =	simm.s32 @p1 $0x1  }
0x15: {  	[smem:$0x3FB5] =	sst s0;
	s0 =	simm.s32 @!p2 $0x0  }
0x16: {  	s3 =	sld [smem:$0x3FDB];
	s0 =	simm.s32 @p2 $0x1  }
0x17: {  	s4 =	simm.s32 $0x1BF5;
	[smem:$0x3FB7] =	sst s0  }
0x18: {  	s0 =	sld [smem:$0x3F9A];
	_ =	swait.ge [sflag:s4], $0x0  }
0x19: {  	s7 =	sld [smem:$0x3F9B]  }
0x1a: {  	s8 =	sadd.s32 $0xFFFFE003, lr  }
0x1b: {  	s9 =	sadd.s32 $0xFFFFFEF7, lr;
	s5 =	simm.s32 $0xFFFFFFFF;
	p2 =	slt.u32 s8, $0xFFFFF086  }
0x1c: {  	p1 =	slt.u32 s9, $0xF7A;
	s5 =	simm.s32 @!p2 $0x0  }
0x1d: {  	s5 =	simm.s32 @p1 $0x1;
	p0 =	seq.s32 s7, s2  }
0x1e: {  	s7 =	smul.u32 @!p0 $0xF7A, s2;
	p2 =	seq.s32 @!p0 s5, $0x0  }
0x1f: {  	s9 =	smul.u32 $0xF7A, s1;
	s8 =	simm.s32 @!p0 $0x1BF5;
	p2 =	por !p2, p0  }
0x20: {  	[sflag:s8] =	ssyncset.s32 @!p0 $0xFFFFF086;
	s6 =	sadd.s32 @!p0 s3, s7;
	s7 =	simm.s32 @!p0 $0x108  }
0x21: {  	s3 =	sadd.s32 s3, s9;
	s6 =	sadd.s32 @!p0 $0x88, s6;
	s7 =	simm.s32 @p2 $0x1082  }
0x22: {  	[simem:s7], [sflag:s8] =	dma.local @!p0 [hbm:s6], $0xF7A  }
0x23: {  	s9 =	sor.u32 $0xD0000000, s2;
	s6 =	simm.s32 $0x108;
	_ =	swait.ge @!p0 [sflag:s8], $0x0  }
0x24: {  	s3 =	sadd.s32 $0x88, s3;
	s6 =	simm.s32 @!p1 $0x1082;
	[sflag:s4] =	ssyncset.s32 $0xFFFFF086  }
0x25: {  	[simem:s6], [sflag:s4] =	dma.local [hbm:s3], $0xF7A  }
0x26: {  	[smem:$0x3F9B] =	sst s1;
	(tag) =	ssettag s2;
	_ =	strace s9  }
0x27: {  	s1 =	sld [smem:$0x3FAB]  }
0x28: {  	s2 =	sld [smem:$0x3FAC]  }
0x29: {  	s4 =	sld [smem:$0x3FAE]  }
0x2a: {  	p0 =	seq.s32 s5, $0x0;
	s5 =	sld [smem:$0x3FAF]  }
0x2b: {  	s6 =	sld [smem:$0x3FB0]  }
0x2c: {  	s7 =	sld [smem:$0x3FB1]  }
0x2d: {  	s3 =	simm.s32 $0x108;
	s8 =	sld [smem:$0x3FB2]  }
0x2e: {  	s3 =	simm.s32 @!p0 $0x1082;
	s9 =	sld [smem:$0x3FB3]  }
0x2f: {  	lr =	sadd.s32 s0, s3;
	s0 =	sld [smem:$0x3FAA]  }
0x30: {  	s3 =	sld [smem:$0x3FAD]  }
0x31: {  	[smem:$0x3FB6] =	sst s10  }
0x32: {  	s10 =	sld [smem:$0x3FB4];
	_ =	sdelay $0x3  }
0x33: {  	p0 =	seq.s32 s10, $0x1;
	s10 =	sld [smem:$0x3FB6];
	_ =	sdelay $0x3  }
0x34: {  	[smem:$0x3FB6] =	sst s10  }
0x35: {  	s10 =	sld [smem:$0x3FB5];
	_ =	sdelay $0x3  }
0x36: {  	p1 =	seq.s32 s10, $0x1;
	s10 =	sld [smem:$0x3FB6];
	_ =	sdelay $0x3  }
0x37: {  	[smem:$0x3FB6] =	sst s10  }
0x38: {  	s10 =	sld [smem:$0x3FB7]  }
0x39: {  	_ = 	snop;
	(pc) =	sbr.ind lr, $3  }
0x3a: {  	_ = 	snop  }
0x3b: {  	_ = 	snop  }
0x3c: {  	p2 =	seq.s32 s10, $0x1;
	s10 =	sld [smem:$0x3FB6]  }
0x3d: {  	_ =	shalt  }
0x3e: {  	_ =	shalt  }
0x3f: {  	_ =	shalt  }
0x40: {  	_ =	shalt  }
0x41: {  	_ =	shalt  }
0x42: {  	_ =	shalt  }
0x43: {  	_ =	shalt  }
0x44: {  	_ =	shalt  }
0x45: {  	_ =	shalt  }
0x46: {  	_ =	shalt  }
0x47: {  	_ =	shalt  }
0x48: {  	_ =	shalt  }
0x49: {  	_ =	shalt  }
0x4a: {  	_ =	shalt  }
0x4b: {  	_ =	shalt  }
0x4c: {  	_ =	shalt  }
0x4d: {  	_ =	shalt  }
0x4e: {  	_ =	shalt  }
0x4f: {  	_ =	shalt  }
0x50: {  	_ =	shalt  }
0x51: {  	_ =	shalt  }
0x52: {  	_ =	shalt  }
0x53: {  	_ =	shalt  }
0x54: {  	_ =	shalt  }
0x55: {  	_ =	shalt  }
0x56: {  	_ =	shalt  }
0x57: {  	_ =	shalt  }
0x58: {  	_ =	shalt  }
0x59: {  	_ =	shalt  }
0x5a: {  	_ =	shalt  }
0x5b: {  	_ =	shalt  }
0x5c: {  	_ =	shalt  }
0x5d: {  	_ =	shalt  }
0x5e: {  	_ =	shalt  }
0x5f: {  	_ =	shalt  }
0x60: {  	_ =	shalt  }
0x61: {  	_ =	shalt  }
0x62: {  	_ =	shalt  }
0x63: {  	_ =	shalt  }
0x64: {  	_ =	shalt  }
0x65: {  	_ =	shalt  }
0x66: {  	_ =	shalt  }
0x67: {  	_ =	shalt  }
0x68: {  	_ =	shalt  }
0x69: {  	_ =	shalt  }
0x6a: {  	_ =	shalt  }
0x6b: {  	_ =	shalt  }
0x6c: {  	_ =	shalt  }
0x6d: {  	_ =	shalt  }
0x6e: {  	_ =	shalt  }
0x6f: {  	_ =	shalt  }
0x70: {  	_ =	shalt  }
0x71: {  	_ =	shalt  }
0x72: {  	_ =	shalt  }
0x73: {  	_ =	shalt  }
0x74: {  	_ =	shalt  }
0x75: {  	_ =	shalt  }
0x76: {  	_ =	shalt  }
0x77: {  	_ =	shalt  }
0x78: {  	_ =	shalt  }
0x79: {  	_ =	shalt  }
0x7a: {  	_ =	shalt  }
0x7b: {  	_ =	shalt  }
0x7c: {  	_ =	shalt  }
0x7d: {  	_ =	shalt  }
0x7e: {  	_ =	shalt  }
0x7f: {  	_ =	shalt  }
0x80: {  	_ =	shalt  }
0x81: {  	_ =	shalt  }
0x82: {  	_ =	shalt  }
0x83: {  	_ =	shalt  }
0x84: {  	_ =	shalt  }
0x85: {  	_ =	shalt  }
0x86: {  	_ =	shalt  }
0x87: {  	_ =	shalt  }
.Lfunc_end0:
.L_simem_size_0:
called_computation.2_lowered:
.L_overlay_start_0:
0x88: {  	s2 =	sld [smem:$0x3FD9]  }
0x89: {  	s3 =	sld [smem:$0x3FFE];
	_ =	sdelay $0x1  }
0x8a: {  	s1 =	srdreg.scid  }
0x8b: {  	s0 =	sand.u32 $0x1, s1  }
0x8c: {  	s17 =	sshll.u32 s0, $0xA;
	s2 =	sadd.s32 s3, s2  }
0x8d: {  	s2 =	sadd.s32 s2, s17  }
0x8e: {  	[smem:$0x3FC2] =	sst s2  }
0x8f: {  	_ = 	snop  }
0x90: {  	s2 =	sld [smem:$0x3FD0];
	(tm) =	ssettm $0x1  }
0x91: {  	s18 =	sld [smem:$0x3FFB];
	_ =	sdelay $0x3  }
0x92: {  	_ =	strace s18  }
0x93: {  	s3 =	sld [smem:$0x3FFC];
	_ =	sdelay $0x3  }
0x94: {  	_ =	strace s3  }
0x95: {  	s3 =	sld [smem:$0x3FFD];
	_ =	sdelay $0x3  }
0x96: {  	_ =	strace s3  }
0x97: {  	_ =	strace $0x8FFFFFFF  }
0x98: {  	s19 =	sld [smem:$0x3FDB];
	_ =	sdelay $0x1  }
0x99: {  	s4 =	simm.s32 $_scs_section_size  }
0x9a: {  	s5 =	simm.s32 $_size__tile_overlayer_lowered;
	s6 =	simm.s32 $_tile_overlayer_lowered  }
0x9b: {  	s22 =	simm.s32 $0x1BFF;
	s21 =	sshll.u32 s6, $0x1;
	s3 =	sadd.s32 s4, s19  }
0x9c: {  	s7 =	simm.s32 $0x0;
	s20 =	sshll.u32 s5, $0x1;
	s5 =	sadd.s32 s21, s3  }
0x9d: {  	[timem:s7], [sflag:s22] =	dma.local [hbm:s5], s20  }
0x9e: {  	_ =	swait.ge [sflag:s22], s20  }
0x9f: {  	s4 =	ssub.s32 $0x0, s20;
	[sflag:s22] =	ssyncset.done $0x0  }
0xa0: {  	[sflag:s22] =	ssyncadd.s32 s4;
	_ =	sdelay $0x1  }
0xa1: {  	s23 =	simm.s32 $0x1B8B  }
0xa2: {  	_ =	swait.ge [sflag:s23], $0x1  }
0xa3: {  	[sflag:s23] =	ssyncset.done $0x0  }
0xa4: {  	s25 =	simm.s32 $0x1B8E;
	s24 =	sld [smem:$0x3FFE];
	[sflag:s23] =	ssyncadd.s32 $0xFFFFFFFF  }
0xa5: {  	s26 =	simm.s32 $execute0_lowered;
	[smem:$0x3FD2] =	sst s25  }
0xa6: {  	s5 =	sshll.u32 s26, $0x1;
	_ =	strace $0x8000004C;
	[dreg:$0x1] =	wrdreg $0xFFFFFFFF  }
0xa7: {  	s28 =	simm.s32 $_size_execute0_lowered;
	s3 =	sadd.s32 s3, s5;
	[dreg:$0x0] =	wrdreg $0x0  }
0xa8: {  	s5 =	sshll.u32 s28, $0x1;
	[dreg:$0x2] =	wrdreg s3  }
0xa9: {  	[dreg:$0x3] =	wrdreg s5  }
0xaa: {  	[dreg:$0x4] =	wrdreg $0xC0  }
0xab: {  	_ =	task [dreg:s7], $0x5FFFF  }
0xac: {  	[dreg:$0x1] =	wrdreg $0xFFFFFFFF  }
0xad: {  	[dreg:$0x0] =	wrdreg $0x60  }
0xae: {  	[dreg:$0x2] =	wrdreg s24  }
0xaf: {  	[dreg:$0x3] =	wrdreg s2  }
0xb0: {  	[dreg:$0x4] =	wrdreg $0xA9000  }
0xb1: {  	[dreg:$0x5] =	wrdreg $0x9  }
0xb2: {  	_ =	task.clear_ibuf [dreg:s7], $0x6FFFF;
	_ =	strace $0x9000004C  }
0xb3: {  	s29 =	simm.s32 $0x9;
	_ =	strace $0x8000004E  }
0xb4: {  	_ =	swait.ge [sflag:s29], $0x1  }
0xb5: {  	[sflag:s29] =	ssyncadd.s32 $0xFFFFFFFF  }
0xb6: {  	_ =	strace $0x9000004E  }
0xb7: {  	_ =	sfence  }
0xb8: {  	s30 =	sld [smem:$0x0];
	_ =	sdelay $0x2  }
0xb9: {  	s31 =	sshll.u32 s1, $0xD;
	s1 =	sshrl.u32 s1, $0x2  }
0xba: {  	s3 =	sand.u32 $0x4000, s31;
	s1 =	sadd.s32 s1, s30  }
0xbb: {  	s0 =	sor.u32 s3, s0;
	s1 =	sshll.u32 s1, $0x11  }
0xbc: {  	s0 =	sor.u32 s1, s0  }
0xbd: {  	s0 =	sadd.s32 $0x8F2B, s0  }
0xbe: {  	[sflag:s0] =	ssyncadd.remote.s32 $0x1  }
0xbf: {  	_ =	sfence.sel $0xFFFF  }
0xc0: {  	[dreg:$0x0] =	wrdreg $0xFFFFFFFF;
	(pc) =	sbr.abs _section_cstart, $3  }
0xc1: {  	[dreg:$0x1] =	wrdreg $0xFFFFFFFF  }
0xc2: {  	_ =	task.clear_ibuf [dreg:s7], $0x2FFFF;
	_ =	strace $0x9FFFFFFF  }
0xc3: {  	(tm) =	ssettm $0x7FFFFFFF  }
tec
execute0_lowered:
.L_overlay_start_1:
0x0: {  	(tag) =	ssettag $0x1  }
0x1: {  	s0 =	rddreg [dreg:$0x0]  }
0x2: {  	s1 =	rddreg [dreg:$0x1]  }
0x3: {  	s2 =	rddreg [dreg:$0x2];
	s4 =	simm.s32 $0x0  }
0x4: {  	s3 =	srdreg.scid;
	s13 =	stileid.u32;
	s28 =	simm.s32 $0x4  }
0x5: {  	s29 =	simm.s32 $0x80;
	s30 =	simm.s32 $0x5;
	s9 =	smul.u32 $0x14000, s13  }
0x6: {  	s31 =	simm.s32 $0x6900;
	[smem:$0x7FF] =	sst s4;
	s14 =	smul.u32 $0x50000, s13  }
0x7: {  	s3 =	sand.u32 $0x1, s3;
	s5 =	sadd.s32 $0xC200, s0;
	s18 =	smul.u32 $0xA0, s13  }
0x8: {  	s6 =	sadd.s32 $0x2400, s0;
	s7 =	sadd.s32 $0x2000, s0;
	s19 =	smul.u32 $0x5000, s13  }
0x9: {  	s10 =	sadd.s32 $0x34200, s0;
	s12 =	sshll.u32 s13, $0x1;
	s8 =	smul.u32 $0x140000, s3  }
0xa: {  	_ =	strace $0x8000004D;
	[dreg:$0x4] =	wrdreg s10;
	s15 =	ssub.s32 $0x2, s3  }
0xb: {  	s22 =	smul.u32 $0x2800, s3;
	s16 =	sshrl.u32 s15, $0x1;
	s10 =	sshrl.u32 s14, $0x2  }
0xc: {  	s8 =	sadd.s32 s9, s8;
	s9 =	sor.u32 s3, s12;
	s12 =	smul.u32 $0xA00, s13  }
0xd: {  	s26 =	sadd.s32 s22, s19;
	s11 =	smul.u32 $0x500, s9;
	s9 =	sadd.s32 s10, s2  }
0xe: {  	s13 =	simm.s32 $0x100;
	s8 =	sshrl.u32 s8, $0x3;
	s14 =	sadd.s32 $0x4000, s9  }
0xf: {  	s0 =	sadd.s32 s8, s0;
	s17 =	sadd.s32 $0x8000, s9;
	[dreg:$0x5] =	wrdreg s14  }
0x10: {  	s8 =	ssub.s32 s15, s16;
	s15 =	sadd.s32 $0xC000, s9;
	[dreg:$0x6] =	wrdreg s17  }
0x11: {  	s10 =	smul.u32 $0x500, s3;
	s20 =	sadd.s32 $0x10000, s9;
	[dreg:$0x7] =	wrdreg s15  }
0x12: {  	s3 =	smul.u32 $0x50, s3;
	s16 =	sadd.s32 s1, s11;
	[dreg:$0x9] =	wrdreg s20  }
0x13: {  	s22 =	sadd.s32 $0xFFFB2000, s26;
	s0 =	sadd.s32 $0x34A00, s0;
	[dreg:$0x8] =	wrdreg s16  }
0x14: {  	s26 =	simm.s32 $0x1;
	s25 =	smax.u32 s8, $0x1;
	[dreg:$0xd] =	wrdreg s0  }
0x15: {  	s20 =	sadd.s32 s10, s12;
	s21 =	sadd.s32 $0x10, s16;
	[dreg:$0xe] =	wrdreg s25  }
0x16: {  	s8 =	simm.s32 $0x3;
	s23 =	sadd.s32 $0x20, s16;
	[dreg:$0xa] =	wrdreg s21  }
0x17: {  	s10 =	simm.s32 $0x0;
	s24 =	sadd.s32 $0x30, s16;
	[dreg:$0xb] =	wrdreg s23  }
0x18: {  	s25 =	simm.s32 $0x6;
	[dreg:$0xc] =	wrdreg s24;
	s21 =	sadd.s32 s3, s18  }
0x19: {  	s24 =	simm.s32 $0x2900;
	s3 =	simm.s32 $0x2;
	s23 =	sor.u32 $0x4, s21  }
.LBB2_1:
0x1a: {  	s0 =	rddreg [dreg:$0x4]  }
0x1b: {  	[tilespmem:s24], [sflag:$0x6] =	stream.linear.gather [hbm4b:s0+s4], $0x4000, $0x38;
	[tilespmem:$0x1E900] =	vst v63  }
0x1c: {  	_ =	swait.ge [sflag:s25], $0x4000  }
0x1d: {  	[sflag:s25] =	ssyncset.done $0x0  }
0x1e: {  	[sflag:s25] =	ssyncadd.s32 $0xFFFFC000  }
0x1f: {  	[spmem:s9] =	stream.linear.scatter [tilespmem:s24], [sflag:$0x6], $0x4000, $0x38;
	[tilespmem:$0x1E900] =	vst v63  }
0x20: {  	_ =	swait.ge [sflag:s25], $0x4000  }
0x21: {  	[sflag:s25] =	ssyncset.done $0x0  }
0x22: {  	s16 =	rddreg [dreg:$0x5];
	[sflag:s25] =	ssyncadd.s32 $0xFFFFC000  }
0x23: {  	[spmem:s16] =	stream.linear.scatter [tilespmem:s24], [sflag:$0x6], $0x4000, $0x38;
	[tilespmem:$0x1E900] =	vst v63  }
0x24: {  	_ =	swait.ge [sflag:s25], $0x4000  }
0x25: {  	[sflag:s25] =	ssyncset.done $0x0  }
0x26: {  	s17 =	rddreg [dreg:$0x6];
	[sflag:s25] =	ssyncadd.s32 $0xFFFFC000  }
0x27: {  	[spmem:s17] =	stream.linear.scatter [tilespmem:s24], [sflag:$0x6], $0x4000, $0x38;
	[tilespmem:$0x1E900] =	vst v63  }
0x28: {  	_ =	swait.ge [sflag:s25], $0x4000  }
0x29: {  	[sflag:s25] =	ssyncset.done $0x0  }
0x2a: {  	p0 =	sgt.u32 s21, $0x9C3;
	s18 =	rddreg [dreg:$0x7];
	[sflag:s25] =	ssyncadd.s32 $0xFFFFC000  }
0x2b: {  	[spmem:s18] =	stream.linear.scatter [tilespmem:s24], [sflag:$0x6], $0x4000, $0x38;
	[tilespmem:$0x1E900] =	vst v63  }
0x2c: {  	s12 =	sadd.s32 $0x0, s20;
	s11 =	sadd.s32 @p0 $0x0, s20;
	_ =	swait.ge [sflag:s25], $0x4000  }
0x2d: {  	s14 =	sand.u32 @!p0 $0x70, s4;
	s12 =	sand.u32 @!p0 $0xFF80, s12;
	[sflag:s25] =	ssyncset.done $0x0  }
0x2e: {  	s11 =	sadd.s32 @p0 $0xFFF63C0, s11;
	s19 =	rddreg [dreg:$0x9];
	[sflag:s25] =	ssyncadd.s32 $0xFFFFC000  }
0x2f: {  	[spmem:s19] =	stream.linear.scatter [tilespmem:s24], [sflag:$0x6], $0x4000, $0x38;
	[tilespmem:$0x1E900] =	vst v63  }
0x30: {  	s14 =	sadd.s32 @!p0 s6, s14;
	s11 =	sand.u32 @p0 $0xFFFFFF0, s11;
	_ =	swait.ge [sflag:s25], $0x4000  }
0x31: {  	s12 =	sadd.s32 @!p0 s12, s14;
	s11 =	sadd.s32 @p0 s7, s11;
	[sflag:s25] =	ssyncset.done $0x0  }
0x32: {  	s12 =	smov.u32 @p0 s11;
	[sflag:s25] =	ssyncadd.s32 $0xFFFFC000  }
0x33: {  	[tilespmem:s13], [sflag:$0x1] =	stream.linear.gather [hbm4b:s12+s4], $0x80, $0x38;
	[tilespmem:$0x1E900] =	vst v63  }
0x34: {  	s14 =	simm.s32 $0x100;
	s11 =	simm.s32 $0x10;
	s12 =	sadd.s32 $0x1, s21  }
.LBB2_2:
0x35: {  	p0 =	sgt.u32 s12, $0x9C3;
	s15 =	smov.u32 s11;
	s11 =	sadd.s32 $0x10, s11  }
0x36: {  	s16 =	sadd.s32 @p0 s15, s20;
	p1 =	sne.s32 s11, $0x500;
	s17 =	sadd.s32 s15, s20  }
.Ltmp0:
0x37: {  	s15 =	sand.u32 @!p0 $0x70, s15;
	s16 =	sadd.s32 @p0 $0xFFF63C0, s16;
	(pc) =	sbr.rel @p1 .LBB2_2-.Ltmp0, $4  }
0x38: {  	s17 =	sand.u32 @!p0 $0xFF80, s17;
	s15 =	sadd.s32 @!p0 s6, s15;
	s16 =	sand.u32 @p0 $0xFFFFFF0, s16  }
0x39: {  	s15 =	sadd.s32 @!p0 s17, s15;
	s16 =	sadd.s32 @p0 s7, s16  }
0x3a: {  	s12 =	sadd.s32 $0x1, s12;
	s14 =	sadd.s32 $0x80, s14;
	s15 =	smov.u32 @p0 s16  }
0x3b: {  	[tilespmem:s14], [sflag:$0x1] =	stream.linear.gather [hbm4b:s15+s4], $0x80, $0x38;
	[tilespmem:$0x1E900] =	vst v63  }
0x3c: {  	_ =	swait.ge [sflag:s26], $0x80  }
0x3d: {  	s11 =	simm.s32 $0x4F;
	[sflag:s26] =	ssyncset.done $0x0  }
.LBB2_4:
0x3e: {  	p0 =	sne.s32 s11, $0x1;
	s11 =	sadd.s32 $0xFFFFFFFF, s11;
	[sflag:s26] =	ssyncadd.s32 $0xFFFFFF80  }
.Ltmp1:
0x3f: {  	(pc) =	sbr.rel @p0 .LBB2_4-.Ltmp1, $3  }
0x40: {  	_ =	sdelay $0x1  }
0x41: {  	_ =	swait.ge [sflag:s26], $0x80  }
0x42: {  	[sflag:s26] =	ssyncset.done $0x0  }
0x43: {  	[sflag:s26] =	ssyncadd.s32 $0xFFFFFF80  }
0x44: {  	[bflag:$0x0] =	sbarrier.arrive $0xFFFF  }
0x45: {  	s0 =	rddreg [dreg:$0x8]  }
0x46: {  	[tilespmem:s4], [sflag:$0x4] =	stream.linear.gather [hbm4b:s0+s4], $0x80, $0x38;
	[tilespmem:$0x1E900] =	vst v63  }
0x47: {  	_ =	swait.ge [sflag:s28], $0x80  }
0x48: {  	[sflag:s28] =	ssyncset.done $0x0  }
0x49: {  	[sflag:s28] =	ssyncadd.s32 $0xFFFFFF80  }
0x4a: {  	[tilespmem:s24], [sflag:$0x1] =	stream.indirect.gather [hbm4b:s5+s29], $0x80, s4, s29, $0xb8;
	[tilespmem:$0x1E900] =	vst v63  }
0x4b: {  	s14 =	rddreg [dreg:$0xa]  }
0x4c: {  	[tilespmem:s29], [sflag:$0x5] =	stream.linear.gather [hbm4b:s14+s4], $0x80, $0x38;
	[tilespmem:$0x1E900] =	vst v63  }
0x4d: {  	_ =	swait.ge [sflag:s26], $0x4000  }
0x4e: {  	[sflag:s26] =	ssyncset.done $0x0  }
0x4f: {  	s15 =	rddreg [dreg:$0xb];
	[sflag:s26] =	ssyncadd.s32 $0xFFFFC000  }
0x50: {  	[tilespmem:s4], [sflag:$0x4] =	stream.linear.gather [hbm4b:s15+s4], $0x80, $0x38;
	[tilespmem:$0x1E900] =	vst v63  }
0x51: {  	_ =	swait.ge [sflag:s30], $0x80  }
0x52: {  	[sflag:s30] =	ssyncset.done $0x0  }
0x53: {  	[sflag:s30] =	ssyncadd.s32 $0xFFFFFF80  }
0x54: {  	[tilespmem:s31], [sflag:$0x1] =	stream.indirect.gather [hbm4b:s5+s29], $0x80, s29, s29, $0xb8;
	[tilespmem:$0x1E900] =	vst v63  }
0x55: {  	_ = 	snop  }
0x56: {  	[spmem:s2] =	stream.indirect.scatter.add.f32 [tilespmem:s24], [sflag:$0x2], $0x80, s13, s29, $0xb8;
	[tilespmem:$0x1E900] =	vst v63  }
0x57: {  	_ =	swait.ge [sflag:s26], $0x4000  }
0x58: {  	[sflag:s26] =	ssyncset.done $0x0  }
0x59: {  	s16 =	rddreg [dreg:$0xc];
	[sflag:s26] =	ssyncadd.s32 $0xFFFFC000  }
0x5a: {  	[tilespmem:s29], [sflag:$0x5] =	stream.linear.gather [hbm4b:s16+s4], $0x80, $0x38;
	[tilespmem:$0x1E900] =	vst v63  }
0x5b: {  	s17 =	simm.s32 $0x180  }
0x5c: {  	[spmem:s2] =	stream.indirect.scatter.add.f32 [tilespmem:s31], [sflag:$0x3], $0x80, s17, s29, $0xb8;
	[tilespmem:$0x1E900] =	vst v63  }
0x5d: {  	_ =	swait.ge [sflag:s3], $0x4000  }
0x5e: {  	[sflag:s3] =	ssyncset.done $0x0  }
0x5f: {  	p0 =	sgt.u32 s23, $0x9C3;
	[sflag:s3] =	ssyncadd.s32 $0xFFFFC000  }
0x60: {  	s18 =	sadd.s32 $0x1, s23;
	s19 =	simm.s32 $0x200;
	_ =	swait.ge [sflag:s28], $0x80  }
0x61: {  	s11 =	simm.s32 @!p0 $0x40;
	s12 =	sshrl.u32 @p0 s22, $0x3;
	[sflag:s28] =	ssyncset.done $0x0  }
0x62: {  	s11 =	sand.u32 @!p0 $0x60, s11;
	s14 =	sadd.s32 @!p0 $0x40, s20;
	[sflag:s28] =	ssyncadd.s32 $0xFFFFFF80  }
0x63: {  	[tilespmem:s24], [sflag:$0x1] =	stream.indirect.gather [hbm4b:s5+s29], $0x80, s4, s29, $0xb8;
	[tilespmem:$0x1E900] =	vst v63  }
0x64: {  	s11 =	sadd.s32 @!p0 s1, s11;
	s14 =	sand.u32 @!p0 $0xFF80, s14;
	_ =	swait.ge [sflag:s26], $0x4000  }
0x65: {  	s12 =	sadd.s32 @p0 s7, s12;
	s11 =	sadd.s32 @!p0 s14, s11;
	[sflag:s26] =	ssyncset.done $0x0  }
0x66: {  	s14 =	simm.s32 $0x50;
	s11 =	smov.u32 @p0 s12;
	[sflag:s26] =	ssyncadd.s32 $0xFFFFC000  }
0x67: {  	[tilespmem:s4], [sflag:$0x4] =	stream.linear.gather [hbm4b:s11+s4], $0x80, $0x38;
	[tilespmem:$0x1E900] =	vst v63  }
0x68: {  	s12 =	simm.s32 $0x280;
	p0 =	sgt.u32 s18, $0x9C3;
	_ =	swait.ge [sflag:s8], $0x4000  }
0x69: {  	s15 =	sadd.s32 @!p0 $0x50, s20;
	s14 =	sand.u32 @!p0 $0x70, s14;
	[sflag:s8] =	ssyncset.done $0x0  }
0x6a: {  	s15 =	sand.u32 @!p0 $0xFF80, s15;
	s14 =	sadd.s32 @!p0 s1, s14;
	[sflag:s8] =	ssyncadd.s32 $0xFFFFC000  }
0x6b: {  	s18 =	sadd.s32 @!p0 s15, s14;
	s16 =	sadd.s32 @p0 $0x80, s22;
	_ =	swait.ge [sflag:s30], $0x80  }
0x6c: {  	s15 =	sadd.s32 $0x2, s23;
	s16 =	sshrl.u32 @p0 s16, $0x3;
	[sflag:s30] =	ssyncset.done $0x0  }
0x6d: {  	s14 =	sadd.s32 $0x100, s22;
	s17 =	sadd.s32 @p0 s7, s16;
	[sflag:s30] =	ssyncadd.s32 $0xFFFFFF80  }
0x6e: {  	[tilespmem:s31], [sflag:$0x1] =	stream.indirect.gather [hbm4b:s5+s29], $0x80, s29, s29, $0xb8;
	[tilespmem:$0x1E900] =	vst v63  }
0x6f: {  	s16 =	simm.s32 $0x90;
	s18 =	smov.u32 @p0 s17;
	p0 =	sgt.u32 s15, $0x9C3  }
0x70: {  	[spmem:s2] =	stream.indirect.scatter.add.f32 [tilespmem:s24], [sflag:$0x2], $0x80, s19, s29, $0xb8;
	[tilespmem:$0x1E900] =	vst v63  }
0x71: {  	s17 =	simm.s32 $0x280;
	s11 =	simm.s32 $0x70;
	_ =	swait.ge [sflag:s26], $0x4000  }
.LBB2_6:
0x72: {  	[sflag:s26] =	ssyncset.done $0x0;
	s12 =	sadd.s32 $0x100, s12  }
0x73: {  	s19 =	smov.u32 s11;
	s11 =	smov.u32 s16;
	s16 =	sadd.s32 $0x20, s16  }
0x74: {  	p1 =	sne.s32 s16, $0x510;
	[sflag:s26] =	ssyncadd.s32 $0xFFFFC000  }
0x75: {  	[tilespmem:s29], [sflag:$0x5] =	stream.linear.gather [hbm4b:s18+s4], $0x80, $0x38;
	[tilespmem:$0x1E900] =	vst v63  }
0x76: {  	_ = 	snop  }
0x77: {  	[spmem:s2] =	stream.indirect.scatter.add.f32 [tilespmem:s31], [sflag:$0x3], $0x80, s17, s29, $0xb8;
	[tilespmem:$0x1E900] =	vst v63  }
0x78: {  	s17 =	smov.u32 s12;
	_ =	swait.ge [sflag:s3], $0x4000  }
0x79: {  	[sflag:s3] =	ssyncset.done $0x0  }
0x7a: {  	[sflag:s3] =	ssyncadd.s32 $0xFFFFC000  }
0x7b: {  	_ =	swait.ge [sflag:s28], $0x80  }
0x7c: {  	[sflag:s28] =	ssyncset.done $0x0  }
0x7d: {  	s18 =	sadd.s32 @!p0 $0xFFFFFFF0, s19;
	[sflag:s28] =	ssyncadd.s32 $0xFFFFFF80  }
0x7e: {  	[tilespmem:s24], [sflag:$0x1] =	stream.indirect.gather [hbm4b:s5+s29], $0x80, s4, s29, $0xb8;
	[tilespmem:$0x1E900] =	vst v63  }
0x7f: {  	s0 =	sshrl.u32 @p0 s14, $0x3;
	s13 =	sadd.s32 @!p0 s20, s18;
	s18 =	sand.u32 @!p0 $0x60, s18  }
0x80: {  	s13 =	sand.u32 @!p0 $0xFF80, s13;
	s18 =	sadd.s32 @!p0 s1, s18;
	_ =	swait.ge [sflag:s26], $0x4000  }
0x81: {  	s0 =	sadd.s32 @p0 s7, s0;
	s13 =	sadd.s32 @!p0 s13, s18;
	[sflag:s26] =	ssyncset.done $0x0  }
0x82: {  	s13 =	smov.u32 @p0 s0;
	s0 =	sadd.s32 $0x1, s15;
	[sflag:s26] =	ssyncadd.s32 $0xFFFFC000  }
0x83: {  	[tilespmem:s4], [sflag:$0x4] =	stream.linear.gather [hbm4b:s13+s4], $0x80, $0x38;
	[tilespmem:$0x1E900] =	vst v63  }
0x84: {  	p0 =	sgt.u32 s0, $0x9C3;
	_ =	swait.ge [sflag:s8], $0x4000  }
0x85: {  	s0 =	sadd.s32 @!p0 s19, s20;
	[sflag:s8] =	ssyncset.done $0x0  }
0x86: {  	s18 =	sand.u32 @!p0 $0x70, s19;
	s0 =	sand.u32 @!p0 $0xFF80, s0;
	[sflag:s8] =	ssyncadd.s32 $0xFFFFC000  }
0x87: {  	s18 =	sadd.s32 @!p0 s1, s18;
	s13 =	sadd.s32 @p0 $0x80, s14;
	_ =	swait.ge [sflag:s30], $0x80  }
0x88: {  	s18 =	sadd.s32 @!p0 s0, s18;
	s13 =	sshrl.u32 @p0 s13, $0x3;
	[sflag:s30] =	ssyncset.done $0x0  }
.Ltmp2:
0x89: {  	s13 =	sadd.s32 @p0 s7, s13;
	[sflag:s30] =	ssyncadd.s32 $0xFFFFFF80;
	(pc) =	sbr.rel @p1 .LBB2_6-.Ltmp2, $4  }
0x8a: {  	[tilespmem:s31], [sflag:$0x1] =	stream.indirect.gather [hbm4b:s5+s29], $0x80, s29, s29, $0xb8;
	[tilespmem:$0x1E900] =	vst v63  }
0x8b: {  	s15 =	sadd.s32 $0x2, s15;
	s0 =	sadd.s32 $0xFFFFFF80, s12;
	s18 =	smov.u32 @p0 s13  }
0x8c: {  	[spmem:s2] =	stream.indirect.scatter.add.f32 [tilespmem:s24], [sflag:$0x2], $0x80, s0, s29, $0xb8;
	[tilespmem:$0x1E900] =	vst v63  }
0x8d: {  	s14 =	sadd.s32 $0x100, s14;
	p0 =	sgt.u32 s15, $0x9C3;
	_ =	swait.ge [sflag:s26], $0x4000  }
0x8e: {  	[sflag:s26] =	ssyncset.done $0x0  }
0x8f: {  	[sflag:s26] =	ssyncadd.s32 $0xFFFFC000  }
0x90: {  	[tilespmem:s29], [sflag:$0x5] =	stream.linear.gather [hbm4b:s18+s4], $0x80, $0x38;
	[tilespmem:$0x1E900] =	vst v63  }
0x91: {  	_ = 	snop  }
0x92: {  	[spmem:s2] =	stream.indirect.scatter.add.f32 [tilespmem:s31], [sflag:$0x3], $0x80, s17, s29, $0xb8;
	[tilespmem:$0x1E900] =	vst v63  }
0x93: {  	_ =	swait.ge [sflag:s3], $0x4000  }
0x94: {  	[sflag:s3] =	ssyncset.done $0x0  }
0x95: {  	[sflag:s3] =	ssyncadd.s32 $0xFFFFC000  }
0x96: {  	_ =	swait.ge [sflag:s28], $0x80  }
0x97: {  	s0 =	sadd.s32 @!p0 $0xFFFFFFF0, s11;
	s13 =	sshrl.u32 @p0 s14, $0x3;
	[sflag:s28] =	ssyncset.done $0x0  }
0x98: {  	s16 =	sadd.s32 @!p0 s20, s0;
	s0 =	sand.u32 @!p0 $0x60, s0;
	[sflag:s28] =	ssyncadd.s32 $0xFFFFFF80  }
0x99: {  	[tilespmem:s24], [sflag:$0x1] =	stream.indirect.gather [hbm4b:s5+s29], $0x80, s4, s29, $0xb8;
	[tilespmem:$0x1E900] =	vst v63  }
0x9a: {  	s16 =	sand.u32 @!p0 $0xFF80, s16;
	s0 =	sadd.s32 @!p0 s1, s0;
	_ =	swait.ge [sflag:s26], $0x4000  }
0x9b: {  	s13 =	sadd.s32 @p0 s7, s13;
	s0 =	sadd.s32 @!p0 s16, s0;
	[sflag:s26] =	ssyncset.done $0x0  }
0x9c: {  	s0 =	smov.u32 @p0 s13;
	[sflag:s26] =	ssyncadd.s32 $0xFFFFC000  }
0x9d: {  	[tilespmem:s4], [sflag:$0x4] =	stream.linear.gather [hbm4b:s0+s4], $0x80, $0x38;
	[tilespmem:$0x1E900] =	vst v63  }
0x9e: {  	_ =	swait.ge [sflag:s8], $0x4000  }
0x9f: {  	[sflag:s8] =	ssyncset.done $0x0  }
0xa0: {  	[sflag:s8] =	ssyncadd.s32 $0xFFFFC000  }
0xa1: {  	_ =	swait.ge [sflag:s30], $0x80  }
0xa2: {  	s19 =	sadd.s32 $0x1, s15;
	[sflag:s30] =	ssyncset.done $0x0  }
0xa3: {  	s18 =	sadd.s32 $0x100, s12;
	p0 =	sgt.u32 s19, $0x9C3;
	[sflag:s30] =	ssyncadd.s32 $0xFFFFFF80  }
0xa4: {  	[tilespmem:s31], [sflag:$0x1] =	stream.indirect.gather [hbm4b:s5+s29], $0x80, s29, s29, $0xb8;
	[tilespmem:$0x1E900] =	vst v63  }
0xa5: {  	s13 =	sadd.s32 $0xFFFFFF80, s18;
	s12 =	sadd.s32 @!p0 s11, s20  }
0xa6: {  	[spmem:s2] =	stream.indirect.scatter.add.f32 [tilespmem:s24], [sflag:$0x2], $0x80, s13, s29, $0xb8;
	[tilespmem:$0x1E900] =	vst v63  }
0xa7: {  	s11 =	sand.u32 @!p0 $0x70, s11;
	s12 =	sand.u32 @!p0 $0xFF80, s12;
	s13 =	sadd.s32 @p0 $0x80, s14  }
0xa8: {  	s11 =	sadd.s32 @!p0 s1, s11;
	s13 =	sshrl.u32 @p0 s13, $0x3;
	_ =	swait.ge [sflag:s26], $0x4000  }
0xa9: {  	s11 =	sadd.s32 @!p0 s12, s11;
	s12 =	sadd.s32 @p0 s7, s13;
	[sflag:s26] =	ssyncset.done $0x0  }
0xaa: {  	s11 =	smov.u32 @p0 s12;
	[sflag:s26] =	ssyncadd.s32 $0xFFFFC000  }
0xab: {  	[tilespmem:s29], [sflag:$0x5] =	stream.linear.gather [hbm4b:s11+s4], $0x80, $0x38;
	[tilespmem:$0x1E900] =	vst v63  }
0xac: {  	_ = 	snop  }
0xad: {  	[spmem:s2] =	stream.indirect.scatter.add.f32 [tilespmem:s31], [sflag:$0x3], $0x80, s18, s29, $0xb8;
	[tilespmem:$0x1E900] =	vst v63  }
0xae: {  	_ =	swait.ge [sflag:s3], $0x4000  }
0xaf: {  	[sflag:s3] =	ssyncset.done $0x0  }
0xb0: {  	[sflag:s3] =	ssyncadd.s32 $0xFFFFC000  }
0xb1: {  	_ =	swait.ge [sflag:s28], $0x80  }
0xb2: {  	[sflag:s28] =	ssyncset.done $0x0  }
0xb3: {  	[sflag:s28] =	ssyncadd.s32 $0xFFFFFF80  }
0xb4: {  	[tilespmem:s24], [sflag:$0x1] =	stream.indirect.gather [hbm4b:s5+s29], $0x80, s4, s29, $0xb8;
	[tilespmem:$0x1E900] =	vst v63  }
0xb5: {  	_ =	swait.ge [sflag:s26], $0x4000  }
0xb6: {  	[sflag:s26] =	ssyncset.done $0x0  }
0xb7: {  	[sflag:s26] =	ssyncadd.s32 $0xFFFFC000  }
0xb8: {  	_ =	swait.ge [sflag:s8], $0x4000  }
0xb9: {  	[sflag:s8] =	ssyncset.done $0x0  }
0xba: {  	[sflag:s8] =	ssyncadd.s32 $0xFFFFC000  }
0xbb: {  	_ =	swait.ge [sflag:s30], $0x80  }
0xbc: {  	[sflag:s30] =	ssyncset.done $0x0  }
0xbd: {  	[sflag:s30] =	ssyncadd.s32 $0xFFFFFF80  }
0xbe: {  	[tilespmem:s31], [sflag:$0x1] =	stream.indirect.gather [hbm4b:s5+s29], $0x80, s29, s29, $0xb8;
	[tilespmem:$0x1E900] =	vst v63  }
0xbf: {  	s14 =	simm.s32 $0x2800  }
0xc0: {  	[spmem:s2] =	stream.indirect.scatter.add.f32 [tilespmem:s24], [sflag:$0x2], $0x80, s14, s29, $0xb8;
	[tilespmem:$0x1E900] =	vst v63  }
0xc1: {  	_ =	swait.ge [sflag:s26], $0x4000  }
0xc2: {  	[sflag:s26] =	ssyncset.done $0x0  }
0xc3: {  	s15 =	simm.s32 $0x2880;
	[sflag:s26] =	ssyncadd.s32 $0xFFFFC000  }
0xc4: {  	[spmem:s2] =	stream.indirect.scatter.add.f32 [tilespmem:s31], [sflag:$0x3], $0x80, s15, s29, $0xb8;
	[tilespmem:$0x1E900] =	vst v63  }
0xc5: {  	_ =	swait.ge [sflag:s3], $0x4000  }
0xc6: {  	[sflag:s3] =	ssyncset.done $0x0  }
0xc7: {  	[sflag:s3] =	ssyncadd.s32 $0xFFFFC000  }
0xc8: {  	_ =	swait.ge [sflag:s8], $0x4000  }
0xc9: {  	[sflag:s8] =	ssyncset.done $0x0  }
0xca: {  	s16 =	stileid.u32;
	[sflag:s8] =	ssyncadd.s32 $0xFFFFC000  }
0xcb: {  	s0 =	sshll.u32 s16, $0x6;
	[bflag:$0x0] =	sbarrier.arrive $0xFFFF  }
0xcc: {  	s17 =	sshrl.u32 s9, $0x3;
	s0 =	sor.u32 $0x1C06, s0;
	s18 =	rddreg [dreg:$0xd]  }
0xcd: {  	[hbm:s18], [sflag:s0] =	dma.local [spmem:s17], $0x2800  }
0xce: {  	_ =	swait.ge [sflag:s25], $0x2800  }
0xcf: {  	s10 =	sadd.s32 $0x1, s10;
	s19 =	rddreg [dreg:$0xe]  }
0xd0: {  	p0 =	sne.s32 s10, s19  }
.Ltmp3:
0xd1: {  	_ = 	snop;
	(pc) =	sbr.rel @p0 .LBB2_1-.Ltmp3, $3  }
0xd2: {  	_ =	sdelay $0x1  }
0xd3: {  	[sflag:s25] =	ssyncset.done $0x0  }
0xd4: {  	s13 =	simm.s32 $0x100;
	[sflag:s25] =	ssyncadd.s32 $0xFFFFD800  }
0xd5: {  	_ =	sfence.sel $0x180000  }
0xd6: {  	[bflag:$0x0] =	sbarrier.arrive $0xFFFF  }
0xd7: {  	_ =	strace $0x9000004D  }
0xd8: {  	s0 =	stileid.u32;
	[bflag:$0x2] =	sbarrier.arrive $0xFFFF  }
0xd9: {  	p0 =	sne.s32 s0, $0x0;
	s0 =	rddreg [dreg:$0x3]  }
0xda: {  	s0 =	sadd.s32 @!p0 $0x100000, s0  }
0xdb: {  	[sflag:s0] =	ssyncadd.tile.s32 @!p0 $0x1;
	_ =	shalt  }
.Lfunc_end2:
_tile_overlayer_lowered:
.L_overlay_start_2:
0xdc: {  	(tag) =	ssettag $0x2  }
0xdd: {  	s0 =	rddreg [dreg:$0x0];
	s2 =	stileid.u32  }
0xde: {  	s1 =	rddreg [dreg:$0x1];
	p0 =	sne.s32 s2, $0x0  }
0xdf: {  	s3 =	rddreg [dreg:$0x2];
	[bflag:$0x3] =	sbarrier.arrive $0xFFFF;
	s2 =	simm.s32 @!p0 $0x1C06  }
0xe0: {  	[timem:s3], [sflag:s2] =	dma.local @!p0 [hbm:s0], s1  }
0xe1: {  	s0 =	simm.s32 @!p0 $0x6  }
0xe2: {  	_ =	swait.ge @!p0 [sflag:s0], s1  }
0xe3: {  	s1 =	ssub.s32 @!p0 $0x0, s1;
	[sflag:s0] =	ssyncset.done @!p0 $0x0  }
0xe4: {  	[sflag:s0] =	ssyncadd.s32 @!p0 s1  }
0xe5: {  	[bflag:$0x3] =	sbarrier.arrive $0xFFFF  }
0xe6: {  	_ =	shalt  }

// kernel: kernel.9.cloned.1.call-start
scs
__scs_entry_jumppad:
0x0: {  	(pc) =	sbr.rel $0x88, $3  }
0x1: {  	(tag) =	ssettag $0x0;
	lr =	simm.s32 $0x1  }
0x2: {  	[smem:$0x3F9B] =	sst lr;
	_ =	strace $0xD0000000  }
0x3: {  	_ = 	snop  }
0x4: {  	_ = 	snop  }
0x5: {  	_ = 	snop  }
0x6: {  	_ = 	snop  }
0x7: {  	_ = 	snop  }
__scs_overlays_trampoline_lowered:
0x8: {  	[smem:$0x3FAA] =	sst s0  }
0x9: {  	[smem:$0x3FAB] =	sst s1  }
0xa: {  	[smem:$0x3FAC] =	sst s2  }
0xb: {  	[smem:$0x3FAD] =	sst s3  }
0xc: {  	[smem:$0x3FAE] =	sst s4  }
0xd: {  	[smem:$0x3FAF] =	sst s5  }
0xe: {  	[smem:$0x3FB0] =	sst s6  }
0xf: {  	[smem:$0x3FB1] =	sst s7  }
0x10: {  	[smem:$0x3FB2] =	sst s8  }
0x11: {  	[smem:$0x3FB3] =	sst s9;
	s0 =	simm.s32 @!p0 $0x0  }
0x12: {  	s1 =	sld [smem:$0x3F99];
	s0 =	simm.s32 @p0 $0x1  }
0x13: {  	[smem:$0x3FB4] =	sst s0;
	s0 =	simm.s32 @!p1 $0x0  }
0x14: {  	s2 =	sld [smem:$0x3F98];
	s0 =	simm.s32 @p1 $0x1  }
0x15: {  	[smem:$0x3FB5] =	sst s0;
	s0 =	simm.s32 @!p2 $0x0  }
0x16: {  	s3 =	sld [smem:$0x3FDB];
	s0 =	simm.s32 @p2 $0x1  }
0x17: {  	s4 =	simm.s32 $0x1BF5;
	[smem:$0x3FB7] =	sst s0  }
0x18: {  	s0 =	sld [smem:$0x3F9A];
	_ =	swait.ge [sflag:s4], $0x0  }
0x19: {  	s7 =	sld [smem:$0x3F9B]  }
0x1a: {  	s8 =	sadd.s32 $0xFFFFE003, lr  }
0x1b: {  	s9 =	sadd.s32 $0xFFFFFEF7, lr;
	s5 =	simm.s32 $0xFFFFFFFF;
	p2 =	slt.u32 s8, $0xFFFFF086  }
0x1c: {  	p1 =	slt.u32 s9, $0xF7A;
	s5 =	simm.s32 @!p2 $0x0  }
0x1d: {  	s5 =	simm.s32 @p1 $0x1;
	p0 =	seq.s32 s7, s2  }
0x1e: {  	s7 =	smul.u32 @!p0 $0xF7A, s2;
	p2 =	seq.s32 @!p0 s5, $0x0  }
0x1f: {  	s9 =	smul.u32 $0xF7A, s1;
	s8 =	simm.s32 @!p0 $0x1BF5;
	p2 =	por !p2, p0  }
0x20: {  	[sflag:s8] =	ssyncset.s32 @!p0 $0xFFFFF086;
	s6 =	sadd.s32 @!p0 s3, s7;
	s7 =	simm.s32 @!p0 $0x108  }
0x21: {  	s3 =	sadd.s32 s3, s9;
	s6 =	sadd.s32 @!p0 $0x88, s6;
	s7 =	simm.s32 @p2 $0x1082  }
0x22: {  	[simem:s7], [sflag:s8] =	dma.local @!p0 [hbm:s6], $0xF7A  }
0x23: {  	s9 =	sor.u32 $0xD0000000, s2;
	s6 =	simm.s32 $0x108;
	_ =	swait.ge @!p0 [sflag:s8], $0x0  }
0x24: {  	s3 =	sadd.s32 $0x88, s3;
	s6 =	simm.s32 @!p1 $0x1082;
	[sflag:s4] =	ssyncset.s32 $0xFFFFF086  }
0x25: {  	[simem:s6], [sflag:s4] =	dma.local [hbm:s3], $0xF7A  }
0x26: {  	[smem:$0x3F9B] =	sst s1;
	(tag) =	ssettag s2;
	_ =	strace s9  }
0x27: {  	s1 =	sld [smem:$0x3FAB]  }
0x28: {  	s2 =	sld [smem:$0x3FAC]  }
0x29: {  	s4 =	sld [smem:$0x3FAE]  }
0x2a: {  	p0 =	seq.s32 s5, $0x0;
	s5 =	sld [smem:$0x3FAF]  }
0x2b: {  	s6 =	sld [smem:$0x3FB0]  }
0x2c: {  	s7 =	sld [smem:$0x3FB1]  }
0x2d: {  	s3 =	simm.s32 $0x108;
	s8 =	sld [smem:$0x3FB2]  }
0x2e: {  	s3 =	simm.s32 @!p0 $0x1082;
	s9 =	sld [smem:$0x3FB3]  }
0x2f: {  	lr =	sadd.s32 s0, s3;
	s0 =	sld [smem:$0x3FAA]  }
0x30: {  	s3 =	sld [smem:$0x3FAD]  }
0x31: {  	[smem:$0x3FB6] =	sst s10  }
0x32: {  	s10 =	sld [smem:$0x3FB4];
	_ =	sdelay $0x3  }
0x33: {  	p0 =	seq.s32 s10, $0x1;
	s10 =	sld [smem:$0x3FB6];
	_ =	sdelay $0x3  }
0x34: {  	[smem:$0x3FB6] =	sst s10  }
0x35: {  	s10 =	sld [smem:$0x3FB5];
	_ =	sdelay $0x3  }
0x36: {  	p1 =	seq.s32 s10, $0x1;
	s10 =	sld [smem:$0x3FB6];
	_ =	sdelay $0x3  }
0x37: {  	[smem:$0x3FB6] =	sst s10  }
0x38: {  	s10 =	sld [smem:$0x3FB7]  }
0x39: {  	_ = 	snop;
	(pc) =	sbr.ind lr, $3  }
0x3a: {  	_ = 	snop  }
0x3b: {  	_ = 	snop  }
0x3c: {  	p2 =	seq.s32 s10, $0x1;
	s10 =	sld [smem:$0x3FB6]  }
0x3d: {  	_ =	shalt  }
0x3e: {  	_ =	shalt  }
0x3f: {  	_ =	shalt  }
0x40: {  	_ =	shalt  }
0x41: {  	_ =	shalt  }
0x42: {  	_ =	shalt  }
0x43: {  	_ =	shalt  }
0x44: {  	_ =	shalt  }
0x45: {  	_ =	shalt  }
0x46: {  	_ =	shalt  }
0x47: {  	_ =	shalt  }
0x48: {  	_ =	shalt  }
0x49: {  	_ =	shalt  }
0x4a: {  	_ =	shalt  }
0x4b: {  	_ =	shalt  }
0x4c: {  	_ =	shalt  }
0x4d: {  	_ =	shalt  }
0x4e: {  	_ =	shalt  }
0x4f: {  	_ =	shalt  }
0x50: {  	_ =	shalt  }
0x51: {  	_ =	shalt  }
0x52: {  	_ =	shalt  }
0x53: {  	_ =	shalt  }
0x54: {  	_ =	shalt  }
0x55: {  	_ =	shalt  }
0x56: {  	_ =	shalt  }
0x57: {  	_ =	shalt  }
0x58: {  	_ =	shalt  }
0x59: {  	_ =	shalt  }
0x5a: {  	_ =	shalt  }
0x5b: {  	_ =	shalt  }
0x5c: {  	_ =	shalt  }
0x5d: {  	_ =	shalt  }
0x5e: {  	_ =	shalt  }
0x5f: {  	_ =	shalt  }
0x60: {  	_ =	shalt  }
0x61: {  	_ =	shalt  }
0x62: {  	_ =	shalt  }
0x63: {  	_ =	shalt  }
0x64: {  	_ =	shalt  }
0x65: {  	_ =	shalt  }
0x66: {  	_ =	shalt  }
0x67: {  	_ =	shalt  }
0x68: {  	_ =	shalt  }
0x69: {  	_ =	shalt  }
0x6a: {  	_ =	shalt  }
0x6b: {  	_ =	shalt  }
0x6c: {  	_ =	shalt  }
0x6d: {  	_ =	shalt  }
0x6e: {  	_ =	shalt  }
0x6f: {  	_ =	shalt  }
0x70: {  	_ =	shalt  }
0x71: {  	_ =	shalt  }
0x72: {  	_ =	shalt  }
0x73: {  	_ =	shalt  }
0x74: {  	_ =	shalt  }
0x75: {  	_ =	shalt  }
0x76: {  	_ =	shalt  }
0x77: {  	_ =	shalt  }
0x78: {  	_ =	shalt  }
0x79: {  	_ =	shalt  }
0x7a: {  	_ =	shalt  }
0x7b: {  	_ =	shalt  }
0x7c: {  	_ =	shalt  }
0x7d: {  	_ =	shalt  }
0x7e: {  	_ =	shalt  }
0x7f: {  	_ =	shalt  }
0x80: {  	_ =	shalt  }
0x81: {  	_ =	shalt  }
0x82: {  	_ =	shalt  }
0x83: {  	_ =	shalt  }
0x84: {  	_ =	shalt  }
0x85: {  	_ =	shalt  }
0x86: {  	_ =	shalt  }
0x87: {  	_ =	shalt  }
.Lfunc_end0:
.L_simem_size_0:
called_computation_lowered:
.L_overlay_start_0:
0x88: {  	s2 =	sld [smem:$0x3FD9]  }
0x89: {  	s3 =	sld [smem:$0x3FFE];
	_ =	sdelay $0x1  }
0x8a: {  	s1 =	srdreg.scid  }
0x8b: {  	s0 =	sand.u32 $0x1, s1  }
0x8c: {  	s16 =	sshll.u32 s0, $0xA;
	s2 =	sadd.s32 s3, s2  }
0x8d: {  	s2 =	sadd.s32 s2, s16  }
0x8e: {  	[smem:$0x3FC2] =	sst s2  }
0x8f: {  	_ = 	snop  }
0x90: {  	(tm) =	ssettm $0x1  }
0x91: {  	s17 =	sld [smem:$0x3FFB];
	_ =	sdelay $0x3  }
0x92: {  	_ =	strace s17  }
0x93: {  	s2 =	sld [smem:$0x3FFC];
	_ =	sdelay $0x3  }
0x94: {  	_ =	strace s2  }
0x95: {  	s2 =	sld [smem:$0x3FFD];
	_ =	sdelay $0x3  }
0x96: {  	_ =	strace s2  }
0x97: {  	_ =	strace $0x8FFFFFFF  }
0x98: {  	s18 =	sld [smem:$0x3FDB];
	_ =	sdelay $0x1  }
0x99: {  	s19 =	simm.s32 $_scs_section_size  }
0x9a: {  	s4 =	simm.s32 $_size__tile_overlayer_lowered;
	s5 =	simm.s32 $_tile_overlayer_lowered  }
0x9b: {  	s22 =	simm.s32 $0x1BFF;
	s21 =	sshll.u32 s5, $0x1;
	s2 =	sadd.s32 s19, s18  }
0x9c: {  	s6 =	simm.s32 $0x0;
	s20 =	sshll.u32 s4, $0x1;
	s4 =	sadd.s32 s21, s2  }
0x9d: {  	[timem:s6], [sflag:s22] =	dma.local [hbm:s4], s20  }
0x9e: {  	_ =	swait.ge [sflag:s22], s20  }
0x9f: {  	s3 =	ssub.s32 $0x0, s20;
	[sflag:s22] =	ssyncset.done $0x0  }
0xa0: {  	[sflag:s22] =	ssyncadd.s32 s3;
	_ =	sdelay $0x1  }
0xa1: {  	s23 =	simm.s32 $0x1B8B  }
0xa2: {  	_ =	swait.ge [sflag:s23], $0x1  }
0xa3: {  	[sflag:s23] =	ssyncset.done $0x0  }
0xa4: {  	s25 =	simm.s32 $0x1B8E;
	s24 =	sld [smem:$0x3FFE];
	[sflag:s23] =	ssyncadd.s32 $0xFFFFFFFF  }
0xa5: {  	s26 =	simm.s32 $execute0_lowered;
	[smem:$0x3FD2] =	sst s25  }
0xa6: {  	s4 =	sshll.u32 s26, $0x1;
	_ =	strace $0x80000046;
	[dreg:$0x1] =	wrdreg $0xFFFFFFFF  }
0xa7: {  	s28 =	simm.s32 $_size_execute0_lowered;
	s2 =	sadd.s32 s2, s4;
	[dreg:$0x0] =	wrdreg $0x0  }
0xa8: {  	s4 =	sshll.u32 s28, $0x1;
	[dreg:$0x2] =	wrdreg s2  }
0xa9: {  	[dreg:$0x3] =	wrdreg s4  }
0xaa: {  	[dreg:$0x4] =	wrdreg $0xC0  }
0xab: {  	_ =	task [dreg:s6], $0x5FFFF  }
0xac: {  	[dreg:$0x1] =	wrdreg $0xFFFFFFFF  }
0xad: {  	[dreg:$0x0] =	wrdreg $0x60  }
0xae: {  	[dreg:$0x2] =	wrdreg s24  }
0xaf: {  	[dreg:$0x3] =	wrdreg $0x28800  }
0xb0: {  	[dreg:$0x4] =	wrdreg $0x9  }
0xb1: {  	_ =	task.clear_ibuf [dreg:s6], $0x5FFFF;
	_ =	strace $0x90000046  }
0xb2: {  	s29 =	simm.s32 $0x9;
	_ =	strace $0x80000048  }
0xb3: {  	_ =	swait.ge [sflag:s29], $0x1  }
0xb4: {  	[sflag:s29] =	ssyncadd.s32 $0xFFFFFFFF  }
0xb5: {  	_ =	strace $0x90000048  }
0xb6: {  	_ =	sfence  }
0xb7: {  	s30 =	sld [smem:$0x0];
	_ =	sdelay $0x2  }
0xb8: {  	s31 =	sshll.u32 s1, $0xD;
	s1 =	sshrl.u32 s1, $0x2  }
0xb9: {  	s3 =	sand.u32 $0x4000, s31;
	s1 =	sadd.s32 s1, s30  }
0xba: {  	s0 =	sor.u32 s3, s0;
	s1 =	sshll.u32 s1, $0x11  }
0xbb: {  	s0 =	sor.u32 s1, s0  }
0xbc: {  	s0 =	sadd.s32 $0x8F2B, s0  }
0xbd: {  	[sflag:s0] =	ssyncadd.remote.s32 $0x1  }
0xbe: {  	_ =	sfence.sel $0xFFFF  }
0xbf: {  	[dreg:$0x0] =	wrdreg $0xFFFFFFFF;
	(pc) =	sbr.abs _section_cstart, $3  }
0xc0: {  	[dreg:$0x1] =	wrdreg $0xFFFFFFFF  }
0xc1: {  	_ =	task.clear_ibuf [dreg:s6], $0x2FFFF;
	_ =	strace $0x9FFFFFFF  }
0xc2: {  	(tm) =	ssettm $0x7FFFFFFF  }
0xc3: {  	_ =	shalt  }
tec
execute0_lowered:
.L_overlay_start_1:
0x0: {  	(tag) =	ssettag $0x1  }
0x1: {  	s7 =	rddreg [dreg:$0x0]  }
0x2: {  	s1 =	rddreg [dreg:$0x1]  }
0x3: {  	s0 =	rddreg [dreg:$0x2];
	s3 =	simm.s32 $0x0  }
0x4: {  	s2 =	stileid.u32;
	s6 =	srdreg.scid;
	s18 =	simm.s32 $0x20  }
0x5: {  	s19 =	simm.s32 $0x10;
	s20 =	simm.s32 $0x0;
	s8 =	smul.u32 $0x280, s2  }
0x6: {  	[smem:$0x7FF] =	sst s3;
	s4 =	sadd.s32 $0x2400, s7;
	s10 =	smul.u32 $0x500, s2  }
0x7: {  	s5 =	sadd.s32 $0x2000, s7;
	s9 =	sand.u32 $0x1, s6;
	s14 =	smul.u32 $0xA00, s2  }
0x8: {  	s6 =	sadd.s32 $0xC200, s7;
	s31 =	sshll.u32 s2, $0x6;
	s16 =	smul.u32 $0xA0, s2  }
0x9: {  	_ =	strace $0x80000047;
	s12 =	sshll.u32 s9, $0x7;
	s30 =	smul.u32 $0x500, s9  }
0xa: {  	s29 =	ssub.s32 $0x2, s9;
	s17 =	smul.u32 $0x50, s9;
	s11 =	sshrl.u32 s8, $0x3  }
0xb: {  	s10 =	sor.u32 s12, s10;
	s13 =	sshrl.u32 s29, $0x1;
	s15 =	sadd.s32 s8, s1  }
0xc: {  	s8 =	sor.u32 $0x1C02, s31;
	s11 =	sadd.s32 s11, s7;
	s10 =	sshrl.u32 s10, $0x3  }
0xd: {  	s12 =	ssub.s32 s29, s13;
	s13 =	sshrl.u32 s15, $0x3;
	s15 =	simm.s32 $0x1  }
0xe: {  	s10 =	sadd.s32 s10, s7;
	s7 =	sadd.s32 $0xC400, s11;
	s11 =	sadd.s32 s30, s14  }
0xf: {  	s14 =	simm.s32 $0x2;
	s9 =	sadd.s32 $0xCA00, s10;
	s10 =	smax.u32 s12, $0x1  }
0x10: {  	s12 =	sadd.s32 s17, s16;
	s16 =	simm.s32 $0x2800;
	s17 =	simm.s32 $0x80  }
.LBB2_1:
0x11: {  	[spmem:s13], [sflag:s8] =	dma.local [hbm:s7], $0x50  }
0x12: {  	p0 =	sgt.u32 s12, $0x9C3  }
0x13: {  	s22 =	sadd.s32 $0x0, s11;
	s21 =	sadd.s32 @p0 $0x0, s11  }
0x14: {  	_ =	swait.ge [sflag:s14], $0x50;
	s23 =	sand.u32 @!p0 $0x70, s3;
	s21 =	sadd.s32 @p0 $0xFFF63C0, s21  }
0x15: {  	s22 =	sand.u32 @!p0 $0xFF80, s22;
	s23 =	sadd.s32 @!p0 s4, s23;
	s21 =	sand.u32 @p0 $0xFFFFFF0, s21  }
0x16: {  	[sflag:s14] =	ssyncset.done $0x0;
	s22 =	sadd.s32 @!p0 s22, s23;
	s21 =	sadd.s32 @p0 s5, s21  }
0x17: {  	[sflag:s14] =	ssyncadd.s32 $0xFFFFFFB0;
	s22 =	smov.u32 @p0 s21  }
0x18: {  	[tilespmem:s3], [sflag:$0x1] =	stream.linear.gather [hbm4b:s22+s3], $0x80, $0x38;
	[tilespmem:$0x2B00] =	vst v63  }
0x19: {  	s23 =	simm.s32 $0x0;
	s21 =	simm.s32 $0x10;
	s22 =	sadd.s32 $0x1, s12  }
.LBB2_2:
0x1a: {  	p0 =	sgt.u32 s22, $0x9C3;
	s24 =	smov.u32 s21;
	s21 =	sadd.s32 $0x10, s21  }
0x1b: {  	s25 =	sadd.s32 @p0 s24, s11;
	p1 =	sne.s32 s21, $0x500;
	s26 =	sadd.s32 s24, s11  }
.Ltmp0:
0x1c: {  	s24 =	sand.u32 @!p0 $0x70, s24;
	s25 =	sadd.s32 @p0 $0xFFF63C0, s25;
	(pc) =	sbr.rel @p1 .LBB2_2-.Ltmp0, $4  }
0x1d: {  	s26 =	sand.u32 @!p0 $0xFF80, s26;
	s24 =	sadd.s32 @!p0 s4, s24;
	s25 =	sand.u32 @p0 $0xFFFFFF0, s25  }
0x1e: {  	s24 =	sadd.s32 @!p0 s26, s24;
	s25 =	sadd.s32 @p0 s5, s25  }
0x1f: {  	s22 =	sadd.s32 $0x1, s22;
	s23 =	sadd.s32 $0x80, s23;
	s24 =	smov.u32 @p0 s25  }
0x20: {  	[tilespmem:s23], [sflag:$0x1] =	stream.linear.gather [hbm4b:s24+s3], $0x80, $0x38;
	[tilespmem:$0x2B00] =	vst v63  }
0x21: {  	_ =	swait.ge [sflag:s15], $0x80  }
0x22: {  	s21 =	simm.s32 $0x4F;
	[sflag:s15] =	ssyncset.done $0x0  }
.LBB2_4:
0x23: {  	p0 =	sne.s32 s21, $0x1;
	s21 =	sadd.s32 $0xFFFFFFFF, s21;
	[sflag:s15] =	ssyncadd.s32 $0xFFFFFF80  }
.Ltmp1:
0x24: {  	(pc) =	sbr.rel @p0 .LBB2_4-.Ltmp1, $3  }
0x25: {  	_ =	sdelay $0x1  }
0x26: {  	_ =	swait.ge [sflag:s15], $0x80  }
0x27: {  	[sflag:s15] =	ssyncset.done $0x0  }
0x28: {  	[sflag:s15] =	ssyncadd.s32 $0xFFFFFF80;
	s21 =	simm.s32 $0x0  }
0x29: {  	[tilespmem:s16], [sflag:$0x2] =	stream.linear.gather [hbm4b:s6+s21], $0x80, $0x38;
	[tilespmem:$0x2B00] =	vst v63  }
0x2a: {  	_ =	swait.ge [sflag:s14], $0x80  }
0x2b: {  	[sflag:s14] =	ssyncset.done $0x0  }
0x2c: {  	[sflag:s14] =	ssyncadd.s32 $0xFFFFFF80  }
0x2d: {  	[bflag:$0x0] =	sbarrier.arrive $0xFFFF  }
.LBB2_6:
0x2e: {  	p0 =	sne.s32 s21, $0x9E00  }
.Ltmp2:
0x2f: {  	_ = 	snop;
	(pc) =	sbr.rel @p0 .LBB2_6-.Ltmp2, $3  }
0x30: {  	_ =	sdelay $0x1  }
0x31: {  	s22 =	sshra.s32 s21, $0x2;
	s21 =	sadd.s32 $0x200, s21  }
0x32: {  	[spmem:s1] =	stream.indirect.scatter.add.f32 [tilespmem:s16], [sflag:$0x1], $0x1, s22, s17, $0xb8;
	[tilespmem:$0x2B00] =	vst v63  }
0x33: {  	_ =	swait.ge [sflag:s15], $0x80  }
0x34: {  	s21 =	simm.s32 $0x4F;
	[sflag:s15] =	ssyncset.done $0x0  }
.LBB2_8:
0x35: {  	p0 =	sne.s32 s21, $0x1;
	s21 =	sadd.s32 $0xFFFFFFFF, s21;
	[sflag:s15] =	ssyncadd.s32 $0xFFFFFF80  }
.Ltmp3:
0x36: {  	(pc) =	sbr.rel @p0 .LBB2_8-.Ltmp3, $3  }
0x37: {  	_ =	sdelay $0x1  }
0x38: {  	_ =	swait.ge [sflag:s15], $0x80  }
0x39: {  	[sflag:s15] =	ssyncset.done $0x0  }
0x3a: {  	s20 =	sadd.s32 $0x1, s20  }
0x3b: {  	[sflag:s15] =	ssyncadd.s32 $0xFFFFFF80;
	p0 =	sne.s32 s20, s10  }
.Ltmp4:
0x3c: {  	[bflag:$0x0] =	sbarrier.arrive $0xFFFF;
	(pc) =	sbr.rel @p0 .LBB2_1-.Ltmp4, $4  }
0x3d: {  	[hbm:s9@s18], [sflag:s8] =	dma.strided [spmem:s13@s19], $0x50, s15, $0x10   }
0x3e: {  	_ =	swait.ge [sflag:s14], $0x50  }
0x3f: {  	[sflag:s14] =	ssyncset.done $0x0  }
0x40: {  	[sflag:s14] =	ssyncadd.s32 $0xFFFFFFB0  }
0x41: {  	_ =	sfence.sel $0x180000  }
0x42: {  	[bflag:$0x0] =	sbarrier.arrive $0xFFFF  }
0x43: {  	p0 =	sne.s32 s2, $0x0;
	_ =	strace $0x90000047  }
0x44: {  	s0 =	sadd.s32 @!p0 $0x100000, s0;
	[bflag:$0x2] =	sbarrier.arrive $0xFFFF  }
0x45: {  	[sflag:s0] =	ssyncadd.tile.s32 @!p0 $0x1;
	_ =	shalt  }
.Lfunc_end2:
_tile_overlayer_lowered:
.L_overlay_start_2:
0x46: {  	(tag) =	ssettag $0x2  }
0x47: {  	s0 =	rddreg [dreg:$0x0];
	s2 =	stileid.u32  }
0x48: {  	s1 =	rddreg [dreg:$0x1];
	p0 =	sne.s32 s2, $0x0  }
0x49: {  	s3 =	rddreg [dreg:$0x2];
	[bflag:$0x3] =	sbarrier.arrive $0xFFFF;
	s2 =	simm.s32 @!p0 $0x1C02  }
0x4a: {  	[timem:s3], [sflag:s2] =	dma.local @!p0 [hbm:s0], s1  }
0x4b: {  	s0 =	simm.s32 @!p0 $0x2  }
0x4c: {  	_ =	swait.ge @!p0 [sflag:s0], s1  }
0x4d: {  	s1 =	ssub.s32 @!p0 $0x0, s1;
	[sflag:s0] =	ssyncset.done @!p0 $0x0  }
0x4e: {  	[sflag:s0] =	ssyncadd.s32 @!p0 s1  }
0x4f: {  	[bflag:$0x3] =	sbarrier.arrive $0xFFFF  }
0x50: {  	_ =	shalt  }

</sc_bundles>
